<compile_context>
chip_gen: v7x
topology: tpu7x:2x2x1
jax: 0.10.2.dev20260603
libtpu: 0.0.44.dev20260713+nightly
codegen_flags: <defaults>
</compile_context>

<pallas_src>
import functools

import jax
import jax.numpy as jnp
from jax import lax
from jax.experimental import pallas as pl
from jax.experimental.pallas import tpu as pltpu
from jax.experimental.pallas import tpu_sc as plsc

N = 10000
D = 128
R = 3
NB = 2
E = 106667

NW = 16
ROW = 128
NCH_D = 53
NCH_PAD_D = 56
E_PAD = NW * NCH_D * ROW
CHUNK = 128
NCH_A = NCH_D
BLK_A = NCH_PAD_D
N_PAD = 10240
RPS = N_PAD // 16


def _agg_body(x_hbm, src_hbm, dst_hbm, agg_out, deg_out, idx_src, idx_dst, rows,
              dbounce, agg_sh, sem, sem2):
    c = lax.axis_index("c")
    s = lax.axis_index("s")
    w = c * 16 + s
    zf = jnp.zeros((16,), jnp.float32)
    onef = jnp.ones((16,), jnp.float32)
    base = s * RPS

    def fill(val):
        def body(i, carry):
            for j in range(8):
                rows[i, pl.ds(j * 16, 16)] = val
            return carry
        lax.fori_loop(0, CHUNK, body, 0)

    for r in range(R):
        fill(zf)
        for h in range(RPS // CHUNK):
            pltpu.sync_copy(rows, agg_sh.at[pl.ds(base + h * CHUNK, CHUNK)])
        plsc.subcore_barrier()

        pltpu.sync_copy(src_hbm.at[r, pl.ds(w * BLK_A, BLK_A)], idx_src)
        pltpu.sync_copy(dst_hbm.at[r, pl.ds(w * BLK_A, BLK_A)], idx_dst)

        def chunk_body(j, carry):
            pltpu.async_copy(x_hbm.at[idx_src.at[j]], rows, sem).wait()
            pltpu.async_copy(rows, agg_sh.at[idx_dst.at[j]], sem2, add=True).wait()
            return carry

        lax.fori_loop(0, NCH_A, chunk_body, 0)
        plsc.subcore_barrier()

        for h in range(RPS // CHUNK):
            sl = pl.ds(base + h * CHUNK, CHUNK)
            pltpu.sync_copy(agg_sh.at[sl], rows)
            pltpu.sync_copy(rows, agg_out.at[c, r, sl])
        plsc.subcore_barrier()

    for r in range(R):
        fill(zf)
        for h in range(RPS // CHUNK):
            pltpu.sync_copy(rows, agg_sh.at[pl.ds(base + h * CHUNK, CHUNK)])
        plsc.subcore_barrier()

        fill(onef)
        pltpu.sync_copy(dst_hbm.at[r, pl.ds(w * BLK_A, BLK_A)], idx_dst)

        def deg_body(j, carry):
            pltpu.async_copy(rows, agg_sh.at[idx_dst.at[j]], sem2, add=True).wait()
            return carry

        lax.fori_loop(0, NCH_A, deg_body, 0)
        plsc.subcore_barrier()

        for h in range(RPS // CHUNK):
            sl = pl.ds(base + h * CHUNK, CHUNK)
            pltpu.sync_copy(agg_sh.at[sl], rows)

            def take_col(i, carry):
                dbounce[i, :] = rows[i, pl.ds(0, 16)]
                return carry

            lax.fori_loop(0, CHUNK, take_col, 0)
            pltpu.sync_copy(dbounce, deg_out.at[c, r, sl])
        plsc.subcore_barrier()


_sc_agg = functools.partial(
    pl.kernel,
    out_type=(
        jax.ShapeDtypeStruct((1, R, N_PAD, D), jnp.float32),
        jax.ShapeDtypeStruct((1, R, N_PAD, 16), jnp.float32),
    ),
    mesh=plsc.VectorSubcoreMesh(core_axis_name="c", subcore_axis_name="s", num_cores=1),
    scratch_types=[
        pltpu.VMEM((BLK_A, CHUNK), jnp.int32),
        pltpu.VMEM((BLK_A, CHUNK), jnp.int32),
        pltpu.VMEM((CHUNK, D), jnp.float32),
        pltpu.VMEM((CHUNK, 16), jnp.float32),
        pltpu.VMEM_SHARED((N_PAD, D), jnp.float32),
        pltpu.SemaphoreType.DMA,
        pltpu.SemaphoreType.DMA,
    ],
)(_agg_body)




def _tc_body(wc_ref, agg_ref, deg_ref, basis_ref, bias_ref, out_ref):
    zs = []
    for r in range(R):
        agg = agg_ref[0, r]
        deg = deg_ref[0, r, :, 0:1]
        zs.append(agg / jnp.maximum(deg, 1.0))
    acc = None
    for b in range(NB):
        y = wc_ref[0, b] * zs[0] + wc_ref[1, b] * zs[1] + wc_ref[2, b] * zs[2]
        t = jnp.dot(y, basis_ref[b], preferred_element_type=jnp.float32)
        acc = t if acc is None else acc + t
    out_ref[...] = acc + bias_ref[0]


def _pad_edges(e):
    pad = E_PAD - E
    src = jnp.concatenate([e[0], jnp.zeros((pad,), jnp.int32)])
    dst = jnp.concatenate([e[1], jnp.full((pad,), N, jnp.int32)])
    padc = (NCH_PAD_D - NCH_D) * ROW
    src = jnp.pad(src.reshape(NW, NCH_D * ROW), ((0, 0), (0, padc)))
    dst = jnp.pad(dst.reshape(NW, NCH_D * ROW), ((0, 0), (0, padc)),
                  constant_values=N)
    return (src.reshape(NW * NCH_PAD_D, ROW),
            dst.reshape(NW * NCH_PAD_D, ROW))


def kernel(x, edge_index_r0, edge_index_r1, edge_index_r2, w_comp, basis_w, bias):
    srcs, dsts = zip(*(_pad_edges(e) for e in
                       (edge_index_r0, edge_index_r1, edge_index_r2)))
    src_all = jnp.stack(srcs)
    dst_all = jnp.stack(dsts)
    src_a = src_all.reshape(R, NW * BLK_A, CHUNK)
    dst_a = dst_all.reshape(R, NW * BLK_A, CHUNK)

    agg_parts, deg_parts = _sc_agg(x, src_a, dst_a)

    blk = 512
    out_pad = pl.pallas_call(
        _tc_body,
        grid=(N_PAD // blk,),
        in_specs=[
            pl.BlockSpec(memory_space=pltpu.MemorySpace.SMEM),
            pl.BlockSpec((1, R, blk, D), lambda i: (0, 0, i, 0)),
            pl.BlockSpec((1, R, blk, 16), lambda i: (0, 0, i, 0)),
            pl.BlockSpec((NB, D, D), lambda i: (0, 0, 0)),
            pl.BlockSpec((1, D), lambda i: (0, 0)),
        ],
        out_specs=pl.BlockSpec((blk, D), lambda i: (i, 0)),
        out_shape=jax.ShapeDtypeStruct((N_PAD, D), jnp.float32),
    )(w_comp, agg_parts, deg_parts, basis_w, bias.reshape(1, D))
    return out_pad[:N]

# --- scband reference (transcript-rebuilt; emitter-appended) ---
"""Pipeline reference for scband-rel-graph-conv-layer-4363686773567 (READ-ONLY COPY).

The authoritative reference and input builder live on the scoring server;
editing this copy changes nothing except your own understanding.
"""

import jax, jax.numpy as jnp
import numpy as np

N_NODES = 10000
D_IN = 128
D_OUT = 128
NUM_RELS = 3
NUM_BASES = 2
E_PER_REL = 106667


def _xavier_uniform(key, shape, gain):
    fan_in, fan_out = shape[-2], shape[-1]
    a = gain * np.sqrt(6.0 / (fan_in + fan_out))
    return jax.random.uniform(key, shape, dtype=jnp.float32, minval=-a, maxval=a)


def setup_inputs(seed: int = 0) -> dict:
    key = jax.random.key(seed)
    ks = jax.random.split(key, 7)
    relu_gain = float(np.sqrt(2.0))
    x = jax.random.normal(ks[0], (N_NODES, D_IN), dtype=jnp.float32)
    edge_index_r0 = jax.random.randint(ks[1], (2, E_PER_REL), 0, N_NODES, dtype=jnp.int32)
    edge_index_r1 = jax.random.randint(ks[2], (2, E_PER_REL), 0, N_NODES, dtype=jnp.int32)
    edge_index_r2 = jax.random.randint(ks[3], (2, E_PER_REL), 0, N_NODES, dtype=jnp.int32)
    # WeightBasis: per-relation weight = sum_b w_comp[r, b] * basis[b]
    w_comp = _xavier_uniform(ks[4], (NUM_RELS, NUM_BASES), relu_gain)
    basis_w = _xavier_uniform(ks[5], (NUM_BASES, D_IN, D_OUT), relu_gain)
    bias = jnp.zeros((D_OUT,), dtype=jnp.float32)
    return {
        "x": x,
        "edge_index_r0": edge_index_r0,
        "edge_index_r1": edge_index_r1,
        "edge_index_r2": edge_index_r2,
        "w_comp": w_comp,
        "basis_w": basis_w,
        "bias": bias,
    }


def reference(x, edge_index_r0, edge_index_r1, edge_index_r2, w_comp, basis_w, bias):
    # Basis decomposition of per-relation weights (dglnn.WeightBasis)
    weight = jnp.einsum("rb,bio->rio", w_comp, basis_w)  # [R, D_IN, D_OUT]
    n = x.shape[0]
    out = jnp.zeros((n, weight.shape[2]), dtype=x.dtype)
    edge_indices = (edge_index_r0, edge_index_r1, edge_index_r2)
    for r in range(NUM_RELS):
        src = edge_indices[r][0]
        dst = edge_indices[r][1]
        # GraphConv(norm='right', in_feats == out_feats): aggregate first, then matmul
        msgs = jnp.take(x, src, axis=0)                               # gather [E_r, D_IN]
        agg = jax.ops.segment_sum(msgs, dst, num_segments=n)          # scatter-add
        deg = jax.ops.segment_sum(jnp.ones((src.shape[0],), dtype=x.dtype), dst, num_segments=n)
        norm = 1.0 / jnp.clip(deg, 1.0)                               # norm='right': divide by in-degree
        h_r = (agg * norm[:, None]) @ weight[r]
        # HeteroGraphConv default cross-relation aggregation: sum
        out = out + h_r
    # _apply: bias add (activation=None, dropout=None, self_loop=False)
    out = out + bias
    return out

if __name__ == "__main__":
    import jax
    _d = setup_inputs()
    print(jax.jit(kernel)(*tuple(_d.values())))

</pallas_src>

<mosaic_0001>
#map = affine_map<(d0, d1) -> (0, 0)>
#map1 = affine_map<(d0, d1) -> (0, 0, 0)>
#map2 = affine_map<(d0, d1) -> (0, 0, 0, 0)>
module attributes {stable_mosaic.version = 14 : i64} {
  func.func @_agg_body(%arg0: i32, %arg1: i32, %arg2: memref<10000x128xf32, #tpu.memory_space<hbm>>, %arg3: memref<3x896x128xi32, #tpu.memory_space<hbm>>, %arg4: memref<3x896x128xi32, #tpu.memory_space<hbm>>, %arg5: memref<1x3x10240x128xf32, #tpu.memory_space<hbm>>, %arg6: memref<1x3x10240x16xf32, #tpu.memory_space<hbm>>, %arg7: memref<56x128xi32, #tpu.memory_space<vmem>>, %arg8: memref<56x128xi32, #tpu.memory_space<vmem>>, %arg9: memref<128x128xf32, #tpu.memory_space<vmem>>, %arg10: memref<128x16xf32, #tpu.memory_space<vmem>>, %arg11: memref<10240x128xf32, #tpu.memory_space<vmem_shared>>, %arg12: memref<!tpu.dma_semaphore, #tpu.memory_space<semaphore_mem>>, %arg13: memref<!tpu.dma_semaphore, #tpu.memory_space<semaphore_mem>>) attributes {dimension_semantics = [#tpu.dimension_semantics<core_parallel>, #tpu.dimension_semantics<subcore_parallel>], iteration_bounds = array<i64: 1, 16>, scalar_prefetch = 0 : i64, scratch_operands = 7 : i64, tpu.core_type = #tpu.core_type<sc_vector_subcore>, window_params = [{transform_indices = #map}, {transform_indices = #map1}, {transform_indices = #map1}, {transform_indices = #map2}, {transform_indices = #map2}]} {
    %mul3A = arith.constant 16 : i32
    %mul3A_0 = arith.muli %arg0, %mul3A : i32
    %add3A = arith.addi %mul3A_0, %arg1 : i32
    %broadcast_in_dim3A = arith.constant 0.000000e+00 : f32
    %broadcast_in_dim3A_1 = vector.broadcast %broadcast_in_dim3A : f32 to vector<16xf32>
    %broadcast_in_dim3A_2 = arith.constant 1.000000e+00 : f32
    %broadcast_in_dim3A_3 = vector.broadcast %broadcast_in_dim3A_2 : f32 to vector<16xf32>
    %mul3A_4 = arith.constant 640 : i32
    %mul3A_5 = arith.muli %arg1, %mul3A_4 : i32
    %scan3A = arith.constant 0 : i32
    %scan3A_6 = arith.constant 0 : i32
    %scan3A_7 = arith.constant 128 : i32
    %scan3A_8 = arith.addi %scan3A_6, %scan3A_7 : i32
    %scan3A_9 = arith.constant 1 : i32
    scf.for %scan3A_378 = %scan3A_6 to %scan3A_8 step %scan3A_9  : i32 {
      %swap3A = arith.index_cast %scan3A_378 : i32 to index
      %swap3A_379 = arith.constant 0 : index
      %swap3A_380 = tpu.vector_load %arg9[%swap3A, %swap3A_379] {strides = array<i32>} : memref<128x128xf32, #tpu.memory_space<vmem>>, vector<1x16xf32>,
      %swap3A_381 = vector.shape_cast %swap3A_380 : vector<1x16xf32> to vector<16xf32>
      %swap3A_382 = vector.shape_cast %broadcast_in_dim3A_1 : vector<16xf32> to vector<1x16xf32>
      tpu.vector_store %arg9[%swap3A, %swap3A_379], %swap3A_382 {strides = array<i32>} : memref<128x128xf32, #tpu.memory_space<vmem>>, vector<1x16xf32>,
      %swap3A_383 = arith.index_cast %scan3A_378 : i32 to index
      %swap3A_384 = arith.constant 16 : index
      %swap3A_385 = tpu.vector_load %arg9[%swap3A_383, %swap3A_384] {strides = array<i32>} : memref<128x128xf32, #tpu.memory_space<vmem>>, vector<1x16xf32>,
      %swap3A_386 = vector.shape_cast %swap3A_385 : vector<1x16xf32> to vector<16xf32>
      %swap3A_387 = vector.shape_cast %broadcast_in_dim3A_1 : vector<16xf32> to vector<1x16xf32>
      tpu.vector_store %arg9[%swap3A_383, %swap3A_384], %swap3A_387 {strides = array<i32>} : memref<128x128xf32, #tpu.memory_space<vmem>>, vector<1x16xf32>,
      %swap3A_388 = arith.index_cast %scan3A_378 : i32 to index
      %swap3A_389 = arith.constant 32 : index
      %swap3A_390 = tpu.vector_load %arg9[%swap3A_388, %swap3A_389] {strides = array<i32>} : memref<128x128xf32, #tpu.memory_space<vmem>>, vector<1x16xf32>,
      %swap3A_391 = vector.shape_cast %swap3A_390 : vector<1x16xf32> to vector<16xf32>
      %swap3A_392 = vector.shape_cast %broadcast_in_dim3A_1 : vector<16xf32> to vector<1x16xf32>
      tpu.vector_store %arg9[%swap3A_388, %swap3A_389], %swap3A_392 {strides = array<i32>} : memref<128x128xf32, #tpu.memory_space<vmem>>, vector<1x16xf32>,
      %swap3A_393 = arith.index_cast %scan3A_378 : i32 to index
      %swap3A_394 = arith.constant 48 : index
      %swap3A_395 = tpu.vector_load %arg9[%swap3A_393, %swap3A_394] {strides = array<i32>} : memref<128x128xf32, #tpu.memory_space<vmem>>, vector<1x16xf32>,
      %swap3A_396 = vector.shape_cast %swap3A_395 : vector<1x16xf32> to vector<16xf32>
      %swap3A_397 = vector.shape_cast %broadcast_in_dim3A_1 : vector<16xf32> to vector<1x16xf32>
      tpu.vector_store %arg9[%swap3A_393, %swap3A_394], %swap3A_397 {strides = array<i32>} : memref<128x128xf32, #tpu.memory_space<vmem>>, vector<1x16xf32>,
      %swap3A_398 = arith.index_cast %scan3A_378 : i32 to index
      %swap3A_399 = arith.constant 64 : index
      %swap3A_400 = tpu.vector_load %arg9[%swap3A_398, %swap3A_399] {strides = array<i32>} : memref<128x128xf32, #tpu.memory_space<vmem>>, vector<1x16xf32>,
      %swap3A_401 = vector.shape_cast %swap3A_400 : vector<1x16xf32> to vector<16xf32>
      %swap3A_402 = vector.shape_cast %broadcast_in_dim3A_1 : vector<16xf32> to vector<1x16xf32>
      tpu.vector_store %arg9[%swap3A_398, %swap3A_399], %swap3A_402 {strides = array<i32>} : memref<128x128xf32, #tpu.memory_space<vmem>>, vector<1x16xf32>,
      %swap3A_403 = arith.index_cast %scan3A_378 : i32 to index
      %swap3A_404 = arith.constant 80 : index
      %swap3A_405 = tpu.vector_load %arg9[%swap3A_403, %swap3A_404] {strides = array<i32>} : memref<128x128xf32, #tpu.memory_space<vmem>>, vector<1x16xf32>,
      %swap3A_406 = vector.shape_cast %swap3A_405 : vector<1x16xf32> to vector<16xf32>
      %swap3A_407 = vector.shape_cast %broadcast_in_dim3A_1 : vector<16xf32> to vector<1x16xf32>
      tpu.vector_store %arg9[%swap3A_403, %swap3A_404], %swap3A_407 {strides = array<i32>} : memref<128x128xf32, #tpu.memory_space<vmem>>, vector<1x16xf32>,
      %swap3A_408 = arith.index_cast %scan3A_378 : i32 to index
      %swap3A_409 = arith.constant 96 : index
      %swap3A_410 = tpu.vector_load %arg9[%swap3A_408, %swap3A_409] {strides = array<i32>} : memref<128x128xf32, #tpu.memory_space<vmem>>, vector<1x16xf32>,
      %swap3A_411 = vector.shape_cast %swap3A_410 : vector<1x16xf32> to vector<16xf32>
      %swap3A_412 = vector.shape_cast %broadcast_in_dim3A_1 : vector<16xf32> to vector<1x16xf32>
      tpu.vector_store %arg9[%swap3A_408, %swap3A_409], %swap3A_412 {strides = array<i32>} : memref<128x128xf32, #tpu.memory_space<vmem>>, vector<1x16xf32>,
      %swap3A_413 = arith.index_cast %scan3A_378 : i32 to index
      %swap3A_414 = arith.constant 112 : index
      %swap3A_415 = tpu.vector_load %arg9[%swap3A_413, %swap3A_414] {strides = array<i32>} : memref<128x128xf32, #tpu.memory_space<vmem>>, vector<1x16xf32>,
      %swap3A_416 = vector.shape_cast %swap3A_415 : vector<1x16xf32> to vector<16xf32>
      %swap3A_417 = vector.shape_cast %broadcast_in_dim3A_1 : vector<16xf32> to vector<1x16xf32>
      tpu.vector_store %arg9[%swap3A_413, %swap3A_414], %swap3A_417 {strides = array<i32>} : memref<128x128xf32, #tpu.memory_space<vmem>>, vector<1x16xf32>,
    }
    %scan3A_10 = arith.constant 128 : i32
    %add3A_11 = arith.constant 0 : i32
    %add3A_12 = arith.addi %mul3A_5, %add3A_11 : i32
    "tpu.region"() ({
      %run_scoped3A_378 = tpu.sem_alloc : memref<!tpu.dma_semaphore, #tpu.memory_space<semaphore_mem>>
      %dma_start3A = arith.constant 0 : i32
      %dma_start3A_379 = tpu.memref_slice %arg11[%add3A_12, %dma_start3A] : memref<10240x128xf32, #tpu.memory_space<vmem_shared>> -> memref<128x128xf32, #tpu.memory_space<vmem_shared>>
      %dma_start3A_380 = arith.constant 0 : i32
      %dma_start3A_381 = tpu.memref_slice %arg11[%add3A_12, %dma_start3A_380] : memref<10240x128xf32, #tpu.memory_space<vmem_shared>> -> memref<128x128xf32, #tpu.memory_space<vmem_shared>>
      tpu.enqueue_dma source(%arg9 : memref<128x128xf32, #tpu.memory_space<vmem>>) target(%dma_start3A_381 : memref<128x128xf32, #tpu.memory_space<vmem_shared>>) target_semaphore(%run_scoped3A_378 : memref<!tpu.dma_semaphore, #tpu.memory_space<semaphore_mem>>)
      %dma_wait3A = arith.constant 0 : i32
      %dma_wait3A_382 = tpu.memref_slice %arg11[%add3A_12, %dma_wait3A] : memref<10240x128xf32, #tpu.memory_space<vmem_shared>> -> memref<128x128xf32, #tpu.memory_space<vmem_shared>>
      %dma_wait3A_383 = arith.constant 0 : i32
      %dma_wait3A_384 = tpu.memref_slice %arg11[%add3A_12, %dma_wait3A_383] : memref<10240x128xf32, #tpu.memory_space<vmem_shared>> -> memref<128x128xf32, #tpu.memory_space<vmem_shared>>
      tpu.wait_dma2 semaphore(%run_scoped3A_378 : memref<!tpu.dma_semaphore, #tpu.memory_space<semaphore_mem>>) src(%arg9 : memref<128x128xf32, #tpu.memory_space<vmem>>) dst(%dma_wait3A_384 : memref<128x128xf32, #tpu.memory_space<vmem_shared>>)
      tpu.yield
    }) : () -> ()
    %add3A_13 = arith.constant 128 : i32
    %add3A_14 = arith.addi %mul3A_5, %add3A_13 : i32
    "tpu.region"() ({
      %run_scoped3A_378 = tpu.sem_alloc : memref<!tpu.dma_semaphore, #tpu.memory_space<semaphore_mem>>
      %dma_start3A = arith.constant 0 : i32
      %dma_start3A_379 = tpu.memref_slice %arg11[%add3A_14, %dma_start3A] : memref<10240x128xf32, #tpu.memory_space<vmem_shared>> -> memref<128x128xf32, #tpu.memory_space<vmem_shared>>
      %dma_start3A_380 = arith.constant 0 : i32
      %dma_start3A_381 = tpu.memref_slice %arg11[%add3A_14, %dma_start3A_380] : memref<10240x128xf32, #tpu.memory_space<vmem_shared>> -> memref<128x128xf32, #tpu.memory_space<vmem_shared>>
      tpu.enqueue_dma source(%arg9 : memref<128x128xf32, #tpu.memory_space<vmem>>) target(%dma_start3A_381 : memref<128x128xf32, #tpu.memory_space<vmem_shared>>) target_semaphore(%run_scoped3A_378 : memref<!tpu.dma_semaphore, #tpu.memory_space<semaphore_mem>>)
      %dma_wait3A = arith.constant 0 : i32
      %dma_wait3A_382 = tpu.memref_slice %arg11[%add3A_14, %dma_wait3A] : memref<10240x128xf32, #tpu.memory_space<vmem_shared>> -> memref<128x128xf32, #tpu.memory_space<vmem_shared>>
      %dma_wait3A_383 = arith.constant 0 : i32
      %dma_wait3A_384 = tpu.memref_slice %arg11[%add3A_14, %dma_wait3A_383] : memref<10240x128xf32, #tpu.memory_space<vmem_shared>> -> memref<128x128xf32, #tpu.memory_space<vmem_shared>>
      tpu.wait_dma2 semaphore(%run_scoped3A_378 : memref<!tpu.dma_semaphore, #tpu.memory_space<semaphore_mem>>) src(%arg9 : memref<128x128xf32, #tpu.memory_space<vmem>>) dst(%dma_wait3A_384 : memref<128x128xf32, #tpu.memory_space<vmem_shared>>)
      tpu.yield
    }) : () -> ()
    %add3A_15 = arith.constant 256 : i32
    %add3A_16 = arith.addi %mul3A_5, %add3A_15 : i32
    "tpu.region"() ({
      %run_scoped3A_378 = tpu.sem_alloc : memref<!tpu.dma_semaphore, #tpu.memory_space<semaphore_mem>>
      %dma_start3A = arith.constant 0 : i32
      %dma_start3A_379 = tpu.memref_slice %arg11[%add3A_16, %dma_start3A] : memref<10240x128xf32, #tpu.memory_space<vmem_shared>> -> memref<128x128xf32, #tpu.memory_space<vmem_shared>>
      %dma_start3A_380 = arith.constant 0 : i32
      %dma_start3A_381 = tpu.memref_slice %arg11[%add3A_16, %dma_start3A_380] : memref<10240x128xf32, #tpu.memory_space<vmem_shared>> -> memref<128x128xf32, #tpu.memory_space<vmem_shared>>
      tpu.enqueue_dma source(%arg9 : memref<128x128xf32, #tpu.memory_space<vmem>>) target(%dma_start3A_381 : memref<128x128xf32, #tpu.memory_space<vmem_shared>>) target_semaphore(%run_scoped3A_378 : memref<!tpu.dma_semaphore, #tpu.memory_space<semaphore_mem>>)
      %dma_wait3A = arith.constant 0 : i32
      %dma_wait3A_382 = tpu.memref_slice %arg11[%add3A_16, %dma_wait3A] : memref<10240x128xf32, #tpu.memory_space<vmem_shared>> -> memref<128x128xf32, #tpu.memory_space<vmem_shared>>
      %dma_wait3A_383 = arith.constant 0 : i32
      %dma_wait3A_384 = tpu.memref_slice %arg11[%add3A_16, %dma_wait3A_383] : memref<10240x128xf32, #tpu.memory_space<vmem_shared>> -> memref<128x128xf32, #tpu.memory_space<vmem_shared>>
      tpu.wait_dma2 semaphore(%run_scoped3A_378 : memref<!tpu.dma_semaphore, #tpu.memory_space<semaphore_mem>>) src(%arg9 : memref<128x128xf32, #tpu.memory_space<vmem>>) dst(%dma_wait3A_384 : memref<128x128xf32, #tpu.memory_space<vmem_shared>>)
      tpu.yield
    }) : () -> ()
    %add3A_17 = arith.constant 384 : i32
    %add3A_18 = arith.addi %mul3A_5, %add3A_17 : i32
    "tpu.region"() ({
      %run_scoped3A_378 = tpu.sem_alloc : memref<!tpu.dma_semaphore, #tpu.memory_space<semaphore_mem>>
      %dma_start3A = arith.constant 0 : i32
      %dma_start3A_379 = tpu.memref_slice %arg11[%add3A_18, %dma_start3A] : memref<10240x128xf32, #tpu.memory_space<vmem_shared>> -> memref<128x128xf32, #tpu.memory_space<vmem_shared>>
      %dma_start3A_380 = arith.constant 0 : i32
      %dma_start3A_381 = tpu.memref_slice %arg11[%add3A_18, %dma_start3A_380] : memref<10240x128xf32, #tpu.memory_space<vmem_shared>> -> memref<128x128xf32, #tpu.memory_space<vmem_shared>>
      tpu.enqueue_dma source(%arg9 : memref<128x128xf32, #tpu.memory_space<vmem>>) target(%dma_start3A_381 : memref<128x128xf32, #tpu.memory_space<vmem_shared>>) target_semaphore(%run_scoped3A_378 : memref<!tpu.dma_semaphore, #tpu.memory_space<semaphore_mem>>)
      %dma_wait3A = arith.constant 0 : i32
      %dma_wait3A_382 = tpu.memref_slice %arg11[%add3A_18, %dma_wait3A] : memref<10240x128xf32, #tpu.memory_space<vmem_shared>> -> memref<128x128xf32, #tpu.memory_space<vmem_shared>>
      %dma_wait3A_383 = arith.constant 0 : i32
      %dma_wait3A_384 = tpu.memref_slice %arg11[%add3A_18, %dma_wait3A_383] : memref<10240x128xf32, #tpu.memory_space<vmem_shared>> -> memref<128x128xf32, #tpu.memory_space<vmem_shared>>
      tpu.wait_dma2 semaphore(%run_scoped3A_378 : memref<!tpu.dma_semaphore, #tpu.memory_space<semaphore_mem>>) src(%arg9 : memref<128x128xf32, #tpu.memory_space<vmem>>) dst(%dma_wait3A_384 : memref<128x128xf32, #tpu.memory_space<vmem_shared>>)
      tpu.yield
    }) : () -> ()
    %add3A_19 = arith.constant 512 : i32
    %add3A_20 = arith.addi %mul3A_5, %add3A_19 : i32
    "tpu.region"() ({
      %run_scoped3A_378 = tpu.sem_alloc : memref<!tpu.dma_semaphore, #tpu.memory_space<semaphore_mem>>
      %dma_start3A = arith.constant 0 : i32
      %dma_start3A_379 = tpu.memref_slice %arg11[%add3A_20, %dma_start3A] : memref<10240x128xf32, #tpu.memory_space<vmem_shared>> -> memref<128x128xf32, #tpu.memory_space<vmem_shared>>
      %dma_start3A_380 = arith.constant 0 : i32
      %dma_start3A_381 = tpu.memref_slice %arg11[%add3A_20, %dma_start3A_380] : memref<10240x128xf32, #tpu.memory_space<vmem_shared>> -> memref<128x128xf32, #tpu.memory_space<vmem_shared>>
      tpu.enqueue_dma source(%arg9 : memref<128x128xf32, #tpu.memory_space<vmem>>) target(%dma_start3A_381 : memref<128x128xf32, #tpu.memory_space<vmem_shared>>) target_semaphore(%run_scoped3A_378 : memref<!tpu.dma_semaphore, #tpu.memory_space<semaphore_mem>>)
      %dma_wait3A = arith.constant 0 : i32
      %dma_wait3A_382 = tpu.memref_slice %arg11[%add3A_20, %dma_wait3A] : memref<10240x128xf32, #tpu.memory_space<vmem_shared>> -> memref<128x128xf32, #tpu.memory_space<vmem_shared>>
      %dma_wait3A_383 = arith.constant 0 : i32
      %dma_wait3A_384 = tpu.memref_slice %arg11[%add3A_20, %dma_wait3A_383] : memref<10240x128xf32, #tpu.memory_space<vmem_shared>> -> memref<128x128xf32, #tpu.memory_space<vmem_shared>>
      tpu.wait_dma2 semaphore(%run_scoped3A_378 : memref<!tpu.dma_semaphore, #tpu.memory_space<semaphore_mem>>) src(%arg9 : memref<128x128xf32, #tpu.memory_space<vmem>>) dst(%dma_wait3A_384 : memref<128x128xf32, #tpu.memory_space<vmem_shared>>)
      tpu.yield
    }) : () -> ()
    %barrier3A = arith.constant 0 : index
    tpu.barrier barrier_id(%barrier3A)
    %mul3A_21 = arith.constant 56 : i32
    %mul3A_22 = arith.muli %add3A, %mul3A_21 : i32
    %run_scoped3A = arith.constant 0 : i32
    "tpu.region"() ({
      %run_scoped3A_378 = tpu.sem_alloc : memref<!tpu.dma_semaphore, #tpu.memory_space<semaphore_mem>>
      %dma_start3A = arith.constant 0 : i32
      %dma_start3A_379 = tpu.memref_slice %arg3[%run_scoped3A, %mul3A_22, %dma_start3A] : memref<3x896x128xi32, #tpu.memory_space<hbm>> -> memref<1x56x128xi32, #tpu.memory_space<hbm>>
      %dma_start3A_380 = tpu.memref_squeeze %dma_start3A_379 : memref<1x56x128xi32, #tpu.memory_space<hbm>> -> memref<56x128xi32, #tpu.memory_space<hbm>>
      %dma_start3A_381 = arith.constant 0 : i32
      %dma_start3A_382 = tpu.memref_slice %arg3[%run_scoped3A, %mul3A_22, %dma_start3A_381] : memref<3x896x128xi32, #tpu.memory_space<hbm>> -> memref<1x56x128xi32, #tpu.memory_space<hbm>>
      %dma_start3A_383 = tpu.memref_squeeze %dma_start3A_382 : memref<1x56x128xi32, #tpu.memory_space<hbm>> -> memref<56x128xi32, #tpu.memory_space<hbm>>
      tpu.enqueue_dma source(%dma_start3A_383 : memref<56x128xi32, #tpu.memory_space<hbm>>) target(%arg7 : memref<56x128xi32, #tpu.memory_space<vmem>>) target_semaphore(%run_scoped3A_378 : memref<!tpu.dma_semaphore, #tpu.memory_space<semaphore_mem>>)
      %dma_wait3A = arith.constant 0 : i32
      %dma_wait3A_384 = tpu.memref_slice %arg3[%run_scoped3A, %mul3A_22, %dma_wait3A] : memref<3x896x128xi32, #tpu.memory_space<hbm>> -> memref<1x56x128xi32, #tpu.memory_space<hbm>>
      %dma_wait3A_385 = tpu.memref_squeeze %dma_wait3A_384 : memref<1x56x128xi32, #tpu.memory_space<hbm>> -> memref<56x128xi32, #tpu.memory_space<hbm>>
      %dma_wait3A_386 = arith.constant 0 : i32
      %dma_wait3A_387 = tpu.memref_slice %arg3[%run_scoped3A, %mul3A_22, %dma_wait3A_386] : memref<3x896x128xi32, #tpu.memory_space<hbm>> -> memref<1x56x128xi32, #tpu.memory_space<hbm>>
      %dma_wait3A_388 = tpu.memref_squeeze %dma_wait3A_387 : memref<1x56x128xi32, #tpu.memory_space<hbm>> -> memref<56x128xi32, #tpu.memory_space<hbm>>
      tpu.wait_dma2 semaphore(%run_scoped3A_378 : memref<!tpu.dma_semaphore, #tpu.memory_space<semaphore_mem>>) src(%dma_wait3A_388 : memref<56x128xi32, #tpu.memory_space<hbm>>) dst(%arg7 : memref<56x128xi32, #tpu.memory_space<vmem>>)
      tpu.yield
    }) : () -> ()
    %mul3A_23 = arith.constant 56 : i32
    %mul3A_24 = arith.muli %add3A, %mul3A_23 : i32
    %run_scoped3A_25 = arith.constant 0 : i32
    "tpu.region"() ({
      %run_scoped3A_378 = tpu.sem_alloc : memref<!tpu.dma_semaphore, #tpu.memory_space<semaphore_mem>>
      %dma_start3A = arith.constant 0 : i32
      %dma_start3A_379 = tpu.memref_slice %arg4[%run_scoped3A_25, %mul3A_24, %dma_start3A] : memref<3x896x128xi32, #tpu.memory_space<hbm>> -> memref<1x56x128xi32, #tpu.memory_space<hbm>>
      %dma_start3A_380 = tpu.memref_squeeze %dma_start3A_379 : memref<1x56x128xi32, #tpu.memory_space<hbm>> -> memref<56x128xi32, #tpu.memory_space<hbm>>
      %dma_start3A_381 = arith.constant 0 : i32
      %dma_start3A_382 = tpu.memref_slice %arg4[%run_scoped3A_25, %mul3A_24, %dma_start3A_381] : memref<3x896x128xi32, #tpu.memory_space<hbm>> -> memref<1x56x128xi32, #tpu.memory_space<hbm>>
      %dma_start3A_383 = tpu.memref_squeeze %dma_start3A_382 : memref<1x56x128xi32, #tpu.memory_space<hbm>> -> memref<56x128xi32, #tpu.memory_space<hbm>>
      tpu.enqueue_dma source(%dma_start3A_383 : memref<56x128xi32, #tpu.memory_space<hbm>>) target(%arg8 : memref<56x128xi32, #tpu.memory_space<vmem>>) target_semaphore(%run_scoped3A_378 : memref<!tpu.dma_semaphore, #tpu.memory_space<semaphore_mem>>)
      %dma_wait3A = arith.constant 0 : i32
      %dma_wait3A_384 = tpu.memref_slice %arg4[%run_scoped3A_25, %mul3A_24, %dma_wait3A] : memref<3x896x128xi32, #tpu.memory_space<hbm>> -> memref<1x56x128xi32, #tpu.memory_space<hbm>>
      %dma_wait3A_385 = tpu.memref_squeeze %dma_wait3A_384 : memref<1x56x128xi32, #tpu.memory_space<hbm>> -> memref<56x128xi32, #tpu.memory_space<hbm>>
      %dma_wait3A_386 = arith.constant 0 : i32
      %dma_wait3A_387 = tpu.memref_slice %arg4[%run_scoped3A_25, %mul3A_24, %dma_wait3A_386] : memref<3x896x128xi32, #tpu.memory_space<hbm>> -> memref<1x56x128xi32, #tpu.memory_space<hbm>>
      %dma_wait3A_388 = tpu.memref_squeeze %dma_wait3A_387 : memref<1x56x128xi32, #tpu.memory_space<hbm>> -> memref<56x128xi32, #tpu.memory_space<hbm>>
      tpu.wait_dma2 semaphore(%run_scoped3A_378 : memref<!tpu.dma_semaphore, #tpu.memory_space<semaphore_mem>>) src(%dma_wait3A_388 : memref<56x128xi32, #tpu.memory_space<hbm>>) dst(%arg8 : memref<56x128xi32, #tpu.memory_space<vmem>>)
      tpu.yield
    }) : () -> ()
    %scan3A_26 = arith.constant 0 : i32
    %scan3A_27 = arith.constant 0 : i32
    %scan3A_28 = arith.constant 53 : i32
    %scan3A_29 = arith.addi %scan3A_27, %scan3A_28 : i32
    %scan3A_30 = arith.constant 1 : i32
    scf.for %scan3A_378 = %scan3A_27 to %scan3A_29 step %scan3A_30  : i32 {
      %dma_start3A = arith.constant 0 : i32
      %dma_start3A_379 = tpu.memref_slice %arg7[%scan3A_378, %dma_start3A] : memref<56x128xi32, #tpu.memory_space<vmem>> -> memref<1x128xi32, #tpu.memory_space<vmem>>
      %dma_start3A_380 = tpu.memref_squeeze %dma_start3A_379 : memref<1x128xi32, #tpu.memory_space<vmem>> -> memref<128xi32, #tpu.memory_space<vmem>>
      %dma_start3A_381 = arith.constant 0 : i32
      %dma_start3A_382 = arith.constant 0 : i32
      %dma_start3A_383 = tpu.memref_slice %arg2[%dma_start3A_381, %dma_start3A_382] : memref<10000x128xf32, #tpu.memory_space<hbm>> -> memref<10000x128xf32, #tpu.memory_space<hbm>>
      tpu.enqueue_indirect_dma source(%dma_start3A_383 : memref<10000x128xf32, #tpu.memory_space<hbm>>) target(%arg9 : memref<128x128xf32, #tpu.memory_space<vmem>>) offsets(%dma_start3A_380 : memref<128xi32, #tpu.memory_space<vmem>>) semaphore(%arg12 : memref<!tpu.dma_semaphore, #tpu.memory_space<semaphore_mem>>)
      %dma_wait3A = arith.constant 0 : i32
      %dma_wait3A_384 = tpu.memref_slice %arg7[%scan3A_378, %dma_wait3A] : memref<56x128xi32, #tpu.memory_space<vmem>> -> memref<1x128xi32, #tpu.memory_space<vmem>>
      %dma_wait3A_385 = tpu.memref_squeeze %dma_wait3A_384 : memref<1x128xi32, #tpu.memory_space<vmem>> -> memref<128xi32, #tpu.memory_space<vmem>>
      %dma_wait3A_386 = arith.constant 0 : i32
      %dma_wait3A_387 = arith.constant 0 : i32
      %dma_wait3A_388 = tpu.memref_slice %arg2[%dma_wait3A_386, %dma_wait3A_387] : memref<10000x128xf32, #tpu.memory_space<hbm>> -> memref<10000x128xf32, #tpu.memory_space<hbm>>
      tpu.wait_indirect_dma semaphore(%arg12 : memref<!tpu.dma_semaphore, #tpu.memory_space<semaphore_mem>>) src(%dma_wait3A_388 : memref<10000x128xf32, #tpu.memory_space<hbm>>) dst(%arg9 : memref<128x128xf32, #tpu.memory_space<vmem>>)
      %dma_start3A_389 = arith.constant 0 : i32
      %dma_start3A_390 = tpu.memref_slice %arg8[%scan3A_378, %dma_start3A_389] : memref<56x128xi32, #tpu.memory_space<vmem>> -> memref<1x128xi32, #tpu.memory_space<vmem>>
      %dma_start3A_391 = tpu.memref_squeeze %dma_start3A_390 : memref<1x128xi32, #tpu.memory_space<vmem>> -> memref<128xi32, #tpu.memory_space<vmem>>
      %dma_start3A_392 = arith.constant 0 : i32
      %dma_start3A_393 = arith.constant 0 : i32
      %dma_start3A_394 = tpu.memref_slice %arg11[%dma_start3A_392, %dma_start3A_393] : memref<10240x128xf32, #tpu.memory_space<vmem_shared>> -> memref<10240x128xf32, #tpu.memory_space<vmem_shared>>
      tpu.enqueue_indirect_dma source(%arg9 : memref<128x128xf32, #tpu.memory_space<vmem>>) target(%dma_start3A_394 : memref<10240x128xf32, #tpu.memory_space<vmem_shared>>) offsets(%dma_start3A_391 : memref<128xi32, #tpu.memory_space<vmem>>) semaphore(%arg13 : memref<!tpu.dma_semaphore, #tpu.memory_space<semaphore_mem>>) {add = true}
      %dma_wait3A_395 = arith.constant 0 : i32
      %dma_wait3A_396 = tpu.memref_slice %arg8[%scan3A_378, %dma_wait3A_395] : memref<56x128xi32, #tpu.memory_space<vmem>> -> memref<1x128xi32, #tpu.memory_space<vmem>>
      %dma_wait3A_397 = tpu.memref_squeeze %dma_wait3A_396 : memref<1x128xi32, #tpu.memory_space<vmem>> -> memref<128xi32, #tpu.memory_space<vmem>>
      %dma_wait3A_398 = arith.constant 0 : i32
      %dma_wait3A_399 = arith.constant 0 : i32
      %dma_wait3A_400 = tpu.memref_slice %arg11[%dma_wait3A_398, %dma_wait3A_399] : memref<10240x128xf32, #tpu.memory_space<vmem_shared>> -> memref<10240x128xf32, #tpu.memory_space<vmem_shared>>
      tpu.wait_indirect_dma semaphore(%arg13 : memref<!tpu.dma_semaphore, #tpu.memory_space<semaphore_mem>>) src(%arg9 : memref<128x128xf32, #tpu.memory_space<vmem>>) dst(%dma_wait3A_400 : memref<10240x128xf32, #tpu.memory_space<vmem_shared>>)
    }
    %scan3A_31 = arith.constant 53 : i32
    %barrier3A_32 = arith.constant 0 : index
    tpu.barrier barrier_id(%barrier3A_32)
    %add3A_33 = arith.constant 0 : i32
    %add3A_34 = arith.addi %mul3A_5, %add3A_33 : i32
    "tpu.region"() ({
      %run_scoped3A_378 = tpu.sem_alloc : memref<!tpu.dma_semaphore, #tpu.memory_space<semaphore_mem>>
      %dma_start3A = arith.constant 0 : i32
      %dma_start3A_379 = tpu.memref_slice %arg11[%add3A_34, %dma_start3A] : memref<10240x128xf32, #tpu.memory_space<vmem_shared>> -> memref<128x128xf32, #tpu.memory_space<vmem_shared>>
      %dma_start3A_380 = arith.constant 0 : i32
      %dma_start3A_381 = tpu.memref_slice %arg11[%add3A_34, %dma_start3A_380] : memref<10240x128xf32, #tpu.memory_space<vmem_shared>> -> memref<128x128xf32, #tpu.memory_space<vmem_shared>>
      tpu.enqueue_dma source(%dma_start3A_381 : memref<128x128xf32, #tpu.memory_space<vmem_shared>>) target(%arg9 : memref<128x128xf32, #tpu.memory_space<vmem>>) target_semaphore(%run_scoped3A_378 : memref<!tpu.dma_semaphore, #tpu.memory_space<semaphore_mem>>)
      %dma_wait3A = arith.constant 0 : i32
      %dma_wait3A_382 = tpu.memref_slice %arg11[%add3A_34, %dma_wait3A] : memref<10240x128xf32, #tpu.memory_space<vmem_shared>> -> memref<128x128xf32, #tpu.memory_space<vmem_shared>>
      %dma_wait3A_383 = arith.constant 0 : i32
      %dma_wait3A_384 = tpu.memref_slice %arg11[%add3A_34, %dma_wait3A_383] : memref<10240x128xf32, #tpu.memory_space<vmem_shared>> -> memref<128x128xf32, #tpu.memory_space<vmem_shared>>
      tpu.wait_dma2 semaphore(%run_scoped3A_378 : memref<!tpu.dma_semaphore, #tpu.memory_space<semaphore_mem>>) src(%dma_wait3A_384 : memref<128x128xf32, #tpu.memory_space<vmem_shared>>) dst(%arg9 : memref<128x128xf32, #tpu.memory_space<vmem>>)
      tpu.yield
    }) : () -> ()
    %run_scoped3A_35 = arith.constant 0 : i32
    "tpu.region"() ({
      %run_scoped3A_378 = tpu.sem_alloc : memref<!tpu.dma_semaphore, #tpu.memory_space<semaphore_mem>>
      %dma_start3A = arith.constant 0 : i32
      %dma_start3A_379 = tpu.memref_slice %arg5[%arg0, %run_scoped3A_35, %add3A_34, %dma_start3A] : memref<1x3x10240x128xf32, #tpu.memory_space<hbm>> -> memref<1x1x128x128xf32, #tpu.memory_space<hbm>>
      %dma_start3A_380 = tpu.memref_squeeze %dma_start3A_379 : memref<1x1x128x128xf32, #tpu.memory_space<hbm>> -> memref<128x128xf32, #tpu.memory_space<hbm>>
      %dma_start3A_381 = arith.constant 0 : i32
      %dma_start3A_382 = tpu.memref_slice %arg5[%arg0, %run_scoped3A_35, %add3A_34, %dma_start3A_381] : memref<1x3x10240x128xf32, #tpu.memory_space<hbm>> -> memref<1x1x128x128xf32, #tpu.memory_space<hbm>>
      %dma_start3A_383 = tpu.memref_squeeze %dma_start3A_382 : memref<1x1x128x128xf32, #tpu.memory_space<hbm>> -> memref<128x128xf32, #tpu.memory_space<hbm>>
      tpu.enqueue_dma source(%arg9 : memref<128x128xf32, #tpu.memory_space<vmem>>) target(%dma_start3A_383 : memref<128x128xf32, #tpu.memory_space<hbm>>) target_semaphore(%run_scoped3A_378 : memref<!tpu.dma_semaphore, #tpu.memory_space<semaphore_mem>>)
      %dma_wait3A = arith.constant 0 : i32
      %dma_wait3A_384 = tpu.memref_slice %arg5[%arg0, %run_scoped3A_35, %add3A_34, %dma_wait3A] : memref<1x3x10240x128xf32, #tpu.memory_space<hbm>> -> memref<1x1x128x128xf32, #tpu.memory_space<hbm>>
      %dma_wait3A_385 = tpu.memref_squeeze %dma_wait3A_384 : memref<1x1x128x128xf32, #tpu.memory_space<hbm>> -> memref<128x128xf32, #tpu.memory_space<hbm>>
      %dma_wait3A_386 = arith.constant 0 : i32
      %dma_wait3A_387 = tpu.memref_slice %arg5[%arg0, %run_scoped3A_35, %add3A_34, %dma_wait3A_386] : memref<1x3x10240x128xf32, #tpu.memory_space<hbm>> -> memref<1x1x128x128xf32, #tpu.memory_space<hbm>>
      %dma_wait3A_388 = tpu.memref_squeeze %dma_wait3A_387 : memref<1x1x128x128xf32, #tpu.memory_space<hbm>> -> memref<128x128xf32, #tpu.memory_space<hbm>>
      tpu.wait_dma2 semaphore(%run_scoped3A_378 : memref<!tpu.dma_semaphore, #tpu.memory_space<semaphore_mem>>) src(%arg9 : memref<128x128xf32, #tpu.memory_space<vmem>>) dst(%dma_wait3A_388 : memref<128x128xf32, #tpu.memory_space<hbm>>)
      tpu.yield
    }) : () -> ()
    %add3A_36 = arith.constant 128 : i32
    %add3A_37 = arith.addi %mul3A_5, %add3A_36 : i32
    "tpu.region"() ({
      %run_scoped3A_378 = tpu.sem_alloc : memref<!tpu.dma_semaphore, #tpu.memory_space<semaphore_mem>>
      %dma_start3A = arith.constant 0 : i32
      %dma_start3A_379 = tpu.memref_slice %arg11[%add3A_37, %dma_start3A] : memref<10240x128xf32, #tpu.memory_space<vmem_shared>> -> memref<128x128xf32, #tpu.memory_space<vmem_shared>>
      %dma_start3A_380 = arith.constant 0 : i32
      %dma_start3A_381 = tpu.memref_slice %arg11[%add3A_37, %dma_start3A_380] : memref<10240x128xf32, #tpu.memory_space<vmem_shared>> -> memref<128x128xf32, #tpu.memory_space<vmem_shared>>
      tpu.enqueue_dma source(%dma_start3A_381 : memref<128x128xf32, #tpu.memory_space<vmem_shared>>) target(%arg9 : memref<128x128xf32, #tpu.memory_space<vmem>>) target_semaphore(%run_scoped3A_378 : memref<!tpu.dma_semaphore, #tpu.memory_space<semaphore_mem>>)
      %dma_wait3A = arith.constant 0 : i32
      %dma_wait3A_382 = tpu.memref_slice %arg11[%add3A_37, %dma_wait3A] : memref<10240x128xf32, #tpu.memory_space<vmem_shared>> -> memref<128x128xf32, #tpu.memory_space<vmem_shared>>
      %dma_wait3A_383 = arith.constant 0 : i32
      %dma_wait3A_384 = tpu.memref_slice %arg11[%add3A_37, %dma_wait3A_383] : memref<10240x128xf32, #tpu.memory_space<vmem_shared>> -> memref<128x128xf32, #tpu.memory_space<vmem_shared>>
      tpu.wait_dma2 semaphore(%run_scoped3A_378 : memref<!tpu.dma_semaphore, #tpu.memory_space<semaphore_mem>>) src(%dma_wait3A_384 : memref<128x128xf32, #tpu.memory_space<vmem_shared>>) dst(%arg9 : memref<128x128xf32, #tpu.memory_space<vmem>>)
      tpu.yield
    }) : () -> ()
    %run_scoped3A_38 = arith.constant 0 : i32
    "tpu.region"() ({
      %run_scoped3A_378 = tpu.sem_alloc : memref<!tpu.dma_semaphore, #tpu.memory_space<semaphore_mem>>
      %dma_start3A = arith.constant 0 : i32
      %dma_start3A_379 = tpu.memref_slice %arg5[%arg0, %run_scoped3A_38, %add3A_37, %dma_start3A] : memref<1x3x10240x128xf32, #tpu.memory_space<hbm>> -> memref<1x1x128x128xf32, #tpu.memory_space<hbm>>
      %dma_start3A_380 = tpu.memref_squeeze %dma_start3A_379 : memref<1x1x128x128xf32, #tpu.memory_space<hbm>> -> memref<128x128xf32, #tpu.memory_space<hbm>>
      %dma_start3A_381 = arith.constant 0 : i32
      %dma_start3A_382 = tpu.memref_slice %arg5[%arg0, %run_scoped3A_38, %add3A_37, %dma_start3A_381] : memref<1x3x10240x128xf32, #tpu.memory_space<hbm>> -> memref<1x1x128x128xf32, #tpu.memory_space<hbm>>
      %dma_start3A_383 = tpu.memref_squeeze %dma_start3A_382 : memref<1x1x128x128xf32, #tpu.memory_space<hbm>> -> memref<128x128xf32, #tpu.memory_space<hbm>>
      tpu.enqueue_dma source(%arg9 : memref<128x128xf32, #tpu.memory_space<vmem>>) target(%dma_start3A_383 : memref<128x128xf32, #tpu.memory_space<hbm>>) target_semaphore(%run_scoped3A_378 : memref<!tpu.dma_semaphore, #tpu.memory_space<semaphore_mem>>)
      %dma_wait3A = arith.constant 0 : i32
      %dma_wait3A_384 = tpu.memref_slice %arg5[%arg0, %run_scoped3A_38, %add3A_37, %dma_wait3A] : memref<1x3x10240x128xf32, #tpu.memory_space<hbm>> -> memref<1x1x128x128xf32, #tpu.memory_space<hbm>>
      %dma_wait3A_385 = tpu.memref_squeeze %dma_wait3A_384 : memref<1x1x128x128xf32, #tpu.memory_space<hbm>> -> memref<128x128xf32, #tpu.memory_space<hbm>>
      %dma_wait3A_386 = arith.constant 0 : i32
      %dma_wait3A_387 = tpu.memref_slice %arg5[%arg0, %run_scoped3A_38, %add3A_37, %dma_wait3A_386] : memref<1x3x10240x128xf32, #tpu.memory_space<hbm>> -> memref<1x1x128x128xf32, #tpu.memory_space<hbm>>
      %dma_wait3A_388 = tpu.memref_squeeze %dma_wait3A_387 : memref<1x1x128x128xf32, #tpu.memory_space<hbm>> -> memref<128x128xf32, #tpu.memory_space<hbm>>
      tpu.wait_dma2 semaphore(%run_scoped3A_378 : memref<!tpu.dma_semaphore, #tpu.memory_space<semaphore_mem>>) src(%arg9 : memref<128x128xf32, #tpu.memory_space<vmem>>) dst(%dma_wait3A_388 : memref<128x128xf32, #tpu.memory_space<hbm>>)
      tpu.yield
    }) : () -> ()
    %add3A_39 = arith.constant 256 : i32
    %add3A_40 = arith.addi %mul3A_5, %add3A_39 : i32
    "tpu.region"() ({
      %run_scoped3A_378 = tpu.sem_alloc : memref<!tpu.dma_semaphore, #tpu.memory_space<semaphore_mem>>
      %dma_start3A = arith.constant 0 : i32
      %dma_start3A_379 = tpu.memref_slice %arg11[%add3A_40, %dma_start3A] : memref<10240x128xf32, #tpu.memory_space<vmem_shared>> -> memref<128x128xf32, #tpu.memory_space<vmem_shared>>
      %dma_start3A_380 = arith.constant 0 : i32
      %dma_start3A_381 = tpu.memref_slice %arg11[%add3A_40, %dma_start3A_380] : memref<10240x128xf32, #tpu.memory_space<vmem_shared>> -> memref<128x128xf32, #tpu.memory_space<vmem_shared>>
      tpu.enqueue_dma source(%dma_start3A_381 : memref<128x128xf32, #tpu.memory_space<vmem_shared>>) target(%arg9 : memref<128x128xf32, #tpu.memory_space<vmem>>) target_semaphore(%run_scoped3A_378 : memref<!tpu.dma_semaphore, #tpu.memory_space<semaphore_mem>>)
      %dma_wait3A = arith.constant 0 : i32
      %dma_wait3A_382 = tpu.memref_slice %arg11[%add3A_40, %dma_wait3A] : memref<10240x128xf32, #tpu.memory_space<vmem_shared>> -> memref<128x128xf32, #tpu.memory_space<vmem_shared>>
      %dma_wait3A_383 = arith.constant 0 : i32
      %dma_wait3A_384 = tpu.memref_slice %arg11[%add3A_40, %dma_wait3A_383] : memref<10240x128xf32, #tpu.memory_space<vmem_shared>> -> memref<128x128xf32, #tpu.memory_space<vmem_shared>>
      tpu.wait_dma2 semaphore(%run_scoped3A_378 : memref<!tpu.dma_semaphore, #tpu.memory_space<semaphore_mem>>) src(%dma_wait3A_384 : memref<128x128xf32, #tpu.memory_space<vmem_shared>>) dst(%arg9 : memref<128x128xf32, #tpu.memory_space<vmem>>)
      tpu.yield
    }) : () -> ()
    %run_scoped3A_41 = arith.constant 0 : i32
    "tpu.region"() ({
      %run_scoped3A_378 = tpu.sem_alloc : memref<!tpu.dma_semaphore, #tpu.memory_space<semaphore_mem>>
      %dma_start3A = arith.constant 0 : i32
      %dma_start3A_379 = tpu.memref_slice %arg5[%arg0, %run_scoped3A_41, %add3A_40, %dma_start3A] : memref<1x3x10240x128xf32, #tpu.memory_space<hbm>> -> memref<1x1x128x128xf32, #tpu.memory_space<hbm>>
      %dma_start3A_380 = tpu.memref_squeeze %dma_start3A_379 : memref<1x1x128x128xf32, #tpu.memory_space<hbm>> -> memref<128x128xf32, #tpu.memory_space<hbm>>
      %dma_start3A_381 = arith.constant 0 : i32
      %dma_start3A_382 = tpu.memref_slice %arg5[%arg0, %run_scoped3A_41, %add3A_40, %dma_start3A_381] : memref<1x3x10240x128xf32, #tpu.memory_space<hbm>> -> memref<1x1x128x128xf32, #tpu.memory_space<hbm>>
      %dma_start3A_383 = tpu.memref_squeeze %dma_start3A_382 : memref<1x1x128x128xf32, #tpu.memory_space<hbm>> -> memref<128x128xf32, #tpu.memory_space<hbm>>
      tpu.enqueue_dma source(%arg9 : memref<128x128xf32, #tpu.memory_space<vmem>>) target(%dma_start3A_383 : memref<128x128xf32, #tpu.memory_space<hbm>>) target_semaphore(%run_scoped3A_378 : memref<!tpu.dma_semaphore, #tpu.memory_space<semaphore_mem>>)
      %dma_wait3A = arith.constant 0 : i32
      %dma_wait3A_384 = tpu.memref_slice %arg5[%arg0, %run_scoped3A_41, %add3A_40, %dma_wait3A] : memref<1x3x10240x128xf32, #tpu.memory_space<hbm>> -> memref<1x1x128x128xf32, #tpu.memory_space<hbm>>
      %dma_wait3A_385 = tpu.memref_squeeze %dma_wait3A_384 : memref<1x1x128x128xf32, #tpu.memory_space<hbm>> -> memref<128x128xf32, #tpu.memory_space<hbm>>
      %dma_wait3A_386 = arith.constant 0 : i32
      %dma_wait3A_387 = tpu.memref_slice %arg5[%arg0, %run_scoped3A_41, %add3A_40, %dma_wait3A_386] : memref<1x3x10240x128xf32, #tpu.memory_space<hbm>> -> memref<1x1x128x128xf32, #tpu.memory_space<hbm>>
      %dma_wait3A_388 = tpu.memref_squeeze %dma_wait3A_387 : memref<1x1x128x128xf32, #tpu.memory_space<hbm>> -> memref<128x128xf32, #tpu.memory_space<hbm>>
      tpu.wait_dma2 semaphore(%run_scoped3A_378 : memref<!tpu.dma_semaphore, #tpu.memory_space<semaphore_mem>>) src(%arg9 : memref<128x128xf32, #tpu.memory_space<vmem>>) dst(%dma_wait3A_388 : memref<128x128xf32, #tpu.memory_space<hbm>>)
      tpu.yield
    }) : () -> ()
    %add3A_42 = arith.constant 384 : i32
    %add3A_43 = arith.addi %mul3A_5, %add3A_42 : i32
    "tpu.region"() ({
      %run_scoped3A_378 = tpu.sem_alloc : memref<!tpu.dma_semaphore, #tpu.memory_space<semaphore_mem>>
      %dma_start3A = arith.constant 0 : i32
      %dma_start3A_379 = tpu.memref_slice %arg11[%add3A_43, %dma_start3A] : memref<10240x128xf32, #tpu.memory_space<vmem_shared>> -> memref<128x128xf32, #tpu.memory_space<vmem_shared>>
      %dma_start3A_380 = arith.constant 0 : i32
      %dma_start3A_381 = tpu.memref_slice %arg11[%add3A_43, %dma_start3A_380] : memref<10240x128xf32, #tpu.memory_space<vmem_shared>> -> memref<128x128xf32, #tpu.memory_space<vmem_shared>>
      tpu.enqueue_dma source(%dma_start3A_381 : memref<128x128xf32, #tpu.memory_space<vmem_shared>>) target(%arg9 : memref<128x128xf32, #tpu.memory_space<vmem>>) target_semaphore(%run_scoped3A_378 : memref<!tpu.dma_semaphore, #tpu.memory_space<semaphore_mem>>)
      %dma_wait3A = arith.constant 0 : i32
      %dma_wait3A_382 = tpu.memref_slice %arg11[%add3A_43, %dma_wait3A] : memref<10240x128xf32, #tpu.memory_space<vmem_shared>> -> memref<128x128xf32, #tpu.memory_space<vmem_shared>>
      %dma_wait3A_383 = arith.constant 0 : i32
      %dma_wait3A_384 = tpu.memref_slice %arg11[%add3A_43, %dma_wait3A_383] : memref<10240x128xf32, #tpu.memory_space<vmem_shared>> -> memref<128x128xf32, #tpu.memory_space<vmem_shared>>
      tpu.wait_dma2 semaphore(%run_scoped3A_378 : memref<!tpu.dma_semaphore, #tpu.memory_space<semaphore_mem>>) src(%dma_wait3A_384 : memref<128x128xf32, #tpu.memory_space<vmem_shared>>) dst(%arg9 : memref<128x128xf32, #tpu.memory_space<vmem>>)
      tpu.yield
    }) : () -> ()
    %run_scoped3A_44 = arith.constant 0 : i32
    "tpu.region"() ({
      %run_scoped3A_378 = tpu.sem_alloc : memref<!tpu.dma_semaphore, #tpu.memory_space<semaphore_mem>>
      %dma_start3A = arith.constant 0 : i32
      %dma_start3A_379 = tpu.memref_slice %arg5[%arg0, %run_scoped3A_44, %add3A_43, %dma_start3A] : memref<1x3x10240x128xf32, #tpu.memory_space<hbm>> -> memref<1x1x128x128xf32, #tpu.memory_space<hbm>>
      %dma_start3A_380 = tpu.memref_squeeze %dma_start3A_379 : memref<1x1x128x128xf32, #tpu.memory_space<hbm>> -> memref<128x128xf32, #tpu.memory_space<hbm>>
      %dma_start3A_381 = arith.constant 0 : i32
      %dma_start3A_382 = tpu.memref_slice %arg5[%arg0, %run_scoped3A_44, %add3A_43, %dma_start3A_381] : memref<1x3x10240x128xf32, #tpu.memory_space<hbm>> -> memref<1x1x128x128xf32, #tpu.memory_space<hbm>>
      %dma_start3A_383 = tpu.memref_squeeze %dma_start3A_382 : memref<1x1x128x128xf32, #tpu.memory_space<hbm>> -> memref<128x128xf32, #tpu.memory_space<hbm>>
      tpu.enqueue_dma source(%arg9 : memref<128x128xf32, #tpu.memory_space<vmem>>) target(%dma_start3A_383 : memref<128x128xf32, #tpu.memory_space<hbm>>) target_semaphore(%run_scoped3A_378 : memref<!tpu.dma_semaphore, #tpu.memory_space<semaphore_mem>>)
      %dma_wait3A = arith.constant 0 : i32
      %dma_wait3A_384 = tpu.memref_slice %arg5[%arg0, %run_scoped3A_44, %add3A_43, %dma_wait3A] : memref<1x3x10240x128xf32, #tpu.memory_space<hbm>> -> memref<1x1x128x128xf32, #tpu.memory_space<hbm>>
      %dma_wait3A_385 = tpu.memref_squeeze %dma_wait3A_384 : memref<1x1x128x128xf32, #tpu.memory_space<hbm>> -> memref<128x128xf32, #tpu.memory_space<hbm>>
      %dma_wait3A_386 = arith.constant 0 : i32
      %dma_wait3A_387 = tpu.memref_slice %arg5[%arg0, %run_scoped3A_44, %add3A_43, %dma_wait3A_386] : memref<1x3x10240x128xf32, #tpu.memory_space<hbm>> -> memref<1x1x128x128xf32, #tpu.memory_space<hbm>>
      %dma_wait3A_388 = tpu.memref_squeeze %dma_wait3A_387 : memref<1x1x128x128xf32, #tpu.memory_space<hbm>> -> memref<128x128xf32, #tpu.memory_space<hbm>>
      tpu.wait_dma2 semaphore(%run_scoped3A_378 : memref<!tpu.dma_semaphore, #tpu.memory_space<semaphore_mem>>) src(%arg9 : memref<128x128xf32, #tpu.memory_space<vmem>>) dst(%dma_wait3A_388 : memref<128x128xf32, #tpu.memory_space<hbm>>)
      tpu.yield
    }) : () -> ()
    %add3A_45 = arith.constant 512 : i32
    %add3A_46 = arith.addi %mul3A_5, %add3A_45 : i32
    "tpu.region"() ({
      %run_scoped3A_378 = tpu.sem_alloc : memref<!tpu.dma_semaphore, #tpu.memory_space<semaphore_mem>>
      %dma_start3A = arith.constant 0 : i32
      %dma_start3A_379 = tpu.memref_slice %arg11[%add3A_46, %dma_start3A] : memref<10240x128xf32, #tpu.memory_space<vmem_shared>> -> memref<128x128xf32, #tpu.memory_space<vmem_shared>>
      %dma_start3A_380 = arith.constant 0 : i32
      %dma_start3A_381 = tpu.memref_slice %arg11[%add3A_46, %dma_start3A_380] : memref<10240x128xf32, #tpu.memory_space<vmem_shared>> -> memref<128x128xf32, #tpu.memory_space<vmem_shared>>
      tpu.enqueue_dma source(%dma_start3A_381 : memref<128x128xf32, #tpu.memory_space<vmem_shared>>) target(%arg9 : memref<128x128xf32, #tpu.memory_space<vmem>>) target_semaphore(%run_scoped3A_378 : memref<!tpu.dma_semaphore, #tpu.memory_space<semaphore_mem>>)
      %dma_wait3A = arith.constant 0 : i32
      %dma_wait3A_382 = tpu.memref_slice %arg11[%add3A_46, %dma_wait3A] : memref<10240x128xf32, #tpu.memory_space<vmem_shared>> -> memref<128x128xf32, #tpu.memory_space<vmem_shared>>
      %dma_wait3A_383 = arith.constant 0 : i32
      %dma_wait3A_384 = tpu.memref_slice %arg11[%add3A_46, %dma_wait3A_383] : memref<10240x128xf32, #tpu.memory_space<vmem_shared>> -> memref<128x128xf32, #tpu.memory_space<vmem_shared>>
      tpu.wait_dma2 semaphore(%run_scoped3A_378 : memref<!tpu.dma_semaphore, #tpu.memory_space<semaphore_mem>>) src(%dma_wait3A_384 : memref<128x128xf32, #tpu.memory_space<vmem_shared>>) dst(%arg9 : memref<128x128xf32, #tpu.memory_space<vmem>>)
      tpu.yield
    }) : () -> ()
    %run_scoped3A_47 = arith.constant 0 : i32
    "tpu.region"() ({
      %run_scoped3A_378 = tpu.sem_alloc : memref<!tpu.dma_semaphore, #tpu.memory_space<semaphore_mem>>
      %dma_start3A = arith.constant 0 : i32
      %dma_start3A_379 = tpu.memref_slice %arg5[%arg0, %run_scoped3A_47, %add3A_46, %dma_start3A] : memref<1x3x10240x128xf32, #tpu.memory_space<hbm>> -> memref<1x1x128x128xf32, #tpu.memory_space<hbm>>
      %dma_start3A_380 = tpu.memref_squeeze %dma_start3A_379 : memref<1x1x128x128xf32, #tpu.memory_space<hbm>> -> memref<128x128xf32, #tpu.memory_space<hbm>>
      %dma_start3A_381 = arith.constant 0 : i32
      %dma_start3A_382 = tpu.memref_slice %arg5[%arg0, %run_scoped3A_47, %add3A_46, %dma_start3A_381] : memref<1x3x10240x128xf32, #tpu.memory_space<hbm>> -> memref<1x1x128x128xf32, #tpu.memory_space<hbm>>
      %dma_start3A_383 = tpu.memref_squeeze %dma_start3A_382 : memref<1x1x128x128xf32, #tpu.memory_space<hbm>> -> memref<128x128xf32, #tpu.memory_space<hbm>>
      tpu.enqueue_dma source(%arg9 : memref<128x128xf32, #tpu.memory_space<vmem>>) target(%dma_start3A_383 : memref<128x128xf32, #tpu.memory_space<hbm>>) target_semaphore(%run_scoped3A_378 : memref<!tpu.dma_semaphore, #tpu.memory_space<semaphore_mem>>)
      %dma_wait3A = arith.constant 0 : i32
      %dma_wait3A_384 = tpu.memref_slice %arg5[%arg0, %run_scoped3A_47, %add3A_46, %dma_wait3A] : memref<1x3x10240x128xf32, #tpu.memory_space<hbm>> -> memref<1x1x128x128xf32, #tpu.memory_space<hbm>>
      %dma_wait3A_385 = tpu.memref_squeeze %dma_wait3A_384 : memref<1x1x128x128xf32, #tpu.memory_space<hbm>> -> memref<128x128xf32, #tpu.memory_space<hbm>>
      %dma_wait3A_386 = arith.constant 0 : i32
      %dma_wait3A_387 = tpu.memref_slice %arg5[%arg0, %run_scoped3A_47, %add3A_46, %dma_wait3A_386] : memref<1x3x10240x128xf32, #tpu.memory_space<hbm>> -> memref<1x1x128x128xf32, #tpu.memory_space<hbm>>
      %dma_wait3A_388 = tpu.memref_squeeze %dma_wait3A_387 : memref<1x1x128x128xf32, #tpu.memory_space<hbm>> -> memref<128x128xf32, #tpu.memory_space<hbm>>
      tpu.wait_dma2 semaphore(%run_scoped3A_378 : memref<!tpu.dma_semaphore, #tpu.memory_space<semaphore_mem>>) src(%arg9 : memref<128x128xf32, #tpu.memory_space<vmem>>) dst(%dma_wait3A_388 : memref<128x128xf32, #tpu.memory_space<hbm>>)
      tpu.yield
    }) : () -> ()
    %barrier3A_48 = arith.constant 0 : index
    tpu.barrier barrier_id(%barrier3A_48)
    %scan3A_49 = arith.constant 0 : i32
    %scan3A_50 = arith.constant 0 : i32
    %scan3A_51 = arith.constant 128 : i32
    %scan3A_52 = arith.addi %scan3A_50, %scan3A_51 : i32
    %scan3A_53 = arith.constant 1 : i32
    scf.for %scan3A_378 = %scan3A_50 to %scan3A_52 step %scan3A_53  : i32 {
      %swap3A = arith.index_cast %scan3A_378 : i32 to index
      %swap3A_379 = arith.constant 0 : index
      %swap3A_380 = tpu.vector_load %arg9[%swap3A, %swap3A_379] {strides = array<i32>} : memref<128x128xf32, #tpu.memory_space<vmem>>, vector<1x16xf32>,
      %swap3A_381 = vector.shape_cast %swap3A_380 : vector<1x16xf32> to vector<16xf32>
      %swap3A_382 = vector.shape_cast %broadcast_in_dim3A_1 : vector<16xf32> to vector<1x16xf32>
      tpu.vector_store %arg9[%swap3A, %swap3A_379], %swap3A_382 {strides = array<i32>} : memref<128x128xf32, #tpu.memory_space<vmem>>, vector<1x16xf32>,
      %swap3A_383 = arith.index_cast %scan3A_378 : i32 to index
      %swap3A_384 = arith.constant 16 : index
      %swap3A_385 = tpu.vector_load %arg9[%swap3A_383, %swap3A_384] {strides = array<i32>} : memref<128x128xf32, #tpu.memory_space<vmem>>, vector<1x16xf32>,
      %swap3A_386 = vector.shape_cast %swap3A_385 : vector<1x16xf32> to vector<16xf32>
      %swap3A_387 = vector.shape_cast %broadcast_in_dim3A_1 : vector<16xf32> to vector<1x16xf32>
      tpu.vector_store %arg9[%swap3A_383, %swap3A_384], %swap3A_387 {strides = array<i32>} : memref<128x128xf32, #tpu.memory_space<vmem>>, vector<1x16xf32>,
      %swap3A_388 = arith.index_cast %scan3A_378 : i32 to index
      %swap3A_389 = arith.constant 32 : index
      %swap3A_390 = tpu.vector_load %arg9[%swap3A_388, %swap3A_389] {strides = array<i32>} : memref<128x128xf32, #tpu.memory_space<vmem>>, vector<1x16xf32>,
      %swap3A_391 = vector.shape_cast %swap3A_390 : vector<1x16xf32> to vector<16xf32>
      %swap3A_392 = vector.shape_cast %broadcast_in_dim3A_1 : vector<16xf32> to vector<1x16xf32>
      tpu.vector_store %arg9[%swap3A_388, %swap3A_389], %swap3A_392 {strides = array<i32>} : memref<128x128xf32, #tpu.memory_space<vmem>>, vector<1x16xf32>,
      %swap3A_393 = arith.index_cast %scan3A_378 : i32 to index
      %swap3A_394 = arith.constant 48 : index
      %swap3A_395 = tpu.vector_load %arg9[%swap3A_393, %swap3A_394] {strides = array<i32>} : memref<128x128xf32, #tpu.memory_space<vmem>>, vector<1x16xf32>,
      %swap3A_396 = vector.shape_cast %swap3A_395 : vector<1x16xf32> to vector<16xf32>
      %swap3A_397 = vector.shape_cast %broadcast_in_dim3A_1 : vector<16xf32> to vector<1x16xf32>
      tpu.vector_store %arg9[%swap3A_393, %swap3A_394], %swap3A_397 {strides = array<i32>} : memref<128x128xf32, #tpu.memory_space<vmem>>, vector<1x16xf32>,
      %swap3A_398 = arith.index_cast %scan3A_378 : i32 to index
      %swap3A_399 = arith.constant 64 : index
      %swap3A_400 = tpu.vector_load %arg9[%swap3A_398, %swap3A_399] {strides = array<i32>} : memref<128x128xf32, #tpu.memory_space<vmem>>, vector<1x16xf32>,
      %swap3A_401 = vector.shape_cast %swap3A_400 : vector<1x16xf32> to vector<16xf32>
      %swap3A_402 = vector.shape_cast %broadcast_in_dim3A_1 : vector<16xf32> to vector<1x16xf32>
      tpu.vector_store %arg9[%swap3A_398, %swap3A_399], %swap3A_402 {strides = array<i32>} : memref<128x128xf32, #tpu.memory_space<vmem>>, vector<1x16xf32>,
      %swap3A_403 = arith.index_cast %scan3A_378 : i32 to index
      %swap3A_404 = arith.constant 80 : index
      %swap3A_405 = tpu.vector_load %arg9[%swap3A_403, %swap3A_404] {strides = array<i32>} : memref<128x128xf32, #tpu.memory_space<vmem>>, vector<1x16xf32>,
      %swap3A_406 = vector.shape_cast %swap3A_405 : vector<1x16xf32> to vector<16xf32>
      %swap3A_407 = vector.shape_cast %broadcast_in_dim3A_1 : vector<16xf32> to vector<1x16xf32>
      tpu.vector_store %arg9[%swap3A_403, %swap3A_404], %swap3A_407 {strides = array<i32>} : memref<128x128xf32, #tpu.memory_space<vmem>>, vector<1x16xf32>,
      %swap3A_408 = arith.index_cast %scan3A_378 : i32 to index
      %swap3A_409 = arith.constant 96 : index
      %swap3A_410 = tpu.vector_load %arg9[%swap3A_408, %swap3A_409] {strides = array<i32>} : memref<128x128xf32, #tpu.memory_space<vmem>>, vector<1x16xf32>,
      %swap3A_411 = vector.shape_cast %swap3A_410 : vector<1x16xf32> to vector<16xf32>
      %swap3A_412 = vector.shape_cast %broadcast_in_dim3A_1 : vector<16xf32> to vector<1x16xf32>
      tpu.vector_store %arg9[%swap3A_408, %swap3A_409], %swap3A_412 {strides = array<i32>} : memref<128x128xf32, #tpu.memory_space<vmem>>, vector<1x16xf32>,
      %swap3A_413 = arith.index_cast %scan3A_378 : i32 to index
      %swap3A_414 = arith.constant 112 : index
      %swap3A_415 = tpu.vector_load %arg9[%swap3A_413, %swap3A_414] {strides = array<i32>} : memref<128x128xf32, #tpu.memory_space<vmem>>, vector<1x16xf32>,
      %swap3A_416 = vector.shape_cast %swap3A_415 : vector<1x16xf32> to vector<16xf32>
      %swap3A_417 = vector.shape_cast %broadcast_in_dim3A_1 : vector<16xf32> to vector<1x16xf32>
      tpu.vector_store %arg9[%swap3A_413, %swap3A_414], %swap3A_417 {strides = array<i32>} : memref<128x128xf32, #tpu.memory_space<vmem>>, vector<1x16xf32>,
    }
    %scan3A_54 = arith.constant 128 : i32
    %add3A_55 = arith.constant 0 : i32
    %add3A_56 = arith.addi %mul3A_5, %add3A_55 : i32
    "tpu.region"() ({
      %run_scoped3A_378 = tpu.sem_alloc : memref<!tpu.dma_semaphore, #tpu.memory_space<semaphore_mem>>
      %dma_start3A = arith.constant 0 : i32
      %dma_start3A_379 = tpu.memref_slice %arg11[%add3A_56, %dma_start3A] : memref<10240x128xf32, #tpu.memory_space<vmem_shared>> -> memref<128x128xf32, #tpu.memory_space<vmem_shared>>
      %dma_start3A_380 = arith.constant 0 : i32
      %dma_start3A_381 = tpu.memref_slice %arg11[%add3A_56, %dma_start3A_380] : memref<10240x128xf32, #tpu.memory_space<vmem_shared>> -> memref<128x128xf32, #tpu.memory_space<vmem_shared>>
      tpu.enqueue_dma source(%arg9 : memref<128x128xf32, #tpu.memory_space<vmem>>) target(%dma_start3A_381 : memref<128x128xf32, #tpu.memory_space<vmem_shared>>) target_semaphore(%run_scoped3A_378 : memref<!tpu.dma_semaphore, #tpu.memory_space<semaphore_mem>>)
      %dma_wait3A = arith.constant 0 : i32
      %dma_wait3A_382 = tpu.memref_slice %arg11[%add3A_56, %dma_wait3A] : memref<10240x128xf32, #tpu.memory_space<vmem_shared>> -> memref<128x128xf32, #tpu.memory_space<vmem_shared>>
      %dma_wait3A_383 = arith.constant 0 : i32
      %dma_wait3A_384 = tpu.memref_slice %arg11[%add3A_56, %dma_wait3A_383] : memref<10240x128xf32, #tpu.memory_space<vmem_shared>> -> memref<128x128xf32, #tpu.memory_space<vmem_shared>>
      tpu.wait_dma2 semaphore(%run_scoped3A_378 : memref<!tpu.dma_semaphore, #tpu.memory_space<semaphore_mem>>) src(%arg9 : memref<128x128xf32, #tpu.memory_space<vmem>>) dst(%dma_wait3A_384 : memref<128x128xf32, #tpu.memory_space<vmem_shared>>)
      tpu.yield
    }) : () -> ()
    %add3A_57 = arith.constant 128 : i32
    %add3A_58 = arith.addi %mul3A_5, %add3A_57 : i32
    "tpu.region"() ({
      %run_scoped3A_378 = tpu.sem_alloc : memref<!tpu.dma_semaphore, #tpu.memory_space<semaphore_mem>>
      %dma_start3A = arith.constant 0 : i32
      %dma_start3A_379 = tpu.memref_slice %arg11[%add3A_58, %dma_start3A] : memref<10240x128xf32, #tpu.memory_space<vmem_shared>> -> memref<128x128xf32, #tpu.memory_space<vmem_shared>>
      %dma_start3A_380 = arith.constant 0 : i32
      %dma_start3A_381 = tpu.memref_slice %arg11[%add3A_58, %dma_start3A_380] : memref<10240x128xf32, #tpu.memory_space<vmem_shared>> -> memref<128x128xf32, #tpu.memory_space<vmem_shared>>
      tpu.enqueue_dma source(%arg9 : memref<128x128xf32, #tpu.memory_space<vmem>>) target(%dma_start3A_381 : memref<128x128xf32, #tpu.memory_space<vmem_shared>>) target_semaphore(%run_scoped3A_378 : memref<!tpu.dma_semaphore, #tpu.memory_space<semaphore_mem>>)
      %dma_wait3A = arith.constant 0 : i32
      %dma_wait3A_382 = tpu.memref_slice %arg11[%add3A_58, %dma_wait3A] : memref<10240x128xf32, #tpu.memory_space<vmem_shared>> -> memref<128x128xf32, #tpu.memory_space<vmem_shared>>
      %dma_wait3A_383 = arith.constant 0 : i32
      %dma_wait3A_384 = tpu.memref_slice %arg11[%add3A_58, %dma_wait3A_383] : memref<10240x128xf32, #tpu.memory_space<vmem_shared>> -> memref<128x128xf32, #tpu.memory_space<vmem_shared>>
      tpu.wait_dma2 semaphore(%run_scoped3A_378 : memref<!tpu.dma_semaphore, #tpu.memory_space<semaphore_mem>>) src(%arg9 : memref<128x128xf32, #tpu.memory_space<vmem>>) dst(%dma_wait3A_384 : memref<128x128xf32, #tpu.memory_space<vmem_shared>>)
      tpu.yield
    }) : () -> ()
    %add3A_59 = arith.constant 256 : i32
    %add3A_60 = arith.addi %mul3A_5, %add3A_59 : i32
    "tpu.region"() ({
      %run_scoped3A_378 = tpu.sem_alloc : memref<!tpu.dma_semaphore, #tpu.memory_space<semaphore_mem>>
      %dma_start3A = arith.constant 0 : i32
      %dma_start3A_379 = tpu.memref_slice %arg11[%add3A_60, %dma_start3A] : memref<10240x128xf32, #tpu.memory_space<vmem_shared>> -> memref<128x128xf32, #tpu.memory_space<vmem_shared>>
      %dma_start3A_380 = arith.constant 0 : i32
      %dma_start3A_381 = tpu.memref_slice %arg11[%add3A_60, %dma_start3A_380] : memref<10240x128xf32, #tpu.memory_space<vmem_shared>> -> memref<128x128xf32, #tpu.memory_space<vmem_shared>>
      tpu.enqueue_dma source(%arg9 : memref<128x128xf32, #tpu.memory_space<vmem>>) target(%dma_start3A_381 : memref<128x128xf32, #tpu.memory_space<vmem_shared>>) target_semaphore(%run_scoped3A_378 : memref<!tpu.dma_semaphore, #tpu.memory_space<semaphore_mem>>)
      %dma_wait3A = arith.constant 0 : i32
      %dma_wait3A_382 = tpu.memref_slice %arg11[%add3A_60, %dma_wait3A] : memref<10240x128xf32, #tpu.memory_space<vmem_shared>> -> memref<128x128xf32, #tpu.memory_space<vmem_shared>>
      %dma_wait3A_383 = arith.constant 0 : i32
      %dma_wait3A_384 = tpu.memref_slice %arg11[%add3A_60, %dma_wait3A_383] : memref<10240x128xf32, #tpu.memory_space<vmem_shared>> -> memref<128x128xf32, #tpu.memory_space<vmem_shared>>
      tpu.wait_dma2 semaphore(%run_scoped3A_378 : memref<!tpu.dma_semaphore, #tpu.memory_space<semaphore_mem>>) src(%arg9 : memref<128x128xf32, #tpu.memory_space<vmem>>) dst(%dma_wait3A_384 : memref<128x128xf32, #tpu.memory_space<vmem_shared>>)
      tpu.yield
    }) : () -> ()
    %add3A_61 = arith.constant 384 : i32
    %add3A_62 = arith.addi %mul3A_5, %add3A_61 : i32
    "tpu.region"() ({
      %run_scoped3A_378 = tpu.sem_alloc : memref<!tpu.dma_semaphore, #tpu.memory_space<semaphore_mem>>
      %dma_start3A = arith.constant 0 : i32
      %dma_start3A_379 = tpu.memref_slice %arg11[%add3A_62, %dma_start3A] : memref<10240x128xf32, #tpu.memory_space<vmem_shared>> -> memref<128x128xf32, #tpu.memory_space<vmem_shared>>
      %dma_start3A_380 = arith.constant 0 : i32
      %dma_start3A_381 = tpu.memref_slice %arg11[%add3A_62, %dma_start3A_380] : memref<10240x128xf32, #tpu.memory_space<vmem_shared>> -> memref<128x128xf32, #tpu.memory_space<vmem_shared>>
      tpu.enqueue_dma source(%arg9 : memref<128x128xf32, #tpu.memory_space<vmem>>) target(%dma_start3A_381 : memref<128x128xf32, #tpu.memory_space<vmem_shared>>) target_semaphore(%run_scoped3A_378 : memref<!tpu.dma_semaphore, #tpu.memory_space<semaphore_mem>>)
      %dma_wait3A = arith.constant 0 : i32
      %dma_wait3A_382 = tpu.memref_slice %arg11[%add3A_62, %dma_wait3A] : memref<10240x128xf32, #tpu.memory_space<vmem_shared>> -> memref<128x128xf32, #tpu.memory_space<vmem_shared>>
      %dma_wait3A_383 = arith.constant 0 : i32
      %dma_wait3A_384 = tpu.memref_slice %arg11[%add3A_62, %dma_wait3A_383] : memref<10240x128xf32, #tpu.memory_space<vmem_shared>> -> memref<128x128xf32, #tpu.memory_space<vmem_shared>>
      tpu.wait_dma2 semaphore(%run_scoped3A_378 : memref<!tpu.dma_semaphore, #tpu.memory_space<semaphore_mem>>) src(%arg9 : memref<128x128xf32, #tpu.memory_space<vmem>>) dst(%dma_wait3A_384 : memref<128x128xf32, #tpu.memory_space<vmem_shared>>)
      tpu.yield
    }) : () -> ()
    %add3A_63 = arith.constant 512 : i32
    %add3A_64 = arith.addi %mul3A_5, %add3A_63 : i32
    "tpu.region"() ({
      %run_scoped3A_378 = tpu.sem_alloc : memref<!tpu.dma_semaphore, #tpu.memory_space<semaphore_mem>>
      %dma_start3A = arith.constant 0 : i32
      %dma_start3A_379 = tpu.memref_slice %arg11[%add3A_64, %dma_start3A] : memref<10240x128xf32, #tpu.memory_space<vmem_shared>> -> memref<128x128xf32, #tpu.memory_space<vmem_shared>>
      %dma_start3A_380 = arith.constant 0 : i32
      %dma_start3A_381 = tpu.memref_slice %arg11[%add3A_64, %dma_start3A_380] : memref<10240x128xf32, #tpu.memory_space<vmem_shared>> -> memref<128x128xf32, #tpu.memory_space<vmem_shared>>
      tpu.enqueue_dma source(%arg9 : memref<128x128xf32, #tpu.memory_space<vmem>>) target(%dma_start3A_381 : memref<128x128xf32, #tpu.memory_space<vmem_shared>>) target_semaphore(%run_scoped3A_378 : memref<!tpu.dma_semaphore, #tpu.memory_space<semaphore_mem>>)
      %dma_wait3A = arith.constant 0 : i32
      %dma_wait3A_382 = tpu.memref_slice %arg11[%add3A_64, %dma_wait3A] : memref<10240x128xf32, #tpu.memory_space<vmem_shared>> -> memref<128x128xf32, #tpu.memory_space<vmem_shared>>
      %dma_wait3A_383 = arith.constant 0 : i32
      %dma_wait3A_384 = tpu.memref_slice %arg11[%add3A_64, %dma_wait3A_383] : memref<10240x128xf32, #tpu.memory_space<vmem_shared>> -> memref<128x128xf32, #tpu.memory_space<vmem_shared>>
      tpu.wait_dma2 semaphore(%run_scoped3A_378 : memref<!tpu.dma_semaphore, #tpu.memory_space<semaphore_mem>>) src(%arg9 : memref<128x128xf32, #tpu.memory_space<vmem>>) dst(%dma_wait3A_384 : memref<128x128xf32, #tpu.memory_space<vmem_shared>>)
      tpu.yield
    }) : () -> ()
    %barrier3A_65 = arith.constant 0 : index
    tpu.barrier barrier_id(%barrier3A_65)
    %mul3A_66 = arith.constant 56 : i32
    %mul3A_67 = arith.muli %add3A, %mul3A_66 : i32
    %run_scoped3A_68 = arith.constant 1 : i32
    "tpu.region"() ({
      %run_scoped3A_378 = tpu.sem_alloc : memref<!tpu.dma_semaphore, #tpu.memory_space<semaphore_mem>>
      %dma_start3A = arith.constant 0 : i32
      %dma_start3A_379 = tpu.memref_slice %arg3[%run_scoped3A_68, %mul3A_67, %dma_start3A] : memref<3x896x128xi32, #tpu.memory_space<hbm>> -> memref<1x56x128xi32, #tpu.memory_space<hbm>>
      %dma_start3A_380 = tpu.memref_squeeze %dma_start3A_379 : memref<1x56x128xi32, #tpu.memory_space<hbm>> -> memref<56x128xi32, #tpu.memory_space<hbm>>
      %dma_start3A_381 = arith.constant 0 : i32
      %dma_start3A_382 = tpu.memref_slice %arg3[%run_scoped3A_68, %mul3A_67, %dma_start3A_381] : memref<3x896x128xi32, #tpu.memory_space<hbm>> -> memref<1x56x128xi32, #tpu.memory_space<hbm>>
      %dma_start3A_383 = tpu.memref_squeeze %dma_start3A_382 : memref<1x56x128xi32, #tpu.memory_space<hbm>> -> memref<56x128xi32, #tpu.memory_space<hbm>>
      tpu.enqueue_dma source(%dma_start3A_383 : memref<56x128xi32, #tpu.memory_space<hbm>>) target(%arg7 : memref<56x128xi32, #tpu.memory_space<vmem>>) target_semaphore(%run_scoped3A_378 : memref<!tpu.dma_semaphore, #tpu.memory_space<semaphore_mem>>)
      %dma_wait3A = arith.constant 0 : i32
      %dma_wait3A_384 = tpu.memref_slice %arg3[%run_scoped3A_68, %mul3A_67, %dma_wait3A] : memref<3x896x128xi32, #tpu.memory_space<hbm>> -> memref<1x56x128xi32, #tpu.memory_space<hbm>>
      %dma_wait3A_385 = tpu.memref_squeeze %dma_wait3A_384 : memref<1x56x128xi32, #tpu.memory_space<hbm>> -> memref<56x128xi32, #tpu.memory_space<hbm>>
      %dma_wait3A_386 = arith.constant 0 : i32
      %dma_wait3A_387 = tpu.memref_slice %arg3[%run_scoped3A_68, %mul3A_67, %dma_wait3A_386] : memref<3x896x128xi32, #tpu.memory_space<hbm>> -> memref<1x56x128xi32, #tpu.memory_space<hbm>>
      %dma_wait3A_388 = tpu.memref_squeeze %dma_wait3A_387 : memref<1x56x128xi32, #tpu.memory_space<hbm>> -> memref<56x128xi32, #tpu.memory_space<hbm>>
      tpu.wait_dma2 semaphore(%run_scoped3A_378 : memref<!tpu.dma_semaphore, #tpu.memory_space<semaphore_mem>>) src(%dma_wait3A_388 : memref<56x128xi32, #tpu.memory_space<hbm>>) dst(%arg7 : memref<56x128xi32, #tpu.memory_space<vmem>>)
      tpu.yield
    }) : () -> ()
    %mul3A_69 = arith.constant 56 : i32
    %mul3A_70 = arith.muli %add3A, %mul3A_69 : i32
    %run_scoped3A_71 = arith.constant 1 : i32
    "tpu.region"() ({
      %run_scoped3A_378 = tpu.sem_alloc : memref<!tpu.dma_semaphore, #tpu.memory_space<semaphore_mem>>
      %dma_start3A = arith.constant 0 : i32
      %dma_start3A_379 = tpu.memref_slice %arg4[%run_scoped3A_71, %mul3A_70, %dma_start3A] : memref<3x896x128xi32, #tpu.memory_space<hbm>> -> memref<1x56x128xi32, #tpu.memory_space<hbm>>
      %dma_start3A_380 = tpu.memref_squeeze %dma_start3A_379 : memref<1x56x128xi32, #tpu.memory_space<hbm>> -> memref<56x128xi32, #tpu.memory_space<hbm>>
      %dma_start3A_381 = arith.constant 0 : i32
      %dma_start3A_382 = tpu.memref_slice %arg4[%run_scoped3A_71, %mul3A_70, %dma_start3A_381] : memref<3x896x128xi32, #tpu.memory_space<hbm>> -> memref<1x56x128xi32, #tpu.memory_space<hbm>>
      %dma_start3A_383 = tpu.memref_squeeze %dma_start3A_382 : memref<1x56x128xi32, #tpu.memory_space<hbm>> -> memref<56x128xi32, #tpu.memory_space<hbm>>
      tpu.enqueue_dma source(%dma_start3A_383 : memref<56x128xi32, #tpu.memory_space<hbm>>) target(%arg8 : memref<56x128xi32, #tpu.memory_space<vmem>>) target_semaphore(%run_scoped3A_378 : memref<!tpu.dma_semaphore, #tpu.memory_space<semaphore_mem>>)
      %dma_wait3A = arith.constant 0 : i32
      %dma_wait3A_384 = tpu.memref_slice %arg4[%run_scoped3A_71, %mul3A_70, %dma_wait3A] : memref<3x896x128xi32, #tpu.memory_space<hbm>> -> memref<1x56x128xi32, #tpu.memory_space<hbm>>
      %dma_wait3A_385 = tpu.memref_squeeze %dma_wait3A_384 : memref<1x56x128xi32, #tpu.memory_space<hbm>> -> memref<56x128xi32, #tpu.memory_space<hbm>>
      %dma_wait3A_386 = arith.constant 0 : i32
      %dma_wait3A_387 = tpu.memref_slice %arg4[%run_scoped3A_71, %mul3A_70, %dma_wait3A_386] : memref<3x896x128xi32, #tpu.memory_space<hbm>> -> memref<1x56x128xi32, #tpu.memory_space<hbm>>
      %dma_wait3A_388 = tpu.memref_squeeze %dma_wait3A_387 : memref<1x56x128xi32, #tpu.memory_space<hbm>> -> memref<56x128xi32, #tpu.memory_space<hbm>>
      tpu.wait_dma2 semaphore(%run_scoped3A_378 : memref<!tpu.dma_semaphore, #tpu.memory_space<semaphore_mem>>) src(%dma_wait3A_388 : memref<56x128xi32, #tpu.memory_space<hbm>>) dst(%arg8 : memref<56x128xi32, #tpu.memory_space<vmem>>)
      tpu.yield
    }) : () -> ()
    %scan3A_72 = arith.constant 0 : i32
    %scan3A_73 = arith.constant 0 : i32
    %scan3A_74 = arith.constant 53 : i32
    %scan3A_75 = arith.addi %scan3A_73, %scan3A_74 : i32
    %scan3A_76 = arith.constant 1 : i32
    scf.for %scan3A_378 = %scan3A_73 to %scan3A_75 step %scan3A_76  : i32 {
      %dma_start3A = arith.constant 0 : i32
      %dma_start3A_379 = tpu.memref_slice %arg7[%scan3A_378, %dma_start3A] : memref<56x128xi32, #tpu.memory_space<vmem>> -> memref<1x128xi32, #tpu.memory_space<vmem>>
      %dma_start3A_380 = tpu.memref_squeeze %dma_start3A_379 : memref<1x128xi32, #tpu.memory_space<vmem>> -> memref<128xi32, #tpu.memory_space<vmem>>
      %dma_start3A_381 = arith.constant 0 : i32
      %dma_start3A_382 = arith.constant 0 : i32
      %dma_start3A_383 = tpu.memref_slice %arg2[%dma_start3A_381, %dma_start3A_382] : memref<10000x128xf32, #tpu.memory_space<hbm>> -> memref<10000x128xf32, #tpu.memory_space<hbm>>
      tpu.enqueue_indirect_dma source(%dma_start3A_383 : memref<10000x128xf32, #tpu.memory_space<hbm>>) target(%arg9 : memref<128x128xf32, #tpu.memory_space<vmem>>) offsets(%dma_start3A_380 : memref<128xi32, #tpu.memory_space<vmem>>) semaphore(%arg12 : memref<!tpu.dma_semaphore, #tpu.memory_space<semaphore_mem>>)
      %dma_wait3A = arith.constant 0 : i32
      %dma_wait3A_384 = tpu.memref_slice %arg7[%scan3A_378, %dma_wait3A] : memref<56x128xi32, #tpu.memory_space<vmem>> -> memref<1x128xi32, #tpu.memory_space<vmem>>
      %dma_wait3A_385 = tpu.memref_squeeze %dma_wait3A_384 : memref<1x128xi32, #tpu.memory_space<vmem>> -> memref<128xi32, #tpu.memory_space<vmem>>
      %dma_wait3A_386 = arith.constant 0 : i32
      %dma_wait3A_387 = arith.constant 0 : i32
      %dma_wait3A_388 = tpu.memref_slice %arg2[%dma_wait3A_386, %dma_wait3A_387] : memref<10000x128xf32, #tpu.memory_space<hbm>> -> memref<10000x128xf32, #tpu.memory_space<hbm>>
      tpu.wait_indirect_dma semaphore(%arg12 : memref<!tpu.dma_semaphore, #tpu.memory_space<semaphore_mem>>) src(%dma_wait3A_388 : memref<10000x128xf32, #tpu.memory_space<hbm>>) dst(%arg9 : memref<128x128xf32, #tpu.memory_space<vmem>>)
      %dma_start3A_389 = arith.constant 0 : i32
      %dma_start3A_390 = tpu.memref_slice %arg8[%scan3A_378, %dma_start3A_389] : memref<56x128xi32, #tpu.memory_space<vmem>> -> memref<1x128xi32, #tpu.memory_space<vmem>>
      %dma_start3A_391 = tpu.memref_squeeze %dma_start3A_390 : memref<1x128xi32, #tpu.memory_space<vmem>> -> memref<128xi32, #tpu.memory_space<vmem>>
      %dma_start3A_392 = arith.constant 0 : i32
      %dma_start3A_393 = arith.constant 0 : i32
      %dma_start3A_394 = tpu.memref_slice %arg11[%dma_start3A_392, %dma_start3A_393] : memref<10240x128xf32, #tpu.memory_space<vmem_shared>> -> memref<10240x128xf32, #tpu.memory_space<vmem_shared>>
      tpu.enqueue_indirect_dma source(%arg9 : memref<128x128xf32, #tpu.memory_space<vmem>>) target(%dma_start3A_394 : memref<10240x128xf32, #tpu.memory_space<vmem_shared>>) offsets(%dma_start3A_391 : memref<128xi32, #tpu.memory_space<vmem>>) semaphore(%arg13 : memref<!tpu.dma_semaphore, #tpu.memory_space<semaphore_mem>>) {add = true}
      %dma_wait3A_395 = arith.constant 0 : i32
      %dma_wait3A_396 = tpu.memref_slice %arg8[%scan3A_378, %dma_wait3A_395] : memref<56x128xi32, #tpu.memory_space<vmem>> -> memref<1x128xi32, #tpu.memory_space<vmem>>
      %dma_wait3A_397 = tpu.memref_squeeze %dma_wait3A_396 : memref<1x128xi32, #tpu.memory_space<vmem>> -> memref<128xi32, #tpu.memory_space<vmem>>
      %dma_wait3A_398 = arith.constant 0 : i32
      %dma_wait3A_399 = arith.constant 0 : i32
      %dma_wait3A_400 = tpu.memref_slice %arg11[%dma_wait3A_398, %dma_wait3A_399] : memref<10240x128xf32, #tpu.memory_space<vmem_shared>> -> memref<10240x128xf32, #tpu.memory_space<vmem_shared>>
      tpu.wait_indirect_dma semaphore(%arg13 : memref<!tpu.dma_semaphore, #tpu.memory_space<semaphore_mem>>) src(%arg9 : memref<128x128xf32, #tpu.memory_space<vmem>>) dst(%dma_wait3A_400 : memref<10240x128xf32, #tpu.memory_space<vmem_shared>>)
    }
    %scan3A_77 = arith.constant 53 : i32
    %barrier3A_78 = arith.constant 0 : index
    tpu.barrier barrier_id(%barrier3A_78)
    %add3A_79 = arith.constant 0 : i32
    %add3A_80 = arith.addi %mul3A_5, %add3A_79 : i32
    "tpu.region"() ({
      %run_scoped3A_378 = tpu.sem_alloc : memref<!tpu.dma_semaphore, #tpu.memory_space<semaphore_mem>>
      %dma_start3A = arith.constant 0 : i32
      %dma_start3A_379 = tpu.memref_slice %arg11[%add3A_80, %dma_start3A] : memref<10240x128xf32, #tpu.memory_space<vmem_shared>> -> memref<128x128xf32, #tpu.memory_space<vmem_shared>>
      %dma_start3A_380 = arith.constant 0 : i32
      %dma_start3A_381 = tpu.memref_slice %arg11[%add3A_80, %dma_start3A_380] : memref<10240x128xf32, #tpu.memory_space<vmem_shared>> -> memref<128x128xf32, #tpu.memory_space<vmem_shared>>
      tpu.enqueue_dma source(%dma_start3A_381 : memref<128x128xf32, #tpu.memory_space<vmem_shared>>) target(%arg9 : memref<128x128xf32, #tpu.memory_space<vmem>>) target_semaphore(%run_scoped3A_378 : memref<!tpu.dma_semaphore, #tpu.memory_space<semaphore_mem>>)
      %dma_wait3A = arith.constant 0 : i32
      %dma_wait3A_382 = tpu.memref_slice %arg11[%add3A_80, %dma_wait3A] : memref<10240x128xf32, #tpu.memory_space<vmem_shared>> -> memref<128x128xf32, #tpu.memory_space<vmem_shared>>
      %dma_wait3A_383 = arith.constant 0 : i32
      %dma_wait3A_384 = tpu.memref_slice %arg11[%add3A_80, %dma_wait3A_383] : memref<10240x128xf32, #tpu.memory_space<vmem_shared>> -> memref<128x128xf32, #tpu.memory_space<vmem_shared>>
      tpu.wait_dma2 semaphore(%run_scoped3A_378 : memref<!tpu.dma_semaphore, #tpu.memory_space<semaphore_mem>>) src(%dma_wait3A_384 : memref<128x128xf32, #tpu.memory_space<vmem_shared>>) dst(%arg9 : memref<128x128xf32, #tpu.memory_space<vmem>>)
      tpu.yield
    }) : () -> ()
    %run_scoped3A_81 = arith.constant 1 : i32
    "tpu.region"() ({
      %run_scoped3A_378 = tpu.sem_alloc : memref<!tpu.dma_semaphore, #tpu.memory_space<semaphore_mem>>
      %dma_start3A = arith.constant 0 : i32
      %dma_start3A_379 = tpu.memref_slice %arg5[%arg0, %run_scoped3A_81, %add3A_80, %dma_start3A] : memref<1x3x10240x128xf32, #tpu.memory_space<hbm>> -> memref<1x1x128x128xf32, #tpu.memory_space<hbm>>
      %dma_start3A_380 = tpu.memref_squeeze %dma_start3A_379 : memref<1x1x128x128xf32, #tpu.memory_space<hbm>> -> memref<128x128xf32, #tpu.memory_space<hbm>>
      %dma_start3A_381 = arith.constant 0 : i32
      %dma_start3A_382 = tpu.memref_slice %arg5[%arg0, %run_scoped3A_81, %add3A_80, %dma_start3A_381] : memref<1x3x10240x128xf32, #tpu.memory_space<hbm>> -> memref<1x1x128x128xf32, #tpu.memory_space<hbm>>
      %dma_start3A_383 = tpu.memref_squeeze %dma_start3A_382 : memref<1x1x128x128xf32, #tpu.memory_space<hbm>> -> memref<128x128xf32, #tpu.memory_space<hbm>>
      tpu.enqueue_dma source(%arg9 : memref<128x128xf32, #tpu.memory_space<vmem>>) target(%dma_start3A_383 : memref<128x128xf32, #tpu.memory_space<hbm>>) target_semaphore(%run_scoped3A_378 : memref<!tpu.dma_semaphore, #tpu.memory_space<semaphore_mem>>)
      %dma_wait3A = arith.constant 0 : i32
      %dma_wait3A_384 = tpu.memref_slice %arg5[%arg0, %run_scoped3A_81, %add3A_80, %dma_wait3A] : memref<1x3x10240x128xf32, #tpu.memory_space<hbm>> -> memref<1x1x128x128xf32, #tpu.memory_space<hbm>>
      %dma_wait3A_385 = tpu.memref_squeeze %dma_wait3A_384 : memref<1x1x128x128xf32, #tpu.memory_space<hbm>> -> memref<128x128xf32, #tpu.memory_space<hbm>>
      %dma_wait3A_386 = arith.constant 0 : i32
      %dma_wait3A_387 = tpu.memref_slice %arg5[%arg0, %run_scoped3A_81, %add3A_80, %dma_wait3A_386] : memref<1x3x10240x128xf32, #tpu.memory_space<hbm>> -> memref<1x1x128x128xf32, #tpu.memory_space<hbm>>
      %dma_wait3A_388 = tpu.memref_squeeze %dma_wait3A_387 : memref<1x1x128x128xf32, #tpu.memory_space<hbm>> -> memref<128x128xf32, #tpu.memory_space<hbm>>
      tpu.wait_dma2 semaphore(%run_scoped3A_378 : memref<!tpu.dma_semaphore, #tpu.memory_space<semaphore_mem>>) src(%arg9 : memref<128x128xf32, #tpu.memory_space<vmem>>) dst(%dma_wait3A_388 : memref<128x128xf32, #tpu.memory_space<hbm>>)
      tpu.yield
    }) : () -> ()
    %add3A_82 = arith.constant 128 : i32
    %add3A_83 = arith.addi %mul3A_5, %add3A_82 : i32
    "tpu.region"() ({
      %run_scoped3A_378 = tpu.sem_alloc : memref<!tpu.dma_semaphore, #tpu.memory_space<semaphore_mem>>
      %dma_start3A = arith.constant 0 : i32
      %dma_start3A_379 = tpu.memref_slice %arg11[%add3A_83, %dma_start3A] : memref<10240x128xf32, #tpu.memory_space<vmem_shared>> -> memref<128x128xf32, #tpu.memory_space<vmem_shared>>
      %dma_start3A_380 = arith.constant 0 : i32
      %dma_start3A_381 = tpu.memref_slice %arg11[%add3A_83, %dma_start3A_380] : memref<10240x128xf32, #tpu.memory_space<vmem_shared>> -> memref<128x128xf32, #tpu.memory_space<vmem_shared>>
      tpu.enqueue_dma source(%dma_start3A_381 : memref<128x128xf32, #tpu.memory_space<vmem_shared>>) target(%arg9 : memref<128x128xf32, #tpu.memory_space<vmem>>) target_semaphore(%run_scoped3A_378 : memref<!tpu.dma_semaphore, #tpu.memory_space<semaphore_mem>>)
      %dma_wait3A = arith.constant 0 : i32
      %dma_wait3A_382 = tpu.memref_slice %arg11[%add3A_83, %dma_wait3A] : memref<10240x128xf32, #tpu.memory_space<vmem_shared>> -> memref<128x128xf32, #tpu.memory_space<vmem_shared>>
      %dma_wait3A_383 = arith.constant 0 : i32
      %dma_wait3A_384 = tpu.memref_slice %arg11[%add3A_83, %dma_wait3A_383] : memref<10240x128xf32, #tpu.memory_space<vmem_shared>> -> memref<128x128xf32, #tpu.memory_space<vmem_shared>>
      tpu.wait_dma2 semaphore(%run_scoped3A_378 : memref<!tpu.dma_semaphore, #tpu.memory_space<semaphore_mem>>) src(%dma_wait3A_384 : memref<128x128xf32, #tpu.memory_space<vmem_shared>>) dst(%arg9 : memref<128x128xf32, #tpu.memory_space<vmem>>)
      tpu.yield
    }) : () -> ()
    %run_scoped3A_84 = arith.constant 1 : i32
    "tpu.region"() ({
      %run_scoped3A_378 = tpu.sem_alloc : memref<!tpu.dma_semaphore, #tpu.memory_space<semaphore_mem>>
      %dma_start3A = arith.constant 0 : i32
      %dma_start3A_379 = tpu.memref_slice %arg5[%arg0, %run_scoped3A_84, %add3A_83, %dma_start3A] : memref<1x3x10240x128xf32, #tpu.memory_space<hbm>> -> memref<1x1x128x128xf32, #tpu.memory_space<hbm>>
      %dma_start3A_380 = tpu.memref_squeeze %dma_start3A_379 : memref<1x1x128x128xf32, #tpu.memory_space<hbm>> -> memref<128x128xf32, #tpu.memory_space<hbm>>
      %dma_start3A_381 = arith.constant 0 : i32
      %dma_start3A_382 = tpu.memref_slice %arg5[%arg0, %run_scoped3A_84, %add3A_83, %dma_start3A_381] : memref<1x3x10240x128xf32, #tpu.memory_space<hbm>> -> memref<1x1x128x128xf32, #tpu.memory_space<hbm>>
      %dma_start3A_383 = tpu.memref_squeeze %dma_start3A_382 : memref<1x1x128x128xf32, #tpu.memory_space<hbm>> -> memref<128x128xf32, #tpu.memory_space<hbm>>
      tpu.enqueue_dma source(%arg9 : memref<128x128xf32, #tpu.memory_space<vmem>>) target(%dma_start3A_383 : memref<128x128xf32, #tpu.memory_space<hbm>>) target_semaphore(%run_scoped3A_378 : memref<!tpu.dma_semaphore, #tpu.memory_space<semaphore_mem>>)
      %dma_wait3A = arith.constant 0 : i32
      %dma_wait3A_384 = tpu.memref_slice %arg5[%arg0, %run_scoped3A_84, %add3A_83, %dma_wait3A] : memref<1x3x10240x128xf32, #tpu.memory_space<hbm>> -> memref<1x1x128x128xf32, #tpu.memory_space<hbm>>
      %dma_wait3A_385 = tpu.memref_squeeze %dma_wait3A_384 : memref<1x1x128x128xf32, #tpu.memory_space<hbm>> -> memref<128x128xf32, #tpu.memory_space<hbm>>
      %dma_wait3A_386 = arith.constant 0 : i32
      %dma_wait3A_387 = tpu.memref_slice %arg5[%arg0, %run_scoped3A_84, %add3A_83, %dma_wait3A_386] : memref<1x3x10240x128xf32, #tpu.memory_space<hbm>> -> memref<1x1x128x128xf32, #tpu.memory_space<hbm>>
      %dma_wait3A_388 = tpu.memref_squeeze %dma_wait3A_387 : memref<1x1x128x128xf32, #tpu.memory_space<hbm>> -> memref<128x128xf32, #tpu.memory_space<hbm>>
      tpu.wait_dma2 semaphore(%run_scoped3A_378 : memref<!tpu.dma_semaphore, #tpu.memory_space<semaphore_mem>>) src(%arg9 : memref<128x128xf32, #tpu.memory_space<vmem>>) dst(%dma_wait3A_388 : memref<128x128xf32, #tpu.memory_space<hbm>>)
      tpu.yield
    }) : () -> ()
    %add3A_85 = arith.constant 256 : i32
    %add3A_86 = arith.addi %mul3A_5, %add3A_85 : i32
    "tpu.region"() ({
      %run_scoped3A_378 = tpu.sem_alloc : memref<!tpu.dma_semaphore, #tpu.memory_space<semaphore_mem>>
      %dma_start3A = arith.constant 0 : i32
      %dma_start3A_379 = tpu.memref_slice %arg11[%add3A_86, %dma_start3A] : memref<10240x128xf32, #tpu.memory_space<vmem_shared>> -> memref<128x128xf32, #tpu.memory_space<vmem_shared>>
      %dma_start3A_380 = arith.constant 0 : i32
      %dma_start3A_381 = tpu.memref_slice %arg11[%add3A_86, %dma_start3A_380] : memref<10240x128xf32, #tpu.memory_space<vmem_shared>> -> memref<128x128xf32, #tpu.memory_space<vmem_shared>>
      tpu.enqueue_dma source(%dma_start3A_381 : memref<128x128xf32, #tpu.memory_space<vmem_shared>>) target(%arg9 : memref<128x128xf32, #tpu.memory_space<vmem>>) target_semaphore(%run_scoped3A_378 : memref<!tpu.dma_semaphore, #tpu.memory_space<semaphore_mem>>)
      %dma_wait3A = arith.constant 0 : i32
      %dma_wait3A_382 = tpu.memref_slice %arg11[%add3A_86, %dma_wait3A] : memref<10240x128xf32, #tpu.memory_space<vmem_shared>> -> memref<128x128xf32, #tpu.memory_space<vmem_shared>>
      %dma_wait3A_383 = arith.constant 0 : i32
      %dma_wait3A_384 = tpu.memref_slice %arg11[%add3A_86, %dma_wait3A_383] : memref<10240x128xf32, #tpu.memory_space<vmem_shared>> -> memref<128x128xf32, #tpu.memory_space<vmem_shared>>
      tpu.wait_dma2 semaphore(%run_scoped3A_378 : memref<!tpu.dma_semaphore, #tpu.memory_space<semaphore_mem>>) src(%dma_wait3A_384 : memref<128x128xf32, #tpu.memory_space<vmem_shared>>) dst(%arg9 : memref<128x128xf32, #tpu.memory_space<vmem>>)
      tpu.yield
    }) : () -> ()
    %run_scoped3A_87 = arith.constant 1 : i32
    "tpu.region"() ({
      %run_scoped3A_378 = tpu.sem_alloc : memref<!tpu.dma_semaphore, #tpu.memory_space<semaphore_mem>>
      %dma_start3A = arith.constant 0 : i32
      %dma_start3A_379 = tpu.memref_slice %arg5[%arg0, %run_scoped3A_87, %add3A_86, %dma_start3A] : memref<1x3x10240x128xf32, #tpu.memory_space<hbm>> -> memref<1x1x128x128xf32, #tpu.memory_space<hbm>>
      %dma_start3A_380 = tpu.memref_squeeze %dma_start3A_379 : memref<1x1x128x128xf32, #tpu.memory_space<hbm>> -> memref<128x128xf32, #tpu.memory_space<hbm>>
      %dma_start3A_381 = arith.constant 0 : i32
      %dma_start3A_382 = tpu.memref_slice %arg5[%arg0, %run_scoped3A_87, %add3A_86, %dma_start3A_381] : memref<1x3x10240x128xf32, #tpu.memory_space<hbm>> -> memref<1x1x128x128xf32, #tpu.memory_space<hbm>>
      %dma_start3A_383 = tpu.memref_squeeze %dma_start3A_382 : memref<1x1x128x128xf32, #tpu.memory_space<hbm>> -> memref<128x128xf32, #tpu.memory_space<hbm>>
      tpu.enqueue_dma source(%arg9 : memref<128x128xf32, #tpu.memory_space<vmem>>) target(%dma_start3A_383 : memref<128x128xf32, #tpu.memory_space<hbm>>) target_semaphore(%run_scoped3A_378 : memref<!tpu.dma_semaphore, #tpu.memory_space<semaphore_mem>>)
      %dma_wait3A = arith.constant 0 : i32
      %dma_wait3A_384 = tpu.memref_slice %arg5[%arg0, %run_scoped3A_87, %add3A_86, %dma_wait3A] : memref<1x3x10240x128xf32, #tpu.memory_space<hbm>> -> memref<1x1x128x128xf32, #tpu.memory_space<hbm>>
      %dma_wait3A_385 = tpu.memref_squeeze %dma_wait3A_384 : memref<1x1x128x128xf32, #tpu.memory_space<hbm>> -> memref<128x128xf32, #tpu.memory_space<hbm>>
      %dma_wait3A_386 = arith.constant 0 : i32
      %dma_wait3A_387 = tpu.memref_slice %arg5[%arg0, %run_scoped3A_87, %add3A_86, %dma_wait3A_386] : memref<1x3x10240x128xf32, #tpu.memory_space<hbm>> -> memref<1x1x128x128xf32, #tpu.memory_space<hbm>>
      %dma_wait3A_388 = tpu.memref_squeeze %dma_wait3A_387 : memref<1x1x128x128xf32, #tpu.memory_space<hbm>> -> memref<128x128xf32, #tpu.memory_space<hbm>>
      tpu.wait_dma2 semaphore(%run_scoped3A_378 : memref<!tpu.dma_semaphore, #tpu.memory_space<semaphore_mem>>) src(%arg9 : memref<128x128xf32, #tpu.memory_space<vmem>>) dst(%dma_wait3A_388 : memref<128x128xf32, #tpu.memory_space<hbm>>)
      tpu.yield
    }) : () -> ()
    %add3A_88 = arith.constant 384 : i32
    %add3A_89 = arith.addi %mul3A_5, %add3A_88 : i32
    "tpu.region"() ({
      %run_scoped3A_378 = tpu.sem_alloc : memref<!tpu.dma_semaphore, #tpu.memory_space<semaphore_mem>>
      %dma_start3A = arith.constant 0 : i32
      %dma_start3A_379 = tpu.memref_slice %arg11[%add3A_89, %dma_start3A] : memref<10240x128xf32, #tpu.memory_space<vmem_shared>> -> memref<128x128xf32, #tpu.memory_space<vmem_shared>>
      %dma_start3A_380 = arith.constant 0 : i32
      %dma_start3A_381 = tpu.memref_slice %arg11[%add3A_89, %dma_start3A_380] : memref<10240x128xf32, #tpu.memory_space<vmem_shared>> -> memref<128x128xf32, #tpu.memory_space<vmem_shared>>
      tpu.enqueue_dma source(%dma_start3A_381 : memref<128x128xf32, #tpu.memory_space<vmem_shared>>) target(%arg9 : memref<128x128xf32, #tpu.memory_space<vmem>>) target_semaphore(%run_scoped3A_378 : memref<!tpu.dma_semaphore, #tpu.memory_space<semaphore_mem>>)
      %dma_wait3A = arith.constant 0 : i32
      %dma_wait3A_382 = tpu.memref_slice %arg11[%add3A_89, %dma_wait3A] : memref<10240x128xf32, #tpu.memory_space<vmem_shared>> -> memref<128x128xf32, #tpu.memory_space<vmem_shared>>
      %dma_wait3A_383 = arith.constant 0 : i32
      %dma_wait3A_384 = tpu.memref_slice %arg11[%add3A_89, %dma_wait3A_383] : memref<10240x128xf32, #tpu.memory_space<vmem_shared>> -> memref<128x128xf32, #tpu.memory_space<vmem_shared>>
      tpu.wait_dma2 semaphore(%run_scoped3A_378 : memref<!tpu.dma_semaphore, #tpu.memory_space<semaphore_mem>>) src(%dma_wait3A_384 : memref<128x128xf32, #tpu.memory_space<vmem_shared>>) dst(%arg9 : memref<128x128xf32, #tpu.memory_space<vmem>>)
      tpu.yield
    }) : () -> ()
    %run_scoped3A_90 = arith.constant 1 : i32
    "tpu.region"() ({
      %run_scoped3A_378 = tpu.sem_alloc : memref<!tpu.dma_semaphore, #tpu.memory_space<semaphore_mem>>
      %dma_start3A = arith.constant 0 : i32
      %dma_start3A_379 = tpu.memref_slice %arg5[%arg0, %run_scoped3A_90, %add3A_89, %dma_start3A] : memref<1x3x10240x128xf32, #tpu.memory_space<hbm>> -> memref<1x1x128x128xf32, #tpu.memory_space<hbm>>
      %dma_start3A_380 = tpu.memref_squeeze %dma_start3A_379 : memref<1x1x128x128xf32, #tpu.memory_space<hbm>> -> memref<128x128xf32, #tpu.memory_space<hbm>>
      %dma_start3A_381 = arith.constant 0 : i32
      %dma_start3A_382 = tpu.memref_slice %arg5[%arg0, %run_scoped3A_90, %add3A_89, %dma_start3A_381] : memref<1x3x10240x128xf32, #tpu.memory_space<hbm>> -> memref<1x1x128x128xf32, #tpu.memory_space<hbm>>
      %dma_start3A_383 = tpu.memref_squeeze %dma_start3A_382 : memref<1x1x128x128xf32, #tpu.memory_space<hbm>> -> memref<128x128xf32, #tpu.memory_space<hbm>>
      tpu.enqueue_dma source(%arg9 : memref<128x128xf32, #tpu.memory_space<vmem>>) target(%dma_start3A_383 : memref<128x128xf32, #tpu.memory_space<hbm>>) target_semaphore(%run_scoped3A_378 : memref<!tpu.dma_semaphore, #tpu.memory_space<semaphore_mem>>)
      %dma_wait3A = arith.constant 0 : i32
      %dma_wait3A_384 = tpu.memref_slice %arg5[%arg0, %run_scoped3A_90, %add3A_89, %dma_wait3A] : memref<1x3x10240x128xf32, #tpu.memory_space<hbm>> -> memref<1x1x128x128xf32, #tpu.memory_space<hbm>>
      %dma_wait3A_385 = tpu.memref_squeeze %dma_wait3A_384 : memref<1x1x128x128xf32, #tpu.memory_space<hbm>> -> memref<128x128xf32, #tpu.memory_space<hbm>>
      %dma_wait3A_386 = arith.constant 0 : i32
      %dma_wait3A_387 = tpu.memref_slice %arg5[%arg0, %run_scoped3A_90, %add3A_89, %dma_wait3A_386] : memref<1x3x10240x128xf32, #tpu.memory_space<hbm>> -> memref<1x1x128x128xf32, #tpu.memory_space<hbm>>
      %dma_wait3A_388 = tpu.memref_squeeze %dma_wait3A_387 : memref<1x1x128x128xf32, #tpu.memory_space<hbm>> -> memref<128x128xf32, #tpu.memory_space<hbm>>
      tpu.wait_dma2 semaphore(%run_scoped3A_378 : memref<!tpu.dma_semaphore, #tpu.memory_space<semaphore_mem>>) src(%arg9 : memref<128x128xf32, #tpu.memory_space<vmem>>) dst(%dma_wait3A_388 : memref<128x128xf32, #tpu.memory_space<hbm>>)
      tpu.yield
    }) : () -> ()
    %add3A_91 = arith.constant 512 : i32
    %add3A_92 = arith.addi %mul3A_5, %add3A_91 : i32
    "tpu.region"() ({
      %run_scoped3A_378 = tpu.sem_alloc : memref<!tpu.dma_semaphore, #tpu.memory_space<semaphore_mem>>
      %dma_start3A = arith.constant 0 : i32
      %dma_start3A_379 = tpu.memref_slice %arg11[%add3A_92, %dma_start3A] : memref<10240x128xf32, #tpu.memory_space<vmem_shared>> -> memref<128x128xf32, #tpu.memory_space<vmem_shared>>
      %dma_start3A_380 = arith.constant 0 : i32
      %dma_start3A_381 = tpu.memref_slice %arg11[%add3A_92, %dma_start3A_380] : memref<10240x128xf32, #tpu.memory_space<vmem_shared>> -> memref<128x128xf32, #tpu.memory_space<vmem_shared>>
      tpu.enqueue_dma source(%dma_start3A_381 : memref<128x128xf32, #tpu.memory_space<vmem_shared>>) target(%arg9 : memref<128x128xf32, #tpu.memory_space<vmem>>) target_semaphore(%run_scoped3A_378 : memref<!tpu.dma_semaphore, #tpu.memory_space<semaphore_mem>>)
      %dma_wait3A = arith.constant 0 : i32
      %dma_wait3A_382 = tpu.memref_slice %arg11[%add3A_92, %dma_wait3A] : memref<10240x128xf32, #tpu.memory_space<vmem_shared>> -> memref<128x128xf32, #tpu.memory_space<vmem_shared>>
      %dma_wait3A_383 = arith.constant 0 : i32
      %dma_wait3A_384 = tpu.memref_slice %arg11[%add3A_92, %dma_wait3A_383] : memref<10240x128xf32, #tpu.memory_space<vmem_shared>> -> memref<128x128xf32, #tpu.memory_space<vmem_shared>>
      tpu.wait_dma2 semaphore(%run_scoped3A_378 : memref<!tpu.dma_semaphore, #tpu.memory_space<semaphore_mem>>) src(%dma_wait3A_384 : memref<128x128xf32, #tpu.memory_space<vmem_shared>>) dst(%arg9 : memref<128x128xf32, #tpu.memory_space<vmem>>)
      tpu.yield
    }) : () -> ()
    %run_scoped3A_93 = arith.constant 1 : i32
    "tpu.region"() ({
      %run_scoped3A_378 = tpu.sem_alloc : memref<!tpu.dma_semaphore, #tpu.memory_space<semaphore_mem>>
      %dma_start3A = arith.constant 0 : i32
      %dma_start3A_379 = tpu.memref_slice %arg5[%arg0, %run_scoped3A_93, %add3A_92, %dma_start3A] : memref<1x3x10240x128xf32, #tpu.memory_space<hbm>> -> memref<1x1x128x128xf32, #tpu.memory_space<hbm>>
      %dma_start3A_380 = tpu.memref_squeeze %dma_start3A_379 : memref<1x1x128x128xf32, #tpu.memory_space<hbm>> -> memref<128x128xf32, #tpu.memory_space<hbm>>
      %dma_start3A_381 = arith.constant 0 : i32
      %dma_start3A_382 = tpu.memref_slice %arg5[%arg0, %run_scoped3A_93, %add3A_92, %dma_start3A_381] : memref<1x3x10240x128xf32, #tpu.memory_space<hbm>> -> memref<1x1x128x128xf32, #tpu.memory_space<hbm>>
      %dma_start3A_383 = tpu.memref_squeeze %dma_start3A_382 : memref<1x1x128x128xf32, #tpu.memory_space<hbm>> -> memref<128x128xf32, #tpu.memory_space<hbm>>
      tpu.enqueue_dma source(%arg9 : memref<128x128xf32, #tpu.memory_space<vmem>>) target(%dma_start3A_383 : memref<128x128xf32, #tpu.memory_space<hbm>>) target_semaphore(%run_scoped3A_378 : memref<!tpu.dma_semaphore, #tpu.memory_space<semaphore_mem>>)
      %dma_wait3A = arith.constant 0 : i32
      %dma_wait3A_384 = tpu.memref_slice %arg5[%arg0, %run_scoped3A_93, %add3A_92, %dma_wait3A] : memref<1x3x10240x128xf32, #tpu.memory_space<hbm>> -> memref<1x1x128x128xf32, #tpu.memory_space<hbm>>
      %dma_wait3A_385 = tpu.memref_squeeze %dma_wait3A_384 : memref<1x1x128x128xf32, #tpu.memory_space<hbm>> -> memref<128x128xf32, #tpu.memory_space<hbm>>
      %dma_wait3A_386 = arith.constant 0 : i32
      %dma_wait3A_387 = tpu.memref_slice %arg5[%arg0, %run_scoped3A_93, %add3A_92, %dma_wait3A_386] : memref<1x3x10240x128xf32, #tpu.memory_space<hbm>> -> memref<1x1x128x128xf32, #tpu.memory_space<hbm>>
      %dma_wait3A_388 = tpu.memref_squeeze %dma_wait3A_387 : memref<1x1x128x128xf32, #tpu.memory_space<hbm>> -> memref<128x128xf32, #tpu.memory_space<hbm>>
      tpu.wait_dma2 semaphore(%run_scoped3A_378 : memref<!tpu.dma_semaphore, #tpu.memory_space<semaphore_mem>>) src(%arg9 : memref<128x128xf32, #tpu.memory_space<vmem>>) dst(%dma_wait3A_388 : memref<128x128xf32, #tpu.memory_space<hbm>>)
      tpu.yield
    }) : () -> ()
    %barrier3A_94 = arith.constant 0 : index
    tpu.barrier barrier_id(%barrier3A_94)
    %scan3A_95 = arith.constant 0 : i32
    %scan3A_96 = arith.constant 0 : i32
    %scan3A_97 = arith.constant 128 : i32
    %scan3A_98 = arith.addi %scan3A_96, %scan3A_97 : i32
    %scan3A_99 = arith.constant 1 : i32
    scf.for %scan3A_378 = %scan3A_96 to %scan3A_98 step %scan3A_99  : i32 {
      %swap3A = arith.index_cast %scan3A_378 : i32 to index
      %swap3A_379 = arith.constant 0 : index
      %swap3A_380 = tpu.vector_load %arg9[%swap3A, %swap3A_379] {strides = array<i32>} : memref<128x128xf32, #tpu.memory_space<vmem>>, vector<1x16xf32>,
      %swap3A_381 = vector.shape_cast %swap3A_380 : vector<1x16xf32> to vector<16xf32>
      %swap3A_382 = vector.shape_cast %broadcast_in_dim3A_1 : vector<16xf32> to vector<1x16xf32>
      tpu.vector_store %arg9[%swap3A, %swap3A_379], %swap3A_382 {strides = array<i32>} : memref<128x128xf32, #tpu.memory_space<vmem>>, vector<1x16xf32>,
      %swap3A_383 = arith.index_cast %scan3A_378 : i32 to index
      %swap3A_384 = arith.constant 16 : index
      %swap3A_385 = tpu.vector_load %arg9[%swap3A_383, %swap3A_384] {strides = array<i32>} : memref<128x128xf32, #tpu.memory_space<vmem>>, vector<1x16xf32>,
      %swap3A_386 = vector.shape_cast %swap3A_385 : vector<1x16xf32> to vector<16xf32>
      %swap3A_387 = vector.shape_cast %broadcast_in_dim3A_1 : vector<16xf32> to vector<1x16xf32>
      tpu.vector_store %arg9[%swap3A_383, %swap3A_384], %swap3A_387 {strides = array<i32>} : memref<128x128xf32, #tpu.memory_space<vmem>>, vector<1x16xf32>,
      %swap3A_388 = arith.index_cast %scan3A_378 : i32 to index
      %swap3A_389 = arith.constant 32 : index
      %swap3A_390 = tpu.vector_load %arg9[%swap3A_388, %swap3A_389] {strides = array<i32>} : memref<128x128xf32, #tpu.memory_space<vmem>>, vector<1x16xf32>,
      %swap3A_391 = vector.shape_cast %swap3A_390 : vector<1x16xf32> to vector<16xf32>
      %swap3A_392 = vector.shape_cast %broadcast_in_dim3A_1 : vector<16xf32> to vector<1x16xf32>
      tpu.vector_store %arg9[%swap3A_388, %swap3A_389], %swap3A_392 {strides = array<i32>} : memref<128x128xf32, #tpu.memory_space<vmem>>, vector<1x16xf32>,
      %swap3A_393 = arith.index_cast %scan3A_378 : i32 to index
      %swap3A_394 = arith.constant 48 : index
      %swap3A_395 = tpu.vector_load %arg9[%swap3A_393, %swap3A_394] {strides = array<i32>} : memref<128x128xf32, #tpu.memory_space<vmem>>, vector<1x16xf32>,
      %swap3A_396 = vector.shape_cast %swap3A_395 : vector<1x16xf32> to vector<16xf32>
      %swap3A_397 = vector.shape_cast %broadcast_in_dim3A_1 : vector<16xf32> to vector<1x16xf32>
      tpu.vector_store %arg9[%swap3A_393, %swap3A_394], %swap3A_397 {strides = array<i32>} : memref<128x128xf32, #tpu.memory_space<vmem>>, vector<1x16xf32>,
      %swap3A_398 = arith.index_cast %scan3A_378 : i32 to index
      %swap3A_399 = arith.constant 64 : index
      %swap3A_400 = tpu.vector_load %arg9[%swap3A_398, %swap3A_399] {strides = array<i32>} : memref<128x128xf32, #tpu.memory_space<vmem>>, vector<1x16xf32>,
      %swap3A_401 = vector.shape_cast %swap3A_400 : vector<1x16xf32> to vector<16xf32>
      %swap3A_402 = vector.shape_cast %broadcast_in_dim3A_1 : vector<16xf32> to vector<1x16xf32>
      tpu.vector_store %arg9[%swap3A_398, %swap3A_399], %swap3A_402 {strides = array<i32>} : memref<128x128xf32, #tpu.memory_space<vmem>>, vector<1x16xf32>,
      %swap3A_403 = arith.index_cast %scan3A_378 : i32 to index
      %swap3A_404 = arith.constant 80 : index
      %swap3A_405 = tpu.vector_load %arg9[%swap3A_403, %swap3A_404] {strides = array<i32>} : memref<128x128xf32, #tpu.memory_space<vmem>>, vector<1x16xf32>,
      %swap3A_406 = vector.shape_cast %swap3A_405 : vector<1x16xf32> to vector<16xf32>
      %swap3A_407 = vector.shape_cast %broadcast_in_dim3A_1 : vector<16xf32> to vector<1x16xf32>
      tpu.vector_store %arg9[%swap3A_403, %swap3A_404], %swap3A_407 {strides = array<i32>} : memref<128x128xf32, #tpu.memory_space<vmem>>, vector<1x16xf32>,
      %swap3A_408 = arith.index_cast %scan3A_378 : i32 to index
      %swap3A_409 = arith.constant 96 : index
      %swap3A_410 = tpu.vector_load %arg9[%swap3A_408, %swap3A_409] {strides = array<i32>} : memref<128x128xf32, #tpu.memory_space<vmem>>, vector<1x16xf32>,
      %swap3A_411 = vector.shape_cast %swap3A_410 : vector<1x16xf32> to vector<16xf32>
      %swap3A_412 = vector.shape_cast %broadcast_in_dim3A_1 : vector<16xf32> to vector<1x16xf32>
      tpu.vector_store %arg9[%swap3A_408, %swap3A_409], %swap3A_412 {strides = array<i32>} : memref<128x128xf32, #tpu.memory_space<vmem>>, vector<1x16xf32>,
      %swap3A_413 = arith.index_cast %scan3A_378 : i32 to index
      %swap3A_414 = arith.constant 112 : index
      %swap3A_415 = tpu.vector_load %arg9[%swap3A_413, %swap3A_414] {strides = array<i32>} : memref<128x128xf32, #tpu.memory_space<vmem>>, vector<1x16xf32>,
      %swap3A_416 = vector.shape_cast %swap3A_415 : vector<1x16xf32> to vector<16xf32>
      %swap3A_417 = vector.shape_cast %broadcast_in_dim3A_1 : vector<16xf32> to vector<1x16xf32>
      tpu.vector_store %arg9[%swap3A_413, %swap3A_414], %swap3A_417 {strides = array<i32>} : memref<128x128xf32, #tpu.memory_space<vmem>>, vector<1x16xf32>,
    }
    %scan3A_100 = arith.constant 128 : i32
    %add3A_101 = arith.constant 0 : i32
    %add3A_102 = arith.addi %mul3A_5, %add3A_101 : i32
    "tpu.region"() ({
      %run_scoped3A_378 = tpu.sem_alloc : memref<!tpu.dma_semaphore, #tpu.memory_space<semaphore_mem>>
      %dma_start3A = arith.constant 0 : i32
      %dma_start3A_379 = tpu.memref_slice %arg11[%add3A_102, %dma_start3A] : memref<10240x128xf32, #tpu.memory_space<vmem_shared>> -> memref<128x128xf32, #tpu.memory_space<vmem_shared>>
      %dma_start3A_380 = arith.constant 0 : i32
      %dma_start3A_381 = tpu.memref_slice %arg11[%add3A_102, %dma_start3A_380] : memref<10240x128xf32, #tpu.memory_space<vmem_shared>> -> memref<128x128xf32, #tpu.memory_space<vmem_shared>>
      tpu.enqueue_dma source(%arg9 : memref<128x128xf32, #tpu.memory_space<vmem>>) target(%dma_start3A_381 : memref<128x128xf32, #tpu.memory_space<vmem_shared>>) target_semaphore(%run_scoped3A_378 : memref<!tpu.dma_semaphore, #tpu.memory_space<semaphore_mem>>)
      %dma_wait3A = arith.constant 0 : i32
      %dma_wait3A_382 = tpu.memref_slice %arg11[%add3A_102, %dma_wait3A] : memref<10240x128xf32, #tpu.memory_space<vmem_shared>> -> memref<128x128xf32, #tpu.memory_space<vmem_shared>>
      %dma_wait3A_383 = arith.constant 0 : i32
      %dma_wait3A_384 = tpu.memref_slice %arg11[%add3A_102, %dma_wait3A_383] : memref<10240x128xf32, #tpu.memory_space<vmem_shared>> -> memref<128x128xf32, #tpu.memory_space<vmem_shared>>
      tpu.wait_dma2 semaphore(%run_scoped3A_378 : memref<!tpu.dma_semaphore, #tpu.memory_space<semaphore_mem>>) src(%arg9 : memref<128x128xf32, #tpu.memory_space<vmem>>) dst(%dma_wait3A_384 : memref<128x128xf32, #tpu.memory_space<vmem_shared>>)
      tpu.yield
    }) : () -> ()
    %add3A_103 = arith.constant 128 : i32
    %add3A_104 = arith.addi %mul3A_5, %add3A_103 : i32
    "tpu.region"() ({
      %run_scoped3A_378 = tpu.sem_alloc : memref<!tpu.dma_semaphore, #tpu.memory_space<semaphore_mem>>
      %dma_start3A = arith.constant 0 : i32
      %dma_start3A_379 = tpu.memref_slice %arg11[%add3A_104, %dma_start3A] : memref<10240x128xf32, #tpu.memory_space<vmem_shared>> -> memref<128x128xf32, #tpu.memory_space<vmem_shared>>
      %dma_start3A_380 = arith.constant 0 : i32
      %dma_start3A_381 = tpu.memref_slice %arg11[%add3A_104, %dma_start3A_380] : memref<10240x128xf32, #tpu.memory_space<vmem_shared>> -> memref<128x128xf32, #tpu.memory_space<vmem_shared>>
      tpu.enqueue_dma source(%arg9 : memref<128x128xf32, #tpu.memory_space<vmem>>) target(%dma_start3A_381 : memref<128x128xf32, #tpu.memory_space<vmem_shared>>) target_semaphore(%run_scoped3A_378 : memref<!tpu.dma_semaphore, #tpu.memory_space<semaphore_mem>>)
      %dma_wait3A = arith.constant 0 : i32
      %dma_wait3A_382 = tpu.memref_slice %arg11[%add3A_104, %dma_wait3A] : memref<10240x128xf32, #tpu.memory_space<vmem_shared>> -> memref<128x128xf32, #tpu.memory_space<vmem_shared>>
      %dma_wait3A_383 = arith.constant 0 : i32
      %dma_wait3A_384 = tpu.memref_slice %arg11[%add3A_104, %dma_wait3A_383] : memref<10240x128xf32, #tpu.memory_space<vmem_shared>> -> memref<128x128xf32, #tpu.memory_space<vmem_shared>>
      tpu.wait_dma2 semaphore(%run_scoped3A_378 : memref<!tpu.dma_semaphore, #tpu.memory_space<semaphore_mem>>) src(%arg9 : memref<128x128xf32, #tpu.memory_space<vmem>>) dst(%dma_wait3A_384 : memref<128x128xf32, #tpu.memory_space<vmem_shared>>)
      tpu.yield
    }) : () -> ()
    %add3A_105 = arith.constant 256 : i32
    %add3A_106 = arith.addi %mul3A_5, %add3A_105 : i32
    "tpu.region"() ({
      %run_scoped3A_378 = tpu.sem_alloc : memref<!tpu.dma_semaphore, #tpu.memory_space<semaphore_mem>>
      %dma_start3A = arith.constant 0 : i32
      %dma_start3A_379 = tpu.memref_slice %arg11[%add3A_106, %dma_start3A] : memref<10240x128xf32, #tpu.memory_space<vmem_shared>> -> memref<128x128xf32, #tpu.memory_space<vmem_shared>>
      %dma_start3A_380 = arith.constant 0 : i32
      %dma_start3A_381 = tpu.memref_slice %arg11[%add3A_106, %dma_start3A_380] : memref<10240x128xf32, #tpu.memory_space<vmem_shared>> -> memref<128x128xf32, #tpu.memory_space<vmem_shared>>
      tpu.enqueue_dma source(%arg9 : memref<128x128xf32, #tpu.memory_space<vmem>>) target(%dma_start3A_381 : memref<128x128xf32, #tpu.memory_space<vmem_shared>>) target_semaphore(%run_scoped3A_378 : memref<!tpu.dma_semaphore, #tpu.memory_space<semaphore_mem>>)
      %dma_wait3A = arith.constant 0 : i32
      %dma_wait3A_382 = tpu.memref_slice %arg11[%add3A_106, %dma_wait3A] : memref<10240x128xf32, #tpu.memory_space<vmem_shared>> -> memref<128x128xf32, #tpu.memory_space<vmem_shared>>
      %dma_wait3A_383 = arith.constant 0 : i32
      %dma_wait3A_384 = tpu.memref_slice %arg11[%add3A_106, %dma_wait3A_383] : memref<10240x128xf32, #tpu.memory_space<vmem_shared>> -> memref<128x128xf32, #tpu.memory_space<vmem_shared>>
      tpu.wait_dma2 semaphore(%run_scoped3A_378 : memref<!tpu.dma_semaphore, #tpu.memory_space<semaphore_mem>>) src(%arg9 : memref<128x128xf32, #tpu.memory_space<vmem>>) dst(%dma_wait3A_384 : memref<128x128xf32, #tpu.memory_space<vmem_shared>>)
      tpu.yield
    }) : () -> ()
    %add3A_107 = arith.constant 384 : i32
    %add3A_108 = arith.addi %mul3A_5, %add3A_107 : i32
    "tpu.region"() ({
      %run_scoped3A_378 = tpu.sem_alloc : memref<!tpu.dma_semaphore, #tpu.memory_space<semaphore_mem>>
      %dma_start3A = arith.constant 0 : i32
      %dma_start3A_379 = tpu.memref_slice %arg11[%add3A_108, %dma_start3A] : memref<10240x128xf32, #tpu.memory_space<vmem_shared>> -> memref<128x128xf32, #tpu.memory_space<vmem_shared>>
      %dma_start3A_380 = arith.constant 0 : i32
      %dma_start3A_381 = tpu.memref_slice %arg11[%add3A_108, %dma_start3A_380] : memref<10240x128xf32, #tpu.memory_space<vmem_shared>> -> memref<128x128xf32, #tpu.memory_space<vmem_shared>>
      tpu.enqueue_dma source(%arg9 : memref<128x128xf32, #tpu.memory_space<vmem>>) target(%dma_start3A_381 : memref<128x128xf32, #tpu.memory_space<vmem_shared>>) target_semaphore(%run_scoped3A_378 : memref<!tpu.dma_semaphore, #tpu.memory_space<semaphore_mem>>)
      %dma_wait3A = arith.constant 0 : i32
      %dma_wait3A_382 = tpu.memref_slice %arg11[%add3A_108, %dma_wait3A] : memref<10240x128xf32, #tpu.memory_space<vmem_shared>> -> memref<128x128xf32, #tpu.memory_space<vmem_shared>>
      %dma_wait3A_383 = arith.constant 0 : i32
      %dma_wait3A_384 = tpu.memref_slice %arg11[%add3A_108, %dma_wait3A_383] : memref<10240x128xf32, #tpu.memory_space<vmem_shared>> -> memref<128x128xf32, #tpu.memory_space<vmem_shared>>
      tpu.wait_dma2 semaphore(%run_scoped3A_378 : memref<!tpu.dma_semaphore, #tpu.memory_space<semaphore_mem>>) src(%arg9 : memref<128x128xf32, #tpu.memory_space<vmem>>) dst(%dma_wait3A_384 : memref<128x128xf32, #tpu.memory_space<vmem_shared>>)
      tpu.yield
    }) : () -> ()
    %add3A_109 = arith.constant 512 : i32
    %add3A_110 = arith.addi %mul3A_5, %add3A_109 : i32
    "tpu.region"() ({
      %run_scoped3A_378 = tpu.sem_alloc : memref<!tpu.dma_semaphore, #tpu.memory_space<semaphore_mem>>
      %dma_start3A = arith.constant 0 : i32
      %dma_start3A_379 = tpu.memref_slice %arg11[%add3A_110, %dma_start3A] : memref<10240x128xf32, #tpu.memory_space<vmem_shared>> -> memref<128x128xf32, #tpu.memory_space<vmem_shared>>
      %dma_start3A_380 = arith.constant 0 : i32
      %dma_start3A_381 = tpu.memref_slice %arg11[%add3A_110, %dma_start3A_380] : memref<10240x128xf32, #tpu.memory_space<vmem_shared>> -> memref<128x128xf32, #tpu.memory_space<vmem_shared>>
      tpu.enqueue_dma source(%arg9 : memref<128x128xf32, #tpu.memory_space<vmem>>) target(%dma_start3A_381 : memref<128x128xf32, #tpu.memory_space<vmem_shared>>) target_semaphore(%run_scoped3A_378 : memref<!tpu.dma_semaphore, #tpu.memory_space<semaphore_mem>>)
      %dma_wait3A = arith.constant 0 : i32
      %dma_wait3A_382 = tpu.memref_slice %arg11[%add3A_110, %dma_wait3A] : memref<10240x128xf32, #tpu.memory_space<vmem_shared>> -> memref<128x128xf32, #tpu.memory_space<vmem_shared>>
      %dma_wait3A_383 = arith.constant 0 : i32
      %dma_wait3A_384 = tpu.memref_slice %arg11[%add3A_110, %dma_wait3A_383] : memref<10240x128xf32, #tpu.memory_space<vmem_shared>> -> memref<128x128xf32, #tpu.memory_space<vmem_shared>>
      tpu.wait_dma2 semaphore(%run_scoped3A_378 : memref<!tpu.dma_semaphore, #tpu.memory_space<semaphore_mem>>) src(%arg9 : memref<128x128xf32, #tpu.memory_space<vmem>>) dst(%dma_wait3A_384 : memref<128x128xf32, #tpu.memory_space<vmem_shared>>)
      tpu.yield
    }) : () -> ()
    %barrier3A_111 = arith.constant 0 : index
    tpu.barrier barrier_id(%barrier3A_111)
    %mul3A_112 = arith.constant 56 : i32
    %mul3A_113 = arith.muli %add3A, %mul3A_112 : i32
    %run_scoped3A_114 = arith.constant 2 : i32
    "tpu.region"() ({
      %run_scoped3A_378 = tpu.sem_alloc : memref<!tpu.dma_semaphore, #tpu.memory_space<semaphore_mem>>
      %dma_start3A = arith.constant 0 : i32
      %dma_start3A_379 = tpu.memref_slice %arg3[%run_scoped3A_114, %mul3A_113, %dma_start3A] : memref<3x896x128xi32, #tpu.memory_space<hbm>> -> memref<1x56x128xi32, #tpu.memory_space<hbm>>
      %dma_start3A_380 = tpu.memref_squeeze %dma_start3A_379 : memref<1x56x128xi32, #tpu.memory_space<hbm>> -> memref<56x128xi32, #tpu.memory_space<hbm>>
      %dma_start3A_381 = arith.constant 0 : i32
      %dma_start3A_382 = tpu.memref_slice %arg3[%run_scoped3A_114, %mul3A_113, %dma_start3A_381] : memref<3x896x128xi32, #tpu.memory_space<hbm>> -> memref<1x56x128xi32, #tpu.memory_space<hbm>>
      %dma_start3A_383 = tpu.memref_squeeze %dma_start3A_382 : memref<1x56x128xi32, #tpu.memory_space<hbm>> -> memref<56x128xi32, #tpu.memory_space<hbm>>
      tpu.enqueue_dma source(%dma_start3A_383 : memref<56x128xi32, #tpu.memory_space<hbm>>) target(%arg7 : memref<56x128xi32, #tpu.memory_space<vmem>>) target_semaphore(%run_scoped3A_378 : memref<!tpu.dma_semaphore, #tpu.memory_space<semaphore_mem>>)
      %dma_wait3A = arith.constant 0 : i32
      %dma_wait3A_384 = tpu.memref_slice %arg3[%run_scoped3A_114, %mul3A_113, %dma_wait3A] : memref<3x896x128xi32, #tpu.memory_space<hbm>> -> memref<1x56x128xi32, #tpu.memory_space<hbm>>
      %dma_wait3A_385 = tpu.memref_squeeze %dma_wait3A_384 : memref<1x56x128xi32, #tpu.memory_space<hbm>> -> memref<56x128xi32, #tpu.memory_space<hbm>>
      %dma_wait3A_386 = arith.constant 0 : i32
      %dma_wait3A_387 = tpu.memref_slice %arg3[%run_scoped3A_114, %mul3A_113, %dma_wait3A_386] : memref<3x896x128xi32, #tpu.memory_space<hbm>> -> memref<1x56x128xi32, #tpu.memory_space<hbm>>
      %dma_wait3A_388 = tpu.memref_squeeze %dma_wait3A_387 : memref<1x56x128xi32, #tpu.memory_space<hbm>> -> memref<56x128xi32, #tpu.memory_space<hbm>>
      tpu.wait_dma2 semaphore(%run_scoped3A_378 : memref<!tpu.dma_semaphore, #tpu.memory_space<semaphore_mem>>) src(%dma_wait3A_388 : memref<56x128xi32, #tpu.memory_space<hbm>>) dst(%arg7 : memref<56x128xi32, #tpu.memory_space<vmem>>)
      tpu.yield
    }) : () -> ()
    %mul3A_115 = arith.constant 56 : i32
    %mul3A_116 = arith.muli %add3A, %mul3A_115 : i32
    %run_scoped3A_117 = arith.constant 2 : i32
    "tpu.region"() ({
      %run_scoped3A_378 = tpu.sem_alloc : memref<!tpu.dma_semaphore, #tpu.memory_space<semaphore_mem>>
      %dma_start3A = arith.constant 0 : i32
      %dma_start3A_379 = tpu.memref_slice %arg4[%run_scoped3A_117, %mul3A_116, %dma_start3A] : memref<3x896x128xi32, #tpu.memory_space<hbm>> -> memref<1x56x128xi32, #tpu.memory_space<hbm>>
      %dma_start3A_380 = tpu.memref_squeeze %dma_start3A_379 : memref<1x56x128xi32, #tpu.memory_space<hbm>> -> memref<56x128xi32, #tpu.memory_space<hbm>>
      %dma_start3A_381 = arith.constant 0 : i32
      %dma_start3A_382 = tpu.memref_slice %arg4[%run_scoped3A_117, %mul3A_116, %dma_start3A_381] : memref<3x896x128xi32, #tpu.memory_space<hbm>> -> memref<1x56x128xi32, #tpu.memory_space<hbm>>
      %dma_start3A_383 = tpu.memref_squeeze %dma_start3A_382 : memref<1x56x128xi32, #tpu.memory_space<hbm>> -> memref<56x128xi32, #tpu.memory_space<hbm>>
      tpu.enqueue_dma source(%dma_start3A_383 : memref<56x128xi32, #tpu.memory_space<hbm>>) target(%arg8 : memref<56x128xi32, #tpu.memory_space<vmem>>) target_semaphore(%run_scoped3A_378 : memref<!tpu.dma_semaphore, #tpu.memory_space<semaphore_mem>>)
      %dma_wait3A = arith.constant 0 : i32
      %dma_wait3A_384 = tpu.memref_slice %arg4[%run_scoped3A_117, %mul3A_116, %dma_wait3A] : memref<3x896x128xi32, #tpu.memory_space<hbm>> -> memref<1x56x128xi32, #tpu.memory_space<hbm>>
      %dma_wait3A_385 = tpu.memref_squeeze %dma_wait3A_384 : memref<1x56x128xi32, #tpu.memory_space<hbm>> -> memref<56x128xi32, #tpu.memory_space<hbm>>
      %dma_wait3A_386 = arith.constant 0 : i32
      %dma_wait3A_387 = tpu.memref_slice %arg4[%run_scoped3A_117, %mul3A_116, %dma_wait3A_386] : memref<3x896x128xi32, #tpu.memory_space<hbm>> -> memref<1x56x128xi32, #tpu.memory_space<hbm>>
      %dma_wait3A_388 = tpu.memref_squeeze %dma_wait3A_387 : memref<1x56x128xi32, #tpu.memory_space<hbm>> -> memref<56x128xi32, #tpu.memory_space<hbm>>
      tpu.wait_dma2 semaphore(%run_scoped3A_378 : memref<!tpu.dma_semaphore, #tpu.memory_space<semaphore_mem>>) src(%dma_wait3A_388 : memref<56x128xi32, #tpu.memory_space<hbm>>) dst(%arg8 : memref<56x128xi32, #tpu.memory_space<vmem>>)
      tpu.yield
    }) : () -> ()
    %scan3A_118 = arith.constant 0 : i32
    %scan3A_119 = arith.constant 0 : i32
    %scan3A_120 = arith.constant 53 : i32
    %scan3A_121 = arith.addi %scan3A_119, %scan3A_120 : i32
    %scan3A_122 = arith.constant 1 : i32
    scf.for %scan3A_378 = %scan3A_119 to %scan3A_121 step %scan3A_122  : i32 {
      %dma_start3A = arith.constant 0 : i32
      %dma_start3A_379 = tpu.memref_slice %arg7[%scan3A_378, %dma_start3A] : memref<56x128xi32, #tpu.memory_space<vmem>> -> memref<1x128xi32, #tpu.memory_space<vmem>>
      %dma_start3A_380 = tpu.memref_squeeze %dma_start3A_379 : memref<1x128xi32, #tpu.memory_space<vmem>> -> memref<128xi32, #tpu.memory_space<vmem>>
      %dma_start3A_381 = arith.constant 0 : i32
      %dma_start3A_382 = arith.constant 0 : i32
      %dma_start3A_383 = tpu.memref_slice %arg2[%dma_start3A_381, %dma_start3A_382] : memref<10000x128xf32, #tpu.memory_space<hbm>> -> memref<10000x128xf32, #tpu.memory_space<hbm>>
      tpu.enqueue_indirect_dma source(%dma_start3A_383 : memref<10000x128xf32, #tpu.memory_space<hbm>>) target(%arg9 : memref<128x128xf32, #tpu.memory_space<vmem>>) offsets(%dma_start3A_380 : memref<128xi32, #tpu.memory_space<vmem>>) semaphore(%arg12 : memref<!tpu.dma_semaphore, #tpu.memory_space<semaphore_mem>>)
      %dma_wait3A = arith.constant 0 : i32
      %dma_wait3A_384 = tpu.memref_slice %arg7[%scan3A_378, %dma_wait3A] : memref<56x128xi32, #tpu.memory_space<vmem>> -> memref<1x128xi32, #tpu.memory_space<vmem>>
      %dma_wait3A_385 = tpu.memref_squeeze %dma_wait3A_384 : memref<1x128xi32, #tpu.memory_space<vmem>> -> memref<128xi32, #tpu.memory_space<vmem>>
      %dma_wait3A_386 = arith.constant 0 : i32
      %dma_wait3A_387 = arith.constant 0 : i32
      %dma_wait3A_388 = tpu.memref_slice %arg2[%dma_wait3A_386, %dma_wait3A_387] : memref<10000x128xf32, #tpu.memory_space<hbm>> -> memref<10000x128xf32, #tpu.memory_space<hbm>>
      tpu.wait_indirect_dma semaphore(%arg12 : memref<!tpu.dma_semaphore, #tpu.memory_space<semaphore_mem>>) src(%dma_wait3A_388 : memref<10000x128xf32, #tpu.memory_space<hbm>>) dst(%arg9 : memref<128x128xf32, #tpu.memory_space<vmem>>)
      %dma_start3A_389 = arith.constant 0 : i32
      %dma_start3A_390 = tpu.memref_slice %arg8[%scan3A_378, %dma_start3A_389] : memref<56x128xi32, #tpu.memory_space<vmem>> -> memref<1x128xi32, #tpu.memory_space<vmem>>
      %dma_start3A_391 = tpu.memref_squeeze %dma_start3A_390 : memref<1x128xi32, #tpu.memory_space<vmem>> -> memref<128xi32, #tpu.memory_space<vmem>>
      %dma_start3A_392 = arith.constant 0 : i32
      %dma_start3A_393 = arith.constant 0 : i32
      %dma_start3A_394 = tpu.memref_slice %arg11[%dma_start3A_392, %dma_start3A_393] : memref<10240x128xf32, #tpu.memory_space<vmem_shared>> -> memref<10240x128xf32, #tpu.memory_space<vmem_shared>>
      tpu.enqueue_indirect_dma source(%arg9 : memref<128x128xf32, #tpu.memory_space<vmem>>) target(%dma_start3A_394 : memref<10240x128xf32, #tpu.memory_space<vmem_shared>>) offsets(%dma_start3A_391 : memref<128xi32, #tpu.memory_space<vmem>>) semaphore(%arg13 : memref<!tpu.dma_semaphore, #tpu.memory_space<semaphore_mem>>) {add = true}
      %dma_wait3A_395 = arith.constant 0 : i32
      %dma_wait3A_396 = tpu.memref_slice %arg8[%scan3A_378, %dma_wait3A_395] : memref<56x128xi32, #tpu.memory_space<vmem>> -> memref<1x128xi32, #tpu.memory_space<vmem>>
      %dma_wait3A_397 = tpu.memref_squeeze %dma_wait3A_396 : memref<1x128xi32, #tpu.memory_space<vmem>> -> memref<128xi32, #tpu.memory_space<vmem>>
      %dma_wait3A_398 = arith.constant 0 : i32
      %dma_wait3A_399 = arith.constant 0 : i32
      %dma_wait3A_400 = tpu.memref_slice %arg11[%dma_wait3A_398, %dma_wait3A_399] : memref<10240x128xf32, #tpu.memory_space<vmem_shared>> -> memref<10240x128xf32, #tpu.memory_space<vmem_shared>>
      tpu.wait_indirect_dma semaphore(%arg13 : memref<!tpu.dma_semaphore, #tpu.memory_space<semaphore_mem>>) src(%arg9 : memref<128x128xf32, #tpu.memory_space<vmem>>) dst(%dma_wait3A_400 : memref<10240x128xf32, #tpu.memory_space<vmem_shared>>)
    }
    %scan3A_123 = arith.constant 53 : i32
    %barrier3A_124 = arith.constant 0 : index
    tpu.barrier barrier_id(%barrier3A_124)
    %add3A_125 = arith.constant 0 : i32
    %add3A_126 = arith.addi %mul3A_5, %add3A_125 : i32
    "tpu.region"() ({
      %run_scoped3A_378 = tpu.sem_alloc : memref<!tpu.dma_semaphore, #tpu.memory_space<semaphore_mem>>
      %dma_start3A = arith.constant 0 : i32
      %dma_start3A_379 = tpu.memref_slice %arg11[%add3A_126, %dma_start3A] : memref<10240x128xf32, #tpu.memory_space<vmem_shared>> -> memref<128x128xf32, #tpu.memory_space<vmem_shared>>
      %dma_start3A_380 = arith.constant 0 : i32
      %dma_start3A_381 = tpu.memref_slice %arg11[%add3A_126, %dma_start3A_380] : memref<10240x128xf32, #tpu.memory_space<vmem_shared>> -> memref<128x128xf32, #tpu.memory_space<vmem_shared>>
      tpu.enqueue_dma source(%dma_start3A_381 : memref<128x128xf32, #tpu.memory_space<vmem_shared>>) target(%arg9 : memref<128x128xf32, #tpu.memory_space<vmem>>) target_semaphore(%run_scoped3A_378 : memref<!tpu.dma_semaphore, #tpu.memory_space<semaphore_mem>>)
      %dma_wait3A = arith.constant 0 : i32
      %dma_wait3A_382 = tpu.memref_slice %arg11[%add3A_126, %dma_wait3A] : memref<10240x128xf32, #tpu.memory_space<vmem_shared>> -> memref<128x128xf32, #tpu.memory_space<vmem_shared>>
      %dma_wait3A_383 = arith.constant 0 : i32
      %dma_wait3A_384 = tpu.memref_slice %arg11[%add3A_126, %dma_wait3A_383] : memref<10240x128xf32, #tpu.memory_space<vmem_shared>> -> memref<128x128xf32, #tpu.memory_space<vmem_shared>>
      tpu.wait_dma2 semaphore(%run_scoped3A_378 : memref<!tpu.dma_semaphore, #tpu.memory_space<semaphore_mem>>) src(%dma_wait3A_384 : memref<128x128xf32, #tpu.memory_space<vmem_shared>>) dst(%arg9 : memref<128x128xf32, #tpu.memory_space<vmem>>)
      tpu.yield
    }) : () -> ()
    %run_scoped3A_127 = arith.constant 2 : i32
    "tpu.region"() ({
      %run_scoped3A_378 = tpu.sem_alloc : memref<!tpu.dma_semaphore, #tpu.memory_space<semaphore_mem>>
      %dma_start3A = arith.constant 0 : i32
      %dma_start3A_379 = tpu.memref_slice %arg5[%arg0, %run_scoped3A_127, %add3A_126, %dma_start3A] : memref<1x3x10240x128xf32, #tpu.memory_space<hbm>> -> memref<1x1x128x128xf32, #tpu.memory_space<hbm>>
      %dma_start3A_380 = tpu.memref_squeeze %dma_start3A_379 : memref<1x1x128x128xf32, #tpu.memory_space<hbm>> -> memref<128x128xf32, #tpu.memory_space<hbm>>
      %dma_start3A_381 = arith.constant 0 : i32
      %dma_start3A_382 = tpu.memref_slice %arg5[%arg0, %run_scoped3A_127, %add3A_126, %dma_start3A_381] : memref<1x3x10240x128xf32, #tpu.memory_space<hbm>> -> memref<1x1x128x128xf32, #tpu.memory_space<hbm>>
      %dma_start3A_383 = tpu.memref_squeeze %dma_start3A_382 : memref<1x1x128x128xf32, #tpu.memory_space<hbm>> -> memref<128x128xf32, #tpu.memory_space<hbm>>
      tpu.enqueue_dma source(%arg9 : memref<128x128xf32, #tpu.memory_space<vmem>>) target(%dma_start3A_383 : memref<128x128xf32, #tpu.memory_space<hbm>>) target_semaphore(%run_scoped3A_378 : memref<!tpu.dma_semaphore, #tpu.memory_space<semaphore_mem>>)
      %dma_wait3A = arith.constant 0 : i32
      %dma_wait3A_384 = tpu.memref_slice %arg5[%arg0, %run_scoped3A_127, %add3A_126, %dma_wait3A] : memref<1x3x10240x128xf32, #tpu.memory_space<hbm>> -> memref<1x1x128x128xf32, #tpu.memory_space<hbm>>
      %dma_wait3A_385 = tpu.memref_squeeze %dma_wait3A_384 : memref<1x1x128x128xf32, #tpu.memory_space<hbm>> -> memref<128x128xf32, #tpu.memory_space<hbm>>
      %dma_wait3A_386 = arith.constant 0 : i32
      %dma_wait3A_387 = tpu.memref_slice %arg5[%arg0, %run_scoped3A_127, %add3A_126, %dma_wait3A_386] : memref<1x3x10240x128xf32, #tpu.memory_space<hbm>> -> memref<1x1x128x128xf32, #tpu.memory_space<hbm>>
      %dma_wait3A_388 = tpu.memref_squeeze %dma_wait3A_387 : memref<1x1x128x128xf32, #tpu.memory_space<hbm>> -> memref<128x128xf32, #tpu.memory_space<hbm>>
      tpu.wait_dma2 semaphore(%run_scoped3A_378 : memref<!tpu.dma_semaphore, #tpu.memory_space<semaphore_mem>>) src(%arg9 : memref<128x128xf32, #tpu.memory_space<vmem>>) dst(%dma_wait3A_388 : memref<128x128xf32, #tpu.memory_space<hbm>>)
      tpu.yield
    }) : () -> ()
    %add3A_128 = arith.constant 128 : i32
    %add3A_129 = arith.addi %mul3A_5, %add3A_128 : i32
    "tpu.region"() ({
      %run_scoped3A_378 = tpu.sem_alloc : memref<!tpu.dma_semaphore, #tpu.memory_space<semaphore_mem>>
      %dma_start3A = arith.constant 0 : i32
      %dma_start3A_379 = tpu.memref_slice %arg11[%add3A_129, %dma_start3A] : memref<10240x128xf32, #tpu.memory_space<vmem_shared>> -> memref<128x128xf32, #tpu.memory_space<vmem_shared>>
      %dma_start3A_380 = arith.constant 0 : i32
      %dma_start3A_381 = tpu.memref_slice %arg11[%add3A_129, %dma_start3A_380] : memref<10240x128xf32, #tpu.memory_space<vmem_shared>> -> memref<128x128xf32, #tpu.memory_space<vmem_shared>>
      tpu.enqueue_dma source(%dma_start3A_381 : memref<128x128xf32, #tpu.memory_space<vmem_shared>>) target(%arg9 : memref<128x128xf32, #tpu.memory_space<vmem>>) target_semaphore(%run_scoped3A_378 : memref<!tpu.dma_semaphore, #tpu.memory_space<semaphore_mem>>)
      %dma_wait3A = arith.constant 0 : i32
      %dma_wait3A_382 = tpu.memref_slice %arg11[%add3A_129, %dma_wait3A] : memref<10240x128xf32, #tpu.memory_space<vmem_shared>> -> memref<128x128xf32, #tpu.memory_space<vmem_shared>>
      %dma_wait3A_383 = arith.constant 0 : i32
      %dma_wait3A_384 = tpu.memref_slice %arg11[%add3A_129, %dma_wait3A_383] : memref<10240x128xf32, #tpu.memory_space<vmem_shared>> -> memref<128x128xf32, #tpu.memory_space<vmem_shared>>
      tpu.wait_dma2 semaphore(%run_scoped3A_378 : memref<!tpu.dma_semaphore, #tpu.memory_space<semaphore_mem>>) src(%dma_wait3A_384 : memref<128x128xf32, #tpu.memory_space<vmem_shared>>) dst(%arg9 : memref<128x128xf32, #tpu.memory_space<vmem>>)
      tpu.yield
    }) : () -> ()
    %run_scoped3A_130 = arith.constant 2 : i32
    "tpu.region"() ({
      %run_scoped3A_378 = tpu.sem_alloc : memref<!tpu.dma_semaphore, #tpu.memory_space<semaphore_mem>>
      %dma_start3A = arith.constant 0 : i32
      %dma_start3A_379 = tpu.memref_slice %arg5[%arg0, %run_scoped3A_130, %add3A_129, %dma_start3A] : memref<1x3x10240x128xf32, #tpu.memory_space<hbm>> -> memref<1x1x128x128xf32, #tpu.memory_space<hbm>>
      %dma_start3A_380 = tpu.memref_squeeze %dma_start3A_379 : memref<1x1x128x128xf32, #tpu.memory_space<hbm>> -> memref<128x128xf32, #tpu.memory_space<hbm>>
      %dma_start3A_381 = arith.constant 0 : i32
      %dma_start3A_382 = tpu.memref_slice %arg5[%arg0, %run_scoped3A_130, %add3A_129, %dma_start3A_381] : memref<1x3x10240x128xf32, #tpu.memory_space<hbm>> -> memref<1x1x128x128xf32, #tpu.memory_space<hbm>>
      %dma_start3A_383 = tpu.memref_squeeze %dma_start3A_382 : memref<1x1x128x128xf32, #tpu.memory_space<hbm>> -> memref<128x128xf32, #tpu.memory_space<hbm>>
      tpu.enqueue_dma source(%arg9 : memref<128x128xf32, #tpu.memory_space<vmem>>) target(%dma_start3A_383 : memref<128x128xf32, #tpu.memory_space<hbm>>) target_semaphore(%run_scoped3A_378 : memref<!tpu.dma_semaphore, #tpu.memory_space<semaphore_mem>>)
      %dma_wait3A = arith.constant 0 : i32
      %dma_wait3A_384 = tpu.memref_slice %arg5[%arg0, %run_scoped3A_130, %add3A_129, %dma_wait3A] : memref<1x3x10240x128xf32, #tpu.memory_space<hbm>> -> memref<1x1x128x128xf32, #tpu.memory_space<hbm>>
      %dma_wait3A_385 = tpu.memref_squeeze %dma_wait3A_384 : memref<1x1x128x128xf32, #tpu.memory_space<hbm>> -> memref<128x128xf32, #tpu.memory_space<hbm>>
      %dma_wait3A_386 = arith.constant 0 : i32
      %dma_wait3A_387 = tpu.memref_slice %arg5[%arg0, %run_scoped3A_130, %add3A_129, %dma_wait3A_386] : memref<1x3x10240x128xf32, #tpu.memory_space<hbm>> -> memref<1x1x128x128xf32, #tpu.memory_space<hbm>>
      %dma_wait3A_388 = tpu.memref_squeeze %dma_wait3A_387 : memref<1x1x128x128xf32, #tpu.memory_space<hbm>> -> memref<128x128xf32, #tpu.memory_space<hbm>>
      tpu.wait_dma2 semaphore(%run_scoped3A_378 : memref<!tpu.dma_semaphore, #tpu.memory_space<semaphore_mem>>) src(%arg9 : memref<128x128xf32, #tpu.memory_space<vmem>>) dst(%dma_wait3A_388 : memref<128x128xf32, #tpu.memory_space<hbm>>)
      tpu.yield
    }) : () -> ()
    %add3A_131 = arith.constant 256 : i32
    %add3A_132 = arith.addi %mul3A_5, %add3A_131 : i32
    "tpu.region"() ({
      %run_scoped3A_378 = tpu.sem_alloc : memref<!tpu.dma_semaphore, #tpu.memory_space<semaphore_mem>>
      %dma_start3A = arith.constant 0 : i32
      %dma_start3A_379 = tpu.memref_slice %arg11[%add3A_132, %dma_start3A] : memref<10240x128xf32, #tpu.memory_space<vmem_shared>> -> memref<128x128xf32, #tpu.memory_space<vmem_shared>>
      %dma_start3A_380 = arith.constant 0 : i32
      %dma_start3A_381 = tpu.memref_slice %arg11[%add3A_132, %dma_start3A_380] : memref<10240x128xf32, #tpu.memory_space<vmem_shared>> -> memref<128x128xf32, #tpu.memory_space<vmem_shared>>
      tpu.enqueue_dma source(%dma_start3A_381 : memref<128x128xf32, #tpu.memory_space<vmem_shared>>) target(%arg9 : memref<128x128xf32, #tpu.memory_space<vmem>>) target_semaphore(%run_scoped3A_378 : memref<!tpu.dma_semaphore, #tpu.memory_space<semaphore_mem>>)
      %dma_wait3A = arith.constant 0 : i32
      %dma_wait3A_382 = tpu.memref_slice %arg11[%add3A_132, %dma_wait3A] : memref<10240x128xf32, #tpu.memory_space<vmem_shared>> -> memref<128x128xf32, #tpu.memory_space<vmem_shared>>
      %dma_wait3A_383 = arith.constant 0 : i32
      %dma_wait3A_384 = tpu.memref_slice %arg11[%add3A_132, %dma_wait3A_383] : memref<10240x128xf32, #tpu.memory_space<vmem_shared>> -> memref<128x128xf32, #tpu.memory_space<vmem_shared>>
      tpu.wait_dma2 semaphore(%run_scoped3A_378 : memref<!tpu.dma_semaphore, #tpu.memory_space<semaphore_mem>>) src(%dma_wait3A_384 : memref<128x128xf32, #tpu.memory_space<vmem_shared>>) dst(%arg9 : memref<128x128xf32, #tpu.memory_space<vmem>>)
      tpu.yield
    }) : () -> ()
    %run_scoped3A_133 = arith.constant 2 : i32
    "tpu.region"() ({
      %run_scoped3A_378 = tpu.sem_alloc : memref<!tpu.dma_semaphore, #tpu.memory_space<semaphore_mem>>
      %dma_start3A = arith.constant 0 : i32
      %dma_start3A_379 = tpu.memref_slice %arg5[%arg0, %run_scoped3A_133, %add3A_132, %dma_start3A] : memref<1x3x10240x128xf32, #tpu.memory_space<hbm>> -> memref<1x1x128x128xf32, #tpu.memory_space<hbm>>
      %dma_start3A_380 = tpu.memref_squeeze %dma_start3A_379 : memref<1x1x128x128xf32, #tpu.memory_space<hbm>> -> memref<128x128xf32, #tpu.memory_space<hbm>>
      %dma_start3A_381 = arith.constant 0 : i32
      %dma_start3A_382 = tpu.memref_slice %arg5[%arg0, %run_scoped3A_133, %add3A_132, %dma_start3A_381] : memref<1x3x10240x128xf32, #tpu.memory_space<hbm>> -> memref<1x1x128x128xf32, #tpu.memory_space<hbm>>
      %dma_start3A_383 = tpu.memref_squeeze %dma_start3A_382 : memref<1x1x128x128xf32, #tpu.memory_space<hbm>> -> memref<128x128xf32, #tpu.memory_space<hbm>>
      tpu.enqueue_dma source(%arg9 : memref<128x128xf32, #tpu.memory_space<vmem>>) target(%dma_start3A_383 : memref<128x128xf32, #tpu.memory_space<hbm>>) target_semaphore(%run_scoped3A_378 : memref<!tpu.dma_semaphore, #tpu.memory_space<semaphore_mem>>)
      %dma_wait3A = arith.constant 0 : i32
      %dma_wait3A_384 = tpu.memref_slice %arg5[%arg0, %run_scoped3A_133, %add3A_132, %dma_wait3A] : memref<1x3x10240x128xf32, #tpu.memory_space<hbm>> -> memref<1x1x128x128xf32, #tpu.memory_space<hbm>>
      %dma_wait3A_385 = tpu.memref_squeeze %dma_wait3A_384 : memref<1x1x128x128xf32, #tpu.memory_space<hbm>> -> memref<128x128xf32, #tpu.memory_space<hbm>>
      %dma_wait3A_386 = arith.constant 0 : i32
      %dma_wait3A_387 = tpu.memref_slice %arg5[%arg0, %run_scoped3A_133, %add3A_132, %dma_wait3A_386] : memref<1x3x10240x128xf32, #tpu.memory_space<hbm>> -> memref<1x1x128x128xf32, #tpu.memory_space<hbm>>
      %dma_wait3A_388 = tpu.memref_squeeze %dma_wait3A_387 : memref<1x1x128x128xf32, #tpu.memory_space<hbm>> -> memref<128x128xf32, #tpu.memory_space<hbm>>
      tpu.wait_dma2 semaphore(%run_scoped3A_378 : memref<!tpu.dma_semaphore, #tpu.memory_space<semaphore_mem>>) src(%arg9 : memref<128x128xf32, #tpu.memory_space<vmem>>) dst(%dma_wait3A_388 : memref<128x128xf32, #tpu.memory_space<hbm>>)
      tpu.yield
    }) : () -> ()
    %add3A_134 = arith.constant 384 : i32
    %add3A_135 = arith.addi %mul3A_5, %add3A_134 : i32
    "tpu.region"() ({
      %run_scoped3A_378 = tpu.sem_alloc : memref<!tpu.dma_semaphore, #tpu.memory_space<semaphore_mem>>
      %dma_start3A = arith.constant 0 : i32
      %dma_start3A_379 = tpu.memref_slice %arg11[%add3A_135, %dma_start3A] : memref<10240x128xf32, #tpu.memory_space<vmem_shared>> -> memref<128x128xf32, #tpu.memory_space<vmem_shared>>
      %dma_start3A_380 = arith.constant 0 : i32
      %dma_start3A_381 = tpu.memref_slice %arg11[%add3A_135, %dma_start3A_380] : memref<10240x128xf32, #tpu.memory_space<vmem_shared>> -> memref<128x128xf32, #tpu.memory_space<vmem_shared>>
      tpu.enqueue_dma source(%dma_start3A_381 : memref<128x128xf32, #tpu.memory_space<vmem_shared>>) target(%arg9 : memref<128x128xf32, #tpu.memory_space<vmem>>) target_semaphore(%run_scoped3A_378 : memref<!tpu.dma_semaphore, #tpu.memory_space<semaphore_mem>>)
      %dma_wait3A = arith.constant 0 : i32
      %dma_wait3A_382 = tpu.memref_slice %arg11[%add3A_135, %dma_wait3A] : memref<10240x128xf32, #tpu.memory_space<vmem_shared>> -> memref<128x128xf32, #tpu.memory_space<vmem_shared>>
      %dma_wait3A_383 = arith.constant 0 : i32
      %dma_wait3A_384 = tpu.memref_slice %arg11[%add3A_135, %dma_wait3A_383] : memref<10240x128xf32, #tpu.memory_space<vmem_shared>> -> memref<128x128xf32, #tpu.memory_space<vmem_shared>>
      tpu.wait_dma2 semaphore(%run_scoped3A_378 : memref<!tpu.dma_semaphore, #tpu.memory_space<semaphore_mem>>) src(%dma_wait3A_384 : memref<128x128xf32, #tpu.memory_space<vmem_shared>>) dst(%arg9 : memref<128x128xf32, #tpu.memory_space<vmem>>)
      tpu.yield
    }) : () -> ()
    %run_scoped3A_136 = arith.constant 2 : i32
    "tpu.region"() ({
      %run_scoped3A_378 = tpu.sem_alloc : memref<!tpu.dma_semaphore, #tpu.memory_space<semaphore_mem>>
      %dma_start3A = arith.constant 0 : i32
      %dma_start3A_379 = tpu.memref_slice %arg5[%arg0, %run_scoped3A_136, %add3A_135, %dma_start3A] : memref<1x3x10240x128xf32, #tpu.memory_space<hbm>> -> memref<1x1x128x128xf32, #tpu.memory_space<hbm>>
      %dma_start3A_380 = tpu.memref_squeeze %dma_start3A_379 : memref<1x1x128x128xf32, #tpu.memory_space<hbm>> -> memref<128x128xf32, #tpu.memory_space<hbm>>
      %dma_start3A_381 = arith.constant 0 : i32
      %dma_start3A_382 = tpu.memref_slice %arg5[%arg0, %run_scoped3A_136, %add3A_135, %dma_start3A_381] : memref<1x3x10240x128xf32, #tpu.memory_space<hbm>> -> memref<1x1x128x128xf32, #tpu.memory_space<hbm>>
      %dma_start3A_383 = tpu.memref_squeeze %dma_start3A_382 : memref<1x1x128x128xf32, #tpu.memory_space<hbm>> -> memref<128x128xf32, #tpu.memory_space<hbm>>
      tpu.enqueue_dma source(%arg9 : memref<128x128xf32, #tpu.memory_space<vmem>>) target(%dma_start3A_383 : memref<128x128xf32, #tpu.memory_space<hbm>>) target_semaphore(%run_scoped3A_378 : memref<!tpu.dma_semaphore, #tpu.memory_space<semaphore_mem>>)
      %dma_wait3A = arith.constant 0 : i32
      %dma_wait3A_384 = tpu.memref_slice %arg5[%arg0, %run_scoped3A_136, %add3A_135, %dma_wait3A] : memref<1x3x10240x128xf32, #tpu.memory_space<hbm>> -> memref<1x1x128x128xf32, #tpu.memory_space<hbm>>
      %dma_wait3A_385 = tpu.memref_squeeze %dma_wait3A_384 : memref<1x1x128x128xf32, #tpu.memory_space<hbm>> -> memref<128x128xf32, #tpu.memory_space<hbm>>
      %dma_wait3A_386 = arith.constant 0 : i32
      %dma_wait3A_387 = tpu.memref_slice %arg5[%arg0, %run_scoped3A_136, %add3A_135, %dma_wait3A_386] : memref<1x3x10240x128xf32, #tpu.memory_space<hbm>> -> memref<1x1x128x128xf32, #tpu.memory_space<hbm>>
      %dma_wait3A_388 = tpu.memref_squeeze %dma_wait3A_387 : memref<1x1x128x128xf32, #tpu.memory_space<hbm>> -> memref<128x128xf32, #tpu.memory_space<hbm>>
      tpu.wait_dma2 semaphore(%run_scoped3A_378 : memref<!tpu.dma_semaphore, #tpu.memory_space<semaphore_mem>>) src(%arg9 : memref<128x128xf32, #tpu.memory_space<vmem>>) dst(%dma_wait3A_388 : memref<128x128xf32, #tpu.memory_space<hbm>>)
      tpu.yield
    }) : () -> ()
    %add3A_137 = arith.constant 512 : i32
    %add3A_138 = arith.addi %mul3A_5, %add3A_137 : i32
    "tpu.region"() ({
      %run_scoped3A_378 = tpu.sem_alloc : memref<!tpu.dma_semaphore, #tpu.memory_space<semaphore_mem>>
      %dma_start3A = arith.constant 0 : i32
      %dma_start3A_379 = tpu.memref_slice %arg11[%add3A_138, %dma_start3A] : memref<10240x128xf32, #tpu.memory_space<vmem_shared>> -> memref<128x128xf32, #tpu.memory_space<vmem_shared>>
      %dma_start3A_380 = arith.constant 0 : i32
      %dma_start3A_381 = tpu.memref_slice %arg11[%add3A_138, %dma_start3A_380] : memref<10240x128xf32, #tpu.memory_space<vmem_shared>> -> memref<128x128xf32, #tpu.memory_space<vmem_shared>>
      tpu.enqueue_dma source(%dma_start3A_381 : memref<128x128xf32, #tpu.memory_space<vmem_shared>>) target(%arg9 : memref<128x128xf32, #tpu.memory_space<vmem>>) target_semaphore(%run_scoped3A_378 : memref<!tpu.dma_semaphore, #tpu.memory_space<semaphore_mem>>)
      %dma_wait3A = arith.constant 0 : i32
      %dma_wait3A_382 = tpu.memref_slice %arg11[%add3A_138, %dma_wait3A] : memref<10240x128xf32, #tpu.memory_space<vmem_shared>> -> memref<128x128xf32, #tpu.memory_space<vmem_shared>>
      %dma_wait3A_383 = arith.constant 0 : i32
      %dma_wait3A_384 = tpu.memref_slice %arg11[%add3A_138, %dma_wait3A_383] : memref<10240x128xf32, #tpu.memory_space<vmem_shared>> -> memref<128x128xf32, #tpu.memory_space<vmem_shared>>
      tpu.wait_dma2 semaphore(%run_scoped3A_378 : memref<!tpu.dma_semaphore, #tpu.memory_space<semaphore_mem>>) src(%dma_wait3A_384 : memref<128x128xf32, #tpu.memory_space<vmem_shared>>) dst(%arg9 : memref<128x128xf32, #tpu.memory_space<vmem>>)
      tpu.yield
    }) : () -> ()
    %run_scoped3A_139 = arith.constant 2 : i32
    "tpu.region"() ({
      %run_scoped3A_378 = tpu.sem_alloc : memref<!tpu.dma_semaphore, #tpu.memory_space<semaphore_mem>>
      %dma_start3A = arith.constant 0 : i32
      %dma_start3A_379 = tpu.memref_slice %arg5[%arg0, %run_scoped3A_139, %add3A_138, %dma_start3A] : memref<1x3x10240x128xf32, #tpu.memory_space<hbm>> -> memref<1x1x128x128xf32, #tpu.memory_space<hbm>>
      %dma_start3A_380 = tpu.memref_squeeze %dma_start3A_379 : memref<1x1x128x128xf32, #tpu.memory_space<hbm>> -> memref<128x128xf32, #tpu.memory_space<hbm>>
      %dma_start3A_381 = arith.constant 0 : i32
      %dma_start3A_382 = tpu.memref_slice %arg5[%arg0, %run_scoped3A_139, %add3A_138, %dma_start3A_381] : memref<1x3x10240x128xf32, #tpu.memory_space<hbm>> -> memref<1x1x128x128xf32, #tpu.memory_space<hbm>>
      %dma_start3A_383 = tpu.memref_squeeze %dma_start3A_382 : memref<1x1x128x128xf32, #tpu.memory_space<hbm>> -> memref<128x128xf32, #tpu.memory_space<hbm>>
      tpu.enqueue_dma source(%arg9 : memref<128x128xf32, #tpu.memory_space<vmem>>) target(%dma_start3A_383 : memref<128x128xf32, #tpu.memory_space<hbm>>) target_semaphore(%run_scoped3A_378 : memref<!tpu.dma_semaphore, #tpu.memory_space<semaphore_mem>>)
      %dma_wait3A = arith.constant 0 : i32
      %dma_wait3A_384 = tpu.memref_slice %arg5[%arg0, %run_scoped3A_139, %add3A_138, %dma_wait3A] : memref<1x3x10240x128xf32, #tpu.memory_space<hbm>> -> memref<1x1x128x128xf32, #tpu.memory_space<hbm>>
      %dma_wait3A_385 = tpu.memref_squeeze %dma_wait3A_384 : memref<1x1x128x128xf32, #tpu.memory_space<hbm>> -> memref<128x128xf32, #tpu.memory_space<hbm>>
      %dma_wait3A_386 = arith.constant 0 : i32
      %dma_wait3A_387 = tpu.memref_slice %arg5[%arg0, %run_scoped3A_139, %add3A_138, %dma_wait3A_386] : memref<1x3x10240x128xf32, #tpu.memory_space<hbm>> -> memref<1x1x128x128xf32, #tpu.memory_space<hbm>>
      %dma_wait3A_388 = tpu.memref_squeeze %dma_wait3A_387 : memref<1x1x128x128xf32, #tpu.memory_space<hbm>> -> memref<128x128xf32, #tpu.memory_space<hbm>>
      tpu.wait_dma2 semaphore(%run_scoped3A_378 : memref<!tpu.dma_semaphore, #tpu.memory_space<semaphore_mem>>) src(%arg9 : memref<128x128xf32, #tpu.memory_space<vmem>>) dst(%dma_wait3A_388 : memref<128x128xf32, #tpu.memory_space<hbm>>)
      tpu.yield
    }) : () -> ()
    %barrier3A_140 = arith.constant 0 : index
    tpu.barrier barrier_id(%barrier3A_140)
    %scan3A_141 = arith.constant 0 : i32
    %scan3A_142 = arith.constant 0 : i32
    %scan3A_143 = arith.constant 128 : i32
    %scan3A_144 = arith.addi %scan3A_142, %scan3A_143 : i32
    %scan3A_145 = arith.constant 1 : i32
    scf.for %scan3A_378 = %scan3A_142 to %scan3A_144 step %scan3A_145  : i32 {
      %swap3A = arith.index_cast %scan3A_378 : i32 to index
      %swap3A_379 = arith.constant 0 : index
      %swap3A_380 = tpu.vector_load %arg9[%swap3A, %swap3A_379] {strides = array<i32>} : memref<128x128xf32, #tpu.memory_space<vmem>>, vector<1x16xf32>,
      %swap3A_381 = vector.shape_cast %swap3A_380 : vector<1x16xf32> to vector<16xf32>
      %swap3A_382 = vector.shape_cast %broadcast_in_dim3A_1 : vector<16xf32> to vector<1x16xf32>
      tpu.vector_store %arg9[%swap3A, %swap3A_379], %swap3A_382 {strides = array<i32>} : memref<128x128xf32, #tpu.memory_space<vmem>>, vector<1x16xf32>,
      %swap3A_383 = arith.index_cast %scan3A_378 : i32 to index
      %swap3A_384 = arith.constant 16 : index
      %swap3A_385 = tpu.vector_load %arg9[%swap3A_383, %swap3A_384] {strides = array<i32>} : memref<128x128xf32, #tpu.memory_space<vmem>>, vector<1x16xf32>,
      %swap3A_386 = vector.shape_cast %swap3A_385 : vector<1x16xf32> to vector<16xf32>
      %swap3A_387 = vector.shape_cast %broadcast_in_dim3A_1 : vector<16xf32> to vector<1x16xf32>
      tpu.vector_store %arg9[%swap3A_383, %swap3A_384], %swap3A_387 {strides = array<i32>} : memref<128x128xf32, #tpu.memory_space<vmem>>, vector<1x16xf32>,
      %swap3A_388 = arith.index_cast %scan3A_378 : i32 to index
      %swap3A_389 = arith.constant 32 : index
      %swap3A_390 = tpu.vector_load %arg9[%swap3A_388, %swap3A_389] {strides = array<i32>} : memref<128x128xf32, #tpu.memory_space<vmem>>, vector<1x16xf32>,
      %swap3A_391 = vector.shape_cast %swap3A_390 : vector<1x16xf32> to vector<16xf32>
      %swap3A_392 = vector.shape_cast %broadcast_in_dim3A_1 : vector<16xf32> to vector<1x16xf32>
      tpu.vector_store %arg9[%swap3A_388, %swap3A_389], %swap3A_392 {strides = array<i32>} : memref<128x128xf32, #tpu.memory_space<vmem>>, vector<1x16xf32>,
      %swap3A_393 = arith.index_cast %scan3A_378 : i32 to index
      %swap3A_394 = arith.constant 48 : index
      %swap3A_395 = tpu.vector_load %arg9[%swap3A_393, %swap3A_394] {strides = array<i32>} : memref<128x128xf32, #tpu.memory_space<vmem>>, vector<1x16xf32>,
      %swap3A_396 = vector.shape_cast %swap3A_395 : vector<1x16xf32> to vector<16xf32>
      %swap3A_397 = vector.shape_cast %broadcast_in_dim3A_1 : vector<16xf32> to vector<1x16xf32>
      tpu.vector_store %arg9[%swap3A_393, %swap3A_394], %swap3A_397 {strides = array<i32>} : memref<128x128xf32, #tpu.memory_space<vmem>>, vector<1x16xf32>,
      %swap3A_398 = arith.index_cast %scan3A_378 : i32 to index
      %swap3A_399 = arith.constant 64 : index
      %swap3A_400 = tpu.vector_load %arg9[%swap3A_398, %swap3A_399] {strides = array<i32>} : memref<128x128xf32, #tpu.memory_space<vmem>>, vector<1x16xf32>,
      %swap3A_401 = vector.shape_cast %swap3A_400 : vector<1x16xf32> to vector<16xf32>
      %swap3A_402 = vector.shape_cast %broadcast_in_dim3A_1 : vector<16xf32> to vector<1x16xf32>
      tpu.vector_store %arg9[%swap3A_398, %swap3A_399], %swap3A_402 {strides = array<i32>} : memref<128x128xf32, #tpu.memory_space<vmem>>, vector<1x16xf32>,
      %swap3A_403 = arith.index_cast %scan3A_378 : i32 to index
      %swap3A_404 = arith.constant 80 : index
      %swap3A_405 = tpu.vector_load %arg9[%swap3A_403, %swap3A_404] {strides = array<i32>} : memref<128x128xf32, #tpu.memory_space<vmem>>, vector<1x16xf32>,
      %swap3A_406 = vector.shape_cast %swap3A_405 : vector<1x16xf32> to vector<16xf32>
      %swap3A_407 = vector.shape_cast %broadcast_in_dim3A_1 : vector<16xf32> to vector<1x16xf32>
      tpu.vector_store %arg9[%swap3A_403, %swap3A_404], %swap3A_407 {strides = array<i32>} : memref<128x128xf32, #tpu.memory_space<vmem>>, vector<1x16xf32>,
      %swap3A_408 = arith.index_cast %scan3A_378 : i32 to index
      %swap3A_409 = arith.constant 96 : index
      %swap3A_410 = tpu.vector_load %arg9[%swap3A_408, %swap3A_409] {strides = array<i32>} : memref<128x128xf32, #tpu.memory_space<vmem>>, vector<1x16xf32>,
      %swap3A_411 = vector.shape_cast %swap3A_410 : vector<1x16xf32> to vector<16xf32>
      %swap3A_412 = vector.shape_cast %broadcast_in_dim3A_1 : vector<16xf32> to vector<1x16xf32>
      tpu.vector_store %arg9[%swap3A_408, %swap3A_409], %swap3A_412 {strides = array<i32>} : memref<128x128xf32, #tpu.memory_space<vmem>>, vector<1x16xf32>,
      %swap3A_413 = arith.index_cast %scan3A_378 : i32 to index
      %swap3A_414 = arith.constant 112 : index
      %swap3A_415 = tpu.vector_load %arg9[%swap3A_413, %swap3A_414] {strides = array<i32>} : memref<128x128xf32, #tpu.memory_space<vmem>>, vector<1x16xf32>,
      %swap3A_416 = vector.shape_cast %swap3A_415 : vector<1x16xf32> to vector<16xf32>
      %swap3A_417 = vector.shape_cast %broadcast_in_dim3A_1 : vector<16xf32> to vector<1x16xf32>
      tpu.vector_store %arg9[%swap3A_413, %swap3A_414], %swap3A_417 {strides = array<i32>} : memref<128x128xf32, #tpu.memory_space<vmem>>, vector<1x16xf32>,
    }
    %scan3A_146 = arith.constant 128 : i32
    %add3A_147 = arith.constant 0 : i32
    %add3A_148 = arith.addi %mul3A_5, %add3A_147 : i32
    "tpu.region"() ({
      %run_scoped3A_378 = tpu.sem_alloc : memref<!tpu.dma_semaphore, #tpu.memory_space<semaphore_mem>>
      %dma_start3A = arith.constant 0 : i32
      %dma_start3A_379 = tpu.memref_slice %arg11[%add3A_148, %dma_start3A] : memref<10240x128xf32, #tpu.memory_space<vmem_shared>> -> memref<128x128xf32, #tpu.memory_space<vmem_shared>>
      %dma_start3A_380 = arith.constant 0 : i32
      %dma_start3A_381 = tpu.memref_slice %arg11[%add3A_148, %dma_start3A_380] : memref<10240x128xf32, #tpu.memory_space<vmem_shared>> -> memref<128x128xf32, #tpu.memory_space<vmem_shared>>
      tpu.enqueue_dma source(%arg9 : memref<128x128xf32, #tpu.memory_space<vmem>>) target(%dma_start3A_381 : memref<128x128xf32, #tpu.memory_space<vmem_shared>>) target_semaphore(%run_scoped3A_378 : memref<!tpu.dma_semaphore, #tpu.memory_space<semaphore_mem>>)
      %dma_wait3A = arith.constant 0 : i32
      %dma_wait3A_382 = tpu.memref_slice %arg11[%add3A_148, %dma_wait3A] : memref<10240x128xf32, #tpu.memory_space<vmem_shared>> -> memref<128x128xf32, #tpu.memory_space<vmem_shared>>
      %dma_wait3A_383 = arith.constant 0 : i32
      %dma_wait3A_384 = tpu.memref_slice %arg11[%add3A_148, %dma_wait3A_383] : memref<10240x128xf32, #tpu.memory_space<vmem_shared>> -> memref<128x128xf32, #tpu.memory_space<vmem_shared>>
      tpu.wait_dma2 semaphore(%run_scoped3A_378 : memref<!tpu.dma_semaphore, #tpu.memory_space<semaphore_mem>>) src(%arg9 : memref<128x128xf32, #tpu.memory_space<vmem>>) dst(%dma_wait3A_384 : memref<128x128xf32, #tpu.memory_space<vmem_shared>>)
      tpu.yield
    }) : () -> ()
    %add3A_149 = arith.constant 128 : i32
    %add3A_150 = arith.addi %mul3A_5, %add3A_149 : i32
    "tpu.region"() ({
      %run_scoped3A_378 = tpu.sem_alloc : memref<!tpu.dma_semaphore, #tpu.memory_space<semaphore_mem>>
      %dma_start3A = arith.constant 0 : i32
      %dma_start3A_379 = tpu.memref_slice %arg11[%add3A_150, %dma_start3A] : memref<10240x128xf32, #tpu.memory_space<vmem_shared>> -> memref<128x128xf32, #tpu.memory_space<vmem_shared>>
      %dma_start3A_380 = arith.constant 0 : i32
      %dma_start3A_381 = tpu.memref_slice %arg11[%add3A_150, %dma_start3A_380] : memref<10240x128xf32, #tpu.memory_space<vmem_shared>> -> memref<128x128xf32, #tpu.memory_space<vmem_shared>>
      tpu.enqueue_dma source(%arg9 : memref<128x128xf32, #tpu.memory_space<vmem>>) target(%dma_start3A_381 : memref<128x128xf32, #tpu.memory_space<vmem_shared>>) target_semaphore(%run_scoped3A_378 : memref<!tpu.dma_semaphore, #tpu.memory_space<semaphore_mem>>)
      %dma_wait3A = arith.constant 0 : i32
      %dma_wait3A_382 = tpu.memref_slice %arg11[%add3A_150, %dma_wait3A] : memref<10240x128xf32, #tpu.memory_space<vmem_shared>> -> memref<128x128xf32, #tpu.memory_space<vmem_shared>>
      %dma_wait3A_383 = arith.constant 0 : i32
      %dma_wait3A_384 = tpu.memref_slice %arg11[%add3A_150, %dma_wait3A_383] : memref<10240x128xf32, #tpu.memory_space<vmem_shared>> -> memref<128x128xf32, #tpu.memory_space<vmem_shared>>
      tpu.wait_dma2 semaphore(%run_scoped3A_378 : memref<!tpu.dma_semaphore, #tpu.memory_space<semaphore_mem>>) src(%arg9 : memref<128x128xf32, #tpu.memory_space<vmem>>) dst(%dma_wait3A_384 : memref<128x128xf32, #tpu.memory_space<vmem_shared>>)
      tpu.yield
    }) : () -> ()
    %add3A_151 = arith.constant 256 : i32
    %add3A_152 = arith.addi %mul3A_5, %add3A_151 : i32
    "tpu.region"() ({
      %run_scoped3A_378 = tpu.sem_alloc : memref<!tpu.dma_semaphore, #tpu.memory_space<semaphore_mem>>
      %dma_start3A = arith.constant 0 : i32
      %dma_start3A_379 = tpu.memref_slice %arg11[%add3A_152, %dma_start3A] : memref<10240x128xf32, #tpu.memory_space<vmem_shared>> -> memref<128x128xf32, #tpu.memory_space<vmem_shared>>
      %dma_start3A_380 = arith.constant 0 : i32
      %dma_start3A_381 = tpu.memref_slice %arg11[%add3A_152, %dma_start3A_380] : memref<10240x128xf32, #tpu.memory_space<vmem_shared>> -> memref<128x128xf32, #tpu.memory_space<vmem_shared>>
      tpu.enqueue_dma source(%arg9 : memref<128x128xf32, #tpu.memory_space<vmem>>) target(%dma_start3A_381 : memref<128x128xf32, #tpu.memory_space<vmem_shared>>) target_semaphore(%run_scoped3A_378 : memref<!tpu.dma_semaphore, #tpu.memory_space<semaphore_mem>>)
      %dma_wait3A = arith.constant 0 : i32
      %dma_wait3A_382 = tpu.memref_slice %arg11[%add3A_152, %dma_wait3A] : memref<10240x128xf32, #tpu.memory_space<vmem_shared>> -> memref<128x128xf32, #tpu.memory_space<vmem_shared>>
      %dma_wait3A_383 = arith.constant 0 : i32
      %dma_wait3A_384 = tpu.memref_slice %arg11[%add3A_152, %dma_wait3A_383] : memref<10240x128xf32, #tpu.memory_space<vmem_shared>> -> memref<128x128xf32, #tpu.memory_space<vmem_shared>>
      tpu.wait_dma2 semaphore(%run_scoped3A_378 : memref<!tpu.dma_semaphore, #tpu.memory_space<semaphore_mem>>) src(%arg9 : memref<128x128xf32, #tpu.memory_space<vmem>>) dst(%dma_wait3A_384 : memref<128x128xf32, #tpu.memory_space<vmem_shared>>)
      tpu.yield
    }) : () -> ()
    %add3A_153 = arith.constant 384 : i32
    %add3A_154 = arith.addi %mul3A_5, %add3A_153 : i32
    "tpu.region"() ({
      %run_scoped3A_378 = tpu.sem_alloc : memref<!tpu.dma_semaphore, #tpu.memory_space<semaphore_mem>>
      %dma_start3A = arith.constant 0 : i32
      %dma_start3A_379 = tpu.memref_slice %arg11[%add3A_154, %dma_start3A] : memref<10240x128xf32, #tpu.memory_space<vmem_shared>> -> memref<128x128xf32, #tpu.memory_space<vmem_shared>>
      %dma_start3A_380 = arith.constant 0 : i32
      %dma_start3A_381 = tpu.memref_slice %arg11[%add3A_154, %dma_start3A_380] : memref<10240x128xf32, #tpu.memory_space<vmem_shared>> -> memref<128x128xf32, #tpu.memory_space<vmem_shared>>
      tpu.enqueue_dma source(%arg9 : memref<128x128xf32, #tpu.memory_space<vmem>>) target(%dma_start3A_381 : memref<128x128xf32, #tpu.memory_space<vmem_shared>>) target_semaphore(%run_scoped3A_378 : memref<!tpu.dma_semaphore, #tpu.memory_space<semaphore_mem>>)
      %dma_wait3A = arith.constant 0 : i32
      %dma_wait3A_382 = tpu.memref_slice %arg11[%add3A_154, %dma_wait3A] : memref<10240x128xf32, #tpu.memory_space<vmem_shared>> -> memref<128x128xf32, #tpu.memory_space<vmem_shared>>
      %dma_wait3A_383 = arith.constant 0 : i32
      %dma_wait3A_384 = tpu.memref_slice %arg11[%add3A_154, %dma_wait3A_383] : memref<10240x128xf32, #tpu.memory_space<vmem_shared>> -> memref<128x128xf32, #tpu.memory_space<vmem_shared>>
      tpu.wait_dma2 semaphore(%run_scoped3A_378 : memref<!tpu.dma_semaphore, #tpu.memory_space<semaphore_mem>>) src(%arg9 : memref<128x128xf32, #tpu.memory_space<vmem>>) dst(%dma_wait3A_384 : memref<128x128xf32, #tpu.memory_space<vmem_shared>>)
      tpu.yield
    }) : () -> ()
    %add3A_155 = arith.constant 512 : i32
    %add3A_156 = arith.addi %mul3A_5, %add3A_155 : i32
    "tpu.region"() ({
      %run_scoped3A_378 = tpu.sem_alloc : memref<!tpu.dma_semaphore, #tpu.memory_space<semaphore_mem>>
      %dma_start3A = arith.constant 0 : i32
      %dma_start3A_379 = tpu.memref_slice %arg11[%add3A_156, %dma_start3A] : memref<10240x128xf32, #tpu.memory_space<vmem_shared>> -> memref<128x128xf32, #tpu.memory_space<vmem_shared>>
      %dma_start3A_380 = arith.constant 0 : i32
      %dma_start3A_381 = tpu.memref_slice %arg11[%add3A_156, %dma_start3A_380] : memref<10240x128xf32, #tpu.memory_space<vmem_shared>> -> memref<128x128xf32, #tpu.memory_space<vmem_shared>>
      tpu.enqueue_dma source(%arg9 : memref<128x128xf32, #tpu.memory_space<vmem>>) target(%dma_start3A_381 : memref<128x128xf32, #tpu.memory_space<vmem_shared>>) target_semaphore(%run_scoped3A_378 : memref<!tpu.dma_semaphore, #tpu.memory_space<semaphore_mem>>)
      %dma_wait3A = arith.constant 0 : i32
      %dma_wait3A_382 = tpu.memref_slice %arg11[%add3A_156, %dma_wait3A] : memref<10240x128xf32, #tpu.memory_space<vmem_shared>> -> memref<128x128xf32, #tpu.memory_space<vmem_shared>>
      %dma_wait3A_383 = arith.constant 0 : i32
      %dma_wait3A_384 = tpu.memref_slice %arg11[%add3A_156, %dma_wait3A_383] : memref<10240x128xf32, #tpu.memory_space<vmem_shared>> -> memref<128x128xf32, #tpu.memory_space<vmem_shared>>
      tpu.wait_dma2 semaphore(%run_scoped3A_378 : memref<!tpu.dma_semaphore, #tpu.memory_space<semaphore_mem>>) src(%arg9 : memref<128x128xf32, #tpu.memory_space<vmem>>) dst(%dma_wait3A_384 : memref<128x128xf32, #tpu.memory_space<vmem_shared>>)
      tpu.yield
    }) : () -> ()
    %barrier3A_157 = arith.constant 0 : index
    tpu.barrier barrier_id(%barrier3A_157)
    %scan3A_158 = arith.constant 0 : i32
    %scan3A_159 = arith.constant 0 : i32
    %scan3A_160 = arith.constant 128 : i32
    %scan3A_161 = arith.addi %scan3A_159, %scan3A_160 : i32
    %scan3A_162 = arith.constant 1 : i32
    scf.for %scan3A_378 = %scan3A_159 to %scan3A_161 step %scan3A_162  : i32 {
      %swap3A = arith.index_cast %scan3A_378 : i32 to index
      %swap3A_379 = arith.constant 0 : index
      %swap3A_380 = tpu.vector_load %arg9[%swap3A, %swap3A_379] {strides = array<i32>} : memref<128x128xf32, #tpu.memory_space<vmem>>, vector<1x16xf32>,
      %swap3A_381 = vector.shape_cast %swap3A_380 : vector<1x16xf32> to vector<16xf32>
      %swap3A_382 = vector.shape_cast %broadcast_in_dim3A_3 : vector<16xf32> to vector<1x16xf32>
      tpu.vector_store %arg9[%swap3A, %swap3A_379], %swap3A_382 {strides = array<i32>} : memref<128x128xf32, #tpu.memory_space<vmem>>, vector<1x16xf32>,
      %swap3A_383 = arith.index_cast %scan3A_378 : i32 to index
      %swap3A_384 = arith.constant 16 : index
      %swap3A_385 = tpu.vector_load %arg9[%swap3A_383, %swap3A_384] {strides = array<i32>} : memref<128x128xf32, #tpu.memory_space<vmem>>, vector<1x16xf32>,
      %swap3A_386 = vector.shape_cast %swap3A_385 : vector<1x16xf32> to vector<16xf32>
      %swap3A_387 = vector.shape_cast %broadcast_in_dim3A_3 : vector<16xf32> to vector<1x16xf32>
      tpu.vector_store %arg9[%swap3A_383, %swap3A_384], %swap3A_387 {strides = array<i32>} : memref<128x128xf32, #tpu.memory_space<vmem>>, vector<1x16xf32>,
      %swap3A_388 = arith.index_cast %scan3A_378 : i32 to index
      %swap3A_389 = arith.constant 32 : index
      %swap3A_390 = tpu.vector_load %arg9[%swap3A_388, %swap3A_389] {strides = array<i32>} : memref<128x128xf32, #tpu.memory_space<vmem>>, vector<1x16xf32>,
      %swap3A_391 = vector.shape_cast %swap3A_390 : vector<1x16xf32> to vector<16xf32>
      %swap3A_392 = vector.shape_cast %broadcast_in_dim3A_3 : vector<16xf32> to vector<1x16xf32>
      tpu.vector_store %arg9[%swap3A_388, %swap3A_389], %swap3A_392 {strides = array<i32>} : memref<128x128xf32, #tpu.memory_space<vmem>>, vector<1x16xf32>,
      %swap3A_393 = arith.index_cast %scan3A_378 : i32 to index
      %swap3A_394 = arith.constant 48 : index
      %swap3A_395 = tpu.vector_load %arg9[%swap3A_393, %swap3A_394] {strides = array<i32>} : memref<128x128xf32, #tpu.memory_space<vmem>>, vector<1x16xf32>,
      %swap3A_396 = vector.shape_cast %swap3A_395 : vector<1x16xf32> to vector<16xf32>
      %swap3A_397 = vector.shape_cast %broadcast_in_dim3A_3 : vector<16xf32> to vector<1x16xf32>
      tpu.vector_store %arg9[%swap3A_393, %swap3A_394], %swap3A_397 {strides = array<i32>} : memref<128x128xf32, #tpu.memory_space<vmem>>, vector<1x16xf32>,
      %swap3A_398 = arith.index_cast %scan3A_378 : i32 to index
      %swap3A_399 = arith.constant 64 : index
      %swap3A_400 = tpu.vector_load %arg9[%swap3A_398, %swap3A_399] {strides = array<i32>} : memref<128x128xf32, #tpu.memory_space<vmem>>, vector<1x16xf32>,
      %swap3A_401 = vector.shape_cast %swap3A_400 : vector<1x16xf32> to vector<16xf32>
      %swap3A_402 = vector.shape_cast %broadcast_in_dim3A_3 : vector<16xf32> to vector<1x16xf32>
      tpu.vector_store %arg9[%swap3A_398, %swap3A_399], %swap3A_402 {strides = array<i32>} : memref<128x128xf32, #tpu.memory_space<vmem>>, vector<1x16xf32>,
      %swap3A_403 = arith.index_cast %scan3A_378 : i32 to index
      %swap3A_404 = arith.constant 80 : index
      %swap3A_405 = tpu.vector_load %arg9[%swap3A_403, %swap3A_404] {strides = array<i32>} : memref<128x128xf32, #tpu.memory_space<vmem>>, vector<1x16xf32>,
      %swap3A_406 = vector.shape_cast %swap3A_405 : vector<1x16xf32> to vector<16xf32>
      %swap3A_407 = vector.shape_cast %broadcast_in_dim3A_3 : vector<16xf32> to vector<1x16xf32>
      tpu.vector_store %arg9[%swap3A_403, %swap3A_404], %swap3A_407 {strides = array<i32>} : memref<128x128xf32, #tpu.memory_space<vmem>>, vector<1x16xf32>,
      %swap3A_408 = arith.index_cast %scan3A_378 : i32 to index
      %swap3A_409 = arith.constant 96 : index
      %swap3A_410 = tpu.vector_load %arg9[%swap3A_408, %swap3A_409] {strides = array<i32>} : memref<128x128xf32, #tpu.memory_space<vmem>>, vector<1x16xf32>,
      %swap3A_411 = vector.shape_cast %swap3A_410 : vector<1x16xf32> to vector<16xf32>
      %swap3A_412 = vector.shape_cast %broadcast_in_dim3A_3 : vector<16xf32> to vector<1x16xf32>
      tpu.vector_store %arg9[%swap3A_408, %swap3A_409], %swap3A_412 {strides = array<i32>} : memref<128x128xf32, #tpu.memory_space<vmem>>, vector<1x16xf32>,
      %swap3A_413 = arith.index_cast %scan3A_378 : i32 to index
      %swap3A_414 = arith.constant 112 : index
      %swap3A_415 = tpu.vector_load %arg9[%swap3A_413, %swap3A_414] {strides = array<i32>} : memref<128x128xf32, #tpu.memory_space<vmem>>, vector<1x16xf32>,
      %swap3A_416 = vector.shape_cast %swap3A_415 : vector<1x16xf32> to vector<16xf32>
      %swap3A_417 = vector.shape_cast %broadcast_in_dim3A_3 : vector<16xf32> to vector<1x16xf32>
      tpu.vector_store %arg9[%swap3A_413, %swap3A_414], %swap3A_417 {strides = array<i32>} : memref<128x128xf32, #tpu.memory_space<vmem>>, vector<1x16xf32>,
    }
    %scan3A_163 = arith.constant 128 : i32
    %mul3A_164 = arith.constant 56 : i32
    %mul3A_165 = arith.muli %add3A, %mul3A_164 : i32
    %run_scoped3A_166 = arith.constant 0 : i32
    "tpu.region"() ({
      %run_scoped3A_378 = tpu.sem_alloc : memref<!tpu.dma_semaphore, #tpu.memory_space<semaphore_mem>>
      %dma_start3A = arith.constant 0 : i32
      %dma_start3A_379 = tpu.memref_slice %arg4[%run_scoped3A_166, %mul3A_165, %dma_start3A] : memref<3x896x128xi32, #tpu.memory_space<hbm>> -> memref<1x56x128xi32, #tpu.memory_space<hbm>>
      %dma_start3A_380 = tpu.memref_squeeze %dma_start3A_379 : memref<1x56x128xi32, #tpu.memory_space<hbm>> -> memref<56x128xi32, #tpu.memory_space<hbm>>
      %dma_start3A_381 = arith.constant 0 : i32
      %dma_start3A_382 = tpu.memref_slice %arg4[%run_scoped3A_166, %mul3A_165, %dma_start3A_381] : memref<3x896x128xi32, #tpu.memory_space<hbm>> -> memref<1x56x128xi32, #tpu.memory_space<hbm>>
      %dma_start3A_383 = tpu.memref_squeeze %dma_start3A_382 : memref<1x56x128xi32, #tpu.memory_space<hbm>> -> memref<56x128xi32, #tpu.memory_space<hbm>>
      tpu.enqueue_dma source(%dma_start3A_383 : memref<56x128xi32, #tpu.memory_space<hbm>>) target(%arg8 : memref<56x128xi32, #tpu.memory_space<vmem>>) target_semaphore(%run_scoped3A_378 : memref<!tpu.dma_semaphore, #tpu.memory_space<semaphore_mem>>)
      %dma_wait3A = arith.constant 0 : i32
      %dma_wait3A_384 = tpu.memref_slice %arg4[%run_scoped3A_166, %mul3A_165, %dma_wait3A] : memref<3x896x128xi32, #tpu.memory_space<hbm>> -> memref<1x56x128xi32, #tpu.memory_space<hbm>>
      %dma_wait3A_385 = tpu.memref_squeeze %dma_wait3A_384 : memref<1x56x128xi32, #tpu.memory_space<hbm>> -> memref<56x128xi32, #tpu.memory_space<hbm>>
      %dma_wait3A_386 = arith.constant 0 : i32
      %dma_wait3A_387 = tpu.memref_slice %arg4[%run_scoped3A_166, %mul3A_165, %dma_wait3A_386] : memref<3x896x128xi32, #tpu.memory_space<hbm>> -> memref<1x56x128xi32, #tpu.memory_space<hbm>>
      %dma_wait3A_388 = tpu.memref_squeeze %dma_wait3A_387 : memref<1x56x128xi32, #tpu.memory_space<hbm>> -> memref<56x128xi32, #tpu.memory_space<hbm>>
      tpu.wait_dma2 semaphore(%run_scoped3A_378 : memref<!tpu.dma_semaphore, #tpu.memory_space<semaphore_mem>>) src(%dma_wait3A_388 : memref<56x128xi32, #tpu.memory_space<hbm>>) dst(%arg8 : memref<56x128xi32, #tpu.memory_space<vmem>>)
      tpu.yield
    }) : () -> ()
    %scan3A_167 = arith.constant 0 : i32
    %scan3A_168 = arith.constant 0 : i32
    %scan3A_169 = arith.constant 53 : i32
    %scan3A_170 = arith.addi %scan3A_168, %scan3A_169 : i32
    %scan3A_171 = arith.constant 1 : i32
    scf.for %scan3A_378 = %scan3A_168 to %scan3A_170 step %scan3A_171  : i32 {
      %dma_start3A = arith.constant 0 : i32
      %dma_start3A_379 = tpu.memref_slice %arg8[%scan3A_378, %dma_start3A] : memref<56x128xi32, #tpu.memory_space<vmem>> -> memref<1x128xi32, #tpu.memory_space<vmem>>
      %dma_start3A_380 = tpu.memref_squeeze %dma_start3A_379 : memref<1x128xi32, #tpu.memory_space<vmem>> -> memref<128xi32, #tpu.memory_space<vmem>>
      %dma_start3A_381 = arith.constant 0 : i32
      %dma_start3A_382 = arith.constant 0 : i32
      %dma_start3A_383 = tpu.memref_slice %arg11[%dma_start3A_381, %dma_start3A_382] : memref<10240x128xf32, #tpu.memory_space<vmem_shared>> -> memref<10240x128xf32, #tpu.memory_space<vmem_shared>>
      tpu.enqueue_indirect_dma source(%arg9 : memref<128x128xf32, #tpu.memory_space<vmem>>) target(%dma_start3A_383 : memref<10240x128xf32, #tpu.memory_space<vmem_shared>>) offsets(%dma_start3A_380 : memref<128xi32, #tpu.memory_space<vmem>>) semaphore(%arg13 : memref<!tpu.dma_semaphore, #tpu.memory_space<semaphore_mem>>) {add = true}
      %dma_wait3A = arith.constant 0 : i32
      %dma_wait3A_384 = tpu.memref_slice %arg8[%scan3A_378, %dma_wait3A] : memref<56x128xi32, #tpu.memory_space<vmem>> -> memref<1x128xi32, #tpu.memory_space<vmem>>
      %dma_wait3A_385 = tpu.memref_squeeze %dma_wait3A_384 : memref<1x128xi32, #tpu.memory_space<vmem>> -> memref<128xi32, #tpu.memory_space<vmem>>
      %dma_wait3A_386 = arith.constant 0 : i32
      %dma_wait3A_387 = arith.constant 0 : i32
      %dma_wait3A_388 = tpu.memref_slice %arg11[%dma_wait3A_386, %dma_wait3A_387] : memref<10240x128xf32, #tpu.memory_space<vmem_shared>> -> memref<10240x128xf32, #tpu.memory_space<vmem_shared>>
      tpu.wait_indirect_dma semaphore(%arg13 : memref<!tpu.dma_semaphore, #tpu.memory_space<semaphore_mem>>) src(%arg9 : memref<128x128xf32, #tpu.memory_space<vmem>>) dst(%dma_wait3A_388 : memref<10240x128xf32, #tpu.memory_space<vmem_shared>>)
    }
    %scan3A_172 = arith.constant 53 : i32
    %barrier3A_173 = arith.constant 0 : index
    tpu.barrier barrier_id(%barrier3A_173)
    %add3A_174 = arith.constant 0 : i32
    %add3A_175 = arith.addi %mul3A_5, %add3A_174 : i32
    "tpu.region"() ({
      %run_scoped3A_378 = tpu.sem_alloc : memref<!tpu.dma_semaphore, #tpu.memory_space<semaphore_mem>>
      %dma_start3A = arith.constant 0 : i32
      %dma_start3A_379 = tpu.memref_slice %arg11[%add3A_175, %dma_start3A] : memref<10240x128xf32, #tpu.memory_space<vmem_shared>> -> memref<128x128xf32, #tpu.memory_space<vmem_shared>>
      %dma_start3A_380 = arith.constant 0 : i32
      %dma_start3A_381 = tpu.memref_slice %arg11[%add3A_175, %dma_start3A_380] : memref<10240x128xf32, #tpu.memory_space<vmem_shared>> -> memref<128x128xf32, #tpu.memory_space<vmem_shared>>
      tpu.enqueue_dma source(%dma_start3A_381 : memref<128x128xf32, #tpu.memory_space<vmem_shared>>) target(%arg9 : memref<128x128xf32, #tpu.memory_space<vmem>>) target_semaphore(%run_scoped3A_378 : memref<!tpu.dma_semaphore, #tpu.memory_space<semaphore_mem>>)
      %dma_wait3A = arith.constant 0 : i32
      %dma_wait3A_382 = tpu.memref_slice %arg11[%add3A_175, %dma_wait3A] : memref<10240x128xf32, #tpu.memory_space<vmem_shared>> -> memref<128x128xf32, #tpu.memory_space<vmem_shared>>
      %dma_wait3A_383 = arith.constant 0 : i32
      %dma_wait3A_384 = tpu.memref_slice %arg11[%add3A_175, %dma_wait3A_383] : memref<10240x128xf32, #tpu.memory_space<vmem_shared>> -> memref<128x128xf32, #tpu.memory_space<vmem_shared>>
      tpu.wait_dma2 semaphore(%run_scoped3A_378 : memref<!tpu.dma_semaphore, #tpu.memory_space<semaphore_mem>>) src(%dma_wait3A_384 : memref<128x128xf32, #tpu.memory_space<vmem_shared>>) dst(%arg9 : memref<128x128xf32, #tpu.memory_space<vmem>>)
      tpu.yield
    }) : () -> ()
    %scan3A_176 = arith.constant 0 : i32
    %scan3A_177 = arith.constant 0 : i32
    %scan3A_178 = arith.constant 128 : i32
    %scan3A_179 = arith.addi %scan3A_177, %scan3A_178 : i32
    %scan3A_180 = arith.constant 1 : i32
    scf.for %scan3A_378 = %scan3A_177 to %scan3A_179 step %scan3A_180  : i32 {
      %get3A = arith.index_cast %scan3A_378 : i32 to index
      %get3A_379 = arith.constant 0 : index
      %get3A_380 = tpu.vector_load %arg9[%get3A, %get3A_379] {strides = array<i32>} : memref<128x128xf32, #tpu.memory_space<vmem>>, vector<1x16xf32>,
      %get3A_381 = vector.shape_cast %get3A_380 : vector<1x16xf32> to vector<16xf32>
      %swap3A = arith.index_cast %scan3A_378 : i32 to index
      %swap3A_382 = arith.constant 0 : index
      %swap3A_383 = tpu.vector_load %arg10[%swap3A, %swap3A_382] {strides = array<i32>} : memref<128x16xf32, #tpu.memory_space<vmem>>, vector<1x16xf32>,
      %swap3A_384 = vector.shape_cast %swap3A_383 : vector<1x16xf32> to vector<16xf32>
      %swap3A_385 = vector.shape_cast %get3A_381 : vector<16xf32> to vector<1x16xf32>
      tpu.vector_store %arg10[%swap3A, %swap3A_382], %swap3A_385 {strides = array<i32>} : memref<128x16xf32, #tpu.memory_space<vmem>>, vector<1x16xf32>,
    }
    %scan3A_181 = arith.constant 128 : i32
    %run_scoped3A_182 = arith.constant 0 : i32
    "tpu.region"() ({
      %run_scoped3A_378 = tpu.sem_alloc : memref<!tpu.dma_semaphore, #tpu.memory_space<semaphore_mem>>
      %dma_start3A = arith.constant 0 : i32
      %dma_start3A_379 = tpu.memref_slice %arg6[%arg0, %run_scoped3A_182, %add3A_175, %dma_start3A] : memref<1x3x10240x16xf32, #tpu.memory_space<hbm>> -> memref<1x1x128x16xf32, #tpu.memory_space<hbm>>
      %dma_start3A_380 = tpu.memref_squeeze %dma_start3A_379 : memref<1x1x128x16xf32, #tpu.memory_space<hbm>> -> memref<128x16xf32, #tpu.memory_space<hbm>>
      %dma_start3A_381 = arith.constant 0 : i32
      %dma_start3A_382 = tpu.memref_slice %arg6[%arg0, %run_scoped3A_182, %add3A_175, %dma_start3A_381] : memref<1x3x10240x16xf32, #tpu.memory_space<hbm>> -> memref<1x1x128x16xf32, #tpu.memory_space<hbm>>
      %dma_start3A_383 = tpu.memref_squeeze %dma_start3A_382 : memref<1x1x128x16xf32, #tpu.memory_space<hbm>> -> memref<128x16xf32, #tpu.memory_space<hbm>>
      tpu.enqueue_dma source(%arg10 : memref<128x16xf32, #tpu.memory_space<vmem>>) target(%dma_start3A_383 : memref<128x16xf32, #tpu.memory_space<hbm>>) target_semaphore(%run_scoped3A_378 : memref<!tpu.dma_semaphore, #tpu.memory_space<semaphore_mem>>)
      %dma_wait3A = arith.constant 0 : i32
      %dma_wait3A_384 = tpu.memref_slice %arg6[%arg0, %run_scoped3A_182, %add3A_175, %dma_wait3A] : memref<1x3x10240x16xf32, #tpu.memory_space<hbm>> -> memref<1x1x128x16xf32, #tpu.memory_space<hbm>>
      %dma_wait3A_385 = tpu.memref_squeeze %dma_wait3A_384 : memref<1x1x128x16xf32, #tpu.memory_space<hbm>> -> memref<128x16xf32, #tpu.memory_space<hbm>>
      %dma_wait3A_386 = arith.constant 0 : i32
      %dma_wait3A_387 = tpu.memref_slice %arg6[%arg0, %run_scoped3A_182, %add3A_175, %dma_wait3A_386] : memref<1x3x10240x16xf32, #tpu.memory_space<hbm>> -> memref<1x1x128x16xf32, #tpu.memory_space<hbm>>
      %dma_wait3A_388 = tpu.memref_squeeze %dma_wait3A_387 : memref<1x1x128x16xf32, #tpu.memory_space<hbm>> -> memref<128x16xf32, #tpu.memory_space<hbm>>
      tpu.wait_dma2 semaphore(%run_scoped3A_378 : memref<!tpu.dma_semaphore, #tpu.memory_space<semaphore_mem>>) src(%arg10 : memref<128x16xf32, #tpu.memory_space<vmem>>) dst(%dma_wait3A_388 : memref<128x16xf32, #tpu.memory_space<hbm>>)
      tpu.yield
    }) : () -> ()
    %add3A_183 = arith.constant 128 : i32
    %add3A_184 = arith.addi %mul3A_5, %add3A_183 : i32
    "tpu.region"() ({
      %run_scoped3A_378 = tpu.sem_alloc : memref<!tpu.dma_semaphore, #tpu.memory_space<semaphore_mem>>
      %dma_start3A = arith.constant 0 : i32
      %dma_start3A_379 = tpu.memref_slice %arg11[%add3A_184, %dma_start3A] : memref<10240x128xf32, #tpu.memory_space<vmem_shared>> -> memref<128x128xf32, #tpu.memory_space<vmem_shared>>
      %dma_start3A_380 = arith.constant 0 : i32
      %dma_start3A_381 = tpu.memref_slice %arg11[%add3A_184, %dma_start3A_380] : memref<10240x128xf32, #tpu.memory_space<vmem_shared>> -> memref<128x128xf32, #tpu.memory_space<vmem_shared>>
      tpu.enqueue_dma source(%dma_start3A_381 : memref<128x128xf32, #tpu.memory_space<vmem_shared>>) target(%arg9 : memref<128x128xf32, #tpu.memory_space<vmem>>) target_semaphore(%run_scoped3A_378 : memref<!tpu.dma_semaphore, #tpu.memory_space<semaphore_mem>>)
      %dma_wait3A = arith.constant 0 : i32
      %dma_wait3A_382 = tpu.memref_slice %arg11[%add3A_184, %dma_wait3A] : memref<10240x128xf32, #tpu.memory_space<vmem_shared>> -> memref<128x128xf32, #tpu.memory_space<vmem_shared>>
      %dma_wait3A_383 = arith.constant 0 : i32
      %dma_wait3A_384 = tpu.memref_slice %arg11[%add3A_184, %dma_wait3A_383] : memref<10240x128xf32, #tpu.memory_space<vmem_shared>> -> memref<128x128xf32, #tpu.memory_space<vmem_shared>>
      tpu.wait_dma2 semaphore(%run_scoped3A_378 : memref<!tpu.dma_semaphore, #tpu.memory_space<semaphore_mem>>) src(%dma_wait3A_384 : memref<128x128xf32, #tpu.memory_space<vmem_shared>>) dst(%arg9 : memref<128x128xf32, #tpu.memory_space<vmem>>)
      tpu.yield
    }) : () -> ()
    %scan3A_185 = arith.constant 0 : i32
    %scan3A_186 = arith.constant 0 : i32
    %scan3A_187 = arith.constant 128 : i32
    %scan3A_188 = arith.addi %scan3A_186, %scan3A_187 : i32
    %scan3A_189 = arith.constant 1 : i32
    scf.for %scan3A_378 = %scan3A_186 to %scan3A_188 step %scan3A_189  : i32 {
      %get3A = arith.index_cast %scan3A_378 : i32 to index
      %get3A_379 = arith.constant 0 : index
      %get3A_380 = tpu.vector_load %arg9[%get3A, %get3A_379] {strides = array<i32>} : memref<128x128xf32, #tpu.memory_space<vmem>>, vector<1x16xf32>,
      %get3A_381 = vector.shape_cast %get3A_380 : vector<1x16xf32> to vector<16xf32>
      %swap3A = arith.index_cast %scan3A_378 : i32 to index
      %swap3A_382 = arith.constant 0 : index
      %swap3A_383 = tpu.vector_load %arg10[%swap3A, %swap3A_382] {strides = array<i32>} : memref<128x16xf32, #tpu.memory_space<vmem>>, vector<1x16xf32>,
      %swap3A_384 = vector.shape_cast %swap3A_383 : vector<1x16xf32> to vector<16xf32>
      %swap3A_385 = vector.shape_cast %get3A_381 : vector<16xf32> to vector<1x16xf32>
      tpu.vector_store %arg10[%swap3A, %swap3A_382], %swap3A_385 {strides = array<i32>} : memref<128x16xf32, #tpu.memory_space<vmem>>, vector<1x16xf32>,
    }
    %scan3A_190 = arith.constant 128 : i32
    %run_scoped3A_191 = arith.constant 0 : i32
    "tpu.region"() ({
      %run_scoped3A_378 = tpu.sem_alloc : memref<!tpu.dma_semaphore, #tpu.memory_space<semaphore_mem>>
      %dma_start3A = arith.constant 0 : i32
      %dma_start3A_379 = tpu.memref_slice %arg6[%arg0, %run_scoped3A_191, %add3A_184, %dma_start3A] : memref<1x3x10240x16xf32, #tpu.memory_space<hbm>> -> memref<1x1x128x16xf32, #tpu.memory_space<hbm>>
      %dma_start3A_380 = tpu.memref_squeeze %dma_start3A_379 : memref<1x1x128x16xf32, #tpu.memory_space<hbm>> -> memref<128x16xf32, #tpu.memory_space<hbm>>
      %dma_start3A_381 = arith.constant 0 : i32
      %dma_start3A_382 = tpu.memref_slice %arg6[%arg0, %run_scoped3A_191, %add3A_184, %dma_start3A_381] : memref<1x3x10240x16xf32, #tpu.memory_space<hbm>> -> memref<1x1x128x16xf32, #tpu.memory_space<hbm>>
      %dma_start3A_383 = tpu.memref_squeeze %dma_start3A_382 : memref<1x1x128x16xf32, #tpu.memory_space<hbm>> -> memref<128x16xf32, #tpu.memory_space<hbm>>
      tpu.enqueue_dma source(%arg10 : memref<128x16xf32, #tpu.memory_space<vmem>>) target(%dma_start3A_383 : memref<128x16xf32, #tpu.memory_space<hbm>>) target_semaphore(%run_scoped3A_378 : memref<!tpu.dma_semaphore, #tpu.memory_space<semaphore_mem>>)
      %dma_wait3A = arith.constant 0 : i32
      %dma_wait3A_384 = tpu.memref_slice %arg6[%arg0, %run_scoped3A_191, %add3A_184, %dma_wait3A] : memref<1x3x10240x16xf32, #tpu.memory_space<hbm>> -> memref<1x1x128x16xf32, #tpu.memory_space<hbm>>
      %dma_wait3A_385 = tpu.memref_squeeze %dma_wait3A_384 : memref<1x1x128x16xf32, #tpu.memory_space<hbm>> -> memref<128x16xf32, #tpu.memory_space<hbm>>
      %dma_wait3A_386 = arith.constant 0 : i32
      %dma_wait3A_387 = tpu.memref_slice %arg6[%arg0, %run_scoped3A_191, %add3A_184, %dma_wait3A_386] : memref<1x3x10240x16xf32, #tpu.memory_space<hbm>> -> memref<1x1x128x16xf32, #tpu.memory_space<hbm>>
      %dma_wait3A_388 = tpu.memref_squeeze %dma_wait3A_387 : memref<1x1x128x16xf32, #tpu.memory_space<hbm>> -> memref<128x16xf32, #tpu.memory_space<hbm>>
      tpu.wait_dma2 semaphore(%run_scoped3A_378 : memref<!tpu.dma_semaphore, #tpu.memory_space<semaphore_mem>>) src(%arg10 : memref<128x16xf32, #tpu.memory_space<vmem>>) dst(%dma_wait3A_388 : memref<128x16xf32, #tpu.memory_space<hbm>>)
      tpu.yield
    }) : () -> ()
    %add3A_192 = arith.constant 256 : i32
    %add3A_193 = arith.addi %mul3A_5, %add3A_192 : i32
    "tpu.region"() ({
      %run_scoped3A_378 = tpu.sem_alloc : memref<!tpu.dma_semaphore, #tpu.memory_space<semaphore_mem>>
      %dma_start3A = arith.constant 0 : i32
      %dma_start3A_379 = tpu.memref_slice %arg11[%add3A_193, %dma_start3A] : memref<10240x128xf32, #tpu.memory_space<vmem_shared>> -> memref<128x128xf32, #tpu.memory_space<vmem_shared>>
      %dma_start3A_380 = arith.constant 0 : i32
      %dma_start3A_381 = tpu.memref_slice %arg11[%add3A_193, %dma_start3A_380] : memref<10240x128xf32, #tpu.memory_space<vmem_shared>> -> memref<128x128xf32, #tpu.memory_space<vmem_shared>>
      tpu.enqueue_dma source(%dma_start3A_381 : memref<128x128xf32, #tpu.memory_space<vmem_shared>>) target(%arg9 : memref<128x128xf32, #tpu.memory_space<vmem>>) target_semaphore(%run_scoped3A_378 : memref<!tpu.dma_semaphore, #tpu.memory_space<semaphore_mem>>)
      %dma_wait3A = arith.constant 0 : i32
      %dma_wait3A_382 = tpu.memref_slice %arg11[%add3A_193, %dma_wait3A] : memref<10240x128xf32, #tpu.memory_space<vmem_shared>> -> memref<128x128xf32, #tpu.memory_space<vmem_shared>>
      %dma_wait3A_383 = arith.constant 0 : i32
      %dma_wait3A_384 = tpu.memref_slice %arg11[%add3A_193, %dma_wait3A_383] : memref<10240x128xf32, #tpu.memory_space<vmem_shared>> -> memref<128x128xf32, #tpu.memory_space<vmem_shared>>
      tpu.wait_dma2 semaphore(%run_scoped3A_378 : memref<!tpu.dma_semaphore, #tpu.memory_space<semaphore_mem>>) src(%dma_wait3A_384 : memref<128x128xf32, #tpu.memory_space<vmem_shared>>) dst(%arg9 : memref<128x128xf32, #tpu.memory_space<vmem>>)
      tpu.yield
    }) : () -> ()
    %scan3A_194 = arith.constant 0 : i32
    %scan3A_195 = arith.constant 0 : i32
    %scan3A_196 = arith.constant 128 : i32
    %scan3A_197 = arith.addi %scan3A_195, %scan3A_196 : i32
    %scan3A_198 = arith.constant 1 : i32
    scf.for %scan3A_378 = %scan3A_195 to %scan3A_197 step %scan3A_198  : i32 {
      %get3A = arith.index_cast %scan3A_378 : i32 to index
      %get3A_379 = arith.constant 0 : index
      %get3A_380 = tpu.vector_load %arg9[%get3A, %get3A_379] {strides = array<i32>} : memref<128x128xf32, #tpu.memory_space<vmem>>, vector<1x16xf32>,
      %get3A_381 = vector.shape_cast %get3A_380 : vector<1x16xf32> to vector<16xf32>
      %swap3A = arith.index_cast %scan3A_378 : i32 to index
      %swap3A_382 = arith.constant 0 : index
      %swap3A_383 = tpu.vector_load %arg10[%swap3A, %swap3A_382] {strides = array<i32>} : memref<128x16xf32, #tpu.memory_space<vmem>>, vector<1x16xf32>,
      %swap3A_384 = vector.shape_cast %swap3A_383 : vector<1x16xf32> to vector<16xf32>
      %swap3A_385 = vector.shape_cast %get3A_381 : vector<16xf32> to vector<1x16xf32>
      tpu.vector_store %arg10[%swap3A, %swap3A_382], %swap3A_385 {strides = array<i32>} : memref<128x16xf32, #tpu.memory_space<vmem>>, vector<1x16xf32>,
    }
    %scan3A_199 = arith.constant 128 : i32
    %run_scoped3A_200 = arith.constant 0 : i32
    "tpu.region"() ({
      %run_scoped3A_378 = tpu.sem_alloc : memref<!tpu.dma_semaphore, #tpu.memory_space<semaphore_mem>>
      %dma_start3A = arith.constant 0 : i32
      %dma_start3A_379 = tpu.memref_slice %arg6[%arg0, %run_scoped3A_200, %add3A_193, %dma_start3A] : memref<1x3x10240x16xf32, #tpu.memory_space<hbm>> -> memref<1x1x128x16xf32, #tpu.memory_space<hbm>>
      %dma_start3A_380 = tpu.memref_squeeze %dma_start3A_379 : memref<1x1x128x16xf32, #tpu.memory_space<hbm>> -> memref<128x16xf32, #tpu.memory_space<hbm>>
      %dma_start3A_381 = arith.constant 0 : i32
      %dma_start3A_382 = tpu.memref_slice %arg6[%arg0, %run_scoped3A_200, %add3A_193, %dma_start3A_381] : memref<1x3x10240x16xf32, #tpu.memory_space<hbm>> -> memref<1x1x128x16xf32, #tpu.memory_space<hbm>>
      %dma_start3A_383 = tpu.memref_squeeze %dma_start3A_382 : memref<1x1x128x16xf32, #tpu.memory_space<hbm>> -> memref<128x16xf32, #tpu.memory_space<hbm>>
      tpu.enqueue_dma source(%arg10 : memref<128x16xf32, #tpu.memory_space<vmem>>) target(%dma_start3A_383 : memref<128x16xf32, #tpu.memory_space<hbm>>) target_semaphore(%run_scoped3A_378 : memref<!tpu.dma_semaphore, #tpu.memory_space<semaphore_mem>>)
      %dma_wait3A = arith.constant 0 : i32
      %dma_wait3A_384 = tpu.memref_slice %arg6[%arg0, %run_scoped3A_200, %add3A_193, %dma_wait3A] : memref<1x3x10240x16xf32, #tpu.memory_space<hbm>> -> memref<1x1x128x16xf32, #tpu.memory_space<hbm>>
      %dma_wait3A_385 = tpu.memref_squeeze %dma_wait3A_384 : memref<1x1x128x16xf32, #tpu.memory_space<hbm>> -> memref<128x16xf32, #tpu.memory_space<hbm>>
      %dma_wait3A_386 = arith.constant 0 : i32
      %dma_wait3A_387 = tpu.memref_slice %arg6[%arg0, %run_scoped3A_200, %add3A_193, %dma_wait3A_386] : memref<1x3x10240x16xf32, #tpu.memory_space<hbm>> -> memref<1x1x128x16xf32, #tpu.memory_space<hbm>>
      %dma_wait3A_388 = tpu.memref_squeeze %dma_wait3A_387 : memref<1x1x128x16xf32, #tpu.memory_space<hbm>> -> memref<128x16xf32, #tpu.memory_space<hbm>>
      tpu.wait_dma2 semaphore(%run_scoped3A_378 : memref<!tpu.dma_semaphore, #tpu.memory_space<semaphore_mem>>) src(%arg10 : memref<128x16xf32, #tpu.memory_space<vmem>>) dst(%dma_wait3A_388 : memref<128x16xf32, #tpu.memory_space<hbm>>)
      tpu.yield
    }) : () -> ()
    %add3A_201 = arith.constant 384 : i32
    %add3A_202 = arith.addi %mul3A_5, %add3A_201 : i32
    "tpu.region"() ({
      %run_scoped3A_378 = tpu.sem_alloc : memref<!tpu.dma_semaphore, #tpu.memory_space<semaphore_mem>>
      %dma_start3A = arith.constant 0 : i32
      %dma_start3A_379 = tpu.memref_slice %arg11[%add3A_202, %dma_start3A] : memref<10240x128xf32, #tpu.memory_space<vmem_shared>> -> memref<128x128xf32, #tpu.memory_space<vmem_shared>>
      %dma_start3A_380 = arith.constant 0 : i32
      %dma_start3A_381 = tpu.memref_slice %arg11[%add3A_202, %dma_start3A_380] : memref<10240x128xf32, #tpu.memory_space<vmem_shared>> -> memref<128x128xf32, #tpu.memory_space<vmem_shared>>
      tpu.enqueue_dma source(%dma_start3A_381 : memref<128x128xf32, #tpu.memory_space<vmem_shared>>) target(%arg9 : memref<128x128xf32, #tpu.memory_space<vmem>>) target_semaphore(%run_scoped3A_378 : memref<!tpu.dma_semaphore, #tpu.memory_space<semaphore_mem>>)
      %dma_wait3A = arith.constant 0 : i32
      %dma_wait3A_382 = tpu.memref_slice %arg11[%add3A_202, %dma_wait3A] : memref<10240x128xf32, #tpu.memory_space<vmem_shared>> -> memref<128x128xf32, #tpu.memory_space<vmem_shared>>
      %dma_wait3A_383 = arith.constant 0 : i32
      %dma_wait3A_384 = tpu.memref_slice %arg11[%add3A_202, %dma_wait3A_383] : memref<10240x128xf32, #tpu.memory_space<vmem_shared>> -> memref<128x128xf32, #tpu.memory_space<vmem_shared>>
      tpu.wait_dma2 semaphore(%run_scoped3A_378 : memref<!tpu.dma_semaphore, #tpu.memory_space<semaphore_mem>>) src(%dma_wait3A_384 : memref<128x128xf32, #tpu.memory_space<vmem_shared>>) dst(%arg9 : memref<128x128xf32, #tpu.memory_space<vmem>>)
      tpu.yield
    }) : () -> ()
    %scan3A_203 = arith.constant 0 : i32
    %scan3A_204 = arith.constant 0 : i32
    %scan3A_205 = arith.constant 128 : i32
    %scan3A_206 = arith.addi %scan3A_204, %scan3A_205 : i32
    %scan3A_207 = arith.constant 1 : i32
    scf.for %scan3A_378 = %scan3A_204 to %scan3A_206 step %scan3A_207  : i32 {
      %get3A = arith.index_cast %scan3A_378 : i32 to index
      %get3A_379 = arith.constant 0 : index
      %get3A_380 = tpu.vector_load %arg9[%get3A, %get3A_379] {strides = array<i32>} : memref<128x128xf32, #tpu.memory_space<vmem>>, vector<1x16xf32>,
      %get3A_381 = vector.shape_cast %get3A_380 : vector<1x16xf32> to vector<16xf32>
      %swap3A = arith.index_cast %scan3A_378 : i32 to index
      %swap3A_382 = arith.constant 0 : index
      %swap3A_383 = tpu.vector_load %arg10[%swap3A, %swap3A_382] {strides = array<i32>} : memref<128x16xf32, #tpu.memory_space<vmem>>, vector<1x16xf32>,
      %swap3A_384 = vector.shape_cast %swap3A_383 : vector<1x16xf32> to vector<16xf32>
      %swap3A_385 = vector.shape_cast %get3A_381 : vector<16xf32> to vector<1x16xf32>
      tpu.vector_store %arg10[%swap3A, %swap3A_382], %swap3A_385 {strides = array<i32>} : memref<128x16xf32, #tpu.memory_space<vmem>>, vector<1x16xf32>,
    }
    %scan3A_208 = arith.constant 128 : i32
    %run_scoped3A_209 = arith.constant 0 : i32
    "tpu.region"() ({
      %run_scoped3A_378 = tpu.sem_alloc : memref<!tpu.dma_semaphore, #tpu.memory_space<semaphore_mem>>
      %dma_start3A = arith.constant 0 : i32
      %dma_start3A_379 = tpu.memref_slice %arg6[%arg0, %run_scoped3A_209, %add3A_202, %dma_start3A] : memref<1x3x10240x16xf32, #tpu.memory_space<hbm>> -> memref<1x1x128x16xf32, #tpu.memory_space<hbm>>
      %dma_start3A_380 = tpu.memref_squeeze %dma_start3A_379 : memref<1x1x128x16xf32, #tpu.memory_space<hbm>> -> memref<128x16xf32, #tpu.memory_space<hbm>>
      %dma_start3A_381 = arith.constant 0 : i32
      %dma_start3A_382 = tpu.memref_slice %arg6[%arg0, %run_scoped3A_209, %add3A_202, %dma_start3A_381] : memref<1x3x10240x16xf32, #tpu.memory_space<hbm>> -> memref<1x1x128x16xf32, #tpu.memory_space<hbm>>
      %dma_start3A_383 = tpu.memref_squeeze %dma_start3A_382 : memref<1x1x128x16xf32, #tpu.memory_space<hbm>> -> memref<128x16xf32, #tpu.memory_space<hbm>>
      tpu.enqueue_dma source(%arg10 : memref<128x16xf32, #tpu.memory_space<vmem>>) target(%dma_start3A_383 : memref<128x16xf32, #tpu.memory_space<hbm>>) target_semaphore(%run_scoped3A_378 : memref<!tpu.dma_semaphore, #tpu.memory_space<semaphore_mem>>)
      %dma_wait3A = arith.constant 0 : i32
      %dma_wait3A_384 = tpu.memref_slice %arg6[%arg0, %run_scoped3A_209, %add3A_202, %dma_wait3A] : memref<1x3x10240x16xf32, #tpu.memory_space<hbm>> -> memref<1x1x128x16xf32, #tpu.memory_space<hbm>>
      %dma_wait3A_385 = tpu.memref_squeeze %dma_wait3A_384 : memref<1x1x128x16xf32, #tpu.memory_space<hbm>> -> memref<128x16xf32, #tpu.memory_space<hbm>>
      %dma_wait3A_386 = arith.constant 0 : i32
      %dma_wait3A_387 = tpu.memref_slice %arg6[%arg0, %run_scoped3A_209, %add3A_202, %dma_wait3A_386] : memref<1x3x10240x16xf32, #tpu.memory_space<hbm>> -> memref<1x1x128x16xf32, #tpu.memory_space<hbm>>
      %dma_wait3A_388 = tpu.memref_squeeze %dma_wait3A_387 : memref<1x1x128x16xf32, #tpu.memory_space<hbm>> -> memref<128x16xf32, #tpu.memory_space<hbm>>
      tpu.wait_dma2 semaphore(%run_scoped3A_378 : memref<!tpu.dma_semaphore, #tpu.memory_space<semaphore_mem>>) src(%arg10 : memref<128x16xf32, #tpu.memory_space<vmem>>) dst(%dma_wait3A_388 : memref<128x16xf32, #tpu.memory_space<hbm>>)
      tpu.yield
    }) : () -> ()
    %add3A_210 = arith.constant 512 : i32
    %add3A_211 = arith.addi %mul3A_5, %add3A_210 : i32
    "tpu.region"() ({
      %run_scoped3A_378 = tpu.sem_alloc : memref<!tpu.dma_semaphore, #tpu.memory_space<semaphore_mem>>
      %dma_start3A = arith.constant 0 : i32
      %dma_start3A_379 = tpu.memref_slice %arg11[%add3A_211, %dma_start3A] : memref<10240x128xf32, #tpu.memory_space<vmem_shared>> -> memref<128x128xf32, #tpu.memory_space<vmem_shared>>
      %dma_start3A_380 = arith.constant 0 : i32
      %dma_start3A_381 = tpu.memref_slice %arg11[%add3A_211, %dma_start3A_380] : memref<10240x128xf32, #tpu.memory_space<vmem_shared>> -> memref<128x128xf32, #tpu.memory_space<vmem_shared>>
      tpu.enqueue_dma source(%dma_start3A_381 : memref<128x128xf32, #tpu.memory_space<vmem_shared>>) target(%arg9 : memref<128x128xf32, #tpu.memory_space<vmem>>) target_semaphore(%run_scoped3A_378 : memref<!tpu.dma_semaphore, #tpu.memory_space<semaphore_mem>>)
      %dma_wait3A = arith.constant 0 : i32
      %dma_wait3A_382 = tpu.memref_slice %arg11[%add3A_211, %dma_wait3A] : memref<10240x128xf32, #tpu.memory_space<vmem_shared>> -> memref<128x128xf32, #tpu.memory_space<vmem_shared>>
      %dma_wait3A_383 = arith.constant 0 : i32
      %dma_wait3A_384 = tpu.memref_slice %arg11[%add3A_211, %dma_wait3A_383] : memref<10240x128xf32, #tpu.memory_space<vmem_shared>> -> memref<128x128xf32, #tpu.memory_space<vmem_shared>>
      tpu.wait_dma2 semaphore(%run_scoped3A_378 : memref<!tpu.dma_semaphore, #tpu.memory_space<semaphore_mem>>) src(%dma_wait3A_384 : memref<128x128xf32, #tpu.memory_space<vmem_shared>>) dst(%arg9 : memref<128x128xf32, #tpu.memory_space<vmem>>)
      tpu.yield
    }) : () -> ()
    %scan3A_212 = arith.constant 0 : i32
    %scan3A_213 = arith.constant 0 : i32
    %scan3A_214 = arith.constant 128 : i32
    %scan3A_215 = arith.addi %scan3A_213, %scan3A_214 : i32
    %scan3A_216 = arith.constant 1 : i32
    scf.for %scan3A_378 = %scan3A_213 to %scan3A_215 step %scan3A_216  : i32 {
      %get3A = arith.index_cast %scan3A_378 : i32 to index
      %get3A_379 = arith.constant 0 : index
      %get3A_380 = tpu.vector_load %arg9[%get3A, %get3A_379] {strides = array<i32>} : memref<128x128xf32, #tpu.memory_space<vmem>>, vector<1x16xf32>,
      %get3A_381 = vector.shape_cast %get3A_380 : vector<1x16xf32> to vector<16xf32>
      %swap3A = arith.index_cast %scan3A_378 : i32 to index
      %swap3A_382 = arith.constant 0 : index
      %swap3A_383 = tpu.vector_load %arg10[%swap3A, %swap3A_382] {strides = array<i32>} : memref<128x16xf32, #tpu.memory_space<vmem>>, vector<1x16xf32>,
      %swap3A_384 = vector.shape_cast %swap3A_383 : vector<1x16xf32> to vector<16xf32>
      %swap3A_385 = vector.shape_cast %get3A_381 : vector<16xf32> to vector<1x16xf32>
      tpu.vector_store %arg10[%swap3A, %swap3A_382], %swap3A_385 {strides = array<i32>} : memref<128x16xf32, #tpu.memory_space<vmem>>, vector<1x16xf32>,
    }
    %scan3A_217 = arith.constant 128 : i32
    %run_scoped3A_218 = arith.constant 0 : i32
    "tpu.region"() ({
      %run_scoped3A_378 = tpu.sem_alloc : memref<!tpu.dma_semaphore, #tpu.memory_space<semaphore_mem>>
      %dma_start3A = arith.constant 0 : i32
      %dma_start3A_379 = tpu.memref_slice %arg6[%arg0, %run_scoped3A_218, %add3A_211, %dma_start3A] : memref<1x3x10240x16xf32, #tpu.memory_space<hbm>> -> memref<1x1x128x16xf32, #tpu.memory_space<hbm>>
      %dma_start3A_380 = tpu.memref_squeeze %dma_start3A_379 : memref<1x1x128x16xf32, #tpu.memory_space<hbm>> -> memref<128x16xf32, #tpu.memory_space<hbm>>
      %dma_start3A_381 = arith.constant 0 : i32
      %dma_start3A_382 = tpu.memref_slice %arg6[%arg0, %run_scoped3A_218, %add3A_211, %dma_start3A_381] : memref<1x3x10240x16xf32, #tpu.memory_space<hbm>> -> memref<1x1x128x16xf32, #tpu.memory_space<hbm>>
      %dma_start3A_383 = tpu.memref_squeeze %dma_start3A_382 : memref<1x1x128x16xf32, #tpu.memory_space<hbm>> -> memref<128x16xf32, #tpu.memory_space<hbm>>
      tpu.enqueue_dma source(%arg10 : memref<128x16xf32, #tpu.memory_space<vmem>>) target(%dma_start3A_383 : memref<128x16xf32, #tpu.memory_space<hbm>>) target_semaphore(%run_scoped3A_378 : memref<!tpu.dma_semaphore, #tpu.memory_space<semaphore_mem>>)
      %dma_wait3A = arith.constant 0 : i32
      %dma_wait3A_384 = tpu.memref_slice %arg6[%arg0, %run_scoped3A_218, %add3A_211, %dma_wait3A] : memref<1x3x10240x16xf32, #tpu.memory_space<hbm>> -> memref<1x1x128x16xf32, #tpu.memory_space<hbm>>
      %dma_wait3A_385 = tpu.memref_squeeze %dma_wait3A_384 : memref<1x1x128x16xf32, #tpu.memory_space<hbm>> -> memref<128x16xf32, #tpu.memory_space<hbm>>
      %dma_wait3A_386 = arith.constant 0 : i32
      %dma_wait3A_387 = tpu.memref_slice %arg6[%arg0, %run_scoped3A_218, %add3A_211, %dma_wait3A_386] : memref<1x3x10240x16xf32, #tpu.memory_space<hbm>> -> memref<1x1x128x16xf32, #tpu.memory_space<hbm>>
      %dma_wait3A_388 = tpu.memref_squeeze %dma_wait3A_387 : memref<1x1x128x16xf32, #tpu.memory_space<hbm>> -> memref<128x16xf32, #tpu.memory_space<hbm>>
      tpu.wait_dma2 semaphore(%run_scoped3A_378 : memref<!tpu.dma_semaphore, #tpu.memory_space<semaphore_mem>>) src(%arg10 : memref<128x16xf32, #tpu.memory_space<vmem>>) dst(%dma_wait3A_388 : memref<128x16xf32, #tpu.memory_space<hbm>>)
      tpu.yield
    }) : () -> ()
    %barrier3A_219 = arith.constant 0 : index
    tpu.barrier barrier_id(%barrier3A_219)
    %scan3A_220 = arith.constant 0 : i32
    %scan3A_221 = arith.constant 0 : i32
    %scan3A_222 = arith.constant 128 : i32
    %scan3A_223 = arith.addi %scan3A_221, %scan3A_222 : i32
    %scan3A_224 = arith.constant 1 : i32
    scf.for %scan3A_378 = %scan3A_221 to %scan3A_223 step %scan3A_224  : i32 {
      %swap3A = arith.index_cast %scan3A_378 : i32 to index
      %swap3A_379 = arith.constant 0 : index
      %swap3A_380 = tpu.vector_load %arg9[%swap3A, %swap3A_379] {strides = array<i32>} : memref<128x128xf32, #tpu.memory_space<vmem>>, vector<1x16xf32>,
      %swap3A_381 = vector.shape_cast %swap3A_380 : vector<1x16xf32> to vector<16xf32>
      %swap3A_382 = vector.shape_cast %broadcast_in_dim3A_1 : vector<16xf32> to vector<1x16xf32>
      tpu.vector_store %arg9[%swap3A, %swap3A_379], %swap3A_382 {strides = array<i32>} : memref<128x128xf32, #tpu.memory_space<vmem>>, vector<1x16xf32>,
      %swap3A_383 = arith.index_cast %scan3A_378 : i32 to index
      %swap3A_384 = arith.constant 16 : index
      %swap3A_385 = tpu.vector_load %arg9[%swap3A_383, %swap3A_384] {strides = array<i32>} : memref<128x128xf32, #tpu.memory_space<vmem>>, vector<1x16xf32>,
      %swap3A_386 = vector.shape_cast %swap3A_385 : vector<1x16xf32> to vector<16xf32>
      %swap3A_387 = vector.shape_cast %broadcast_in_dim3A_1 : vector<16xf32> to vector<1x16xf32>
      tpu.vector_store %arg9[%swap3A_383, %swap3A_384], %swap3A_387 {strides = array<i32>} : memref<128x128xf32, #tpu.memory_space<vmem>>, vector<1x16xf32>,
      %swap3A_388 = arith.index_cast %scan3A_378 : i32 to index
      %swap3A_389 = arith.constant 32 : index
      %swap3A_390 = tpu.vector_load %arg9[%swap3A_388, %swap3A_389] {strides = array<i32>} : memref<128x128xf32, #tpu.memory_space<vmem>>, vector<1x16xf32>,
      %swap3A_391 = vector.shape_cast %swap3A_390 : vector<1x16xf32> to vector<16xf32>
      %swap3A_392 = vector.shape_cast %broadcast_in_dim3A_1 : vector<16xf32> to vector<1x16xf32>
      tpu.vector_store %arg9[%swap3A_388, %swap3A_389], %swap3A_392 {strides = array<i32>} : memref<128x128xf32, #tpu.memory_space<vmem>>, vector<1x16xf32>,
      %swap3A_393 = arith.index_cast %scan3A_378 : i32 to index
      %swap3A_394 = arith.constant 48 : index
      %swap3A_395 = tpu.vector_load %arg9[%swap3A_393, %swap3A_394] {strides = array<i32>} : memref<128x128xf32, #tpu.memory_space<vmem>>, vector<1x16xf32>,
      %swap3A_396 = vector.shape_cast %swap3A_395 : vector<1x16xf32> to vector<16xf32>
      %swap3A_397 = vector.shape_cast %broadcast_in_dim3A_1 : vector<16xf32> to vector<1x16xf32>
      tpu.vector_store %arg9[%swap3A_393, %swap3A_394], %swap3A_397 {strides = array<i32>} : memref<128x128xf32, #tpu.memory_space<vmem>>, vector<1x16xf32>,
      %swap3A_398 = arith.index_cast %scan3A_378 : i32 to index
      %swap3A_399 = arith.constant 64 : index
      %swap3A_400 = tpu.vector_load %arg9[%swap3A_398, %swap3A_399] {strides = array<i32>} : memref<128x128xf32, #tpu.memory_space<vmem>>, vector<1x16xf32>,
      %swap3A_401 = vector.shape_cast %swap3A_400 : vector<1x16xf32> to vector<16xf32>
      %swap3A_402 = vector.shape_cast %broadcast_in_dim3A_1 : vector<16xf32> to vector<1x16xf32>
      tpu.vector_store %arg9[%swap3A_398, %swap3A_399], %swap3A_402 {strides = array<i32>} : memref<128x128xf32, #tpu.memory_space<vmem>>, vector<1x16xf32>,
      %swap3A_403 = arith.index_cast %scan3A_378 : i32 to index
      %swap3A_404 = arith.constant 80 : index
      %swap3A_405 = tpu.vector_load %arg9[%swap3A_403, %swap3A_404] {strides = array<i32>} : memref<128x128xf32, #tpu.memory_space<vmem>>, vector<1x16xf32>,
      %swap3A_406 = vector.shape_cast %swap3A_405 : vector<1x16xf32> to vector<16xf32>
      %swap3A_407 = vector.shape_cast %broadcast_in_dim3A_1 : vector<16xf32> to vector<1x16xf32>
      tpu.vector_store %arg9[%swap3A_403, %swap3A_404], %swap3A_407 {strides = array<i32>} : memref<128x128xf32, #tpu.memory_space<vmem>>, vector<1x16xf32>,
      %swap3A_408 = arith.index_cast %scan3A_378 : i32 to index
      %swap3A_409 = arith.constant 96 : index
      %swap3A_410 = tpu.vector_load %arg9[%swap3A_408, %swap3A_409] {strides = array<i32>} : memref<128x128xf32, #tpu.memory_space<vmem>>, vector<1x16xf32>,
      %swap3A_411 = vector.shape_cast %swap3A_410 : vector<1x16xf32> to vector<16xf32>
      %swap3A_412 = vector.shape_cast %broadcast_in_dim3A_1 : vector<16xf32> to vector<1x16xf32>
      tpu.vector_store %arg9[%swap3A_408, %swap3A_409], %swap3A_412 {strides = array<i32>} : memref<128x128xf32, #tpu.memory_space<vmem>>, vector<1x16xf32>,
      %swap3A_413 = arith.index_cast %scan3A_378 : i32 to index
      %swap3A_414 = arith.constant 112 : index
      %swap3A_415 = tpu.vector_load %arg9[%swap3A_413, %swap3A_414] {strides = array<i32>} : memref<128x128xf32, #tpu.memory_space<vmem>>, vector<1x16xf32>,
      %swap3A_416 = vector.shape_cast %swap3A_415 : vector<1x16xf32> to vector<16xf32>
      %swap3A_417 = vector.shape_cast %broadcast_in_dim3A_1 : vector<16xf32> to vector<1x16xf32>
      tpu.vector_store %arg9[%swap3A_413, %swap3A_414], %swap3A_417 {strides = array<i32>} : memref<128x128xf32, #tpu.memory_space<vmem>>, vector<1x16xf32>,
    }
    %scan3A_225 = arith.constant 128 : i32
    %add3A_226 = arith.constant 0 : i32
    %add3A_227 = arith.addi %mul3A_5, %add3A_226 : i32
    "tpu.region"() ({
      %run_scoped3A_378 = tpu.sem_alloc : memref<!tpu.dma_semaphore, #tpu.memory_space<semaphore_mem>>
      %dma_start3A = arith.constant 0 : i32
      %dma_start3A_379 = tpu.memref_slice %arg11[%add3A_227, %dma_start3A] : memref<10240x128xf32, #tpu.memory_space<vmem_shared>> -> memref<128x128xf32, #tpu.memory_space<vmem_shared>>
      %dma_start3A_380 = arith.constant 0 : i32
      %dma_start3A_381 = tpu.memref_slice %arg11[%add3A_227, %dma_start3A_380] : memref<10240x128xf32, #tpu.memory_space<vmem_shared>> -> memref<128x128xf32, #tpu.memory_space<vmem_shared>>
      tpu.enqueue_dma source(%arg9 : memref<128x128xf32, #tpu.memory_space<vmem>>) target(%dma_start3A_381 : memref<128x128xf32, #tpu.memory_space<vmem_shared>>) target_semaphore(%run_scoped3A_378 : memref<!tpu.dma_semaphore, #tpu.memory_space<semaphore_mem>>)
      %dma_wait3A = arith.constant 0 : i32
      %dma_wait3A_382 = tpu.memref_slice %arg11[%add3A_227, %dma_wait3A] : memref<10240x128xf32, #tpu.memory_space<vmem_shared>> -> memref<128x128xf32, #tpu.memory_space<vmem_shared>>
      %dma_wait3A_383 = arith.constant 0 : i32
      %dma_wait3A_384 = tpu.memref_slice %arg11[%add3A_227, %dma_wait3A_383] : memref<10240x128xf32, #tpu.memory_space<vmem_shared>> -> memref<128x128xf32, #tpu.memory_space<vmem_shared>>
      tpu.wait_dma2 semaphore(%run_scoped3A_378 : memref<!tpu.dma_semaphore, #tpu.memory_space<semaphore_mem>>) src(%arg9 : memref<128x128xf32, #tpu.memory_space<vmem>>) dst(%dma_wait3A_384 : memref<128x128xf32, #tpu.memory_space<vmem_shared>>)
      tpu.yield
    }) : () -> ()
    %add3A_228 = arith.constant 128 : i32
    %add3A_229 = arith.addi %mul3A_5, %add3A_228 : i32
    "tpu.region"() ({
      %run_scoped3A_378 = tpu.sem_alloc : memref<!tpu.dma_semaphore, #tpu.memory_space<semaphore_mem>>
      %dma_start3A = arith.constant 0 : i32
      %dma_start3A_379 = tpu.memref_slice %arg11[%add3A_229, %dma_start3A] : memref<10240x128xf32, #tpu.memory_space<vmem_shared>> -> memref<128x128xf32, #tpu.memory_space<vmem_shared>>
      %dma_start3A_380 = arith.constant 0 : i32
      %dma_start3A_381 = tpu.memref_slice %arg11[%add3A_229, %dma_start3A_380] : memref<10240x128xf32, #tpu.memory_space<vmem_shared>> -> memref<128x128xf32, #tpu.memory_space<vmem_shared>>
      tpu.enqueue_dma source(%arg9 : memref<128x128xf32, #tpu.memory_space<vmem>>) target(%dma_start3A_381 : memref<128x128xf32, #tpu.memory_space<vmem_shared>>) target_semaphore(%run_scoped3A_378 : memref<!tpu.dma_semaphore, #tpu.memory_space<semaphore_mem>>)
      %dma_wait3A = arith.constant 0 : i32
      %dma_wait3A_382 = tpu.memref_slice %arg11[%add3A_229, %dma_wait3A] : memref<10240x128xf32, #tpu.memory_space<vmem_shared>> -> memref<128x128xf32, #tpu.memory_space<vmem_shared>>
      %dma_wait3A_383 = arith.constant 0 : i32
      %dma_wait3A_384 = tpu.memref_slice %arg11[%add3A_229, %dma_wait3A_383] : memref<10240x128xf32, #tpu.memory_space<vmem_shared>> -> memref<128x128xf32, #tpu.memory_space<vmem_shared>>
      tpu.wait_dma2 semaphore(%run_scoped3A_378 : memref<!tpu.dma_semaphore, #tpu.memory_space<semaphore_mem>>) src(%arg9 : memref<128x128xf32, #tpu.memory_space<vmem>>) dst(%dma_wait3A_384 : memref<128x128xf32, #tpu.memory_space<vmem_shared>>)
      tpu.yield
    }) : () -> ()
    %add3A_230 = arith.constant 256 : i32
    %add3A_231 = arith.addi %mul3A_5, %add3A_230 : i32
    "tpu.region"() ({
      %run_scoped3A_378 = tpu.sem_alloc : memref<!tpu.dma_semaphore, #tpu.memory_space<semaphore_mem>>
      %dma_start3A = arith.constant 0 : i32
      %dma_start3A_379 = tpu.memref_slice %arg11[%add3A_231, %dma_start3A] : memref<10240x128xf32, #tpu.memory_space<vmem_shared>> -> memref<128x128xf32, #tpu.memory_space<vmem_shared>>
      %dma_start3A_380 = arith.constant 0 : i32
      %dma_start3A_381 = tpu.memref_slice %arg11[%add3A_231, %dma_start3A_380] : memref<10240x128xf32, #tpu.memory_space<vmem_shared>> -> memref<128x128xf32, #tpu.memory_space<vmem_shared>>
      tpu.enqueue_dma source(%arg9 : memref<128x128xf32, #tpu.memory_space<vmem>>) target(%dma_start3A_381 : memref<128x128xf32, #tpu.memory_space<vmem_shared>>) target_semaphore(%run_scoped3A_378 : memref<!tpu.dma_semaphore, #tpu.memory_space<semaphore_mem>>)
      %dma_wait3A = arith.constant 0 : i32
      %dma_wait3A_382 = tpu.memref_slice %arg11[%add3A_231, %dma_wait3A] : memref<10240x128xf32, #tpu.memory_space<vmem_shared>> -> memref<128x128xf32, #tpu.memory_space<vmem_shared>>
      %dma_wait3A_383 = arith.constant 0 : i32
      %dma_wait3A_384 = tpu.memref_slice %arg11[%add3A_231, %dma_wait3A_383] : memref<10240x128xf32, #tpu.memory_space<vmem_shared>> -> memref<128x128xf32, #tpu.memory_space<vmem_shared>>
      tpu.wait_dma2 semaphore(%run_scoped3A_378 : memref<!tpu.dma_semaphore, #tpu.memory_space<semaphore_mem>>) src(%arg9 : memref<128x128xf32, #tpu.memory_space<vmem>>) dst(%dma_wait3A_384 : memref<128x128xf32, #tpu.memory_space<vmem_shared>>)
      tpu.yield
    }) : () -> ()
    %add3A_232 = arith.constant 384 : i32
    %add3A_233 = arith.addi %mul3A_5, %add3A_232 : i32
    "tpu.region"() ({
      %run_scoped3A_378 = tpu.sem_alloc : memref<!tpu.dma_semaphore, #tpu.memory_space<semaphore_mem>>
      %dma_start3A = arith.constant 0 : i32
      %dma_start3A_379 = tpu.memref_slice %arg11[%add3A_233, %dma_start3A] : memref<10240x128xf32, #tpu.memory_space<vmem_shared>> -> memref<128x128xf32, #tpu.memory_space<vmem_shared>>
      %dma_start3A_380 = arith.constant 0 : i32
      %dma_start3A_381 = tpu.memref_slice %arg11[%add3A_233, %dma_start3A_380] : memref<10240x128xf32, #tpu.memory_space<vmem_shared>> -> memref<128x128xf32, #tpu.memory_space<vmem_shared>>
      tpu.enqueue_dma source(%arg9 : memref<128x128xf32, #tpu.memory_space<vmem>>) target(%dma_start3A_381 : memref<128x128xf32, #tpu.memory_space<vmem_shared>>) target_semaphore(%run_scoped3A_378 : memref<!tpu.dma_semaphore, #tpu.memory_space<semaphore_mem>>)
      %dma_wait3A = arith.constant 0 : i32
      %dma_wait3A_382 = tpu.memref_slice %arg11[%add3A_233, %dma_wait3A] : memref<10240x128xf32, #tpu.memory_space<vmem_shared>> -> memref<128x128xf32, #tpu.memory_space<vmem_shared>>
      %dma_wait3A_383 = arith.constant 0 : i32
      %dma_wait3A_384 = tpu.memref_slice %arg11[%add3A_233, %dma_wait3A_383] : memref<10240x128xf32, #tpu.memory_space<vmem_shared>> -> memref<128x128xf32, #tpu.memory_space<vmem_shared>>
      tpu.wait_dma2 semaphore(%run_scoped3A_378 : memref<!tpu.dma_semaphore, #tpu.memory_space<semaphore_mem>>) src(%arg9 : memref<128x128xf32, #tpu.memory_space<vmem>>) dst(%dma_wait3A_384 : memref<128x128xf32, #tpu.memory_space<vmem_shared>>)
      tpu.yield
    }) : () -> ()
    %add3A_234 = arith.constant 512 : i32
    %add3A_235 = arith.addi %mul3A_5, %add3A_234 : i32
    "tpu.region"() ({
      %run_scoped3A_378 = tpu.sem_alloc : memref<!tpu.dma_semaphore, #tpu.memory_space<semaphore_mem>>
      %dma_start3A = arith.constant 0 : i32
      %dma_start3A_379 = tpu.memref_slice %arg11[%add3A_235, %dma_start3A] : memref<10240x128xf32, #tpu.memory_space<vmem_shared>> -> memref<128x128xf32, #tpu.memory_space<vmem_shared>>
      %dma_start3A_380 = arith.constant 0 : i32
      %dma_start3A_381 = tpu.memref_slice %arg11[%add3A_235, %dma_start3A_380] : memref<10240x128xf32, #tpu.memory_space<vmem_shared>> -> memref<128x128xf32, #tpu.memory_space<vmem_shared>>
      tpu.enqueue_dma source(%arg9 : memref<128x128xf32, #tpu.memory_space<vmem>>) target(%dma_start3A_381 : memref<128x128xf32, #tpu.memory_space<vmem_shared>>) target_semaphore(%run_scoped3A_378 : memref<!tpu.dma_semaphore, #tpu.memory_space<semaphore_mem>>)
      %dma_wait3A = arith.constant 0 : i32
      %dma_wait3A_382 = tpu.memref_slice %arg11[%add3A_235, %dma_wait3A] : memref<10240x128xf32, #tpu.memory_space<vmem_shared>> -> memref<128x128xf32, #tpu.memory_space<vmem_shared>>
      %dma_wait3A_383 = arith.constant 0 : i32
      %dma_wait3A_384 = tpu.memref_slice %arg11[%add3A_235, %dma_wait3A_383] : memref<10240x128xf32, #tpu.memory_space<vmem_shared>> -> memref<128x128xf32, #tpu.memory_space<vmem_shared>>
      tpu.wait_dma2 semaphore(%run_scoped3A_378 : memref<!tpu.dma_semaphore, #tpu.memory_space<semaphore_mem>>) src(%arg9 : memref<128x128xf32, #tpu.memory_space<vmem>>) dst(%dma_wait3A_384 : memref<128x128xf32, #tpu.memory_space<vmem_shared>>)
      tpu.yield
    }) : () -> ()
    %barrier3A_236 = arith.constant 0 : index
    tpu.barrier barrier_id(%barrier3A_236)
    %scan3A_237 = arith.constant 0 : i32
    %scan3A_238 = arith.constant 0 : i32
    %scan3A_239 = arith.constant 128 : i32
    %scan3A_240 = arith.addi %scan3A_238, %scan3A_239 : i32
    %scan3A_241 = arith.constant 1 : i32
    scf.for %scan3A_378 = %scan3A_238 to %scan3A_240 step %scan3A_241  : i32 {
      %swap3A = arith.index_cast %scan3A_378 : i32 to index
      %swap3A_379 = arith.constant 0 : index
      %swap3A_380 = tpu.vector_load %arg9[%swap3A, %swap3A_379] {strides = array<i32>} : memref<128x128xf32, #tpu.memory_space<vmem>>, vector<1x16xf32>,
      %swap3A_381 = vector.shape_cast %swap3A_380 : vector<1x16xf32> to vector<16xf32>
      %swap3A_382 = vector.shape_cast %broadcast_in_dim3A_3 : vector<16xf32> to vector<1x16xf32>
      tpu.vector_store %arg9[%swap3A, %swap3A_379], %swap3A_382 {strides = array<i32>} : memref<128x128xf32, #tpu.memory_space<vmem>>, vector<1x16xf32>,
      %swap3A_383 = arith.index_cast %scan3A_378 : i32 to index
      %swap3A_384 = arith.constant 16 : index
      %swap3A_385 = tpu.vector_load %arg9[%swap3A_383, %swap3A_384] {strides = array<i32>} : memref<128x128xf32, #tpu.memory_space<vmem>>, vector<1x16xf32>,
      %swap3A_386 = vector.shape_cast %swap3A_385 : vector<1x16xf32> to vector<16xf32>
      %swap3A_387 = vector.shape_cast %broadcast_in_dim3A_3 : vector<16xf32> to vector<1x16xf32>
      tpu.vector_store %arg9[%swap3A_383, %swap3A_384], %swap3A_387 {strides = array<i32>} : memref<128x128xf32, #tpu.memory_space<vmem>>, vector<1x16xf32>,
      %swap3A_388 = arith.index_cast %scan3A_378 : i32 to index
      %swap3A_389 = arith.constant 32 : index
      %swap3A_390 = tpu.vector_load %arg9[%swap3A_388, %swap3A_389] {strides = array<i32>} : memref<128x128xf32, #tpu.memory_space<vmem>>, vector<1x16xf32>,
      %swap3A_391 = vector.shape_cast %swap3A_390 : vector<1x16xf32> to vector<16xf32>
      %swap3A_392 = vector.shape_cast %broadcast_in_dim3A_3 : vector<16xf32> to vector<1x16xf32>
      tpu.vector_store %arg9[%swap3A_388, %swap3A_389], %swap3A_392 {strides = array<i32>} : memref<128x128xf32, #tpu.memory_space<vmem>>, vector<1x16xf32>,
      %swap3A_393 = arith.index_cast %scan3A_378 : i32 to index
      %swap3A_394 = arith.constant 48 : index
      %swap3A_395 = tpu.vector_load %arg9[%swap3A_393, %swap3A_394] {strides = array<i32>} : memref<128x128xf32, #tpu.memory_space<vmem>>, vector<1x16xf32>,
      %swap3A_396 = vector.shape_cast %swap3A_395 : vector<1x16xf32> to vector<16xf32>
      %swap3A_397 = vector.shape_cast %broadcast_in_dim3A_3 : vector<16xf32> to vector<1x16xf32>
      tpu.vector_store %arg9[%swap3A_393, %swap3A_394], %swap3A_397 {strides = array<i32>} : memref<128x128xf32, #tpu.memory_space<vmem>>, vector<1x16xf32>,
      %swap3A_398 = arith.index_cast %scan3A_378 : i32 to index
      %swap3A_399 = arith.constant 64 : index
      %swap3A_400 = tpu.vector_load %arg9[%swap3A_398, %swap3A_399] {strides = array<i32>} : memref<128x128xf32, #tpu.memory_space<vmem>>, vector<1x16xf32>,
      %swap3A_401 = vector.shape_cast %swap3A_400 : vector<1x16xf32> to vector<16xf32>
      %swap3A_402 = vector.shape_cast %broadcast_in_dim3A_3 : vector<16xf32> to vector<1x16xf32>
      tpu.vector_store %arg9[%swap3A_398, %swap3A_399], %swap3A_402 {strides = array<i32>} : memref<128x128xf32, #tpu.memory_space<vmem>>, vector<1x16xf32>,
      %swap3A_403 = arith.index_cast %scan3A_378 : i32 to index
      %swap3A_404 = arith.constant 80 : index
      %swap3A_405 = tpu.vector_load %arg9[%swap3A_403, %swap3A_404] {strides = array<i32>} : memref<128x128xf32, #tpu.memory_space<vmem>>, vector<1x16xf32>,
      %swap3A_406 = vector.shape_cast %swap3A_405 : vector<1x16xf32> to vector<16xf32>
      %swap3A_407 = vector.shape_cast %broadcast_in_dim3A_3 : vector<16xf32> to vector<1x16xf32>
      tpu.vector_store %arg9[%swap3A_403, %swap3A_404], %swap3A_407 {strides = array<i32>} : memref<128x128xf32, #tpu.memory_space<vmem>>, vector<1x16xf32>,
      %swap3A_408 = arith.index_cast %scan3A_378 : i32 to index
      %swap3A_409 = arith.constant 96 : index
      %swap3A_410 = tpu.vector_load %arg9[%swap3A_408, %swap3A_409] {strides = array<i32>} : memref<128x128xf32, #tpu.memory_space<vmem>>, vector<1x16xf32>,
      %swap3A_411 = vector.shape_cast %swap3A_410 : vector<1x16xf32> to vector<16xf32>
      %swap3A_412 = vector.shape_cast %broadcast_in_dim3A_3 : vector<16xf32> to vector<1x16xf32>
      tpu.vector_store %arg9[%swap3A_408, %swap3A_409], %swap3A_412 {strides = array<i32>} : memref<128x128xf32, #tpu.memory_space<vmem>>, vector<1x16xf32>,
      %swap3A_413 = arith.index_cast %scan3A_378 : i32 to index
      %swap3A_414 = arith.constant 112 : index
      %swap3A_415 = tpu.vector_load %arg9[%swap3A_413, %swap3A_414] {strides = array<i32>} : memref<128x128xf32, #tpu.memory_space<vmem>>, vector<1x16xf32>,
      %swap3A_416 = vector.shape_cast %swap3A_415 : vector<1x16xf32> to vector<16xf32>
      %swap3A_417 = vector.shape_cast %broadcast_in_dim3A_3 : vector<16xf32> to vector<1x16xf32>
      tpu.vector_store %arg9[%swap3A_413, %swap3A_414], %swap3A_417 {strides = array<i32>} : memref<128x128xf32, #tpu.memory_space<vmem>>, vector<1x16xf32>,
    }
    %scan3A_242 = arith.constant 128 : i32
    %mul3A_243 = arith.constant 56 : i32
    %mul3A_244 = arith.muli %add3A, %mul3A_243 : i32
    %run_scoped3A_245 = arith.constant 1 : i32
    "tpu.region"() ({
      %run_scoped3A_378 = tpu.sem_alloc : memref<!tpu.dma_semaphore, #tpu.memory_space<semaphore_mem>>
      %dma_start3A = arith.constant 0 : i32
      %dma_start3A_379 = tpu.memref_slice %arg4[%run_scoped3A_245, %mul3A_244, %dma_start3A] : memref<3x896x128xi32, #tpu.memory_space<hbm>> -> memref<1x56x128xi32, #tpu.memory_space<hbm>>
      %dma_start3A_380 = tpu.memref_squeeze %dma_start3A_379 : memref<1x56x128xi32, #tpu.memory_space<hbm>> -> memref<56x128xi32, #tpu.memory_space<hbm>>
      %dma_start3A_381 = arith.constant 0 : i32
      %dma_start3A_382 = tpu.memref_slice %arg4[%run_scoped3A_245, %mul3A_244, %dma_start3A_381] : memref<3x896x128xi32, #tpu.memory_space<hbm>> -> memref<1x56x128xi32, #tpu.memory_space<hbm>>
      %dma_start3A_383 = tpu.memref_squeeze %dma_start3A_382 : memref<1x56x128xi32, #tpu.memory_space<hbm>> -> memref<56x128xi32, #tpu.memory_space<hbm>>
      tpu.enqueue_dma source(%dma_start3A_383 : memref<56x128xi32, #tpu.memory_space<hbm>>) target(%arg8 : memref<56x128xi32, #tpu.memory_space<vmem>>) target_semaphore(%run_scoped3A_378 : memref<!tpu.dma_semaphore, #tpu.memory_space<semaphore_mem>>)
      %dma_wait3A = arith.constant 0 : i32
      %dma_wait3A_384 = tpu.memref_slice %arg4[%run_scoped3A_245, %mul3A_244, %dma_wait3A] : memref<3x896x128xi32, #tpu.memory_space<hbm>> -> memref<1x56x128xi32, #tpu.memory_space<hbm>>
      %dma_wait3A_385 = tpu.memref_squeeze %dma_wait3A_384 : memref<1x56x128xi32, #tpu.memory_space<hbm>> -> memref<56x128xi32, #tpu.memory_space<hbm>>
      %dma_wait3A_386 = arith.constant 0 : i32
      %dma_wait3A_387 = tpu.memref_slice %arg4[%run_scoped3A_245, %mul3A_244, %dma_wait3A_386] : memref<3x896x128xi32, #tpu.memory_space<hbm>> -> memref<1x56x128xi32, #tpu.memory_space<hbm>>
      %dma_wait3A_388 = tpu.memref_squeeze %dma_wait3A_387 : memref<1x56x128xi32, #tpu.memory_space<hbm>> -> memref<56x128xi32, #tpu.memory_space<hbm>>
      tpu.wait_dma2 semaphore(%run_scoped3A_378 : memref<!tpu.dma_semaphore, #tpu.memory_space<semaphore_mem>>) src(%dma_wait3A_388 : memref<56x128xi32, #tpu.memory_space<hbm>>) dst(%arg8 : memref<56x128xi32, #tpu.memory_space<vmem>>)
      tpu.yield
    }) : () -> ()
    %scan3A_246 = arith.constant 0 : i32
    %scan3A_247 = arith.constant 0 : i32
    %scan3A_248 = arith.constant 53 : i32
    %scan3A_249 = arith.addi %scan3A_247, %scan3A_248 : i32
    %scan3A_250 = arith.constant 1 : i32
    scf.for %scan3A_378 = %scan3A_247 to %scan3A_249 step %scan3A_250  : i32 {
      %dma_start3A = arith.constant 0 : i32
      %dma_start3A_379 = tpu.memref_slice %arg8[%scan3A_378, %dma_start3A] : memref<56x128xi32, #tpu.memory_space<vmem>> -> memref<1x128xi32, #tpu.memory_space<vmem>>
      %dma_start3A_380 = tpu.memref_squeeze %dma_start3A_379 : memref<1x128xi32, #tpu.memory_space<vmem>> -> memref<128xi32, #tpu.memory_space<vmem>>
      %dma_start3A_381 = arith.constant 0 : i32
      %dma_start3A_382 = arith.constant 0 : i32
      %dma_start3A_383 = tpu.memref_slice %arg11[%dma_start3A_381, %dma_start3A_382] : memref<10240x128xf32, #tpu.memory_space<vmem_shared>> -> memref<10240x128xf32, #tpu.memory_space<vmem_shared>>
      tpu.enqueue_indirect_dma source(%arg9 : memref<128x128xf32, #tpu.memory_space<vmem>>) target(%dma_start3A_383 : memref<10240x128xf32, #tpu.memory_space<vmem_shared>>) offsets(%dma_start3A_380 : memref<128xi32, #tpu.memory_space<vmem>>) semaphore(%arg13 : memref<!tpu.dma_semaphore, #tpu.memory_space<semaphore_mem>>) {add = true}
      %dma_wait3A = arith.constant 0 : i32
      %dma_wait3A_384 = tpu.memref_slice %arg8[%scan3A_378, %dma_wait3A] : memref<56x128xi32, #tpu.memory_space<vmem>> -> memref<1x128xi32, #tpu.memory_space<vmem>>
      %dma_wait3A_385 = tpu.memref_squeeze %dma_wait3A_384 : memref<1x128xi32, #tpu.memory_space<vmem>> -> memref<128xi32, #tpu.memory_space<vmem>>
      %dma_wait3A_386 = arith.constant 0 : i32
      %dma_wait3A_387 = arith.constant 0 : i32
      %dma_wait3A_388 = tpu.memref_slice %arg11[%dma_wait3A_386, %dma_wait3A_387] : memref<10240x128xf32, #tpu.memory_space<vmem_shared>> -> memref<10240x128xf32, #tpu.memory_space<vmem_shared>>
      tpu.wait_indirect_dma semaphore(%arg13 : memref<!tpu.dma_semaphore, #tpu.memory_space<semaphore_mem>>) src(%arg9 : memref<128x128xf32, #tpu.memory_space<vmem>>) dst(%dma_wait3A_388 : memref<10240x128xf32, #tpu.memory_space<vmem_shared>>)
    }
    %scan3A_251 = arith.constant 53 : i32
    %barrier3A_252 = arith.constant 0 : index
    tpu.barrier barrier_id(%barrier3A_252)
    %add3A_253 = arith.constant 0 : i32
    %add3A_254 = arith.addi %mul3A_5, %add3A_253 : i32
    "tpu.region"() ({
      %run_scoped3A_378 = tpu.sem_alloc : memref<!tpu.dma_semaphore, #tpu.memory_space<semaphore_mem>>
      %dma_start3A = arith.constant 0 : i32
      %dma_start3A_379 = tpu.memref_slice %arg11[%add3A_254, %dma_start3A] : memref<10240x128xf32, #tpu.memory_space<vmem_shared>> -> memref<128x128xf32, #tpu.memory_space<vmem_shared>>
      %dma_start3A_380 = arith.constant 0 : i32
      %dma_start3A_381 = tpu.memref_slice %arg11[%add3A_254, %dma_start3A_380] : memref<10240x128xf32, #tpu.memory_space<vmem_shared>> -> memref<128x128xf32, #tpu.memory_space<vmem_shared>>
      tpu.enqueue_dma source(%dma_start3A_381 : memref<128x128xf32, #tpu.memory_space<vmem_shared>>) target(%arg9 : memref<128x128xf32, #tpu.memory_space<vmem>>) target_semaphore(%run_scoped3A_378 : memref<!tpu.dma_semaphore, #tpu.memory_space<semaphore_mem>>)
      %dma_wait3A = arith.constant 0 : i32
      %dma_wait3A_382 = tpu.memref_slice %arg11[%add3A_254, %dma_wait3A] : memref<10240x128xf32, #tpu.memory_space<vmem_shared>> -> memref<128x128xf32, #tpu.memory_space<vmem_shared>>
      %dma_wait3A_383 = arith.constant 0 : i32
      %dma_wait3A_384 = tpu.memref_slice %arg11[%add3A_254, %dma_wait3A_383] : memref<10240x128xf32, #tpu.memory_space<vmem_shared>> -> memref<128x128xf32, #tpu.memory_space<vmem_shared>>
      tpu.wait_dma2 semaphore(%run_scoped3A_378 : memref<!tpu.dma_semaphore, #tpu.memory_space<semaphore_mem>>) src(%dma_wait3A_384 : memref<128x128xf32, #tpu.memory_space<vmem_shared>>) dst(%arg9 : memref<128x128xf32, #tpu.memory_space<vmem>>)
      tpu.yield
    }) : () -> ()
    %scan3A_255 = arith.constant 0 : i32
    %scan3A_256 = arith.constant 0 : i32
    %scan3A_257 = arith.constant 128 : i32
    %scan3A_258 = arith.addi %scan3A_256, %scan3A_257 : i32
    %scan3A_259 = arith.constant 1 : i32
    scf.for %scan3A_378 = %scan3A_256 to %scan3A_258 step %scan3A_259  : i32 {
      %get3A = arith.index_cast %scan3A_378 : i32 to index
      %get3A_379 = arith.constant 0 : index
      %get3A_380 = tpu.vector_load %arg9[%get3A, %get3A_379] {strides = array<i32>} : memref<128x128xf32, #tpu.memory_space<vmem>>, vector<1x16xf32>,
      %get3A_381 = vector.shape_cast %get3A_380 : vector<1x16xf32> to vector<16xf32>
      %swap3A = arith.index_cast %scan3A_378 : i32 to index
      %swap3A_382 = arith.constant 0 : index
      %swap3A_383 = tpu.vector_load %arg10[%swap3A, %swap3A_382] {strides = array<i32>} : memref<128x16xf32, #tpu.memory_space<vmem>>, vector<1x16xf32>,
      %swap3A_384 = vector.shape_cast %swap3A_383 : vector<1x16xf32> to vector<16xf32>
      %swap3A_385 = vector.shape_cast %get3A_381 : vector<16xf32> to vector<1x16xf32>
      tpu.vector_store %arg10[%swap3A, %swap3A_382], %swap3A_385 {strides = array<i32>} : memref<128x16xf32, #tpu.memory_space<vmem>>, vector<1x16xf32>,
    }
    %scan3A_260 = arith.constant 128 : i32
    %run_scoped3A_261 = arith.constant 1 : i32
    "tpu.region"() ({
      %run_scoped3A_378 = tpu.sem_alloc : memref<!tpu.dma_semaphore, #tpu.memory_space<semaphore_mem>>
      %dma_start3A = arith.constant 0 : i32
      %dma_start3A_379 = tpu.memref_slice %arg6[%arg0, %run_scoped3A_261, %add3A_254, %dma_start3A] : memref<1x3x10240x16xf32, #tpu.memory_space<hbm>> -> memref<1x1x128x16xf32, #tpu.memory_space<hbm>>
      %dma_start3A_380 = tpu.memref_squeeze %dma_start3A_379 : memref<1x1x128x16xf32, #tpu.memory_space<hbm>> -> memref<128x16xf32, #tpu.memory_space<hbm>>
      %dma_start3A_381 = arith.constant 0 : i32
      %dma_start3A_382 = tpu.memref_slice %arg6[%arg0, %run_scoped3A_261, %add3A_254, %dma_start3A_381] : memref<1x3x10240x16xf32, #tpu.memory_space<hbm>> -> memref<1x1x128x16xf32, #tpu.memory_space<hbm>>
      %dma_start3A_383 = tpu.memref_squeeze %dma_start3A_382 : memref<1x1x128x16xf32, #tpu.memory_space<hbm>> -> memref<128x16xf32, #tpu.memory_space<hbm>>
      tpu.enqueue_dma source(%arg10 : memref<128x16xf32, #tpu.memory_space<vmem>>) target(%dma_start3A_383 : memref<128x16xf32, #tpu.memory_space<hbm>>) target_semaphore(%run_scoped3A_378 : memref<!tpu.dma_semaphore, #tpu.memory_space<semaphore_mem>>)
      %dma_wait3A = arith.constant 0 : i32
      %dma_wait3A_384 = tpu.memref_slice %arg6[%arg0, %run_scoped3A_261, %add3A_254, %dma_wait3A] : memref<1x3x10240x16xf32, #tpu.memory_space<hbm>> -> memref<1x1x128x16xf32, #tpu.memory_space<hbm>>
      %dma_wait3A_385 = tpu.memref_squeeze %dma_wait3A_384 : memref<1x1x128x16xf32, #tpu.memory_space<hbm>> -> memref<128x16xf32, #tpu.memory_space<hbm>>
      %dma_wait3A_386 = arith.constant 0 : i32
      %dma_wait3A_387 = tpu.memref_slice %arg6[%arg0, %run_scoped3A_261, %add3A_254, %dma_wait3A_386] : memref<1x3x10240x16xf32, #tpu.memory_space<hbm>> -> memref<1x1x128x16xf32, #tpu.memory_space<hbm>>
      %dma_wait3A_388 = tpu.memref_squeeze %dma_wait3A_387 : memref<1x1x128x16xf32, #tpu.memory_space<hbm>> -> memref<128x16xf32, #tpu.memory_space<hbm>>
      tpu.wait_dma2 semaphore(%run_scoped3A_378 : memref<!tpu.dma_semaphore, #tpu.memory_space<semaphore_mem>>) src(%arg10 : memref<128x16xf32, #tpu.memory_space<vmem>>) dst(%dma_wait3A_388 : memref<128x16xf32, #tpu.memory_space<hbm>>)
      tpu.yield
    }) : () -> ()
    %add3A_262 = arith.constant 128 : i32
    %add3A_263 = arith.addi %mul3A_5, %add3A_262 : i32
    "tpu.region"() ({
      %run_scoped3A_378 = tpu.sem_alloc : memref<!tpu.dma_semaphore, #tpu.memory_space<semaphore_mem>>
      %dma_start3A = arith.constant 0 : i32
      %dma_start3A_379 = tpu.memref_slice %arg11[%add3A_263, %dma_start3A] : memref<10240x128xf32, #tpu.memory_space<vmem_shared>> -> memref<128x128xf32, #tpu.memory_space<vmem_shared>>
      %dma_start3A_380 = arith.constant 0 : i32
      %dma_start3A_381 = tpu.memref_slice %arg11[%add3A_263, %dma_start3A_380] : memref<10240x128xf32, #tpu.memory_space<vmem_shared>> -> memref<128x128xf32, #tpu.memory_space<vmem_shared>>
      tpu.enqueue_dma source(%dma_start3A_381 : memref<128x128xf32, #tpu.memory_space<vmem_shared>>) target(%arg9 : memref<128x128xf32, #tpu.memory_space<vmem>>) target_semaphore(%run_scoped3A_378 : memref<!tpu.dma_semaphore, #tpu.memory_space<semaphore_mem>>)
      %dma_wait3A = arith.constant 0 : i32
      %dma_wait3A_382 = tpu.memref_slice %arg11[%add3A_263, %dma_wait3A] : memref<10240x128xf32, #tpu.memory_space<vmem_shared>> -> memref<128x128xf32, #tpu.memory_space<vmem_shared>>
      %dma_wait3A_383 = arith.constant 0 : i32
      %dma_wait3A_384 = tpu.memref_slice %arg11[%add3A_263, %dma_wait3A_383] : memref<10240x128xf32, #tpu.memory_space<vmem_shared>> -> memref<128x128xf32, #tpu.memory_space<vmem_shared>>
      tpu.wait_dma2 semaphore(%run_scoped3A_378 : memref<!tpu.dma_semaphore, #tpu.memory_space<semaphore_mem>>) src(%dma_wait3A_384 : memref<128x128xf32, #tpu.memory_space<vmem_shared>>) dst(%arg9 : memref<128x128xf32, #tpu.memory_space<vmem>>)
      tpu.yield
    }) : () -> ()
    %scan3A_264 = arith.constant 0 : i32
    %scan3A_265 = arith.constant 0 : i32
    %scan3A_266 = arith.constant 128 : i32
    %scan3A_267 = arith.addi %scan3A_265, %scan3A_266 : i32
    %scan3A_268 = arith.constant 1 : i32
    scf.for %scan3A_378 = %scan3A_265 to %scan3A_267 step %scan3A_268  : i32 {
      %get3A = arith.index_cast %scan3A_378 : i32 to index
      %get3A_379 = arith.constant 0 : index
      %get3A_380 = tpu.vector_load %arg9[%get3A, %get3A_379] {strides = array<i32>} : memref<128x128xf32, #tpu.memory_space<vmem>>, vector<1x16xf32>,
      %get3A_381 = vector.shape_cast %get3A_380 : vector<1x16xf32> to vector<16xf32>
      %swap3A = arith.index_cast %scan3A_378 : i32 to index
      %swap3A_382 = arith.constant 0 : index
      %swap3A_383 = tpu.vector_load %arg10[%swap3A, %swap3A_382] {strides = array<i32>} : memref<128x16xf32, #tpu.memory_space<vmem>>, vector<1x16xf32>,
      %swap3A_384 = vector.shape_cast %swap3A_383 : vector<1x16xf32> to vector<16xf32>
      %swap3A_385 = vector.shape_cast %get3A_381 : vector<16xf32> to vector<1x16xf32>
      tpu.vector_store %arg10[%swap3A, %swap3A_382], %swap3A_385 {strides = array<i32>} : memref<128x16xf32, #tpu.memory_space<vmem>>, vector<1x16xf32>,
    }
    %scan3A_269 = arith.constant 128 : i32
    %run_scoped3A_270 = arith.constant 1 : i32
    "tpu.region"() ({
      %run_scoped3A_378 = tpu.sem_alloc : memref<!tpu.dma_semaphore, #tpu.memory_space<semaphore_mem>>
      %dma_start3A = arith.constant 0 : i32
      %dma_start3A_379 = tpu.memref_slice %arg6[%arg0, %run_scoped3A_270, %add3A_263, %dma_start3A] : memref<1x3x10240x16xf32, #tpu.memory_space<hbm>> -> memref<1x1x128x16xf32, #tpu.memory_space<hbm>>
      %dma_start3A_380 = tpu.memref_squeeze %dma_start3A_379 : memref<1x1x128x16xf32, #tpu.memory_space<hbm>> -> memref<128x16xf32, #tpu.memory_space<hbm>>
      %dma_start3A_381 = arith.constant 0 : i32
      %dma_start3A_382 = tpu.memref_slice %arg6[%arg0, %run_scoped3A_270, %add3A_263, %dma_start3A_381] : memref<1x3x10240x16xf32, #tpu.memory_space<hbm>> -> memref<1x1x128x16xf32, #tpu.memory_space<hbm>>
      %dma_start3A_383 = tpu.memref_squeeze %dma_start3A_382 : memref<1x1x128x16xf32, #tpu.memory_space<hbm>> -> memref<128x16xf32, #tpu.memory_space<hbm>>
      tpu.enqueue_dma source(%arg10 : memref<128x16xf32, #tpu.memory_space<vmem>>) target(%dma_start3A_383 : memref<128x16xf32, #tpu.memory_space<hbm>>) target_semaphore(%run_scoped3A_378 : memref<!tpu.dma_semaphore, #tpu.memory_space<semaphore_mem>>)
      %dma_wait3A = arith.constant 0 : i32
      %dma_wait3A_384 = tpu.memref_slice %arg6[%arg0, %run_scoped3A_270, %add3A_263, %dma_wait3A] : memref<1x3x10240x16xf32, #tpu.memory_space<hbm>> -> memref<1x1x128x16xf32, #tpu.memory_space<hbm>>
      %dma_wait3A_385 = tpu.memref_squeeze %dma_wait3A_384 : memref<1x1x128x16xf32, #tpu.memory_space<hbm>> -> memref<128x16xf32, #tpu.memory_space<hbm>>
      %dma_wait3A_386 = arith.constant 0 : i32
      %dma_wait3A_387 = tpu.memref_slice %arg6[%arg0, %run_scoped3A_270, %add3A_263, %dma_wait3A_386] : memref<1x3x10240x16xf32, #tpu.memory_space<hbm>> -> memref<1x1x128x16xf32, #tpu.memory_space<hbm>>
      %dma_wait3A_388 = tpu.memref_squeeze %dma_wait3A_387 : memref<1x1x128x16xf32, #tpu.memory_space<hbm>> -> memref<128x16xf32, #tpu.memory_space<hbm>>
      tpu.wait_dma2 semaphore(%run_scoped3A_378 : memref<!tpu.dma_semaphore, #tpu.memory_space<semaphore_mem>>) src(%arg10 : memref<128x16xf32, #tpu.memory_space<vmem>>) dst(%dma_wait3A_388 : memref<128x16xf32, #tpu.memory_space<hbm>>)
      tpu.yield
    }) : () -> ()
    %add3A_271 = arith.constant 256 : i32
    %add3A_272 = arith.addi %mul3A_5, %add3A_271 : i32
    "tpu.region"() ({
      %run_scoped3A_378 = tpu.sem_alloc : memref<!tpu.dma_semaphore, #tpu.memory_space<semaphore_mem>>
      %dma_start3A = arith.constant 0 : i32
      %dma_start3A_379 = tpu.memref_slice %arg11[%add3A_272, %dma_start3A] : memref<10240x128xf32, #tpu.memory_space<vmem_shared>> -> memref<128x128xf32, #tpu.memory_space<vmem_shared>>
      %dma_start3A_380 = arith.constant 0 : i32
      %dma_start3A_381 = tpu.memref_slice %arg11[%add3A_272, %dma_start3A_380] : memref<10240x128xf32, #tpu.memory_space<vmem_shared>> -> memref<128x128xf32, #tpu.memory_space<vmem_shared>>
      tpu.enqueue_dma source(%dma_start3A_381 : memref<128x128xf32, #tpu.memory_space<vmem_shared>>) target(%arg9 : memref<128x128xf32, #tpu.memory_space<vmem>>) target_semaphore(%run_scoped3A_378 : memref<!tpu.dma_semaphore, #tpu.memory_space<semaphore_mem>>)
      %dma_wait3A = arith.constant 0 : i32
      %dma_wait3A_382 = tpu.memref_slice %arg11[%add3A_272, %dma_wait3A] : memref<10240x128xf32, #tpu.memory_space<vmem_shared>> -> memref<128x128xf32, #tpu.memory_space<vmem_shared>>
      %dma_wait3A_383 = arith.constant 0 : i32
      %dma_wait3A_384 = tpu.memref_slice %arg11[%add3A_272, %dma_wait3A_383] : memref<10240x128xf32, #tpu.memory_space<vmem_shared>> -> memref<128x128xf32, #tpu.memory_space<vmem_shared>>
      tpu.wait_dma2 semaphore(%run_scoped3A_378 : memref<!tpu.dma_semaphore, #tpu.memory_space<semaphore_mem>>) src(%dma_wait3A_384 : memref<128x128xf32, #tpu.memory_space<vmem_shared>>) dst(%arg9 : memref<128x128xf32, #tpu.memory_space<vmem>>)
      tpu.yield
    }) : () -> ()
    %scan3A_273 = arith.constant 0 : i32
    %scan3A_274 = arith.constant 0 : i32
    %scan3A_275 = arith.constant 128 : i32
    %scan3A_276 = arith.addi %scan3A_274, %scan3A_275 : i32
    %scan3A_277 = arith.constant 1 : i32
    scf.for %scan3A_378 = %scan3A_274 to %scan3A_276 step %scan3A_277  : i32 {
      %get3A = arith.index_cast %scan3A_378 : i32 to index
      %get3A_379 = arith.constant 0 : index
      %get3A_380 = tpu.vector_load %arg9[%get3A, %get3A_379] {strides = array<i32>} : memref<128x128xf32, #tpu.memory_space<vmem>>, vector<1x16xf32>,
      %get3A_381 = vector.shape_cast %get3A_380 : vector<1x16xf32> to vector<16xf32>
      %swap3A = arith.index_cast %scan3A_378 : i32 to index
      %swap3A_382 = arith.constant 0 : index
      %swap3A_383 = tpu.vector_load %arg10[%swap3A, %swap3A_382] {strides = array<i32>} : memref<128x16xf32, #tpu.memory_space<vmem>>, vector<1x16xf32>,
      %swap3A_384 = vector.shape_cast %swap3A_383 : vector<1x16xf32> to vector<16xf32>
      %swap3A_385 = vector.shape_cast %get3A_381 : vector<16xf32> to vector<1x16xf32>
      tpu.vector_store %arg10[%swap3A, %swap3A_382], %swap3A_385 {strides = array<i32>} : memref<128x16xf32, #tpu.memory_space<vmem>>, vector<1x16xf32>,
    }
    %scan3A_278 = arith.constant 128 : i32
    %run_scoped3A_279 = arith.constant 1 : i32
    "tpu.region"() ({
      %run_scoped3A_378 = tpu.sem_alloc : memref<!tpu.dma_semaphore, #tpu.memory_space<semaphore_mem>>
      %dma_start3A = arith.constant 0 : i32
      %dma_start3A_379 = tpu.memref_slice %arg6[%arg0, %run_scoped3A_279, %add3A_272, %dma_start3A] : memref<1x3x10240x16xf32, #tpu.memory_space<hbm>> -> memref<1x1x128x16xf32, #tpu.memory_space<hbm>>
      %dma_start3A_380 = tpu.memref_squeeze %dma_start3A_379 : memref<1x1x128x16xf32, #tpu.memory_space<hbm>> -> memref<128x16xf32, #tpu.memory_space<hbm>>
      %dma_start3A_381 = arith.constant 0 : i32
      %dma_start3A_382 = tpu.memref_slice %arg6[%arg0, %run_scoped3A_279, %add3A_272, %dma_start3A_381] : memref<1x3x10240x16xf32, #tpu.memory_space<hbm>> -> memref<1x1x128x16xf32, #tpu.memory_space<hbm>>
      %dma_start3A_383 = tpu.memref_squeeze %dma_start3A_382 : memref<1x1x128x16xf32, #tpu.memory_space<hbm>> -> memref<128x16xf32, #tpu.memory_space<hbm>>
      tpu.enqueue_dma source(%arg10 : memref<128x16xf32, #tpu.memory_space<vmem>>) target(%dma_start3A_383 : memref<128x16xf32, #tpu.memory_space<hbm>>) target_semaphore(%run_scoped3A_378 : memref<!tpu.dma_semaphore, #tpu.memory_space<semaphore_mem>>)
      %dma_wait3A = arith.constant 0 : i32
      %dma_wait3A_384 = tpu.memref_slice %arg6[%arg0, %run_scoped3A_279, %add3A_272, %dma_wait3A] : memref<1x3x10240x16xf32, #tpu.memory_space<hbm>> -> memref<1x1x128x16xf32, #tpu.memory_space<hbm>>
      %dma_wait3A_385 = tpu.memref_squeeze %dma_wait3A_384 : memref<1x1x128x16xf32, #tpu.memory_space<hbm>> -> memref<128x16xf32, #tpu.memory_space<hbm>>
      %dma_wait3A_386 = arith.constant 0 : i32
      %dma_wait3A_387 = tpu.memref_slice %arg6[%arg0, %run_scoped3A_279, %add3A_272, %dma_wait3A_386] : memref<1x3x10240x16xf32, #tpu.memory_space<hbm>> -> memref<1x1x128x16xf32, #tpu.memory_space<hbm>>
      %dma_wait3A_388 = tpu.memref_squeeze %dma_wait3A_387 : memref<1x1x128x16xf32, #tpu.memory_space<hbm>> -> memref<128x16xf32, #tpu.memory_space<hbm>>
      tpu.wait_dma2 semaphore(%run_scoped3A_378 : memref<!tpu.dma_semaphore, #tpu.memory_space<semaphore_mem>>) src(%arg10 : memref<128x16xf32, #tpu.memory_space<vmem>>) dst(%dma_wait3A_388 : memref<128x16xf32, #tpu.memory_space<hbm>>)
      tpu.yield
    }) : () -> ()
    %add3A_280 = arith.constant 384 : i32
    %add3A_281 = arith.addi %mul3A_5, %add3A_280 : i32
    "tpu.region"() ({
      %run_scoped3A_378 = tpu.sem_alloc : memref<!tpu.dma_semaphore, #tpu.memory_space<semaphore_mem>>
      %dma_start3A = arith.constant 0 : i32
      %dma_start3A_379 = tpu.memref_slice %arg11[%add3A_281, %dma_start3A] : memref<10240x128xf32, #tpu.memory_space<vmem_shared>> -> memref<128x128xf32, #tpu.memory_space<vmem_shared>>
      %dma_start3A_380 = arith.constant 0 : i32
      %dma_start3A_381 = tpu.memref_slice %arg11[%add3A_281, %dma_start3A_380] : memref<10240x128xf32, #tpu.memory_space<vmem_shared>> -> memref<128x128xf32, #tpu.memory_space<vmem_shared>>
      tpu.enqueue_dma source(%dma_start3A_381 : memref<128x128xf32, #tpu.memory_space<vmem_shared>>) target(%arg9 : memref<128x128xf32, #tpu.memory_space<vmem>>) target_semaphore(%run_scoped3A_378 : memref<!tpu.dma_semaphore, #tpu.memory_space<semaphore_mem>>)
      %dma_wait3A = arith.constant 0 : i32
      %dma_wait3A_382 = tpu.memref_slice %arg11[%add3A_281, %dma_wait3A] : memref<10240x128xf32, #tpu.memory_space<vmem_shared>> -> memref<128x128xf32, #tpu.memory_space<vmem_shared>>
      %dma_wait3A_383 = arith.constant 0 : i32
      %dma_wait3A_384 = tpu.memref_slice %arg11[%add3A_281, %dma_wait3A_383] : memref<10240x128xf32, #tpu.memory_space<vmem_shared>> -> memref<128x128xf32, #tpu.memory_space<vmem_shared>>
      tpu.wait_dma2 semaphore(%run_scoped3A_378 : memref<!tpu.dma_semaphore, #tpu.memory_space<semaphore_mem>>) src(%dma_wait3A_384 : memref<128x128xf32, #tpu.memory_space<vmem_shared>>) dst(%arg9 : memref<128x128xf32, #tpu.memory_space<vmem>>)
      tpu.yield
    }) : () -> ()
    %scan3A_282 = arith.constant 0 : i32
    %scan3A_283 = arith.constant 0 : i32
    %scan3A_284 = arith.constant 128 : i32
    %scan3A_285 = arith.addi %scan3A_283, %scan3A_284 : i32
    %scan3A_286 = arith.constant 1 : i32
    scf.for %scan3A_378 = %scan3A_283 to %scan3A_285 step %scan3A_286  : i32 {
      %get3A = arith.index_cast %scan3A_378 : i32 to index
      %get3A_379 = arith.constant 0 : index
      %get3A_380 = tpu.vector_load %arg9[%get3A, %get3A_379] {strides = array<i32>} : memref<128x128xf32, #tpu.memory_space<vmem>>, vector<1x16xf32>,
      %get3A_381 = vector.shape_cast %get3A_380 : vector<1x16xf32> to vector<16xf32>
      %swap3A = arith.index_cast %scan3A_378 : i32 to index
      %swap3A_382 = arith.constant 0 : index
      %swap3A_383 = tpu.vector_load %arg10[%swap3A, %swap3A_382] {strides = array<i32>} : memref<128x16xf32, #tpu.memory_space<vmem>>, vector<1x16xf32>,
      %swap3A_384 = vector.shape_cast %swap3A_383 : vector<1x16xf32> to vector<16xf32>
      %swap3A_385 = vector.shape_cast %get3A_381 : vector<16xf32> to vector<1x16xf32>
      tpu.vector_store %arg10[%swap3A, %swap3A_382], %swap3A_385 {strides = array<i32>} : memref<128x16xf32, #tpu.memory_space<vmem>>, vector<1x16xf32>,
    }
    %scan3A_287 = arith.constant 128 : i32
    %run_scoped3A_288 = arith.constant 1 : i32
    "tpu.region"() ({
      %run_scoped3A_378 = tpu.sem_alloc : memref<!tpu.dma_semaphore, #tpu.memory_space<semaphore_mem>>
      %dma_start3A = arith.constant 0 : i32
      %dma_start3A_379 = tpu.memref_slice %arg6[%arg0, %run_scoped3A_288, %add3A_281, %dma_start3A] : memref<1x3x10240x16xf32, #tpu.memory_space<hbm>> -> memref<1x1x128x16xf32, #tpu.memory_space<hbm>>
      %dma_start3A_380 = tpu.memref_squeeze %dma_start3A_379 : memref<1x1x128x16xf32, #tpu.memory_space<hbm>> -> memref<128x16xf32, #tpu.memory_space<hbm>>
      %dma_start3A_381 = arith.constant 0 : i32
      %dma_start3A_382 = tpu.memref_slice %arg6[%arg0, %run_scoped3A_288, %add3A_281, %dma_start3A_381] : memref<1x3x10240x16xf32, #tpu.memory_space<hbm>> -> memref<1x1x128x16xf32, #tpu.memory_space<hbm>>
      %dma_start3A_383 = tpu.memref_squeeze %dma_start3A_382 : memref<1x1x128x16xf32, #tpu.memory_space<hbm>> -> memref<128x16xf32, #tpu.memory_space<hbm>>
      tpu.enqueue_dma source(%arg10 : memref<128x16xf32, #tpu.memory_space<vmem>>) target(%dma_start3A_383 : memref<128x16xf32, #tpu.memory_space<hbm>>) target_semaphore(%run_scoped3A_378 : memref<!tpu.dma_semaphore, #tpu.memory_space<semaphore_mem>>)
      %dma_wait3A = arith.constant 0 : i32
      %dma_wait3A_384 = tpu.memref_slice %arg6[%arg0, %run_scoped3A_288, %add3A_281, %dma_wait3A] : memref<1x3x10240x16xf32, #tpu.memory_space<hbm>> -> memref<1x1x128x16xf32, #tpu.memory_space<hbm>>
      %dma_wait3A_385 = tpu.memref_squeeze %dma_wait3A_384 : memref<1x1x128x16xf32, #tpu.memory_space<hbm>> -> memref<128x16xf32, #tpu.memory_space<hbm>>
      %dma_wait3A_386 = arith.constant 0 : i32
      %dma_wait3A_387 = tpu.memref_slice %arg6[%arg0, %run_scoped3A_288, %add3A_281, %dma_wait3A_386] : memref<1x3x10240x16xf32, #tpu.memory_space<hbm>> -> memref<1x1x128x16xf32, #tpu.memory_space<hbm>>
      %dma_wait3A_388 = tpu.memref_squeeze %dma_wait3A_387 : memref<1x1x128x16xf32, #tpu.memory_space<hbm>> -> memref<128x16xf32, #tpu.memory_space<hbm>>
      tpu.wait_dma2 semaphore(%run_scoped3A_378 : memref<!tpu.dma_semaphore, #tpu.memory_space<semaphore_mem>>) src(%arg10 : memref<128x16xf32, #tpu.memory_space<vmem>>) dst(%dma_wait3A_388 : memref<128x16xf32, #tpu.memory_space<hbm>>)
      tpu.yield
    }) : () -> ()
    %add3A_289 = arith.constant 512 : i32
    %add3A_290 = arith.addi %mul3A_5, %add3A_289 : i32
    "tpu.region"() ({
      %run_scoped3A_378 = tpu.sem_alloc : memref<!tpu.dma_semaphore, #tpu.memory_space<semaphore_mem>>
      %dma_start3A = arith.constant 0 : i32
      %dma_start3A_379 = tpu.memref_slice %arg11[%add3A_290, %dma_start3A] : memref<10240x128xf32, #tpu.memory_space<vmem_shared>> -> memref<128x128xf32, #tpu.memory_space<vmem_shared>>
      %dma_start3A_380 = arith.constant 0 : i32
      %dma_start3A_381 = tpu.memref_slice %arg11[%add3A_290, %dma_start3A_380] : memref<10240x128xf32, #tpu.memory_space<vmem_shared>> -> memref<128x128xf32, #tpu.memory_space<vmem_shared>>
      tpu.enqueue_dma source(%dma_start3A_381 : memref<128x128xf32, #tpu.memory_space<vmem_shared>>) target(%arg9 : memref<128x128xf32, #tpu.memory_space<vmem>>) target_semaphore(%run_scoped3A_378 : memref<!tpu.dma_semaphore, #tpu.memory_space<semaphore_mem>>)
      %dma_wait3A = arith.constant 0 : i32
      %dma_wait3A_382 = tpu.memref_slice %arg11[%add3A_290, %dma_wait3A] : memref<10240x128xf32, #tpu.memory_space<vmem_shared>> -> memref<128x128xf32, #tpu.memory_space<vmem_shared>>
      %dma_wait3A_383 = arith.constant 0 : i32
      %dma_wait3A_384 = tpu.memref_slice %arg11[%add3A_290, %dma_wait3A_383] : memref<10240x128xf32, #tpu.memory_space<vmem_shared>> -> memref<128x128xf32, #tpu.memory_space<vmem_shared>>
      tpu.wait_dma2 semaphore(%run_scoped3A_378 : memref<!tpu.dma_semaphore, #tpu.memory_space<semaphore_mem>>) src(%dma_wait3A_384 : memref<128x128xf32, #tpu.memory_space<vmem_shared>>) dst(%arg9 : memref<128x128xf32, #tpu.memory_space<vmem>>)
      tpu.yield
    }) : () -> ()
    %scan3A_291 = arith.constant 0 : i32
    %scan3A_292 = arith.constant 0 : i32
    %scan3A_293 = arith.constant 128 : i32
    %scan3A_294 = arith.addi %scan3A_292, %scan3A_293 : i32
    %scan3A_295 = arith.constant 1 : i32
    scf.for %scan3A_378 = %scan3A_292 to %scan3A_294 step %scan3A_295  : i32 {
      %get3A = arith.index_cast %scan3A_378 : i32 to index
      %get3A_379 = arith.constant 0 : index
      %get3A_380 = tpu.vector_load %arg9[%get3A, %get3A_379] {strides = array<i32>} : memref<128x128xf32, #tpu.memory_space<vmem>>, vector<1x16xf32>,
      %get3A_381 = vector.shape_cast %get3A_380 : vector<1x16xf32> to vector<16xf32>
      %swap3A = arith.index_cast %scan3A_378 : i32 to index
      %swap3A_382 = arith.constant 0 : index
      %swap3A_383 = tpu.vector_load %arg10[%swap3A, %swap3A_382] {strides = array<i32>} : memref<128x16xf32, #tpu.memory_space<vmem>>, vector<1x16xf32>,
      %swap3A_384 = vector.shape_cast %swap3A_383 : vector<1x16xf32> to vector<16xf32>
      %swap3A_385 = vector.shape_cast %get3A_381 : vector<16xf32> to vector<1x16xf32>
      tpu.vector_store %arg10[%swap3A, %swap3A_382], %swap3A_385 {strides = array<i32>} : memref<128x16xf32, #tpu.memory_space<vmem>>, vector<1x16xf32>,
    }
    %scan3A_296 = arith.constant 128 : i32
    %run_scoped3A_297 = arith.constant 1 : i32
    "tpu.region"() ({
      %run_scoped3A_378 = tpu.sem_alloc : memref<!tpu.dma_semaphore, #tpu.memory_space<semaphore_mem>>
      %dma_start3A = arith.constant 0 : i32
      %dma_start3A_379 = tpu.memref_slice %arg6[%arg0, %run_scoped3A_297, %add3A_290, %dma_start3A] : memref<1x3x10240x16xf32, #tpu.memory_space<hbm>> -> memref<1x1x128x16xf32, #tpu.memory_space<hbm>>
      %dma_start3A_380 = tpu.memref_squeeze %dma_start3A_379 : memref<1x1x128x16xf32, #tpu.memory_space<hbm>> -> memref<128x16xf32, #tpu.memory_space<hbm>>
      %dma_start3A_381 = arith.constant 0 : i32
      %dma_start3A_382 = tpu.memref_slice %arg6[%arg0, %run_scoped3A_297, %add3A_290, %dma_start3A_381] : memref<1x3x10240x16xf32, #tpu.memory_space<hbm>> -> memref<1x1x128x16xf32, #tpu.memory_space<hbm>>
      %dma_start3A_383 = tpu.memref_squeeze %dma_start3A_382 : memref<1x1x128x16xf32, #tpu.memory_space<hbm>> -> memref<128x16xf32, #tpu.memory_space<hbm>>
      tpu.enqueue_dma source(%arg10 : memref<128x16xf32, #tpu.memory_space<vmem>>) target(%dma_start3A_383 : memref<128x16xf32, #tpu.memory_space<hbm>>) target_semaphore(%run_scoped3A_378 : memref<!tpu.dma_semaphore, #tpu.memory_space<semaphore_mem>>)
      %dma_wait3A = arith.constant 0 : i32
      %dma_wait3A_384 = tpu.memref_slice %arg6[%arg0, %run_scoped3A_297, %add3A_290, %dma_wait3A] : memref<1x3x10240x16xf32, #tpu.memory_space<hbm>> -> memref<1x1x128x16xf32, #tpu.memory_space<hbm>>
      %dma_wait3A_385 = tpu.memref_squeeze %dma_wait3A_384 : memref<1x1x128x16xf32, #tpu.memory_space<hbm>> -> memref<128x16xf32, #tpu.memory_space<hbm>>
      %dma_wait3A_386 = arith.constant 0 : i32
      %dma_wait3A_387 = tpu.memref_slice %arg6[%arg0, %run_scoped3A_297, %add3A_290, %dma_wait3A_386] : memref<1x3x10240x16xf32, #tpu.memory_space<hbm>> -> memref<1x1x128x16xf32, #tpu.memory_space<hbm>>
      %dma_wait3A_388 = tpu.memref_squeeze %dma_wait3A_387 : memref<1x1x128x16xf32, #tpu.memory_space<hbm>> -> memref<128x16xf32, #tpu.memory_space<hbm>>
      tpu.wait_dma2 semaphore(%run_scoped3A_378 : memref<!tpu.dma_semaphore, #tpu.memory_space<semaphore_mem>>) src(%arg10 : memref<128x16xf32, #tpu.memory_space<vmem>>) dst(%dma_wait3A_388 : memref<128x16xf32, #tpu.memory_space<hbm>>)
      tpu.yield
    }) : () -> ()
    %barrier3A_298 = arith.constant 0 : index
    tpu.barrier barrier_id(%barrier3A_298)
    %scan3A_299 = arith.constant 0 : i32
    %scan3A_300 = arith.constant 0 : i32
    %scan3A_301 = arith.constant 128 : i32
    %scan3A_302 = arith.addi %scan3A_300, %scan3A_301 : i32
    %scan3A_303 = arith.constant 1 : i32
    scf.for %scan3A_378 = %scan3A_300 to %scan3A_302 step %scan3A_303  : i32 {
      %swap3A = arith.index_cast %scan3A_378 : i32 to index
      %swap3A_379 = arith.constant 0 : index
      %swap3A_380 = tpu.vector_load %arg9[%swap3A, %swap3A_379] {strides = array<i32>} : memref<128x128xf32, #tpu.memory_space<vmem>>, vector<1x16xf32>,
      %swap3A_381 = vector.shape_cast %swap3A_380 : vector<1x16xf32> to vector<16xf32>
      %swap3A_382 = vector.shape_cast %broadcast_in_dim3A_1 : vector<16xf32> to vector<1x16xf32>
      tpu.vector_store %arg9[%swap3A, %swap3A_379], %swap3A_382 {strides = array<i32>} : memref<128x128xf32, #tpu.memory_space<vmem>>, vector<1x16xf32>,
      %swap3A_383 = arith.index_cast %scan3A_378 : i32 to index
      %swap3A_384 = arith.constant 16 : index
      %swap3A_385 = tpu.vector_load %arg9[%swap3A_383, %swap3A_384] {strides = array<i32>} : memref<128x128xf32, #tpu.memory_space<vmem>>, vector<1x16xf32>,
      %swap3A_386 = vector.shape_cast %swap3A_385 : vector<1x16xf32> to vector<16xf32>
      %swap3A_387 = vector.shape_cast %broadcast_in_dim3A_1 : vector<16xf32> to vector<1x16xf32>
      tpu.vector_store %arg9[%swap3A_383, %swap3A_384], %swap3A_387 {strides = array<i32>} : memref<128x128xf32, #tpu.memory_space<vmem>>, vector<1x16xf32>,
      %swap3A_388 = arith.index_cast %scan3A_378 : i32 to index
      %swap3A_389 = arith.constant 32 : index
      %swap3A_390 = tpu.vector_load %arg9[%swap3A_388, %swap3A_389] {strides = array<i32>} : memref<128x128xf32, #tpu.memory_space<vmem>>, vector<1x16xf32>,
      %swap3A_391 = vector.shape_cast %swap3A_390 : vector<1x16xf32> to vector<16xf32>
      %swap3A_392 = vector.shape_cast %broadcast_in_dim3A_1 : vector<16xf32> to vector<1x16xf32>
      tpu.vector_store %arg9[%swap3A_388, %swap3A_389], %swap3A_392 {strides = array<i32>} : memref<128x128xf32, #tpu.memory_space<vmem>>, vector<1x16xf32>,
      %swap3A_393 = arith.index_cast %scan3A_378 : i32 to index
      %swap3A_394 = arith.constant 48 : index
      %swap3A_395 = tpu.vector_load %arg9[%swap3A_393, %swap3A_394] {strides = array<i32>} : memref<128x128xf32, #tpu.memory_space<vmem>>, vector<1x16xf32>,
      %swap3A_396 = vector.shape_cast %swap3A_395 : vector<1x16xf32> to vector<16xf32>
      %swap3A_397 = vector.shape_cast %broadcast_in_dim3A_1 : vector<16xf32> to vector<1x16xf32>
      tpu.vector_store %arg9[%swap3A_393, %swap3A_394], %swap3A_397 {strides = array<i32>} : memref<128x128xf32, #tpu.memory_space<vmem>>, vector<1x16xf32>,
      %swap3A_398 = arith.index_cast %scan3A_378 : i32 to index
      %swap3A_399 = arith.constant 64 : index
      %swap3A_400 = tpu.vector_load %arg9[%swap3A_398, %swap3A_399] {strides = array<i32>} : memref<128x128xf32, #tpu.memory_space<vmem>>, vector<1x16xf32>,
      %swap3A_401 = vector.shape_cast %swap3A_400 : vector<1x16xf32> to vector<16xf32>
      %swap3A_402 = vector.shape_cast %broadcast_in_dim3A_1 : vector<16xf32> to vector<1x16xf32>
      tpu.vector_store %arg9[%swap3A_398, %swap3A_399], %swap3A_402 {strides = array<i32>} : memref<128x128xf32, #tpu.memory_space<vmem>>, vector<1x16xf32>,
      %swap3A_403 = arith.index_cast %scan3A_378 : i32 to index
      %swap3A_404 = arith.constant 80 : index
      %swap3A_405 = tpu.vector_load %arg9[%swap3A_403, %swap3A_404] {strides = array<i32>} : memref<128x128xf32, #tpu.memory_space<vmem>>, vector<1x16xf32>,
      %swap3A_406 = vector.shape_cast %swap3A_405 : vector<1x16xf32> to vector<16xf32>
      %swap3A_407 = vector.shape_cast %broadcast_in_dim3A_1 : vector<16xf32> to vector<1x16xf32>
      tpu.vector_store %arg9[%swap3A_403, %swap3A_404], %swap3A_407 {strides = array<i32>} : memref<128x128xf32, #tpu.memory_space<vmem>>, vector<1x16xf32>,
      %swap3A_408 = arith.index_cast %scan3A_378 : i32 to index
      %swap3A_409 = arith.constant 96 : index
      %swap3A_410 = tpu.vector_load %arg9[%swap3A_408, %swap3A_409] {strides = array<i32>} : memref<128x128xf32, #tpu.memory_space<vmem>>, vector<1x16xf32>,
      %swap3A_411 = vector.shape_cast %swap3A_410 : vector<1x16xf32> to vector<16xf32>
      %swap3A_412 = vector.shape_cast %broadcast_in_dim3A_1 : vector<16xf32> to vector<1x16xf32>
      tpu.vector_store %arg9[%swap3A_408, %swap3A_409], %swap3A_412 {strides = array<i32>} : memref<128x128xf32, #tpu.memory_space<vmem>>, vector<1x16xf32>,
      %swap3A_413 = arith.index_cast %scan3A_378 : i32 to index
      %swap3A_414 = arith.constant 112 : index
      %swap3A_415 = tpu.vector_load %arg9[%swap3A_413, %swap3A_414] {strides = array<i32>} : memref<128x128xf32, #tpu.memory_space<vmem>>, vector<1x16xf32>,
      %swap3A_416 = vector.shape_cast %swap3A_415 : vector<1x16xf32> to vector<16xf32>
      %swap3A_417 = vector.shape_cast %broadcast_in_dim3A_1 : vector<16xf32> to vector<1x16xf32>
      tpu.vector_store %arg9[%swap3A_413, %swap3A_414], %swap3A_417 {strides = array<i32>} : memref<128x128xf32, #tpu.memory_space<vmem>>, vector<1x16xf32>,
    }
    %scan3A_304 = arith.constant 128 : i32
    %add3A_305 = arith.constant 0 : i32
    %add3A_306 = arith.addi %mul3A_5, %add3A_305 : i32
    "tpu.region"() ({
      %run_scoped3A_378 = tpu.sem_alloc : memref<!tpu.dma_semaphore, #tpu.memory_space<semaphore_mem>>
      %dma_start3A = arith.constant 0 : i32
      %dma_start3A_379 = tpu.memref_slice %arg11[%add3A_306, %dma_start3A] : memref<10240x128xf32, #tpu.memory_space<vmem_shared>> -> memref<128x128xf32, #tpu.memory_space<vmem_shared>>
      %dma_start3A_380 = arith.constant 0 : i32
      %dma_start3A_381 = tpu.memref_slice %arg11[%add3A_306, %dma_start3A_380] : memref<10240x128xf32, #tpu.memory_space<vmem_shared>> -> memref<128x128xf32, #tpu.memory_space<vmem_shared>>
      tpu.enqueue_dma source(%arg9 : memref<128x128xf32, #tpu.memory_space<vmem>>) target(%dma_start3A_381 : memref<128x128xf32, #tpu.memory_space<vmem_shared>>) target_semaphore(%run_scoped3A_378 : memref<!tpu.dma_semaphore, #tpu.memory_space<semaphore_mem>>)
      %dma_wait3A = arith.constant 0 : i32
      %dma_wait3A_382 = tpu.memref_slice %arg11[%add3A_306, %dma_wait3A] : memref<10240x128xf32, #tpu.memory_space<vmem_shared>> -> memref<128x128xf32, #tpu.memory_space<vmem_shared>>
      %dma_wait3A_383 = arith.constant 0 : i32
      %dma_wait3A_384 = tpu.memref_slice %arg11[%add3A_306, %dma_wait3A_383] : memref<10240x128xf32, #tpu.memory_space<vmem_shared>> -> memref<128x128xf32, #tpu.memory_space<vmem_shared>>
      tpu.wait_dma2 semaphore(%run_scoped3A_378 : memref<!tpu.dma_semaphore, #tpu.memory_space<semaphore_mem>>) src(%arg9 : memref<128x128xf32, #tpu.memory_space<vmem>>) dst(%dma_wait3A_384 : memref<128x128xf32, #tpu.memory_space<vmem_shared>>)
      tpu.yield
    }) : () -> ()
    %add3A_307 = arith.constant 128 : i32
    %add3A_308 = arith.addi %mul3A_5, %add3A_307 : i32
    "tpu.region"() ({
      %run_scoped3A_378 = tpu.sem_alloc : memref<!tpu.dma_semaphore, #tpu.memory_space<semaphore_mem>>
      %dma_start3A = arith.constant 0 : i32
      %dma_start3A_379 = tpu.memref_slice %arg11[%add3A_308, %dma_start3A] : memref<10240x128xf32, #tpu.memory_space<vmem_shared>> -> memref<128x128xf32, #tpu.memory_space<vmem_shared>>
      %dma_start3A_380 = arith.constant 0 : i32
      %dma_start3A_381 = tpu.memref_slice %arg11[%add3A_308, %dma_start3A_380] : memref<10240x128xf32, #tpu.memory_space<vmem_shared>> -> memref<128x128xf32, #tpu.memory_space<vmem_shared>>
      tpu.enqueue_dma source(%arg9 : memref<128x128xf32, #tpu.memory_space<vmem>>) target(%dma_start3A_381 : memref<128x128xf32, #tpu.memory_space<vmem_shared>>) target_semaphore(%run_scoped3A_378 : memref<!tpu.dma_semaphore, #tpu.memory_space<semaphore_mem>>)
      %dma_wait3A = arith.constant 0 : i32
      %dma_wait3A_382 = tpu.memref_slice %arg11[%add3A_308, %dma_wait3A] : memref<10240x128xf32, #tpu.memory_space<vmem_shared>> -> memref<128x128xf32, #tpu.memory_space<vmem_shared>>
      %dma_wait3A_383 = arith.constant 0 : i32
      %dma_wait3A_384 = tpu.memref_slice %arg11[%add3A_308, %dma_wait3A_383] : memref<10240x128xf32, #tpu.memory_space<vmem_shared>> -> memref<128x128xf32, #tpu.memory_space<vmem_shared>>
      tpu.wait_dma2 semaphore(%run_scoped3A_378 : memref<!tpu.dma_semaphore, #tpu.memory_space<semaphore_mem>>) src(%arg9 : memref<128x128xf32, #tpu.memory_space<vmem>>) dst(%dma_wait3A_384 : memref<128x128xf32, #tpu.memory_space<vmem_shared>>)
      tpu.yield
    }) : () -> ()
    %add3A_309 = arith.constant 256 : i32
    %add3A_310 = arith.addi %mul3A_5, %add3A_309 : i32
    "tpu.region"() ({
      %run_scoped3A_378 = tpu.sem_alloc : memref<!tpu.dma_semaphore, #tpu.memory_space<semaphore_mem>>
      %dma_start3A = arith.constant 0 : i32
      %dma_start3A_379 = tpu.memref_slice %arg11[%add3A_310, %dma_start3A] : memref<10240x128xf32, #tpu.memory_space<vmem_shared>> -> memref<128x128xf32, #tpu.memory_space<vmem_shared>>
      %dma_start3A_380 = arith.constant 0 : i32
      %dma_start3A_381 = tpu.memref_slice %arg11[%add3A_310, %dma_start3A_380] : memref<10240x128xf32, #tpu.memory_space<vmem_shared>> -> memref<128x128xf32, #tpu.memory_space<vmem_shared>>
      tpu.enqueue_dma source(%arg9 : memref<128x128xf32, #tpu.memory_space<vmem>>) target(%dma_start3A_381 : memref<128x128xf32, #tpu.memory_space<vmem_shared>>) target_semaphore(%run_scoped3A_378 : memref<!tpu.dma_semaphore, #tpu.memory_space<semaphore_mem>>)
      %dma_wait3A = arith.constant 0 : i32
      %dma_wait3A_382 = tpu.memref_slice %arg11[%add3A_310, %dma_wait3A] : memref<10240x128xf32, #tpu.memory_space<vmem_shared>> -> memref<128x128xf32, #tpu.memory_space<vmem_shared>>
      %dma_wait3A_383 = arith.constant 0 : i32
      %dma_wait3A_384 = tpu.memref_slice %arg11[%add3A_310, %dma_wait3A_383] : memref<10240x128xf32, #tpu.memory_space<vmem_shared>> -> memref<128x128xf32, #tpu.memory_space<vmem_shared>>
      tpu.wait_dma2 semaphore(%run_scoped3A_378 : memref<!tpu.dma_semaphore, #tpu.memory_space<semaphore_mem>>) src(%arg9 : memref<128x128xf32, #tpu.memory_space<vmem>>) dst(%dma_wait3A_384 : memref<128x128xf32, #tpu.memory_space<vmem_shared>>)
      tpu.yield
    }) : () -> ()
    %add3A_311 = arith.constant 384 : i32
    %add3A_312 = arith.addi %mul3A_5, %add3A_311 : i32
    "tpu.region"() ({
      %run_scoped3A_378 = tpu.sem_alloc : memref<!tpu.dma_semaphore, #tpu.memory_space<semaphore_mem>>
      %dma_start3A = arith.constant 0 : i32
      %dma_start3A_379 = tpu.memref_slice %arg11[%add3A_312, %dma_start3A] : memref<10240x128xf32, #tpu.memory_space<vmem_shared>> -> memref<128x128xf32, #tpu.memory_space<vmem_shared>>
      %dma_start3A_380 = arith.constant 0 : i32
      %dma_start3A_381 = tpu.memref_slice %arg11[%add3A_312, %dma_start3A_380] : memref<10240x128xf32, #tpu.memory_space<vmem_shared>> -> memref<128x128xf32, #tpu.memory_space<vmem_shared>>
      tpu.enqueue_dma source(%arg9 : memref<128x128xf32, #tpu.memory_space<vmem>>) target(%dma_start3A_381 : memref<128x128xf32, #tpu.memory_space<vmem_shared>>) target_semaphore(%run_scoped3A_378 : memref<!tpu.dma_semaphore, #tpu.memory_space<semaphore_mem>>)
      %dma_wait3A = arith.constant 0 : i32
      %dma_wait3A_382 = tpu.memref_slice %arg11[%add3A_312, %dma_wait3A] : memref<10240x128xf32, #tpu.memory_space<vmem_shared>> -> memref<128x128xf32, #tpu.memory_space<vmem_shared>>
      %dma_wait3A_383 = arith.constant 0 : i32
      %dma_wait3A_384 = tpu.memref_slice %arg11[%add3A_312, %dma_wait3A_383] : memref<10240x128xf32, #tpu.memory_space<vmem_shared>> -> memref<128x128xf32, #tpu.memory_space<vmem_shared>>
      tpu.wait_dma2 semaphore(%run_scoped3A_378 : memref<!tpu.dma_semaphore, #tpu.memory_space<semaphore_mem>>) src(%arg9 : memref<128x128xf32, #tpu.memory_space<vmem>>) dst(%dma_wait3A_384 : memref<128x128xf32, #tpu.memory_space<vmem_shared>>)
      tpu.yield
    }) : () -> ()
    %add3A_313 = arith.constant 512 : i32
    %add3A_314 = arith.addi %mul3A_5, %add3A_313 : i32
    "tpu.region"() ({
      %run_scoped3A_378 = tpu.sem_alloc : memref<!tpu.dma_semaphore, #tpu.memory_space<semaphore_mem>>
      %dma_start3A = arith.constant 0 : i32
      %dma_start3A_379 = tpu.memref_slice %arg11[%add3A_314, %dma_start3A] : memref<10240x128xf32, #tpu.memory_space<vmem_shared>> -> memref<128x128xf32, #tpu.memory_space<vmem_shared>>
      %dma_start3A_380 = arith.constant 0 : i32
      %dma_start3A_381 = tpu.memref_slice %arg11[%add3A_314, %dma_start3A_380] : memref<10240x128xf32, #tpu.memory_space<vmem_shared>> -> memref<128x128xf32, #tpu.memory_space<vmem_shared>>
      tpu.enqueue_dma source(%arg9 : memref<128x128xf32, #tpu.memory_space<vmem>>) target(%dma_start3A_381 : memref<128x128xf32, #tpu.memory_space<vmem_shared>>) target_semaphore(%run_scoped3A_378 : memref<!tpu.dma_semaphore, #tpu.memory_space<semaphore_mem>>)
      %dma_wait3A = arith.constant 0 : i32
      %dma_wait3A_382 = tpu.memref_slice %arg11[%add3A_314, %dma_wait3A] : memref<10240x128xf32, #tpu.memory_space<vmem_shared>> -> memref<128x128xf32, #tpu.memory_space<vmem_shared>>
      %dma_wait3A_383 = arith.constant 0 : i32
      %dma_wait3A_384 = tpu.memref_slice %arg11[%add3A_314, %dma_wait3A_383] : memref<10240x128xf32, #tpu.memory_space<vmem_shared>> -> memref<128x128xf32, #tpu.memory_space<vmem_shared>>
      tpu.wait_dma2 semaphore(%run_scoped3A_378 : memref<!tpu.dma_semaphore, #tpu.memory_space<semaphore_mem>>) src(%arg9 : memref<128x128xf32, #tpu.memory_space<vmem>>) dst(%dma_wait3A_384 : memref<128x128xf32, #tpu.memory_space<vmem_shared>>)
      tpu.yield
    }) : () -> ()
    %barrier3A_315 = arith.constant 0 : index
    tpu.barrier barrier_id(%barrier3A_315)
    %scan3A_316 = arith.constant 0 : i32
    %scan3A_317 = arith.constant 0 : i32
    %scan3A_318 = arith.constant 128 : i32
    %scan3A_319 = arith.addi %scan3A_317, %scan3A_318 : i32
    %scan3A_320 = arith.constant 1 : i32
    scf.for %scan3A_378 = %scan3A_317 to %scan3A_319 step %scan3A_320  : i32 {
      %swap3A = arith.index_cast %scan3A_378 : i32 to index
      %swap3A_379 = arith.constant 0 : index
      %swap3A_380 = tpu.vector_load %arg9[%swap3A, %swap3A_379] {strides = array<i32>} : memref<128x128xf32, #tpu.memory_space<vmem>>, vector<1x16xf32>,
      %swap3A_381 = vector.shape_cast %swap3A_380 : vector<1x16xf32> to vector<16xf32>
      %swap3A_382 = vector.shape_cast %broadcast_in_dim3A_3 : vector<16xf32> to vector<1x16xf32>
      tpu.vector_store %arg9[%swap3A, %swap3A_379], %swap3A_382 {strides = array<i32>} : memref<128x128xf32, #tpu.memory_space<vmem>>, vector<1x16xf32>,
      %swap3A_383 = arith.index_cast %scan3A_378 : i32 to index
      %swap3A_384 = arith.constant 16 : index
      %swap3A_385 = tpu.vector_load %arg9[%swap3A_383, %swap3A_384] {strides = array<i32>} : memref<128x128xf32, #tpu.memory_space<vmem>>, vector<1x16xf32>,
      %swap3A_386 = vector.shape_cast %swap3A_385 : vector<1x16xf32> to vector<16xf32>
      %swap3A_387 = vector.shape_cast %broadcast_in_dim3A_3 : vector<16xf32> to vector<1x16xf32>
      tpu.vector_store %arg9[%swap3A_383, %swap3A_384], %swap3A_387 {strides = array<i32>} : memref<128x128xf32, #tpu.memory_space<vmem>>, vector<1x16xf32>,
      %swap3A_388 = arith.index_cast %scan3A_378 : i32 to index
      %swap3A_389 = arith.constant 32 : index
      %swap3A_390 = tpu.vector_load %arg9[%swap3A_388, %swap3A_389] {strides = array<i32>} : memref<128x128xf32, #tpu.memory_space<vmem>>, vector<1x16xf32>,
      %swap3A_391 = vector.shape_cast %swap3A_390 : vector<1x16xf32> to vector<16xf32>
      %swap3A_392 = vector.shape_cast %broadcast_in_dim3A_3 : vector<16xf32> to vector<1x16xf32>
      tpu.vector_store %arg9[%swap3A_388, %swap3A_389], %swap3A_392 {strides = array<i32>} : memref<128x128xf32, #tpu.memory_space<vmem>>, vector<1x16xf32>,
      %swap3A_393 = arith.index_cast %scan3A_378 : i32 to index
      %swap3A_394 = arith.constant 48 : index
      %swap3A_395 = tpu.vector_load %arg9[%swap3A_393, %swap3A_394] {strides = array<i32>} : memref<128x128xf32, #tpu.memory_space<vmem>>, vector<1x16xf32>,
      %swap3A_396 = vector.shape_cast %swap3A_395 : vector<1x16xf32> to vector<16xf32>
      %swap3A_397 = vector.shape_cast %broadcast_in_dim3A_3 : vector<16xf32> to vector<1x16xf32>
      tpu.vector_store %arg9[%swap3A_393, %swap3A_394], %swap3A_397 {strides = array<i32>} : memref<128x128xf32, #tpu.memory_space<vmem>>, vector<1x16xf32>,
      %swap3A_398 = arith.index_cast %scan3A_378 : i32 to index
      %swap3A_399 = arith.constant 64 : index
      %swap3A_400 = tpu.vector_load %arg9[%swap3A_398, %swap3A_399] {strides = array<i32>} : memref<128x128xf32, #tpu.memory_space<vmem>>, vector<1x16xf32>,
      %swap3A_401 = vector.shape_cast %swap3A_400 : vector<1x16xf32> to vector<16xf32>
      %swap3A_402 = vector.shape_cast %broadcast_in_dim3A_3 : vector<16xf32> to vector<1x16xf32>
      tpu.vector_store %arg9[%swap3A_398, %swap3A_399], %swap3A_402 {strides = array<i32>} : memref<128x128xf32, #tpu.memory_space<vmem>>, vector<1x16xf32>,
      %swap3A_403 = arith.index_cast %scan3A_378 : i32 to index
      %swap3A_404 = arith.constant 80 : index
      %swap3A_405 = tpu.vector_load %arg9[%swap3A_403, %swap3A_404] {strides = array<i32>} : memref<128x128xf32, #tpu.memory_space<vmem>>, vector<1x16xf32>,
      %swap3A_406 = vector.shape_cast %swap3A_405 : vector<1x16xf32> to vector<16xf32>
      %swap3A_407 = vector.shape_cast %broadcast_in_dim3A_3 : vector<16xf32> to vector<1x16xf32>
      tpu.vector_store %arg9[%swap3A_403, %swap3A_404], %swap3A_407 {strides = array<i32>} : memref<128x128xf32, #tpu.memory_space<vmem>>, vector<1x16xf32>,
      %swap3A_408 = arith.index_cast %scan3A_378 : i32 to index
      %swap3A_409 = arith.constant 96 : index
      %swap3A_410 = tpu.vector_load %arg9[%swap3A_408, %swap3A_409] {strides = array<i32>} : memref<128x128xf32, #tpu.memory_space<vmem>>, vector<1x16xf32>,
      %swap3A_411 = vector.shape_cast %swap3A_410 : vector<1x16xf32> to vector<16xf32>
      %swap3A_412 = vector.shape_cast %broadcast_in_dim3A_3 : vector<16xf32> to vector<1x16xf32>
      tpu.vector_store %arg9[%swap3A_408, %swap3A_409], %swap3A_412 {strides = array<i32>} : memref<128x128xf32, #tpu.memory_space<vmem>>, vector<1x16xf32>,
      %swap3A_413 = arith.index_cast %scan3A_378 : i32 to index
      %swap3A_414 = arith.constant 112 : index
      %swap3A_415 = tpu.vector_load %arg9[%swap3A_413, %swap3A_414] {strides = array<i32>} : memref<128x128xf32, #tpu.memory_space<vmem>>, vector<1x16xf32>,
      %swap3A_416 = vector.shape_cast %swap3A_415 : vector<1x16xf32> to vector<16xf32>
      %swap3A_417 = vector.shape_cast %broadcast_in_dim3A_3 : vector<16xf32> to vector<1x16xf32>
      tpu.vector_store %arg9[%swap3A_413, %swap3A_414], %swap3A_417 {strides = array<i32>} : memref<128x128xf32, #tpu.memory_space<vmem>>, vector<1x16xf32>,
    }
    %scan3A_321 = arith.constant 128 : i32
    %mul3A_322 = arith.constant 56 : i32
    %mul3A_323 = arith.muli %add3A, %mul3A_322 : i32
    %run_scoped3A_324 = arith.constant 2 : i32
    "tpu.region"() ({
      %run_scoped3A_378 = tpu.sem_alloc : memref<!tpu.dma_semaphore, #tpu.memory_space<semaphore_mem>>
      %dma_start3A = arith.constant 0 : i32
      %dma_start3A_379 = tpu.memref_slice %arg4[%run_scoped3A_324, %mul3A_323, %dma_start3A] : memref<3x896x128xi32, #tpu.memory_space<hbm>> -> memref<1x56x128xi32, #tpu.memory_space<hbm>>
      %dma_start3A_380 = tpu.memref_squeeze %dma_start3A_379 : memref<1x56x128xi32, #tpu.memory_space<hbm>> -> memref<56x128xi32, #tpu.memory_space<hbm>>
      %dma_start3A_381 = arith.constant 0 : i32
      %dma_start3A_382 = tpu.memref_slice %arg4[%run_scoped3A_324, %mul3A_323, %dma_start3A_381] : memref<3x896x128xi32, #tpu.memory_space<hbm>> -> memref<1x56x128xi32, #tpu.memory_space<hbm>>
      %dma_start3A_383 = tpu.memref_squeeze %dma_start3A_382 : memref<1x56x128xi32, #tpu.memory_space<hbm>> -> memref<56x128xi32, #tpu.memory_space<hbm>>
      tpu.enqueue_dma source(%dma_start3A_383 : memref<56x128xi32, #tpu.memory_space<hbm>>) target(%arg8 : memref<56x128xi32, #tpu.memory_space<vmem>>) target_semaphore(%run_scoped3A_378 : memref<!tpu.dma_semaphore, #tpu.memory_space<semaphore_mem>>)
      %dma_wait3A = arith.constant 0 : i32
      %dma_wait3A_384 = tpu.memref_slice %arg4[%run_scoped3A_324, %mul3A_323, %dma_wait3A] : memref<3x896x128xi32, #tpu.memory_space<hbm>> -> memref<1x56x128xi32, #tpu.memory_space<hbm>>
      %dma_wait3A_385 = tpu.memref_squeeze %dma_wait3A_384 : memref<1x56x128xi32, #tpu.memory_space<hbm>> -> memref<56x128xi32, #tpu.memory_space<hbm>>
      %dma_wait3A_386 = arith.constant 0 : i32
      %dma_wait3A_387 = tpu.memref_slice %arg4[%run_scoped3A_324, %mul3A_323, %dma_wait3A_386] : memref<3x896x128xi32, #tpu.memory_space<hbm>> -> memref<1x56x128xi32, #tpu.memory_space<hbm>>
      %dma_wait3A_388 = tpu.memref_squeeze %dma_wait3A_387 : memref<1x56x128xi32, #tpu.memory_space<hbm>> -> memref<56x128xi32, #tpu.memory_space<hbm>>
      tpu.wait_dma2 semaphore(%run_scoped3A_378 : memref<!tpu.dma_semaphore, #tpu.memory_space<semaphore_mem>>) src(%dma_wait3A_388 : memref<56x128xi32, #tpu.memory_space<hbm>>) dst(%arg8 : memref<56x128xi32, #tpu.memory_space<vmem>>)
      tpu.yield
    }) : () -> ()
    %scan3A_325 = arith.constant 0 : i32
    %scan3A_326 = arith.constant 0 : i32
    %scan3A_327 = arith.constant 53 : i32
    %scan3A_328 = arith.addi %scan3A_326, %scan3A_327 : i32
    %scan3A_329 = arith.constant 1 : i32
    scf.for %scan3A_378 = %scan3A_326 to %scan3A_328 step %scan3A_329  : i32 {
      %dma_start3A = arith.constant 0 : i32
      %dma_start3A_379 = tpu.memref_slice %arg8[%scan3A_378, %dma_start3A] : memref<56x128xi32, #tpu.memory_space<vmem>> -> memref<1x128xi32, #tpu.memory_space<vmem>>
      %dma_start3A_380 = tpu.memref_squeeze %dma_start3A_379 : memref<1x128xi32, #tpu.memory_space<vmem>> -> memref<128xi32, #tpu.memory_space<vmem>>
      %dma_start3A_381 = arith.constant 0 : i32
      %dma_start3A_382 = arith.constant 0 : i32
      %dma_start3A_383 = tpu.memref_slice %arg11[%dma_start3A_381, %dma_start3A_382] : memref<10240x128xf32, #tpu.memory_space<vmem_shared>> -> memref<10240x128xf32, #tpu.memory_space<vmem_shared>>
      tpu.enqueue_indirect_dma source(%arg9 : memref<128x128xf32, #tpu.memory_space<vmem>>) target(%dma_start3A_383 : memref<10240x128xf32, #tpu.memory_space<vmem_shared>>) offsets(%dma_start3A_380 : memref<128xi32, #tpu.memory_space<vmem>>) semaphore(%arg13 : memref<!tpu.dma_semaphore, #tpu.memory_space<semaphore_mem>>) {add = true}
      %dma_wait3A = arith.constant 0 : i32
      %dma_wait3A_384 = tpu.memref_slice %arg8[%scan3A_378, %dma_wait3A] : memref<56x128xi32, #tpu.memory_space<vmem>> -> memref<1x128xi32, #tpu.memory_space<vmem>>
      %dma_wait3A_385 = tpu.memref_squeeze %dma_wait3A_384 : memref<1x128xi32, #tpu.memory_space<vmem>> -> memref<128xi32, #tpu.memory_space<vmem>>
      %dma_wait3A_386 = arith.constant 0 : i32
      %dma_wait3A_387 = arith.constant 0 : i32
      %dma_wait3A_388 = tpu.memref_slice %arg11[%dma_wait3A_386, %dma_wait3A_387] : memref<10240x128xf32, #tpu.memory_space<vmem_shared>> -> memref<10240x128xf32, #tpu.memory_space<vmem_shared>>
      tpu.wait_indirect_dma semaphore(%arg13 : memref<!tpu.dma_semaphore, #tpu.memory_space<semaphore_mem>>) src(%arg9 : memref<128x128xf32, #tpu.memory_space<vmem>>) dst(%dma_wait3A_388 : memref<10240x128xf32, #tpu.memory_space<vmem_shared>>)
    }
    %scan3A_330 = arith.constant 53 : i32
    %barrier3A_331 = arith.constant 0 : index
    tpu.barrier barrier_id(%barrier3A_331)
    %add3A_332 = arith.constant 0 : i32
    %add3A_333 = arith.addi %mul3A_5, %add3A_332 : i32
    "tpu.region"() ({
      %run_scoped3A_378 = tpu.sem_alloc : memref<!tpu.dma_semaphore, #tpu.memory_space<semaphore_mem>>
      %dma_start3A = arith.constant 0 : i32
      %dma_start3A_379 = tpu.memref_slice %arg11[%add3A_333, %dma_start3A] : memref<10240x128xf32, #tpu.memory_space<vmem_shared>> -> memref<128x128xf32, #tpu.memory_space<vmem_shared>>
      %dma_start3A_380 = arith.constant 0 : i32
      %dma_start3A_381 = tpu.memref_slice %arg11[%add3A_333, %dma_start3A_380] : memref<10240x128xf32, #tpu.memory_space<vmem_shared>> -> memref<128x128xf32, #tpu.memory_space<vmem_shared>>
      tpu.enqueue_dma source(%dma_start3A_381 : memref<128x128xf32, #tpu.memory_space<vmem_shared>>) target(%arg9 : memref<128x128xf32, #tpu.memory_space<vmem>>) target_semaphore(%run_scoped3A_378 : memref<!tpu.dma_semaphore, #tpu.memory_space<semaphore_mem>>)
      %dma_wait3A = arith.constant 0 : i32
      %dma_wait3A_382 = tpu.memref_slice %arg11[%add3A_333, %dma_wait3A] : memref<10240x128xf32, #tpu.memory_space<vmem_shared>> -> memref<128x128xf32, #tpu.memory_space<vmem_shared>>
      %dma_wait3A_383 = arith.constant 0 : i32
      %dma_wait3A_384 = tpu.memref_slice %arg11[%add3A_333, %dma_wait3A_383] : memref<10240x128xf32, #tpu.memory_space<vmem_shared>> -> memref<128x128xf32, #tpu.memory_space<vmem_shared>>
      tpu.wait_dma2 semaphore(%run_scoped3A_378 : memref<!tpu.dma_semaphore, #tpu.memory_space<semaphore_mem>>) src(%dma_wait3A_384 : memref<128x128xf32, #tpu.memory_space<vmem_shared>>) dst(%arg9 : memref<128x128xf32, #tpu.memory_space<vmem>>)
      tpu.yield
    }) : () -> ()
    %scan3A_334 = arith.constant 0 : i32
    %scan3A_335 = arith.constant 0 : i32
    %scan3A_336 = arith.constant 128 : i32
    %scan3A_337 = arith.addi %scan3A_335, %scan3A_336 : i32
    %scan3A_338 = arith.constant 1 : i32
    scf.for %scan3A_378 = %scan3A_335 to %scan3A_337 step %scan3A_338  : i32 {
      %get3A = arith.index_cast %scan3A_378 : i32 to index
      %get3A_379 = arith.constant 0 : index
      %get3A_380 = tpu.vector_load %arg9[%get3A, %get3A_379] {strides = array<i32>} : memref<128x128xf32, #tpu.memory_space<vmem>>, vector<1x16xf32>,
      %get3A_381 = vector.shape_cast %get3A_380 : vector<1x16xf32> to vector<16xf32>
      %swap3A = arith.index_cast %scan3A_378 : i32 to index
      %swap3A_382 = arith.constant 0 : index
      %swap3A_383 = tpu.vector_load %arg10[%swap3A, %swap3A_382] {strides = array<i32>} : memref<128x16xf32, #tpu.memory_space<vmem>>, vector<1x16xf32>,
      %swap3A_384 = vector.shape_cast %swap3A_383 : vector<1x16xf32> to vector<16xf32>
      %swap3A_385 = vector.shape_cast %get3A_381 : vector<16xf32> to vector<1x16xf32>
      tpu.vector_store %arg10[%swap3A, %swap3A_382], %swap3A_385 {strides = array<i32>} : memref<128x16xf32, #tpu.memory_space<vmem>>, vector<1x16xf32>,
    }
    %scan3A_339 = arith.constant 128 : i32
    %run_scoped3A_340 = arith.constant 2 : i32
    "tpu.region"() ({
      %run_scoped3A_378 = tpu.sem_alloc : memref<!tpu.dma_semaphore, #tpu.memory_space<semaphore_mem>>
      %dma_start3A = arith.constant 0 : i32
      %dma_start3A_379 = tpu.memref_slice %arg6[%arg0, %run_scoped3A_340, %add3A_333, %dma_start3A] : memref<1x3x10240x16xf32, #tpu.memory_space<hbm>> -> memref<1x1x128x16xf32, #tpu.memory_space<hbm>>
      %dma_start3A_380 = tpu.memref_squeeze %dma_start3A_379 : memref<1x1x128x16xf32, #tpu.memory_space<hbm>> -> memref<128x16xf32, #tpu.memory_space<hbm>>
      %dma_start3A_381 = arith.constant 0 : i32
      %dma_start3A_382 = tpu.memref_slice %arg6[%arg0, %run_scoped3A_340, %add3A_333, %dma_start3A_381] : memref<1x3x10240x16xf32, #tpu.memory_space<hbm>> -> memref<1x1x128x16xf32, #tpu.memory_space<hbm>>
      %dma_start3A_383 = tpu.memref_squeeze %dma_start3A_382 : memref<1x1x128x16xf32, #tpu.memory_space<hbm>> -> memref<128x16xf32, #tpu.memory_space<hbm>>
      tpu.enqueue_dma source(%arg10 : memref<128x16xf32, #tpu.memory_space<vmem>>) target(%dma_start3A_383 : memref<128x16xf32, #tpu.memory_space<hbm>>) target_semaphore(%run_scoped3A_378 : memref<!tpu.dma_semaphore, #tpu.memory_space<semaphore_mem>>)
      %dma_wait3A = arith.constant 0 : i32
      %dma_wait3A_384 = tpu.memref_slice %arg6[%arg0, %run_scoped3A_340, %add3A_333, %dma_wait3A] : memref<1x3x10240x16xf32, #tpu.memory_space<hbm>> -> memref<1x1x128x16xf32, #tpu.memory_space<hbm>>
      %dma_wait3A_385 = tpu.memref_squeeze %dma_wait3A_384 : memref<1x1x128x16xf32, #tpu.memory_space<hbm>> -> memref<128x16xf32, #tpu.memory_space<hbm>>
      %dma_wait3A_386 = arith.constant 0 : i32
      %dma_wait3A_387 = tpu.memref_slice %arg6[%arg0, %run_scoped3A_340, %add3A_333, %dma_wait3A_386] : memref<1x3x10240x16xf32, #tpu.memory_space<hbm>> -> memref<1x1x128x16xf32, #tpu.memory_space<hbm>>
      %dma_wait3A_388 = tpu.memref_squeeze %dma_wait3A_387 : memref<1x1x128x16xf32, #tpu.memory_space<hbm>> -> memref<128x16xf32, #tpu.memory_space<hbm>>
      tpu.wait_dma2 semaphore(%run_scoped3A_378 : memref<!tpu.dma_semaphore, #tpu.memory_space<semaphore_mem>>) src(%arg10 : memref<128x16xf32, #tpu.memory_space<vmem>>) dst(%dma_wait3A_388 : memref<128x16xf32, #tpu.memory_space<hbm>>)
      tpu.yield
    }) : () -> ()
    %add3A_341 = arith.constant 128 : i32
    %add3A_342 = arith.addi %mul3A_5, %add3A_341 : i32
    "tpu.region"() ({
      %run_scoped3A_378 = tpu.sem_alloc : memref<!tpu.dma_semaphore, #tpu.memory_space<semaphore_mem>>
      %dma_start3A = arith.constant 0 : i32
      %dma_start3A_379 = tpu.memref_slice %arg11[%add3A_342, %dma_start3A] : memref<10240x128xf32, #tpu.memory_space<vmem_shared>> -> memref<128x128xf32, #tpu.memory_space<vmem_shared>>
      %dma_start3A_380 = arith.constant 0 : i32
      %dma_start3A_381 = tpu.memref_slice %arg11[%add3A_342, %dma_start3A_380] : memref<10240x128xf32, #tpu.memory_space<vmem_shared>> -> memref<128x128xf32, #tpu.memory_space<vmem_shared>>
      tpu.enqueue_dma source(%dma_start3A_381 : memref<128x128xf32, #tpu.memory_space<vmem_shared>>) target(%arg9 : memref<128x128xf32, #tpu.memory_space<vmem>>) target_semaphore(%run_scoped3A_378 : memref<!tpu.dma_semaphore, #tpu.memory_space<semaphore_mem>>)
      %dma_wait3A = arith.constant 0 : i32
      %dma_wait3A_382 = tpu.memref_slice %arg11[%add3A_342, %dma_wait3A] : memref<10240x128xf32, #tpu.memory_space<vmem_shared>> -> memref<128x128xf32, #tpu.memory_space<vmem_shared>>
      %dma_wait3A_383 = arith.constant 0 : i32
      %dma_wait3A_384 = tpu.memref_slice %arg11[%add3A_342, %dma_wait3A_383] : memref<10240x128xf32, #tpu.memory_space<vmem_shared>> -> memref<128x128xf32, #tpu.memory_space<vmem_shared>>
      tpu.wait_dma2 semaphore(%run_scoped3A_378 : memref<!tpu.dma_semaphore, #tpu.memory_space<semaphore_mem>>) src(%dma_wait3A_384 : memref<128x128xf32, #tpu.memory_space<vmem_shared>>) dst(%arg9 : memref<128x128xf32, #tpu.memory_space<vmem>>)
      tpu.yield
    }) : () -> ()
    %scan3A_343 = arith.constant 0 : i32
    %scan3A_344 = arith.constant 0 : i32
    %scan3A_345 = arith.constant 128 : i32
    %scan3A_346 = arith.addi %scan3A_344, %scan3A_345 : i32
    %scan3A_347 = arith.constant 1 : i32
    scf.for %scan3A_378 = %scan3A_344 to %scan3A_346 step %scan3A_347  : i32 {
      %get3A = arith.index_cast %scan3A_378 : i32 to index
      %get3A_379 = arith.constant 0 : index
      %get3A_380 = tpu.vector_load %arg9[%get3A, %get3A_379] {strides = array<i32>} : memref<128x128xf32, #tpu.memory_space<vmem>>, vector<1x16xf32>,
      %get3A_381 = vector.shape_cast %get3A_380 : vector<1x16xf32> to vector<16xf32>
      %swap3A = arith.index_cast %scan3A_378 : i32 to index
      %swap3A_382 = arith.constant 0 : index
      %swap3A_383 = tpu.vector_load %arg10[%swap3A, %swap3A_382] {strides = array<i32>} : memref<128x16xf32, #tpu.memory_space<vmem>>, vector<1x16xf32>,
      %swap3A_384 = vector.shape_cast %swap3A_383 : vector<1x16xf32> to vector<16xf32>
      %swap3A_385 = vector.shape_cast %get3A_381 : vector<16xf32> to vector<1x16xf32>
      tpu.vector_store %arg10[%swap3A, %swap3A_382], %swap3A_385 {strides = array<i32>} : memref<128x16xf32, #tpu.memory_space<vmem>>, vector<1x16xf32>,
    }
    %scan3A_348 = arith.constant 128 : i32
    %run_scoped3A_349 = arith.constant 2 : i32
    "tpu.region"() ({
      %run_scoped3A_378 = tpu.sem_alloc : memref<!tpu.dma_semaphore, #tpu.memory_space<semaphore_mem>>
      %dma_start3A = arith.constant 0 : i32
      %dma_start3A_379 = tpu.memref_slice %arg6[%arg0, %run_scoped3A_349, %add3A_342, %dma_start3A] : memref<1x3x10240x16xf32, #tpu.memory_space<hbm>> -> memref<1x1x128x16xf32, #tpu.memory_space<hbm>>
      %dma_start3A_380 = tpu.memref_squeeze %dma_start3A_379 : memref<1x1x128x16xf32, #tpu.memory_space<hbm>> -> memref<128x16xf32, #tpu.memory_space<hbm>>
      %dma_start3A_381 = arith.constant 0 : i32
      %dma_start3A_382 = tpu.memref_slice %arg6[%arg0, %run_scoped3A_349, %add3A_342, %dma_start3A_381] : memref<1x3x10240x16xf32, #tpu.memory_space<hbm>> -> memref<1x1x128x16xf32, #tpu.memory_space<hbm>>
      %dma_start3A_383 = tpu.memref_squeeze %dma_start3A_382 : memref<1x1x128x16xf32, #tpu.memory_space<hbm>> -> memref<128x16xf32, #tpu.memory_space<hbm>>
      tpu.enqueue_dma source(%arg10 : memref<128x16xf32, #tpu.memory_space<vmem>>) target(%dma_start3A_383 : memref<128x16xf32, #tpu.memory_space<hbm>>) target_semaphore(%run_scoped3A_378 : memref<!tpu.dma_semaphore, #tpu.memory_space<semaphore_mem>>)
      %dma_wait3A = arith.constant 0 : i32
      %dma_wait3A_384 = tpu.memref_slice %arg6[%arg0, %run_scoped3A_349, %add3A_342, %dma_wait3A] : memref<1x3x10240x16xf32, #tpu.memory_space<hbm>> -> memref<1x1x128x16xf32, #tpu.memory_space<hbm>>
      %dma_wait3A_385 = tpu.memref_squeeze %dma_wait3A_384 : memref<1x1x128x16xf32, #tpu.memory_space<hbm>> -> memref<128x16xf32, #tpu.memory_space<hbm>>
      %dma_wait3A_386 = arith.constant 0 : i32
      %dma_wait3A_387 = tpu.memref_slice %arg6[%arg0, %run_scoped3A_349, %add3A_342, %dma_wait3A_386] : memref<1x3x10240x16xf32, #tpu.memory_space<hbm>> -> memref<1x1x128x16xf32, #tpu.memory_space<hbm>>
      %dma_wait3A_388 = tpu.memref_squeeze %dma_wait3A_387 : memref<1x1x128x16xf32, #tpu.memory_space<hbm>> -> memref<128x16xf32, #tpu.memory_space<hbm>>
      tpu.wait_dma2 semaphore(%run_scoped3A_378 : memref<!tpu.dma_semaphore, #tpu.memory_space<semaphore_mem>>) src(%arg10 : memref<128x16xf32, #tpu.memory_space<vmem>>) dst(%dma_wait3A_388 : memref<128x16xf32, #tpu.memory_space<hbm>>)
      tpu.yield
    }) : () -> ()
    %add3A_350 = arith.constant 256 : i32
    %add3A_351 = arith.addi %mul3A_5, %add3A_350 : i32
    "tpu.region"() ({
      %run_scoped3A_378 = tpu.sem_alloc : memref<!tpu.dma_semaphore, #tpu.memory_space<semaphore_mem>>
      %dma_start3A = arith.constant 0 : i32
      %dma_start3A_379 = tpu.memref_slice %arg11[%add3A_351, %dma_start3A] : memref<10240x128xf32, #tpu.memory_space<vmem_shared>> -> memref<128x128xf32, #tpu.memory_space<vmem_shared>>
      %dma_start3A_380 = arith.constant 0 : i32
      %dma_start3A_381 = tpu.memref_slice %arg11[%add3A_351, %dma_start3A_380] : memref<10240x128xf32, #tpu.memory_space<vmem_shared>> -> memref<128x128xf32, #tpu.memory_space<vmem_shared>>
      tpu.enqueue_dma source(%dma_start3A_381 : memref<128x128xf32, #tpu.memory_space<vmem_shared>>) target(%arg9 : memref<128x128xf32, #tpu.memory_space<vmem>>) target_semaphore(%run_scoped3A_378 : memref<!tpu.dma_semaphore, #tpu.memory_space<semaphore_mem>>)
      %dma_wait3A = arith.constant 0 : i32
      %dma_wait3A_382 = tpu.memref_slice %arg11[%add3A_351, %dma_wait3A] : memref<10240x128xf32, #tpu.memory_space<vmem_shared>> -> memref<128x128xf32, #tpu.memory_space<vmem_shared>>
      %dma_wait3A_383 = arith.constant 0 : i32
      %dma_wait3A_384 = tpu.memref_slice %arg11[%add3A_351, %dma_wait3A_383] : memref<10240x128xf32, #tpu.memory_space<vmem_shared>> -> memref<128x128xf32, #tpu.memory_space<vmem_shared>>
      tpu.wait_dma2 semaphore(%run_scoped3A_378 : memref<!tpu.dma_semaphore, #tpu.memory_space<semaphore_mem>>) src(%dma_wait3A_384 : memref<128x128xf32, #tpu.memory_space<vmem_shared>>) dst(%arg9 : memref<128x128xf32, #tpu.memory_space<vmem>>)
      tpu.yield
    }) : () -> ()
    %scan3A_352 = arith.constant 0 : i32
    %scan3A_353 = arith.constant 0 : i32
    %scan3A_354 = arith.constant 128 : i32
    %scan3A_355 = arith.addi %scan3A_353, %scan3A_354 : i32
    %scan3A_356 = arith.constant 1 : i32
    scf.for %scan3A_378 = %scan3A_353 to %scan3A_355 step %scan3A_356  : i32 {
      %get3A = arith.index_cast %scan3A_378 : i32 to index
      %get3A_379 = arith.constant 0 : index
      %get3A_380 = tpu.vector_load %arg9[%get3A, %get3A_379] {strides = array<i32>} : memref<128x128xf32, #tpu.memory_space<vmem>>, vector<1x16xf32>,
      %get3A_381 = vector.shape_cast %get3A_380 : vector<1x16xf32> to vector<16xf32>
      %swap3A = arith.index_cast %scan3A_378 : i32 to index
      %swap3A_382 = arith.constant 0 : index
      %swap3A_383 = tpu.vector_load %arg10[%swap3A, %swap3A_382] {strides = array<i32>} : memref<128x16xf32, #tpu.memory_space<vmem>>, vector<1x16xf32>,
      %swap3A_384 = vector.shape_cast %swap3A_383 : vector<1x16xf32> to vector<16xf32>
      %swap3A_385 = vector.shape_cast %get3A_381 : vector<16xf32> to vector<1x16xf32>
      tpu.vector_store %arg10[%swap3A, %swap3A_382], %swap3A_385 {strides = array<i32>} : memref<128x16xf32, #tpu.memory_space<vmem>>, vector<1x16xf32>,
    }
    %scan3A_357 = arith.constant 128 : i32
    %run_scoped3A_358 = arith.constant 2 : i32
    "tpu.region"() ({
      %run_scoped3A_378 = tpu.sem_alloc : memref<!tpu.dma_semaphore, #tpu.memory_space<semaphore_mem>>
      %dma_start3A = arith.constant 0 : i32
      %dma_start3A_379 = tpu.memref_slice %arg6[%arg0, %run_scoped3A_358, %add3A_351, %dma_start3A] : memref<1x3x10240x16xf32, #tpu.memory_space<hbm>> -> memref<1x1x128x16xf32, #tpu.memory_space<hbm>>
      %dma_start3A_380 = tpu.memref_squeeze %dma_start3A_379 : memref<1x1x128x16xf32, #tpu.memory_space<hbm>> -> memref<128x16xf32, #tpu.memory_space<hbm>>
      %dma_start3A_381 = arith.constant 0 : i32
      %dma_start3A_382 = tpu.memref_slice %arg6[%arg0, %run_scoped3A_358, %add3A_351, %dma_start3A_381] : memref<1x3x10240x16xf32, #tpu.memory_space<hbm>> -> memref<1x1x128x16xf32, #tpu.memory_space<hbm>>
      %dma_start3A_383 = tpu.memref_squeeze %dma_start3A_382 : memref<1x1x128x16xf32, #tpu.memory_space<hbm>> -> memref<128x16xf32, #tpu.memory_space<hbm>>
      tpu.enqueue_dma source(%arg10 : memref<128x16xf32, #tpu.memory_space<vmem>>) target(%dma_start3A_383 : memref<128x16xf32, #tpu.memory_space<hbm>>) target_semaphore(%run_scoped3A_378 : memref<!tpu.dma_semaphore, #tpu.memory_space<semaphore_mem>>)
      %dma_wait3A = arith.constant 0 : i32
      %dma_wait3A_384 = tpu.memref_slice %arg6[%arg0, %run_scoped3A_358, %add3A_351, %dma_wait3A] : memref<1x3x10240x16xf32, #tpu.memory_space<hbm>> -> memref<1x1x128x16xf32, #tpu.memory_space<hbm>>
      %dma_wait3A_385 = tpu.memref_squeeze %dma_wait3A_384 : memref<1x1x128x16xf32, #tpu.memory_space<hbm>> -> memref<128x16xf32, #tpu.memory_space<hbm>>
      %dma_wait3A_386 = arith.constant 0 : i32
      %dma_wait3A_387 = tpu.memref_slice %arg6[%arg0, %run_scoped3A_358, %add3A_351, %dma_wait3A_386] : memref<1x3x10240x16xf32, #tpu.memory_space<hbm>> -> memref<1x1x128x16xf32, #tpu.memory_space<hbm>>
      %dma_wait3A_388 = tpu.memref_squeeze %dma_wait3A_387 : memref<1x1x128x16xf32, #tpu.memory_space<hbm>> -> memref<128x16xf32, #tpu.memory_space<hbm>>
      tpu.wait_dma2 semaphore(%run_scoped3A_378 : memref<!tpu.dma_semaphore, #tpu.memory_space<semaphore_mem>>) src(%arg10 : memref<128x16xf32, #tpu.memory_space<vmem>>) dst(%dma_wait3A_388 : memref<128x16xf32, #tpu.memory_space<hbm>>)
      tpu.yield
    }) : () -> ()
    %add3A_359 = arith.constant 384 : i32
    %add3A_360 = arith.addi %mul3A_5, %add3A_359 : i32
    "tpu.region"() ({
      %run_scoped3A_378 = tpu.sem_alloc : memref<!tpu.dma_semaphore, #tpu.memory_space<semaphore_mem>>
      %dma_start3A = arith.constant 0 : i32
      %dma_start3A_379 = tpu.memref_slice %arg11[%add3A_360, %dma_start3A] : memref<10240x128xf32, #tpu.memory_space<vmem_shared>> -> memref<128x128xf32, #tpu.memory_space<vmem_shared>>
      %dma_start3A_380 = arith.constant 0 : i32
      %dma_start3A_381 = tpu.memref_slice %arg11[%add3A_360, %dma_start3A_380] : memref<10240x128xf32, #tpu.memory_space<vmem_shared>> -> memref<128x128xf32, #tpu.memory_space<vmem_shared>>
      tpu.enqueue_dma source(%dma_start3A_381 : memref<128x128xf32, #tpu.memory_space<vmem_shared>>) target(%arg9 : memref<128x128xf32, #tpu.memory_space<vmem>>) target_semaphore(%run_scoped3A_378 : memref<!tpu.dma_semaphore, #tpu.memory_space<semaphore_mem>>)
      %dma_wait3A = arith.constant 0 : i32
      %dma_wait3A_382 = tpu.memref_slice %arg11[%add3A_360, %dma_wait3A] : memref<10240x128xf32, #tpu.memory_space<vmem_shared>> -> memref<128x128xf32, #tpu.memory_space<vmem_shared>>
      %dma_wait3A_383 = arith.constant 0 : i32
      %dma_wait3A_384 = tpu.memref_slice %arg11[%add3A_360, %dma_wait3A_383] : memref<10240x128xf32, #tpu.memory_space<vmem_shared>> -> memref<128x128xf32, #tpu.memory_space<vmem_shared>>
      tpu.wait_dma2 semaphore(%run_scoped3A_378 : memref<!tpu.dma_semaphore, #tpu.memory_space<semaphore_mem>>) src(%dma_wait3A_384 : memref<128x128xf32, #tpu.memory_space<vmem_shared>>) dst(%arg9 : memref<128x128xf32, #tpu.memory_space<vmem>>)
      tpu.yield
    }) : () -> ()
    %scan3A_361 = arith.constant 0 : i32
    %scan3A_362 = arith.constant 0 : i32
    %scan3A_363 = arith.constant 128 : i32
    %scan3A_364 = arith.addi %scan3A_362, %scan3A_363 : i32
    %scan3A_365 = arith.constant 1 : i32
    scf.for %scan3A_378 = %scan3A_362 to %scan3A_364 step %scan3A_365  : i32 {
      %get3A = arith.index_cast %scan3A_378 : i32 to index
      %get3A_379 = arith.constant 0 : index
      %get3A_380 = tpu.vector_load %arg9[%get3A, %get3A_379] {strides = array<i32>} : memref<128x128xf32, #tpu.memory_space<vmem>>, vector<1x16xf32>,
      %get3A_381 = vector.shape_cast %get3A_380 : vector<1x16xf32> to vector<16xf32>
      %swap3A = arith.index_cast %scan3A_378 : i32 to index
      %swap3A_382 = arith.constant 0 : index
      %swap3A_383 = tpu.vector_load %arg10[%swap3A, %swap3A_382] {strides = array<i32>} : memref<128x16xf32, #tpu.memory_space<vmem>>, vector<1x16xf32>,
      %swap3A_384 = vector.shape_cast %swap3A_383 : vector<1x16xf32> to vector<16xf32>
      %swap3A_385 = vector.shape_cast %get3A_381 : vector<16xf32> to vector<1x16xf32>
      tpu.vector_store %arg10[%swap3A, %swap3A_382], %swap3A_385 {strides = array<i32>} : memref<128x16xf32, #tpu.memory_space<vmem>>, vector<1x16xf32>,
    }
    %scan3A_366 = arith.constant 128 : i32
    %run_scoped3A_367 = arith.constant 2 : i32
    "tpu.region"() ({
      %run_scoped3A_378 = tpu.sem_alloc : memref<!tpu.dma_semaphore, #tpu.memory_space<semaphore_mem>>
      %dma_start3A = arith.constant 0 : i32
      %dma_start3A_379 = tpu.memref_slice %arg6[%arg0, %run_scoped3A_367, %add3A_360, %dma_start3A] : memref<1x3x10240x16xf32, #tpu.memory_space<hbm>> -> memref<1x1x128x16xf32, #tpu.memory_space<hbm>>
      %dma_start3A_380 = tpu.memref_squeeze %dma_start3A_379 : memref<1x1x128x16xf32, #tpu.memory_space<hbm>> -> memref<128x16xf32, #tpu.memory_space<hbm>>
      %dma_start3A_381 = arith.constant 0 : i32
      %dma_start3A_382 = tpu.memref_slice %arg6[%arg0, %run_scoped3A_367, %add3A_360, %dma_start3A_381] : memref<1x3x10240x16xf32, #tpu.memory_space<hbm>> -> memref<1x1x128x16xf32, #tpu.memory_space<hbm>>
      %dma_start3A_383 = tpu.memref_squeeze %dma_start3A_382 : memref<1x1x128x16xf32, #tpu.memory_space<hbm>> -> memref<128x16xf32, #tpu.memory_space<hbm>>
      tpu.enqueue_dma source(%arg10 : memref<128x16xf32, #tpu.memory_space<vmem>>) target(%dma_start3A_383 : memref<128x16xf32, #tpu.memory_space<hbm>>) target_semaphore(%run_scoped3A_378 : memref<!tpu.dma_semaphore, #tpu.memory_space<semaphore_mem>>)
      %dma_wait3A = arith.constant 0 : i32
      %dma_wait3A_384 = tpu.memref_slice %arg6[%arg0, %run_scoped3A_367, %add3A_360, %dma_wait3A] : memref<1x3x10240x16xf32, #tpu.memory_space<hbm>> -> memref<1x1x128x16xf32, #tpu.memory_space<hbm>>
      %dma_wait3A_385 = tpu.memref_squeeze %dma_wait3A_384 : memref<1x1x128x16xf32, #tpu.memory_space<hbm>> -> memref<128x16xf32, #tpu.memory_space<hbm>>
      %dma_wait3A_386 = arith.constant 0 : i32
      %dma_wait3A_387 = tpu.memref_slice %arg6[%arg0, %run_scoped3A_367, %add3A_360, %dma_wait3A_386] : memref<1x3x10240x16xf32, #tpu.memory_space<hbm>> -> memref<1x1x128x16xf32, #tpu.memory_space<hbm>>
      %dma_wait3A_388 = tpu.memref_squeeze %dma_wait3A_387 : memref<1x1x128x16xf32, #tpu.memory_space<hbm>> -> memref<128x16xf32, #tpu.memory_space<hbm>>
      tpu.wait_dma2 semaphore(%run_scoped3A_378 : memref<!tpu.dma_semaphore, #tpu.memory_space<semaphore_mem>>) src(%arg10 : memref<128x16xf32, #tpu.memory_space<vmem>>) dst(%dma_wait3A_388 : memref<128x16xf32, #tpu.memory_space<hbm>>)
      tpu.yield
    }) : () -> ()
    %add3A_368 = arith.constant 512 : i32
    %add3A_369 = arith.addi %mul3A_5, %add3A_368 : i32
    "tpu.region"() ({
      %run_scoped3A_378 = tpu.sem_alloc : memref<!tpu.dma_semaphore, #tpu.memory_space<semaphore_mem>>
      %dma_start3A = arith.constant 0 : i32
      %dma_start3A_379 = tpu.memref_slice %arg11[%add3A_369, %dma_start3A] : memref<10240x128xf32, #tpu.memory_space<vmem_shared>> -> memref<128x128xf32, #tpu.memory_space<vmem_shared>>
      %dma_start3A_380 = arith.constant 0 : i32
      %dma_start3A_381 = tpu.memref_slice %arg11[%add3A_369, %dma_start3A_380] : memref<10240x128xf32, #tpu.memory_space<vmem_shared>> -> memref<128x128xf32, #tpu.memory_space<vmem_shared>>
      tpu.enqueue_dma source(%dma_start3A_381 : memref<128x128xf32, #tpu.memory_space<vmem_shared>>) target(%arg9 : memref<128x128xf32, #tpu.memory_space<vmem>>) target_semaphore(%run_scoped3A_378 : memref<!tpu.dma_semaphore, #tpu.memory_space<semaphore_mem>>)
      %dma_wait3A = arith.constant 0 : i32
      %dma_wait3A_382 = tpu.memref_slice %arg11[%add3A_369, %dma_wait3A] : memref<10240x128xf32, #tpu.memory_space<vmem_shared>> -> memref<128x128xf32, #tpu.memory_space<vmem_shared>>
      %dma_wait3A_383 = arith.constant 0 : i32
      %dma_wait3A_384 = tpu.memref_slice %arg11[%add3A_369, %dma_wait3A_383] : memref<10240x128xf32, #tpu.memory_space<vmem_shared>> -> memref<128x128xf32, #tpu.memory_space<vmem_shared>>
      tpu.wait_dma2 semaphore(%run_scoped3A_378 : memref<!tpu.dma_semaphore, #tpu.memory_space<semaphore_mem>>) src(%dma_wait3A_384 : memref<128x128xf32, #tpu.memory_space<vmem_shared>>) dst(%arg9 : memref<128x128xf32, #tpu.memory_space<vmem>>)
      tpu.yield
    }) : () -> ()
    %scan3A_370 = arith.constant 0 : i32
    %scan3A_371 = arith.constant 0 : i32
    %scan3A_372 = arith.constant 128 : i32
    %scan3A_373 = arith.addi %scan3A_371, %scan3A_372 : i32
    %scan3A_374 = arith.constant 1 : i32
    scf.for %scan3A_378 = %scan3A_371 to %scan3A_373 step %scan3A_374  : i32 {
      %get3A = arith.index_cast %scan3A_378 : i32 to index
      %get3A_379 = arith.constant 0 : index
      %get3A_380 = tpu.vector_load %arg9[%get3A, %get3A_379] {strides = array<i32>} : memref<128x128xf32, #tpu.memory_space<vmem>>, vector<1x16xf32>,
      %get3A_381 = vector.shape_cast %get3A_380 : vector<1x16xf32> to vector<16xf32>
      %swap3A = arith.index_cast %scan3A_378 : i32 to index
      %swap3A_382 = arith.constant 0 : index
      %swap3A_383 = tpu.vector_load %arg10[%swap3A, %swap3A_382] {strides = array<i32>} : memref<128x16xf32, #tpu.memory_space<vmem>>, vector<1x16xf32>,
      %swap3A_384 = vector.shape_cast %swap3A_383 : vector<1x16xf32> to vector<16xf32>
      %swap3A_385 = vector.shape_cast %get3A_381 : vector<16xf32> to vector<1x16xf32>
      tpu.vector_store %arg10[%swap3A, %swap3A_382], %swap3A_385 {strides = array<i32>} : memref<128x16xf32, #tpu.memory_space<vmem>>, vector<1x16xf32>,
    }
    %scan3A_375 = arith.constant 128 : i32
    %run_scoped3A_376 = arith.constant 2 : i32
    "tpu.region"() ({
      %run_scoped3A_378 = tpu.sem_alloc : memref<!tpu.dma_semaphore, #tpu.memory_space<semaphore_mem>>
      %dma_start3A = arith.constant 0 : i32
      %dma_start3A_379 = tpu.memref_slice %arg6[%arg0, %run_scoped3A_376, %add3A_369, %dma_start3A] : memref<1x3x10240x16xf32, #tpu.memory_space<hbm>> -> memref<1x1x128x16xf32, #tpu.memory_space<hbm>>
      %dma_start3A_380 = tpu.memref_squeeze %dma_start3A_379 : memref<1x1x128x16xf32, #tpu.memory_space<hbm>> -> memref<128x16xf32, #tpu.memory_space<hbm>>
      %dma_start3A_381 = arith.constant 0 : i32
      %dma_start3A_382 = tpu.memref_slice %arg6[%arg0, %run_scoped3A_376, %add3A_369, %dma_start3A_381] : memref<1x3x10240x16xf32, #tpu.memory_space<hbm>> -> memref<1x1x128x16xf32, #tpu.memory_space<hbm>>
      %dma_start3A_383 = tpu.memref_squeeze %dma_start3A_382 : memref<1x1x128x16xf32, #tpu.memory_space<hbm>> -> memref<128x16xf32, #tpu.memory_space<hbm>>
      tpu.enqueue_dma source(%arg10 : memref<128x16xf32, #tpu.memory_space<vmem>>) target(%dma_start3A_383 : memref<128x16xf32, #tpu.memory_space<hbm>>) target_semaphore(%run_scoped3A_378 : memref<!tpu.dma_semaphore, #tpu.memory_space<semaphore_mem>>)
      %dma_wait3A = arith.constant 0 : i32
      %dma_wait3A_384 = tpu.memref_slice %arg6[%arg0, %run_scoped3A_376, %add3A_369, %dma_wait3A] : memref<1x3x10240x16xf32, #tpu.memory_space<hbm>> -> memref<1x1x128x16xf32, #tpu.memory_space<hbm>>
      %dma_wait3A_385 = tpu.memref_squeeze %dma_wait3A_384 : memref<1x1x128x16xf32, #tpu.memory_space<hbm>> -> memref<128x16xf32, #tpu.memory_space<hbm>>
      %dma_wait3A_386 = arith.constant 0 : i32
      %dma_wait3A_387 = tpu.memref_slice %arg6[%arg0, %run_scoped3A_376, %add3A_369, %dma_wait3A_386] : memref<1x3x10240x16xf32, #tpu.memory_space<hbm>> -> memref<1x1x128x16xf32, #tpu.memory_space<hbm>>
      %dma_wait3A_388 = tpu.memref_squeeze %dma_wait3A_387 : memref<1x1x128x16xf32, #tpu.memory_space<hbm>> -> memref<128x16xf32, #tpu.memory_space<hbm>>
      tpu.wait_dma2 semaphore(%run_scoped3A_378 : memref<!tpu.dma_semaphore, #tpu.memory_space<semaphore_mem>>) src(%arg10 : memref<128x16xf32, #tpu.memory_space<vmem>>) dst(%dma_wait3A_388 : memref<128x16xf32, #tpu.memory_space<hbm>>)
      tpu.yield
    }) : () -> ()
    %barrier3A_377 = arith.constant 0 : index
    tpu.barrier barrier_id(%barrier3A_377)
    return
  }
}

module attributes {stable_mosaic.version = 14 : i64} {
  func.func @_tc_body(%arg0: i32, %arg1: memref<3x2xf32, #tpu.memory_space<smem>>, %arg2: memref<1x3x512x128xf32, #tpu.memory_space<vmem>>, %arg3: memref<1x3x512x16xf32, #tpu.memory_space<vmem>>, %arg4: memref<2x128x128xf32, #tpu.memory_space<vmem>>, %arg5: memref<1x128xf32, #tpu.memory_space<vmem>>, %arg6: memref<512x128xf32, #tpu.memory_space<vmem>>) attributes {dimension_semantics = [#tpu.dimension_semantics<arbitrary>], iteration_bounds = array<i64: 20>, scalar_prefetch = 0 : i64, scratch_operands = 0 : i64, tpu.core_type = #tpu.core_type<tc>, window_params = [{transform_indices = @transform_0, window_bounds = array<i64: 3, 2>}, {transform_indices = @transform_1, window_bounds = array<i64: 1, 3, 512, 128>}, {transform_indices = @transform_2, window_bounds = array<i64: 1, 3, 512, 16>}, {pipeline_mode = #tpu.pipeline_mode<synchronous>, transform_indices = @transform_3, window_bounds = array<i64: 2, 128, 128>}, {pipeline_mode = #tpu.pipeline_mode<synchronous>, transform_indices = @transform_4, window_bounds = array<i64: 1, 128>}, {transform_indices = @transform_5, window_bounds = array<i64: 512, 128>}]} {
    %get3A = arith.constant 0 : index
    %get3A_0 = arith.constant 0 : index
    %get3A_1 = arith.constant 0 : index
    %get3A_2 = arith.constant 0 : index
    %get3A_3 = vector.load %arg2[%get3A, %get3A_0, %get3A_1, %get3A_2] : memref<1x3x512x128xf32, #tpu.memory_space<vmem>>, vector<1x1x512x128xf32>
    %get3A_4 = vector.shape_cast %get3A_3 : vector<1x1x512x128xf32> to vector<512x128xf32>
    %get3A_5 = arith.constant 0 : index
    %get3A_6 = arith.constant 0 : index
    %get3A_7 = arith.constant 0 : index
    %get3A_8 = arith.constant 0 : index
    %get3A_9 = vector.load %arg3[%get3A_5, %get3A_6, %get3A_7, %get3A_8] : memref<1x3x512x16xf32, #tpu.memory_space<vmem>>, vector<1x1x512x1xf32>
    %get3A_10 = vector.shape_cast %get3A_9 : vector<1x1x512x1xf32> to vector<512x1xf32>
    %max3A = arith.constant 1.000000e+00 : f32
    %max3A_11 = vector.broadcast %max3A : f32 to vector<512x1xf32>
    %max3A_12 = arith.maximumf %get3A_10, %max3A_11 : vector<512x1xf32>
    %div3A = vector.broadcast %max3A_12 : vector<512x1xf32> to vector<512x128xf32>
    %div3A_13 = arith.divf %get3A_4, %div3A : vector<512x128xf32>
    %get3A_14 = arith.constant 0 : index
    %get3A_15 = arith.constant 1 : index
    %get3A_16 = arith.constant 0 : index
    %get3A_17 = arith.constant 0 : index
    %get3A_18 = vector.load %arg2[%get3A_14, %get3A_15, %get3A_16, %get3A_17] : memref<1x3x512x128xf32, #tpu.memory_space<vmem>>, vector<1x1x512x128xf32>
    %get3A_19 = vector.shape_cast %get3A_18 : vector<1x1x512x128xf32> to vector<512x128xf32>
    %get3A_20 = arith.constant 0 : index
    %get3A_21 = arith.constant 1 : index
    %get3A_22 = arith.constant 0 : index
    %get3A_23 = arith.constant 0 : index
    %get3A_24 = vector.load %arg3[%get3A_20, %get3A_21, %get3A_22, %get3A_23] : memref<1x3x512x16xf32, #tpu.memory_space<vmem>>, vector<1x1x512x1xf32>
    %get3A_25 = vector.shape_cast %get3A_24 : vector<1x1x512x1xf32> to vector<512x1xf32>
    %max3A_26 = arith.constant 1.000000e+00 : f32
    %max3A_27 = vector.broadcast %max3A_26 : f32 to vector<512x1xf32>
    %max3A_28 = arith.maximumf %get3A_25, %max3A_27 : vector<512x1xf32>
    %div3A_29 = vector.broadcast %max3A_28 : vector<512x1xf32> to vector<512x128xf32>
    %div3A_30 = arith.divf %get3A_19, %div3A_29 : vector<512x128xf32>
    %get3A_31 = arith.constant 0 : index
    %get3A_32 = arith.constant 2 : index
    %get3A_33 = arith.constant 0 : index
    %get3A_34 = arith.constant 0 : index
    %get3A_35 = vector.load %arg2[%get3A_31, %get3A_32, %get3A_33, %get3A_34] : memref<1x3x512x128xf32, #tpu.memory_space<vmem>>, vector<1x1x512x128xf32>
    %get3A_36 = vector.shape_cast %get3A_35 : vector<1x1x512x128xf32> to vector<512x128xf32>
    %get3A_37 = arith.constant 0 : index
    %get3A_38 = arith.constant 2 : index
    %get3A_39 = arith.constant 0 : index
    %get3A_40 = arith.constant 0 : index
    %get3A_41 = vector.load %arg3[%get3A_37, %get3A_38, %get3A_39, %get3A_40] : memref<1x3x512x16xf32, #tpu.memory_space<vmem>>, vector<1x1x512x1xf32>
    %get3A_42 = vector.shape_cast %get3A_41 : vector<1x1x512x1xf32> to vector<512x1xf32>
    %max3A_43 = arith.constant 1.000000e+00 : f32
    %max3A_44 = vector.broadcast %max3A_43 : f32 to vector<512x1xf32>
    %max3A_45 = arith.maximumf %get3A_42, %max3A_44 : vector<512x1xf32>
    %div3A_46 = vector.broadcast %max3A_45 : vector<512x1xf32> to vector<512x128xf32>
    %div3A_47 = arith.divf %get3A_36, %div3A_46 : vector<512x128xf32>
    %get3A_48 = arith.constant 0 : index
    %get3A_49 = arith.constant 0 : index
    %get3A_50 = memref.load %arg1[%get3A_48, %get3A_49] : memref<3x2xf32, #tpu.memory_space<smem>>
    %mul3A = vector.broadcast %get3A_50 : f32 to vector<512x128xf32>
    %mul3A_51 = arith.mulf %mul3A, %div3A_13 : vector<512x128xf32>
    %get3A_52 = arith.constant 1 : index
    %get3A_53 = arith.constant 0 : index
    %get3A_54 = memref.load %arg1[%get3A_52, %get3A_53] : memref<3x2xf32, #tpu.memory_space<smem>>
    %mul3A_55 = vector.broadcast %get3A_54 : f32 to vector<512x128xf32>
    %mul3A_56 = arith.mulf %mul3A_55, %div3A_30 : vector<512x128xf32>
    %add3A = arith.addf %mul3A_51, %mul3A_56 : vector<512x128xf32>
    %get3A_57 = arith.constant 2 : index
    %get3A_58 = arith.constant 0 : index
    %get3A_59 = memref.load %arg1[%get3A_57, %get3A_58] : memref<3x2xf32, #tpu.memory_space<smem>>
    %mul3A_60 = vector.broadcast %get3A_59 : f32 to vector<512x128xf32>
    %mul3A_61 = arith.mulf %mul3A_60, %div3A_47 : vector<512x128xf32>
    %add3A_62 = arith.addf %add3A, %mul3A_61 : vector<512x128xf32>
    %get3A_63 = arith.constant 0 : index
    %get3A_64 = arith.constant 0 : index
    %get3A_65 = arith.constant 0 : index
    %get3A_66 = vector.load %arg4[%get3A_63, %get3A_64, %get3A_65] : memref<2x128x128xf32, #tpu.memory_space<vmem>>, vector<1x128x128xf32>
    %get3A_67 = vector.shape_cast %get3A_66 : vector<1x128x128xf32> to vector<128x128xf32>
    %dot_general3A = arith.constant dense<0.000000e+00> : vector<512x128xf32>
    %dot_general3A_68 = tpu.matmul %add3A_62, %get3A_67, %dot_general3A {dimension_numbers = #tpu.dot_dimension_numbers<[1], [0], [0], [1], [0, 0, 1, 1], [], []>, transpose_lhs_hint = false} : vector<512x128xf32>, vector<128x128xf32>, vector<512x128xf32> -> vector<512x128xf32>
    %get3A_69 = arith.constant 0 : index
    %get3A_70 = arith.constant 1 : index
    %get3A_71 = memref.load %arg1[%get3A_69, %get3A_70] : memref<3x2xf32, #tpu.memory_space<smem>>
    %mul3A_72 = vector.broadcast %get3A_71 : f32 to vector<512x128xf32>
    %mul3A_73 = arith.mulf %mul3A_72, %div3A_13 : vector<512x128xf32>
    %get3A_74 = arith.constant 1 : index
    %get3A_75 = arith.constant 1 : index
    %get3A_76 = memref.load %arg1[%get3A_74, %get3A_75] : memref<3x2xf32, #tpu.memory_space<smem>>
    %mul3A_77 = vector.broadcast %get3A_76 : f32 to vector<512x128xf32>
    %mul3A_78 = arith.mulf %mul3A_77, %div3A_30 : vector<512x128xf32>
    %add3A_79 = arith.addf %mul3A_73, %mul3A_78 : vector<512x128xf32>
    %get3A_80 = arith.constant 2 : index
    %get3A_81 = arith.constant 1 : index
    %get3A_82 = memref.load %arg1[%get3A_80, %get3A_81] : memref<3x2xf32, #tpu.memory_space<smem>>
    %mul3A_83 = vector.broadcast %get3A_82 : f32 to vector<512x128xf32>
    %mul3A_84 = arith.mulf %mul3A_83, %div3A_47 : vector<512x128xf32>
    %add3A_85 = arith.addf %add3A_79, %mul3A_84 : vector<512x128xf32>
    %get3A_86 = arith.constant 1 : index
    %get3A_87 = arith.constant 0 : index
    %get3A_88 = arith.constant 0 : index
    %get3A_89 = vector.load %arg4[%get3A_86, %get3A_87, %get3A_88] : memref<2x128x128xf32, #tpu.memory_space<vmem>>, vector<1x128x128xf32>
    %get3A_90 = vector.shape_cast %get3A_89 : vector<1x128x128xf32> to vector<128x128xf32>
    %dot_general3A_91 = arith.constant dense<0.000000e+00> : vector<512x128xf32>
    %dot_general3A_92 = tpu.matmul %add3A_85, %get3A_90, %dot_general3A_91 {dimension_numbers = #tpu.dot_dimension_numbers<[1], [0], [0], [1], [0, 0, 1, 1], [], []>, transpose_lhs_hint = false} : vector<512x128xf32>, vector<128x128xf32>, vector<512x128xf32> -> vector<512x128xf32>
    %add3A_93 = arith.addf %dot_general3A_68, %dot_general3A_92 : vector<512x128xf32>
    %get3A_94 = arith.constant 0 : index
    %get3A_95 = arith.constant 0 : index
    %get3A_96 = vector.load %arg5[%get3A_94, %get3A_95] : memref<1x128xf32, #tpu.memory_space<vmem>>, vector<1x128xf32>
    %get3A_97 = vector.shape_cast %get3A_96 : vector<1x128xf32> to vector<128xf32>
    %broadcast_in_dim3A = vector.shape_cast %get3A_97 : vector<128xf32> to vector<1x128xf32>
    %add3A_98 = vector.broadcast %broadcast_in_dim3A : vector<1x128xf32> to vector<512x128xf32>
    %add3A_99 = arith.addf %add3A_93, %add3A_98 : vector<512x128xf32>
    %swap3A = arith.constant 0 : index
    %swap3A_100 = arith.constant 0 : index
    %swap3A_101 = vector.load %arg6[%swap3A, %swap3A_100] : memref<512x128xf32, #tpu.memory_space<vmem>>, vector<512x128xf32>
    tpu.vector_store %arg6[%swap3A, %swap3A_100], %add3A_99 {strides = array<i32>} : memref<512x128xf32, #tpu.memory_space<vmem>>, vector<512x128xf32>,
    return
  }
  func.func @transform_0(%arg0: i32) -> (i32, i32) {
    %c0_i32 = arith.constant 0 : i32
    %c0_i32_0 = arith.constant 0 : i32
    %c0_i32_1 = arith.constant 0 : i32
    return %c0_i32, %c0_i32_0 : i32, i32
  }
  func.func @transform_1(%arg0: i32) -> (i32, i32, i32, i32) {
    %c0_i32 = arith.constant 0 : i32
    %c0_i32_0 = arith.constant 0 : i32
    %c0_i32_1 = arith.constant 0 : i32
    %c0_i32_2 = arith.constant 0 : i32
    return %c0_i32, %c0_i32_0, %arg0, %c0_i32_1 : i32, i32, i32, i32
  }
  func.func @transform_2(%arg0: i32) -> (i32, i32, i32, i32) {
    %c0_i32 = arith.constant 0 : i32
    %c0_i32_0 = arith.constant 0 : i32
    %c0_i32_1 = arith.constant 0 : i32
    %c0_i32_2 = arith.constant 0 : i32
    return %c0_i32, %c0_i32_0, %arg0, %c0_i32_1 : i32, i32, i32, i32
  }
  func.func @transform_3(%arg0: i32) -> (i32, i32, i32) {
    %c0_i32 = arith.constant 0 : i32
    %c0_i32_0 = arith.constant 0 : i32
    %c0_i32_1 = arith.constant 0 : i32
    %c0_i32_2 = arith.constant 0 : i32
    return %c0_i32, %c0_i32_0, %c0_i32_1 : i32, i32, i32
  }
  func.func @transform_4(%arg0: i32) -> (i32, i32) {
    %c0_i32 = arith.constant 0 : i32
    %c0_i32_0 = arith.constant 0 : i32
    %c0_i32_1 = arith.constant 0 : i32
    return %c0_i32, %c0_i32_0 : i32, i32
  }
  func.func @transform_5(%arg0: i32) -> (i32, i32) {
    %c0_i32 = arith.constant 0 : i32
    %c0_i32_0 = arith.constant 0 : i32
    return %arg0, %c0_i32 : i32, i32
  }
}

</mosaic_0001>

<sc_bundles>
// kernel: kernel.4.cloned.1.call-start
scs
__scs_entry_jumppad:
0x0: {  	(pc) =	sbr.rel $0x88, $3  }
0x1: {  	(tag) =	ssettag $0x0;
	lr =	simm.s32 $0x1  }
0x2: {  	[smem:$0x3F9A] =	sst lr;
	_ =	strace $0xD0000000  }
0x3: {  	_ = 	snop  }
0x4: {  	_ = 	snop  }
0x5: {  	_ = 	snop  }
0x6: {  	_ = 	snop  }
0x7: {  	_ = 	snop  }
__scs_overlays_trampoline_lowered:
0x8: {  	[smem:$0x3FA9] =	sst s0  }
0x9: {  	[smem:$0x3FAA] =	sst s1  }
0xa: {  	[smem:$0x3FAB] =	sst s2  }
0xb: {  	[smem:$0x3FAC] =	sst s3  }
0xc: {  	[smem:$0x3FAD] =	sst s4  }
0xd: {  	[smem:$0x3FAE] =	sst s5  }
0xe: {  	[smem:$0x3FAF] =	sst s6  }
0xf: {  	[smem:$0x3FB0] =	sst s7  }
0x10: {  	[smem:$0x3FB1] =	sst s8  }
0x11: {  	[smem:$0x3FB2] =	sst s9;
	s0 =	simm.s32 @!p0 $0x0  }
0x12: {  	s1 =	sld [smem:$0x3F98];
	s0 =	simm.s32 @p0 $0x1  }
0x13: {  	[smem:$0x3FB3] =	sst s0;
	s0 =	simm.s32 @!p1 $0x0  }
0x14: {  	s2 =	sld [smem:$0x3F97];
	s0 =	simm.s32 @p1 $0x1  }
0x15: {  	[smem:$0x3FB4] =	sst s0;
	s0 =	simm.s32 @!p2 $0x0  }
0x16: {  	s3 =	sld [smem:$0x3FDB];
	s0 =	simm.s32 @p2 $0x1  }
0x17: {  	s4 =	simm.s32 $0x1BF5;
	[smem:$0x3FB6] =	sst s0  }
0x18: {  	s0 =	sld [smem:$0x3F99];
	_ =	swait.ge [sflag:s4], $0x0  }
0x19: {  	s7 =	sld [smem:$0x3F9A]  }
0x1a: {  	s8 =	sadd.s32 $0xFFFFE003, lr  }
0x1b: {  	s9 =	sadd.s32 $0xFFFFFEF7, lr;
	s5 =	simm.s32 $0xFFFFFFFF;
	p2 =	slt.u32 s8, $0xFFFFF086  }
0x1c: {  	p1 =	slt.u32 s9, $0xF7A;
	s5 =	simm.s32 @!p2 $0x0  }
0x1d: {  	s5 =	simm.s32 @p1 $0x1;
	p0 =	seq.s32 s7, s2  }
0x1e: {  	s7 =	smul.u32 @!p0 $0xF7A, s2;
	p2 =	seq.s32 @!p0 s5, $0x0  }
0x1f: {  	s9 =	smul.u32 $0xF7A, s1;
	s8 =	simm.s32 @!p0 $0x1BF5;
	p2 =	por !p2, p0  }
0x20: {  	[sflag:s8] =	ssyncset.s32 @!p0 $0xFFFFF086;
	s6 =	sadd.s32 @!p0 s3, s7;
	s7 =	simm.s32 @!p0 $0x108  }
0x21: {  	s3 =	sadd.s32 s3, s9;
	s6 =	sadd.s32 @!p0 $0x88, s6;
	s7 =	simm.s32 @p2 $0x1082  }
0x22: {  	[simem:s7], [sflag:s8] =	dma.local @!p0 [hbm:s6], $0xF7A  }
0x23: {  	s9 =	sor.u32 $0xD0000000, s2;
	s6 =	simm.s32 $0x108;
	_ =	swait.ge @!p0 [sflag:s8], $0x0  }
0x24: {  	s3 =	sadd.s32 $0x88, s3;
	s6 =	simm.s32 @!p1 $0x1082;
	[sflag:s4] =	ssyncset.s32 $0xFFFFF086  }
0x25: {  	[simem:s6], [sflag:s4] =	dma.local [hbm:s3], $0xF7A  }
0x26: {  	[smem:$0x3F9A] =	sst s1;
	(tag) =	ssettag s2;
	_ =	strace s9  }
0x27: {  	s1 =	sld [smem:$0x3FAA]  }
0x28: {  	s2 =	sld [smem:$0x3FAB]  }
0x29: {  	s4 =	sld [smem:$0x3FAD]  }
0x2a: {  	p0 =	seq.s32 s5, $0x0;
	s5 =	sld [smem:$0x3FAE]  }
0x2b: {  	s6 =	sld [smem:$0x3FAF]  }
0x2c: {  	s7 =	sld [smem:$0x3FB0]  }
0x2d: {  	s3 =	simm.s32 $0x108;
	s8 =	sld [smem:$0x3FB1]  }
0x2e: {  	s3 =	simm.s32 @!p0 $0x1082;
	s9 =	sld [smem:$0x3FB2]  }
0x2f: {  	lr =	sadd.s32 s0, s3;
	s0 =	sld [smem:$0x3FA9]  }
0x30: {  	s3 =	sld [smem:$0x3FAC]  }
0x31: {  	[smem:$0x3FB5] =	sst s10  }
0x32: {  	s10 =	sld [smem:$0x3FB3];
	_ =	sdelay $0x3  }
0x33: {  	p0 =	seq.s32 s10, $0x1;
	s10 =	sld [smem:$0x3FB5];
	_ =	sdelay $0x3  }
0x34: {  	[smem:$0x3FB5] =	sst s10  }
0x35: {  	s10 =	sld [smem:$0x3FB4];
	_ =	sdelay $0x3  }
0x36: {  	p1 =	seq.s32 s10, $0x1;
	s10 =	sld [smem:$0x3FB5];
	_ =	sdelay $0x3  }
0x37: {  	[smem:$0x3FB5] =	sst s10  }
0x38: {  	s10 =	sld [smem:$0x3FB6]  }
0x39: {  	_ = 	snop;
	(pc) =	sbr.ind lr, $3  }
0x3a: {  	_ = 	snop  }
0x3b: {  	_ = 	snop  }
0x3c: {  	p2 =	seq.s32 s10, $0x1;
	s10 =	sld [smem:$0x3FB5]  }
0x3d: {  	_ =	shalt  }
0x3e: {  	_ =	shalt  }
0x3f: {  	_ =	shalt  }
0x40: {  	_ =	shalt  }
0x41: {  	_ =	shalt  }
0x42: {  	_ =	shalt  }
0x43: {  	_ =	shalt  }
0x44: {  	_ =	shalt  }
0x45: {  	_ =	shalt  }
0x46: {  	_ =	shalt  }
0x47: {  	_ =	shalt  }
0x48: {  	_ =	shalt  }
0x49: {  	_ =	shalt  }
0x4a: {  	_ =	shalt  }
0x4b: {  	_ =	shalt  }
0x4c: {  	_ =	shalt  }
0x4d: {  	_ =	shalt  }
0x4e: {  	_ =	shalt  }
0x4f: {  	_ =	shalt  }
0x50: {  	_ =	shalt  }
0x51: {  	_ =	shalt  }
0x52: {  	_ =	shalt  }
0x53: {  	_ =	shalt  }
0x54: {  	_ =	shalt  }
0x55: {  	_ =	shalt  }
0x56: {  	_ =	shalt  }
0x57: {  	_ =	shalt  }
0x58: {  	_ =	shalt  }
0x59: {  	_ =	shalt  }
0x5a: {  	_ =	shalt  }
0x5b: {  	_ =	shalt  }
0x5c: {  	_ =	shalt  }
0x5d: {  	_ =	shalt  }
0x5e: {  	_ =	shalt  }
0x5f: {  	_ =	shalt  }
0x60: {  	_ =	shalt  }
0x61: {  	_ =	shalt  }
0x62: {  	_ =	shalt  }
0x63: {  	_ =	shalt  }
0x64: {  	_ =	shalt  }
0x65: {  	_ =	shalt  }
0x66: {  	_ =	shalt  }
0x67: {  	_ =	shalt  }
0x68: {  	_ =	shalt  }
0x69: {  	_ =	shalt  }
0x6a: {  	_ =	shalt  }
0x6b: {  	_ =	shalt  }
0x6c: {  	_ =	shalt  }
0x6d: {  	_ =	shalt  }
0x6e: {  	_ =	shalt  }
0x6f: {  	_ =	shalt  }
0x70: {  	_ =	shalt  }
0x71: {  	_ =	shalt  }
0x72: {  	_ =	shalt  }
0x73: {  	_ =	shalt  }
0x74: {  	_ =	shalt  }
0x75: {  	_ =	shalt  }
0x76: {  	_ =	shalt  }
0x77: {  	_ =	shalt  }
0x78: {  	_ =	shalt  }
0x79: {  	_ =	shalt  }
0x7a: {  	_ =	shalt  }
0x7b: {  	_ =	shalt  }
0x7c: {  	_ =	shalt  }
0x7d: {  	_ =	shalt  }
0x7e: {  	_ =	shalt  }
0x7f: {  	_ =	shalt  }
0x80: {  	_ =	shalt  }
0x81: {  	_ =	shalt  }
0x82: {  	_ =	shalt  }
0x83: {  	_ =	shalt  }
0x84: {  	_ =	shalt  }
0x85: {  	_ =	shalt  }
0x86: {  	_ =	shalt  }
0x87: {  	_ =	shalt  }
.Lfunc_end0:
.L_simem_size_0:
called_computation_lowered:
.L_overlay_start_0:
0x88: {  	s0 =	sld [smem:$0x3FD9]  }
0x89: {  	s1 =	sld [smem:$0x3FFE];
	_ =	sdelay $0x3  }
0x8a: {  	s0 =	sadd.s32 s1, s0  }
0x8b: {  	[smem:$0x3FC1] =	sst s0  }
0x8c: {  	_ = 	snop  }
0x8d: {  	s0 =	sld [smem:$0x3FC9]  }
0x8e: {  	s16 =	sld [smem:$0x3FD0];
	(tm) =	ssettm $0x1  }
0x8f: {  	s2 =	sld [smem:$0x3FFB];
	_ =	sdelay $0x3  }
0x90: {  	_ =	strace s2  }
0x91: {  	s2 =	sld [smem:$0x3FFC];
	_ =	sdelay $0x3  }
0x92: {  	_ =	strace s2  }
0x93: {  	s2 =	sld [smem:$0x3FFD];
	_ =	sdelay $0x3  }
0x94: {  	_ =	strace s2  }
0x95: {  	_ =	strace $0x8FFFFFFF  }
0x96: {  	s17 =	sld [smem:$0x3FDB];
	_ =	sdelay $0x1  }
0x97: {  	s3 =	simm.s32 $_scs_section_size  }
0x98: {  	s4 =	simm.s32 $_size__tile_overlayer_lowered;
	s5 =	simm.s32 $_tile_overlayer_lowered  }
0x99: {  	s20 =	simm.s32 $0x1BFF;
	s19 =	sshll.u32 s5, $0x1;
	s2 =	sadd.s32 s3, s17  }
0x9a: {  	s6 =	simm.s32 $0x0;
	s18 =	sshll.u32 s4, $0x1;
	s4 =	sadd.s32 s19, s2  }
0x9b: {  	[timem:s6], [sflag:s20] =	dma.local [hbm:s4], s18  }
0x9c: {  	_ =	swait.ge [sflag:s20], s18  }
0x9d: {  	s3 =	ssub.s32 $0x0, s18;
	[sflag:s20] =	ssyncset.done $0x0  }
0x9e: {  	[sflag:s20] =	ssyncadd.s32 s3;
	_ =	sdelay $0x1  }
0x9f: {  	s21 =	simm.s32 $0x1B8B  }
0xa0: {  	_ =	swait.ge [sflag:s21], $0x1  }
0xa1: {  	[sflag:s21] =	ssyncset.done $0x0  }
0xa2: {  	s23 =	simm.s32 $0x1B8E;
	s22 =	sld [smem:$0x3FFE];
	[sflag:s21] =	ssyncadd.s32 $0xFFFFFFFF  }
0xa3: {  	s24 =	simm.s32 $execute0_lowered;
	[smem:$0x3FD2] =	sst s23  }
0xa4: {  	s4 =	sshll.u32 s24, $0x1;
	_ =	strace $0x80000046;
	[dreg:$0x1] =	wrdreg $0xFFFFFFFF  }
0xa5: {  	s25 =	simm.s32 $_size_execute0_lowered;
	s2 =	sadd.s32 s2, s4;
	[dreg:$0x0] =	wrdreg $0x0  }
0xa6: {  	s4 =	sshll.u32 s25, $0x1;
	[dreg:$0x2] =	wrdreg s2  }
0xa7: {  	[dreg:$0x3] =	wrdreg s4  }
0xa8: {  	[dreg:$0x4] =	wrdreg $0xC0  }
0xa9: {  	_ =	task [dreg:s6], $0x5FFFF  }
0xaa: {  	[dreg:$0x1] =	wrdreg $0xFFFFFFFF  }
0xab: {  	[dreg:$0x0] =	wrdreg $0x60  }
0xac: {  	[dreg:$0x2] =	wrdreg s0  }
0xad: {  	[dreg:$0x3] =	wrdreg s16  }
0xae: {  	[dreg:$0x4] =	wrdreg s22  }
0xaf: {  	[dreg:$0x5] =	wrdreg $0xB8000  }
0xb0: {  	[dreg:$0x6] =	wrdreg $0x9  }
0xb1: {  	_ =	task.clear_ibuf [dreg:s6], $0x7FFFF;
	_ =	strace $0x90000046  }
0xb2: {  	s26 =	simm.s32 $0x9;
	_ =	strace $0x80000048  }
0xb3: {  	_ =	swait.ge [sflag:s26], $0x1  }
0xb4: {  	[sflag:s26] =	ssyncadd.s32 $0xFFFFFFFF  }
0xb5: {  	_ =	strace $0x90000048  }
0xb6: {  	_ =	sfence  }
0xb7: {  	s28 =	sld [smem:$0x0];
	_ =	sdelay $0x1  }
0xb8: {  	s29 =	srdreg.scid  }
0xb9: {  	s30 =	sshll.u32 s29, $0xD;
	s31 =	sshrl.u32 s29, $0x2  }
0xba: {  	s1 =	sand.u32 $0x1, s29;
	s2 =	sand.u32 $0x4000, s30;
	s0 =	sadd.s32 s31, s28  }
0xbb: {  	s1 =	sor.u32 s2, s1;
	s0 =	sshll.u32 s0, $0x11  }
0xbc: {  	s0 =	sor.u32 s0, s1  }
0xbd: {  	s0 =	sadd.s32 $0x8F2B, s0  }
0xbe: {  	[sflag:s0] =	ssyncadd.remote.s32 $0x1  }
0xbf: {  	_ =	sfence.sel $0xFFFF  }
0xc0: {  	[dreg:$0x0] =	wrdreg $0xFFFFFFFF;
	(pc) =	sbr.abs _section_cstart, $3  }
0xc1: {  	[dreg:$0x1] =	wrdreg $0xFFFFFFFF  }
0xc2: {  	_ =	task.clear_ibuf [dreg:s6], $0x2FFFF;
	_ =	strace $0x9FFFFFFF  }
0xc3: {  	(tm) =	ssettm $0x7FFFFFFF  }
tec
execute0_lowered:
.L_overlay_start_1:
0x0: {  	(tag) =	ssettag $0x1  }
0x1: {  	s9 =	rddreg [dreg:$0x0]  }
0x2: {  	s31 =	rddreg [dreg:$0x1]  }
0x3: {  	s10 =	rddreg [dreg:$0x2]  }
0x4: {  	s6 =	rddreg [dreg:$0x3];
	s0 =	simm.s32 $0x0;
	s11 =	stileid.u32  }
0x5: {  	s1 =	simm.s32 $0x200;
	[smem:$0x7FF] =	sst s0;
	s28 =	sadd.s32 $0xA800, s10  }
0x6: {  	v0 =	vimm.f32 $0.0e+00;
	s2 =	sadd.s32 $0x82800, s10;
	s0 =	simm.s32 $0x0;
	_ =	strace $0x80000047  }
.LBB2_1:
0x7: {  	p0 =	sne.s32 s1, $0xFE00;
	[tilespmem:s0+$0x3870] =	vst v0  }
0x8: {  	[tilespmem:s0+$0x3800] =	vst v0  }
0x9: {  	[tilespmem:s0+$0x3810] =	vst v0  }
.Ltmp0:
0xa: {  	[tilespmem:s0+$0x3820] =	vst v0;
	(pc) =	sbr.rel @p0 .LBB2_1-.Ltmp0, $4  }
0xb: {  	[tilespmem:s0+$0x3830] =	vst v0  }
0xc: {  	[tilespmem:s0+$0x3840] =	vst v0  }
0xd: {  	[tilespmem:s0+$0x3850] =	vst v0  }
0xe: {  	[tilespmem:s0+$0x3860] =	vst v0;
	s0 =	sshra.s32 s1, $0x2;
	s1 =	sadd.s32 $0x200, s1  }
0xf: {  	[tilespmem:s0+$0x3870] =	vst v0  }
0x10: {  	[tilespmem:s0+$0x3800] =	vst v0  }
0x11: {  	[tilespmem:s0+$0x3810] =	vst v0  }
0x12: {  	[tilespmem:s0+$0x3820] =	vst v0  }
0x13: {  	[tilespmem:s0+$0x3830] =	vst v0;
	s1 =	smul.u32 $0x50000, s11  }
0x14: {  	[tilespmem:s0+$0x3840] =	vst v0  }
0x15: {  	[tilespmem:s0+$0x3850] =	vst v0;
	s23 =	smul.u32 $0x280, s11;
	s1 =	sshrl.u32 s1, $0x2  }
0x16: {  	[tilespmem:s0+$0x3860] =	vst v0;
	s20 =	simm.s32 $0x3800;
	s24 =	simm.s32 $0x3;
	s8 =	sadd.s32 s1, s6  }
0x17: {  	[spmem:s8] =	stream.linear.scatter [tilespmem:s20], [sflag:$0x3], $0x4000, $0x38;
	[tilespmem:$0x1F800] =	vst v63  }
0x18: {  	s19 =	sadd.s32 $0x80, s23;
	_ =	swait.ge [sflag:s24], $0x4000  }
0x19: {  	s16 =	sshll.u32 s19, $0x7;
	[sflag:s24] =	ssyncset.done $0x0  }
0x1a: {  	s7 =	sadd.s32 s16, s6;
	[sflag:s24] =	ssyncadd.s32 $0xFFFFC000  }
0x1b: {  	[spmem:s7] =	stream.linear.scatter [tilespmem:s20], [sflag:$0x3], $0x4000, $0x38;
	[tilespmem:$0x1F800] =	vst v63  }
0x1c: {  	s18 =	sadd.s32 $0x100, s23;
	_ =	swait.ge [sflag:s24], $0x4000  }
0x1d: {  	s15 =	sshll.u32 s18, $0x7;
	[sflag:s24] =	ssyncset.done $0x0  }
0x1e: {  	s5 =	sadd.s32 s15, s6;
	[sflag:s24] =	ssyncadd.s32 $0xFFFFC000  }
0x1f: {  	[spmem:s5] =	stream.linear.scatter [tilespmem:s20], [sflag:$0x3], $0x4000, $0x38;
	[tilespmem:$0x1F800] =	vst v63  }
0x20: {  	s17 =	sadd.s32 $0x180, s23;
	_ =	swait.ge [sflag:s24], $0x4000  }
0x21: {  	s14 =	sshll.u32 s17, $0x7;
	[sflag:s24] =	ssyncset.done $0x0  }
0x22: {  	s4 =	sadd.s32 s14, s6;
	[sflag:s24] =	ssyncadd.s32 $0xFFFFC000  }
0x23: {  	[spmem:s4] =	stream.linear.scatter [tilespmem:s20], [sflag:$0x3], $0x4000, $0x38;
	[tilespmem:$0x1F800] =	vst v63  }
0x24: {  	s0 =	sadd.s32 $0x200, s23;
	_ =	swait.ge [sflag:s24], $0x4000  }
0x25: {  	s13 =	sshll.u32 s0, $0x7;
	[sflag:s24] =	ssyncset.done $0x0  }
0x26: {  	s3 =	sadd.s32 s13, s6;
	[sflag:s24] =	ssyncadd.s32 $0xFFFFC000  }
0x27: {  	[spmem:s3] =	stream.linear.scatter [tilespmem:s20], [sflag:$0x3], $0x4000, $0x38;
	[tilespmem:$0x1F800] =	vst v63  }
0x28: {  	s12 =	smul.u32 $0x1C00, s11;
	_ =	swait.ge [sflag:s24], $0x4000  }
0x29: {  	[sflag:s24] =	ssyncset.done $0x0  }
0x2a: {  	s12 =	sshrl.u32 s12, $0x3;
	[sflag:s24] =	ssyncadd.s32 $0xFFFFC000  }
0x2b: {  	s22 =	simm.s32 $0x0;
	s21 =	sadd.s32 s31, s12;
	[bflag:$0x0] =	sbarrier.arrive $0xFFFF  }
0x2c: {  	[tilespmem:s22], [sflag:$0x3] =	stream.linear.gather [hbm4b:s21+s22], $0x1C00, $0x38;
	[tilespmem:$0x1F800] =	vst v63  }
0x2d: {  	_ =	swait.ge [sflag:s24], $0x1C00  }
0x2e: {  	[sflag:s24] =	ssyncset.done $0x0  }
0x2f: {  	s26 =	simm.s32 $0x1C00;
	s25 =	sadd.s32 s10, s12;
	[sflag:s24] =	ssyncadd.s32 $0xFFFFE400  }
0x30: {  	[tilespmem:s26], [sflag:$0x3] =	stream.linear.gather [hbm4b:s25+s22], $0x1C00, $0x38;
	[tilespmem:$0x1F800] =	vst v63  }
0x31: {  	_ =	swait.ge [sflag:s24], $0x1C00  }
0x32: {  	s29 =	simm.s32 $0x0;
	[sflag:s24] =	ssyncset.done $0x0  }
0x33: {  	s21 =	simm.s32 $0x80;
	s22 =	simm.s32 $0x1;
	[sflag:s24] =	ssyncadd.s32 $0xFFFFE400  }
0x34: {  	[tilespmem:s20], [sflag:$0x1] =	stream.indirect.gather [hbm4b:s9+s21], $0x80, s29, s21, $0xb8;
	[tilespmem:$0x1F800] =	vst v63  }
0x35: {  	_ =	swait.ge [sflag:s22], $0x4000  }
0x36: {  	[sflag:s22] =	ssyncset.done $0x0  }
0x37: {  	s30 =	simm.s32 $0x1C00;
	s23 =	simm.s32 $0x2;
	[sflag:s22] =	ssyncadd.s32 $0xFFFFC000  }
0x38: {  	[spmem:s6] =	stream.indirect.scatter.add.f32 [tilespmem:s20], [sflag:$0x2], $0x80, s30, s21, $0xb8;
	[tilespmem:$0x1F800] =	vst v63  }
0x39: {  	_ =	swait.ge [sflag:s23], $0x4000  }
0x3a: {  	s1 =	simm.s32 $0x400;
	s24 =	simm.s32 $0x200;
	[sflag:s23] =	ssyncset.done $0x0  }
.LBB2_3:
0x3b: {  	s26 =	sshra.s32 s24, $0x2  }
0x3c: {  	[sflag:s23] =	ssyncadd.s32 $0xFFFFC000;
	s24 =	smov.u32 s1;
	s29 =	sadd.s32 $0x200, s1  }
0x3d: {  	[tilespmem:s20], [sflag:$0x1] =	stream.indirect.gather [hbm4b:s9+s21], $0x80, s26, s21, $0xb8;
	[tilespmem:$0x1F800] =	vst v63  }
0x3e: {  	p0 =	sne.s32 s1, $0x6800;
	_ =	swait.ge [sflag:s22], $0x4000  }
.Ltmp1:
0x3f: {  	[sflag:s22] =	ssyncset.done $0x0;
	(pc) =	sbr.rel @p0 .LBB2_3-.Ltmp1, $4  }
0x40: {  	s1 =	sadd.s32 $0x1C00, s26;
	[sflag:s22] =	ssyncadd.s32 $0xFFFFC000  }
0x41: {  	[spmem:s6] =	stream.indirect.scatter.add.f32 [tilespmem:s20], [sflag:$0x2], $0x80, s1, s21, $0xb8;
	[tilespmem:$0x1F800] =	vst v63  }
0x42: {  	_ =	swait.ge [sflag:s23], $0x4000  }
0x43: {  	s1 =	smov.u32 s29;
	[sflag:s23] =	ssyncset.done $0x0  }
0x44: {  	s1 =	sshra.s32 s24, $0x2;
	[sflag:s23] =	ssyncadd.s32 $0xFFFFC000  }
0x45: {  	[tilespmem:s20], [sflag:$0x1] =	stream.indirect.gather [hbm4b:s9+s21], $0x80, s1, s21, $0xb8;
	[tilespmem:$0x1F800] =	vst v63  }
0x46: {  	_ =	swait.ge [sflag:s22], $0x4000  }
0x47: {  	[sflag:s22] =	ssyncset.done $0x0  }
0x48: {  	s1 =	sadd.s32 $0x1C00, s1;
	[sflag:s22] =	ssyncadd.s32 $0xFFFFC000  }
0x49: {  	[spmem:s6] =	stream.indirect.scatter.add.f32 [tilespmem:s20], [sflag:$0x2], $0x80, s1, s21, $0xb8;
	[tilespmem:$0x1F800] =	vst v63  }
0x4a: {  	_ =	swait.ge [sflag:s23], $0x4000  }
0x4b: {  	[sflag:s23] =	ssyncset.done $0x0  }
0x4c: {  	s30 =	smul.u32 $0x14000, s11;
	[sflag:s23] =	ssyncadd.s32 $0xFFFFC000  }
0x4d: {  	s29 =	simm.s32 $0x3;
	s1 =	simm.s32 $0x3800;
	[bflag:$0x0] =	sbarrier.arrive $0xFFFF  }
0x4e: {  	[tilespmem:s1], [sflag:$0x3] =	stream.linear.gather [spmem:s8], $0x4000, $0x38;
	[tilespmem:$0x1F800] =	vst v63  }
0x4f: {  	_ =	swait.ge [sflag:s29], $0x4000  }
0x50: {  	s26 =	sshrl.u32 s30, $0x3;
	[sflag:s29] =	ssyncset.done $0x0  }
0x51: {  	s30 =	simm.s32 $0x0;
	s20 =	sadd.s32 s28, s26;
	[sflag:s29] =	ssyncadd.s32 $0xFFFFC000  }
0x52: {  	[hbm4b:s20+s30] =	stream.linear.scatter [tilespmem:s1], [sflag:$0x3], $0x4000, $0x38;
	[tilespmem:$0x1F800] =	vst v63  }
0x53: {  	_ =	swait.ge [sflag:s29], $0x4000  }
0x54: {  	[sflag:s29] =	ssyncset.done $0x0  }
0x55: {  	[sflag:s29] =	ssyncadd.s32 $0xFFFFC000  }
0x56: {  	[tilespmem:s1], [sflag:$0x3] =	stream.linear.gather [spmem:s7], $0x4000, $0x38;
	[tilespmem:$0x1F800] =	vst v63  }
0x57: {  	_ =	swait.ge [sflag:s29], $0x4000  }
0x58: {  	s24 =	sshll.u32 s19, $0x4;
	[sflag:s29] =	ssyncset.done $0x0  }
0x59: {  	s19 =	sadd.s32 s28, s24;
	[sflag:s29] =	ssyncadd.s32 $0xFFFFC000  }
0x5a: {  	[hbm4b:s19+s30] =	stream.linear.scatter [tilespmem:s1], [sflag:$0x3], $0x4000, $0x38;
	[tilespmem:$0x1F800] =	vst v63  }
0x5b: {  	_ =	swait.ge [sflag:s29], $0x4000  }
0x5c: {  	[sflag:s29] =	ssyncset.done $0x0  }
0x5d: {  	[sflag:s29] =	ssyncadd.s32 $0xFFFFC000  }
0x5e: {  	[tilespmem:s1], [sflag:$0x3] =	stream.linear.gather [spmem:s5], $0x4000, $0x38;
	[tilespmem:$0x1F800] =	vst v63  }
0x5f: {  	_ =	swait.ge [sflag:s29], $0x4000  }
0x60: {  	s23 =	sshll.u32 s18, $0x4;
	[sflag:s29] =	ssyncset.done $0x0  }
0x61: {  	s18 =	sadd.s32 s28, s23;
	[sflag:s29] =	ssyncadd.s32 $0xFFFFC000  }
0x62: {  	[hbm4b:s18+s30] =	stream.linear.scatter [tilespmem:s1], [sflag:$0x3], $0x4000, $0x38;
	[tilespmem:$0x1F800] =	vst v63  }
0x63: {  	_ =	swait.ge [sflag:s29], $0x4000  }
0x64: {  	[sflag:s29] =	ssyncset.done $0x0  }
0x65: {  	[sflag:s29] =	ssyncadd.s32 $0xFFFFC000  }
0x66: {  	[tilespmem:s1], [sflag:$0x3] =	stream.linear.gather [spmem:s4], $0x4000, $0x38;
	[tilespmem:$0x1F800] =	vst v63  }
0x67: {  	_ =	swait.ge [sflag:s29], $0x4000  }
0x68: {  	s22 =	sshll.u32 s17, $0x4;
	[sflag:s29] =	ssyncset.done $0x0  }
0x69: {  	s17 =	sadd.s32 s28, s22;
	[sflag:s29] =	ssyncadd.s32 $0xFFFFC000  }
0x6a: {  	[hbm4b:s17+s30] =	stream.linear.scatter [tilespmem:s1], [sflag:$0x3], $0x4000, $0x38;
	[tilespmem:$0x1F800] =	vst v63  }
0x6b: {  	_ =	swait.ge [sflag:s29], $0x4000  }
0x6c: {  	[sflag:s29] =	ssyncset.done $0x0  }
0x6d: {  	[sflag:s29] =	ssyncadd.s32 $0xFFFFC000  }
0x6e: {  	[tilespmem:s1], [sflag:$0x3] =	stream.linear.gather [spmem:s3], $0x4000, $0x38;
	[tilespmem:$0x1F800] =	vst v63  }
0x6f: {  	_ =	swait.ge [sflag:s29], $0x4000  }
0x70: {  	s21 =	sshll.u32 s0, $0x4;
	[sflag:s29] =	ssyncset.done $0x0  }
0x71: {  	s0 =	sadd.s32 s28, s21;
	[sflag:s29] =	ssyncadd.s32 $0xFFFFC000  }
0x72: {  	[hbm4b:s0+s30] =	stream.linear.scatter [tilespmem:s1], [sflag:$0x3], $0x4000, $0x38;
	[tilespmem:$0x1F800] =	vst v63  }
0x73: {  	_ =	swait.ge [sflag:s29], $0x4000  }
0x74: {  	[sflag:s29] =	ssyncset.done $0x0  }
0x75: {  	[sflag:s29] =	ssyncadd.s32 $0xFFFFC000  }
0x76: {  	v0 =	vimm.f32 $0.0e+00;
	s0 =	simm.s32 $0x0;
	s1 =	simm.s32 $0x200;
	[bflag:$0x0] =	sbarrier.arrive $0xFFFF  }
.LBB2_5:
0x77: {  	p0 =	sne.s32 s1, $0xFE00;
	[tilespmem:s0+$0x3870] =	vst v0  }
0x78: {  	[tilespmem:s0+$0x3800] =	vst v0  }
0x79: {  	[tilespmem:s0+$0x3810] =	vst v0  }
.Ltmp2:
0x7a: {  	[tilespmem:s0+$0x3820] =	vst v0;
	(pc) =	sbr.rel @p0 .LBB2_5-.Ltmp2, $4  }
0x7b: {  	[tilespmem:s0+$0x3830] =	vst v0  }
0x7c: {  	[tilespmem:s0+$0x3840] =	vst v0  }
0x7d: {  	[tilespmem:s0+$0x3850] =	vst v0  }
0x7e: {  	[tilespmem:s0+$0x3860] =	vst v0;
	s0 =	sshra.s32 s1, $0x2;
	s1 =	sadd.s32 $0x200, s1  }
0x7f: {  	[tilespmem:s0+$0x3870] =	vst v0  }
0x80: {  	[tilespmem:s0+$0x3800] =	vst v0  }
0x81: {  	[tilespmem:s0+$0x3810] =	vst v0  }
0x82: {  	[tilespmem:s0+$0x3820] =	vst v0  }
0x83: {  	[tilespmem:s0+$0x3830] =	vst v0  }
0x84: {  	[tilespmem:s0+$0x3840] =	vst v0  }
0x85: {  	[tilespmem:s0+$0x3850] =	vst v0  }
0x86: {  	[tilespmem:s0+$0x3860] =	vst v0;
	s0 =	simm.s32 $0x3800;
	s1 =	simm.s32 $0x3  }
0x87: {  	[spmem:s8] =	stream.linear.scatter [tilespmem:s0], [sflag:$0x3], $0x4000, $0x38;
	[tilespmem:$0x1F800] =	vst v63  }
0x88: {  	_ =	swait.ge [sflag:s1], $0x4000  }
0x89: {  	[sflag:s1] =	ssyncset.done $0x0  }
0x8a: {  	[sflag:s1] =	ssyncadd.s32 $0xFFFFC000  }
0x8b: {  	[spmem:s7] =	stream.linear.scatter [tilespmem:s0], [sflag:$0x3], $0x4000, $0x38;
	[tilespmem:$0x1F800] =	vst v63  }
0x8c: {  	_ =	swait.ge [sflag:s1], $0x4000  }
0x8d: {  	[sflag:s1] =	ssyncset.done $0x0  }
0x8e: {  	[sflag:s1] =	ssyncadd.s32 $0xFFFFC000  }
0x8f: {  	[spmem:s5] =	stream.linear.scatter [tilespmem:s0], [sflag:$0x3], $0x4000, $0x38;
	[tilespmem:$0x1F800] =	vst v63  }
0x90: {  	_ =	swait.ge [sflag:s1], $0x4000  }
0x91: {  	[sflag:s1] =	ssyncset.done $0x0  }
0x92: {  	[sflag:s1] =	ssyncadd.s32 $0xFFFFC000  }
0x93: {  	[spmem:s4] =	stream.linear.scatter [tilespmem:s0], [sflag:$0x3], $0x4000, $0x38;
	[tilespmem:$0x1F800] =	vst v63  }
0x94: {  	_ =	swait.ge [sflag:s1], $0x4000  }
0x95: {  	[sflag:s1] =	ssyncset.done $0x0  }
0x96: {  	[sflag:s1] =	ssyncadd.s32 $0xFFFFC000  }
0x97: {  	[spmem:s3] =	stream.linear.scatter [tilespmem:s0], [sflag:$0x3], $0x4000, $0x38;
	[tilespmem:$0x1F800] =	vst v63  }
0x98: {  	_ =	swait.ge [sflag:s1], $0x4000  }
0x99: {  	[sflag:s1] =	ssyncset.done $0x0  }
0x9a: {  	s17 =	sadd.s32 $0x3800, s12;
	[sflag:s1] =	ssyncadd.s32 $0xFFFFC000  }
0x9b: {  	s20 =	simm.s32 $0x0;
	s18 =	sadd.s32 s31, s17;
	[bflag:$0x0] =	sbarrier.arrive $0xFFFF  }
0x9c: {  	[tilespmem:s20], [sflag:$0x3] =	stream.linear.gather [hbm4b:s18+s20], $0x1C00, $0x38;
	[tilespmem:$0x1F800] =	vst v63  }
0x9d: {  	_ =	swait.ge [sflag:s1], $0x1C00  }
0x9e: {  	s11 =	sadd.s32 s10, s17;
	[sflag:s1] =	ssyncset.done $0x0  }
0x9f: {  	s18 =	simm.s32 $0x1C00;
	[dreg:$0x8] =	wrdreg s11;
	[sflag:s1] =	ssyncadd.s32 $0xFFFFE400  }
0xa0: {  	[tilespmem:s18], [sflag:$0x3] =	stream.linear.gather [hbm4b:s11+s20], $0x1C00, $0x38;
	[tilespmem:$0x1F800] =	vst v63  }
0xa1: {  	_ =	swait.ge [sflag:s1], $0x1C00  }
0xa2: {  	s30 =	simm.s32 $0x0;
	[sflag:s1] =	ssyncset.done $0x0  }
0xa3: {  	s17 =	simm.s32 $0x80;
	s18 =	simm.s32 $0x1;
	[sflag:s1] =	ssyncadd.s32 $0xFFFFE400  }
0xa4: {  	[tilespmem:s0], [sflag:$0x1] =	stream.indirect.gather [hbm4b:s9+s17], $0x80, s30, s17, $0xb8;
	[tilespmem:$0x1F800] =	vst v63  }
0xa5: {  	_ =	swait.ge [sflag:s18], $0x4000  }
0xa6: {  	s19 =	smov.u32 s31;
	[sflag:s18] =	ssyncset.done $0x0  }
0xa7: {  	s31 =	simm.s32 $0x1C00;
	s20 =	simm.s32 $0x2;
	[sflag:s18] =	ssyncadd.s32 $0xFFFFC000  }
0xa8: {  	[spmem:s6] =	stream.indirect.scatter.add.f32 [tilespmem:s0], [sflag:$0x2], $0x80, s31, s17, $0xb8;
	[tilespmem:$0x1F800] =	vst v63  }
0xa9: {  	_ =	swait.ge [sflag:s20], $0x4000  }
0xaa: {  	s29 =	simm.s32 $0x200;
	s1 =	simm.s32 $0x400;
	[sflag:s20] =	ssyncset.done $0x0  }
.LBB2_7:
0xab: {  	s30 =	sshra.s32 s29, $0x2  }
0xac: {  	[sflag:s20] =	ssyncadd.s32 $0xFFFFC000;
	s29 =	smov.u32 s1;
	s31 =	sadd.s32 $0x200, s1  }
0xad: {  	[tilespmem:s0], [sflag:$0x1] =	stream.indirect.gather [hbm4b:s9+s17], $0x80, s30, s17, $0xb8;
	[tilespmem:$0x1F800] =	vst v63  }
0xae: {  	p0 =	sne.s32 s1, $0x6800;
	_ =	swait.ge [sflag:s18], $0x4000  }
.Ltmp3:
0xaf: {  	[sflag:s18] =	ssyncset.done $0x0;
	(pc) =	sbr.rel @p0 .LBB2_7-.Ltmp3, $4  }
0xb0: {  	s1 =	sadd.s32 $0x1C00, s30;
	[sflag:s18] =	ssyncadd.s32 $0xFFFFC000  }
0xb1: {  	[spmem:s6] =	stream.indirect.scatter.add.f32 [tilespmem:s0], [sflag:$0x2], $0x80, s1, s17, $0xb8;
	[tilespmem:$0x1F800] =	vst v63  }
0xb2: {  	_ =	swait.ge [sflag:s20], $0x4000  }
0xb3: {  	s1 =	smov.u32 s31;
	[sflag:s20] =	ssyncset.done $0x0  }
0xb4: {  	s1 =	sshra.s32 s29, $0x2;
	[sflag:s20] =	ssyncadd.s32 $0xFFFFC000  }
0xb5: {  	[tilespmem:s0], [sflag:$0x1] =	stream.indirect.gather [hbm4b:s9+s17], $0x80, s1, s17, $0xb8;
	[tilespmem:$0x1F800] =	vst v63  }
0xb6: {  	_ =	swait.ge [sflag:s18], $0x4000  }
0xb7: {  	[sflag:s18] =	ssyncset.done $0x0  }
0xb8: {  	s1 =	sadd.s32 $0x1C00, s1;
	[sflag:s18] =	ssyncadd.s32 $0xFFFFC000  }
0xb9: {  	[spmem:s6] =	stream.indirect.scatter.add.f32 [tilespmem:s0], [sflag:$0x2], $0x80, s1, s17, $0xb8;
	[tilespmem:$0x1F800] =	vst v63  }
0xba: {  	_ =	swait.ge [sflag:s20], $0x4000  }
0xbb: {  	[sflag:s20] =	ssyncset.done $0x0  }
0xbc: {  	[sflag:s20] =	ssyncadd.s32 $0xFFFFC000  }
0xbd: {  	s1 =	simm.s32 $0x3800;
	s17 =	simm.s32 $0x3;
	[bflag:$0x0] =	sbarrier.arrive $0xFFFF  }
0xbe: {  	[tilespmem:s1], [sflag:$0x3] =	stream.linear.gather [spmem:s8], $0x4000, $0x38;
	[tilespmem:$0x1F800] =	vst v63  }
0xbf: {  	_ =	swait.ge [sflag:s17], $0x4000  }
0xc0: {  	s20 =	sadd.s32 $0x28000, s26;
	[sflag:s17] =	ssyncset.done $0x0  }
0xc1: {  	s11 =	simm.s32 $0x0;
	s18 =	sadd.s32 s28, s20;
	[sflag:s17] =	ssyncadd.s32 $0xFFFFC000  }
0xc2: {  	[hbm4b:s18+s11] =	stream.linear.scatter [tilespmem:s1], [sflag:$0x3], $0x4000, $0x38;
	[tilespmem:$0x1F800] =	vst v63  }
0xc3: {  	_ =	swait.ge [sflag:s17], $0x4000  }
0xc4: {  	[sflag:s17] =	ssyncset.done $0x0  }
0xc5: {  	[sflag:s17] =	ssyncadd.s32 $0xFFFFC000  }
0xc6: {  	[tilespmem:s1], [sflag:$0x3] =	stream.linear.gather [spmem:s7], $0x4000, $0x38;
	[tilespmem:$0x1F800] =	vst v63  }
0xc7: {  	s29 =	sshrl.u32 s16, $0x3;
	_ =	swait.ge [sflag:s17], $0x4000  }
0xc8: {  	s18 =	sadd.s32 $0x28000, s29;
	[sflag:s17] =	ssyncset.done $0x0  }
0xc9: {  	s16 =	sadd.s32 s28, s18;
	[sflag:s17] =	ssyncadd.s32 $0xFFFFC000  }
0xca: {  	[hbm4b:s16+s11] =	stream.linear.scatter [tilespmem:s1], [sflag:$0x3], $0x4000, $0x38;
	[tilespmem:$0x1F800] =	vst v63  }
0xcb: {  	_ =	swait.ge [sflag:s17], $0x4000  }
0xcc: {  	[sflag:s17] =	ssyncset.done $0x0  }
0xcd: {  	[sflag:s17] =	ssyncadd.s32 $0xFFFFC000  }
0xce: {  	[tilespmem:s1], [sflag:$0x3] =	stream.linear.gather [spmem:s5], $0x4000, $0x38;
	[tilespmem:$0x1F800] =	vst v63  }
0xcf: {  	s30 =	sshrl.u32 s15, $0x3;
	_ =	swait.ge [sflag:s17], $0x4000  }
0xd0: {  	s15 =	sadd.s32 $0x28000, s30;
	[sflag:s17] =	ssyncset.done $0x0  }
0xd1: {  	s16 =	sadd.s32 s28, s15;
	[sflag:s17] =	ssyncadd.s32 $0xFFFFC000  }
0xd2: {  	[hbm4b:s16+s11] =	stream.linear.scatter [tilespmem:s1], [sflag:$0x3], $0x4000, $0x38;
	[tilespmem:$0x1F800] =	vst v63  }
0xd3: {  	_ =	swait.ge [sflag:s17], $0x4000  }
0xd4: {  	[sflag:s17] =	ssyncset.done $0x0  }
0xd5: {  	[sflag:s17] =	ssyncadd.s32 $0xFFFFC000  }
0xd6: {  	[tilespmem:s1], [sflag:$0x3] =	stream.linear.gather [spmem:s4], $0x4000, $0x38;
	[tilespmem:$0x1F800] =	vst v63  }
0xd7: {  	s31 =	sshrl.u32 s14, $0x3;
	_ =	swait.ge [sflag:s17], $0x4000  }
0xd8: {  	s16 =	sadd.s32 $0x28000, s31;
	[sflag:s17] =	ssyncset.done $0x0  }
0xd9: {  	s0 =	sadd.s32 s28, s16;
	[dreg:$0x7] =	wrdreg s16;
	[sflag:s17] =	ssyncadd.s32 $0xFFFFC000  }
0xda: {  	[hbm4b:s0+s11] =	stream.linear.scatter [tilespmem:s1], [sflag:$0x3], $0x4000, $0x38;
	[tilespmem:$0x1F800] =	vst v63  }
0xdb: {  	_ =	swait.ge [sflag:s17], $0x4000  }
0xdc: {  	[sflag:s17] =	ssyncset.done $0x0  }
0xdd: {  	[sflag:s17] =	ssyncadd.s32 $0xFFFFC000  }
0xde: {  	[tilespmem:s1], [sflag:$0x3] =	stream.linear.gather [spmem:s3], $0x4000, $0x38;
	[tilespmem:$0x1F800] =	vst v63  }
0xdf: {  	s0 =	sshrl.u32 s13, $0x3;
	_ =	swait.ge [sflag:s17], $0x4000  }
0xe0: {  	s13 =	sadd.s32 $0x28000, s0;
	[sflag:s17] =	ssyncset.done $0x0  }
0xe1: {  	[dreg:$0x6] =	wrdreg s13;
	s13 =	sadd.s32 s28, s13;
	[sflag:s17] =	ssyncadd.s32 $0xFFFFC000  }
0xe2: {  	[hbm4b:s13+s11] =	stream.linear.scatter [tilespmem:s1], [sflag:$0x3], $0x4000, $0x38;
	[tilespmem:$0x1F800] =	vst v63  }
0xe3: {  	_ =	swait.ge [sflag:s17], $0x4000  }
0xe4: {  	[sflag:s17] =	ssyncset.done $0x0  }
0xe5: {  	[sflag:s17] =	ssyncadd.s32 $0xFFFFC000  }
0xe6: {  	v0 =	vimm.f32 $0.0e+00;
	s13 =	simm.s32 $0x0;
	s1 =	simm.s32 $0x200;
	[bflag:$0x0] =	sbarrier.arrive $0xFFFF  }
.LBB2_9:
0xe7: {  	p0 =	sne.s32 s1, $0xFE00;
	[tilespmem:s13+$0x3870] =	vst v0  }
0xe8: {  	[tilespmem:s13+$0x3800] =	vst v0  }
0xe9: {  	[tilespmem:s13+$0x3810] =	vst v0  }
.Ltmp4:
0xea: {  	[tilespmem:s13+$0x3820] =	vst v0;
	(pc) =	sbr.rel @p0 .LBB2_9-.Ltmp4, $4  }
0xeb: {  	[tilespmem:s13+$0x3830] =	vst v0  }
0xec: {  	[tilespmem:s13+$0x3840] =	vst v0  }
0xed: {  	[tilespmem:s13+$0x3850] =	vst v0  }
0xee: {  	[tilespmem:s13+$0x3860] =	vst v0;
	s13 =	sshra.s32 s1, $0x2;
	s1 =	sadd.s32 $0x200, s1  }
0xef: {  	[tilespmem:s13+$0x3870] =	vst v0  }
0xf0: {  	[tilespmem:s13+$0x3800] =	vst v0  }
0xf1: {  	[tilespmem:s13+$0x3810] =	vst v0  }
0xf2: {  	[tilespmem:s13+$0x3820] =	vst v0  }
0xf3: {  	[tilespmem:s13+$0x3830] =	vst v0  }
0xf4: {  	[tilespmem:s13+$0x3840] =	vst v0  }
0xf5: {  	[tilespmem:s13+$0x3850] =	vst v0  }
0xf6: {  	[tilespmem:s13+$0x3860] =	vst v0;
	s14 =	simm.s32 $0x3800;
	s1 =	simm.s32 $0x3  }
0xf7: {  	[spmem:s8] =	stream.linear.scatter [tilespmem:s14], [sflag:$0x3], $0x4000, $0x38;
	[tilespmem:$0x1F800] =	vst v63  }
0xf8: {  	_ =	swait.ge [sflag:s1], $0x4000  }
0xf9: {  	[sflag:s1] =	ssyncset.done $0x0  }
0xfa: {  	[sflag:s1] =	ssyncadd.s32 $0xFFFFC000  }
0xfb: {  	[spmem:s7] =	stream.linear.scatter [tilespmem:s14], [sflag:$0x3], $0x4000, $0x38;
	[tilespmem:$0x1F800] =	vst v63  }
0xfc: {  	_ =	swait.ge [sflag:s1], $0x4000  }
0xfd: {  	[sflag:s1] =	ssyncset.done $0x0  }
0xfe: {  	[sflag:s1] =	ssyncadd.s32 $0xFFFFC000  }
0xff: {  	[spmem:s5] =	stream.linear.scatter [tilespmem:s14], [sflag:$0x3], $0x4000, $0x38;
	[tilespmem:$0x1F800] =	vst v63  }
0x100: {  	_ =	swait.ge [sflag:s1], $0x4000  }
0x101: {  	[sflag:s1] =	ssyncset.done $0x0  }
0x102: {  	[sflag:s1] =	ssyncadd.s32 $0xFFFFC000  }
0x103: {  	[spmem:s4] =	stream.linear.scatter [tilespmem:s14], [sflag:$0x3], $0x4000, $0x38;
	[tilespmem:$0x1F800] =	vst v63  }
0x104: {  	_ =	swait.ge [sflag:s1], $0x4000  }
0x105: {  	[sflag:s1] =	ssyncset.done $0x0  }
0x106: {  	[sflag:s1] =	ssyncadd.s32 $0xFFFFC000  }
0x107: {  	[spmem:s3] =	stream.linear.scatter [tilespmem:s14], [sflag:$0x3], $0x4000, $0x38;
	[tilespmem:$0x1F800] =	vst v63  }
0x108: {  	_ =	swait.ge [sflag:s1], $0x4000  }
0x109: {  	[sflag:s1] =	ssyncset.done $0x0  }
0x10a: {  	s11 =	sadd.s32 $0x7000, s12;
	[sflag:s1] =	ssyncadd.s32 $0xFFFFC000  }
0x10b: {  	s12 =	sadd.s32 s19, s11;
	s19 =	simm.s32 $0x0;
	[bflag:$0x0] =	sbarrier.arrive $0xFFFF  }
0x10c: {  	[tilespmem:s19], [sflag:$0x3] =	stream.linear.gather [hbm4b:s12+s19], $0x1C00, $0x38;
	[tilespmem:$0x1F800] =	vst v63  }
0x10d: {  	_ =	swait.ge [sflag:s1], $0x1C00  }
0x10e: {  	s11 =	sadd.s32 s10, s11;
	[sflag:s1] =	ssyncset.done $0x0  }
0x10f: {  	s16 =	simm.s32 $0x1C00;
	[dreg:$0x5] =	wrdreg s11;
	[sflag:s1] =	ssyncadd.s32 $0xFFFFE400  }
0x110: {  	[tilespmem:s16], [sflag:$0x3] =	stream.linear.gather [hbm4b:s11+s19], $0x1C00, $0x38;
	[tilespmem:$0x1F800] =	vst v63  }
0x111: {  	_ =	swait.ge [sflag:s1], $0x1C00  }
0x112: {  	s17 =	simm.s32 $0x0;
	[sflag:s1] =	ssyncset.done $0x0  }
0x113: {  	s10 =	simm.s32 $0x80;
	s11 =	simm.s32 $0x1;
	[sflag:s1] =	ssyncadd.s32 $0xFFFFE400  }
0x114: {  	[tilespmem:s14], [sflag:$0x1] =	stream.indirect.gather [hbm4b:s9+s10], $0x80, s17, s10, $0xb8;
	[tilespmem:$0x1F800] =	vst v63  }
0x115: {  	_ =	swait.ge [sflag:s11], $0x4000  }
0x116: {  	[sflag:s11] =	ssyncset.done $0x0  }
0x117: {  	s12 =	simm.s32 $0x2;
	s19 =	simm.s32 $0x1C00;
	[sflag:s11] =	ssyncadd.s32 $0xFFFFC000  }
0x118: {  	[spmem:s6] =	stream.indirect.scatter.add.f32 [tilespmem:s14], [sflag:$0x2], $0x80, s19, s10, $0xb8;
	[tilespmem:$0x1F800] =	vst v63  }
0x119: {  	_ =	swait.ge [sflag:s12], $0x4000  }
0x11a: {  	s13 =	simm.s32 $0x400;
	s1 =	simm.s32 $0x200;
	[sflag:s12] =	ssyncset.done $0x0  }
.LBB2_11:
0x11b: {  	s17 =	sshra.s32 s1, $0x2  }
0x11c: {  	[sflag:s12] =	ssyncadd.s32 $0xFFFFC000;
	s1 =	smov.u32 s13;
	s16 =	sadd.s32 $0x200, s13  }
0x11d: {  	[tilespmem:s14], [sflag:$0x1] =	stream.indirect.gather [hbm4b:s9+s10], $0x80, s17, s10, $0xb8;
	[tilespmem:$0x1F800] =	vst v63  }
0x11e: {  	p0 =	sne.s32 s13, $0x6800;
	_ =	swait.ge [sflag:s11], $0x4000  }
.Ltmp5:
0x11f: {  	[sflag:s11] =	ssyncset.done $0x0;
	(pc) =	sbr.rel @p0 .LBB2_11-.Ltmp5, $4  }
0x120: {  	s13 =	sadd.s32 $0x1C00, s17;
	[sflag:s11] =	ssyncadd.s32 $0xFFFFC000  }
0x121: {  	[spmem:s6] =	stream.indirect.scatter.add.f32 [tilespmem:s14], [sflag:$0x2], $0x80, s13, s10, $0xb8;
	[tilespmem:$0x1F800] =	vst v63  }
0x122: {  	_ =	swait.ge [sflag:s12], $0x4000  }
0x123: {  	s13 =	smov.u32 s16;
	[sflag:s12] =	ssyncset.done $0x0  }
0x124: {  	s1 =	sshra.s32 s1, $0x2;
	[sflag:s12] =	ssyncadd.s32 $0xFFFFC000  }
0x125: {  	[tilespmem:s14], [sflag:$0x1] =	stream.indirect.gather [hbm4b:s9+s10], $0x80, s1, s10, $0xb8;
	[tilespmem:$0x1F800] =	vst v63  }
0x126: {  	_ =	swait.ge [sflag:s11], $0x4000  }
0x127: {  	[sflag:s11] =	ssyncset.done $0x0  }
0x128: {  	s1 =	sadd.s32 $0x1C00, s1;
	[sflag:s11] =	ssyncadd.s32 $0xFFFFC000  }
0x129: {  	[spmem:s6] =	stream.indirect.scatter.add.f32 [tilespmem:s14], [sflag:$0x2], $0x80, s1, s10, $0xb8;
	[tilespmem:$0x1F800] =	vst v63  }
0x12a: {  	_ =	swait.ge [sflag:s12], $0x4000  }
0x12b: {  	[sflag:s12] =	ssyncset.done $0x0  }
0x12c: {  	[sflag:s12] =	ssyncadd.s32 $0xFFFFC000  }
0x12d: {  	s17 =	simm.s32 $0x3800;
	s13 =	simm.s32 $0x3;
	[bflag:$0x0] =	sbarrier.arrive $0xFFFF  }
0x12e: {  	[tilespmem:s17], [sflag:$0x3] =	stream.linear.gather [spmem:s8], $0x4000, $0x38;
	[tilespmem:$0x1F800] =	vst v63  }
0x12f: {  	_ =	swait.ge [sflag:s13], $0x4000  }
0x130: {  	s14 =	sadd.s32 $0x50000, s26;
	[sflag:s13] =	ssyncset.done $0x0  }
0x131: {  	s16 =	simm.s32 $0x0;
	s19 =	sadd.s32 s28, s14;
	[sflag:s13] =	ssyncadd.s32 $0xFFFFC000  }
0x132: {  	[hbm4b:s19+s16] =	stream.linear.scatter [tilespmem:s17], [sflag:$0x3], $0x4000, $0x38;
	[tilespmem:$0x1F800] =	vst v63  }
0x133: {  	_ =	swait.ge [sflag:s13], $0x4000  }
0x134: {  	[sflag:s13] =	ssyncset.done $0x0  }
0x135: {  	[sflag:s13] =	ssyncadd.s32 $0xFFFFC000  }
0x136: {  	[tilespmem:s17], [sflag:$0x3] =	stream.linear.gather [spmem:s7], $0x4000, $0x38;
	[tilespmem:$0x1F800] =	vst v63  }
0x137: {  	_ =	swait.ge [sflag:s13], $0x4000  }
0x138: {  	s12 =	sadd.s32 $0x50000, s29;
	[sflag:s13] =	ssyncset.done $0x0  }
0x139: {  	s29 =	sadd.s32 s28, s12;
	[sflag:s13] =	ssyncadd.s32 $0xFFFFC000  }
0x13a: {  	[hbm4b:s29+s16] =	stream.linear.scatter [tilespmem:s17], [sflag:$0x3], $0x4000, $0x38;
	[tilespmem:$0x1F800] =	vst v63  }
0x13b: {  	_ =	swait.ge [sflag:s13], $0x4000  }
0x13c: {  	[sflag:s13] =	ssyncset.done $0x0  }
0x13d: {  	[sflag:s13] =	ssyncadd.s32 $0xFFFFC000  }
0x13e: {  	[tilespmem:s17], [sflag:$0x3] =	stream.linear.gather [spmem:s5], $0x4000, $0x38;
	[tilespmem:$0x1F800] =	vst v63  }
0x13f: {  	_ =	swait.ge [sflag:s13], $0x4000  }
0x140: {  	s11 =	sadd.s32 $0x50000, s30;
	[sflag:s13] =	ssyncset.done $0x0  }
0x141: {  	s30 =	sadd.s32 s28, s11;
	[sflag:s13] =	ssyncadd.s32 $0xFFFFC000  }
0x142: {  	[hbm4b:s30+s16] =	stream.linear.scatter [tilespmem:s17], [sflag:$0x3], $0x4000, $0x38;
	[tilespmem:$0x1F800] =	vst v63  }
0x143: {  	_ =	swait.ge [sflag:s13], $0x4000  }
0x144: {  	[sflag:s13] =	ssyncset.done $0x0  }
0x145: {  	[sflag:s13] =	ssyncadd.s32 $0xFFFFC000  }
0x146: {  	[tilespmem:s17], [sflag:$0x3] =	stream.linear.gather [spmem:s4], $0x4000, $0x38;
	[tilespmem:$0x1F800] =	vst v63  }
0x147: {  	_ =	swait.ge [sflag:s13], $0x4000  }
0x148: {  	s10 =	sadd.s32 $0x50000, s31;
	[sflag:s13] =	ssyncset.done $0x0  }
0x149: {  	s31 =	sadd.s32 s28, s10;
	[sflag:s13] =	ssyncadd.s32 $0xFFFFC000  }
0x14a: {  	[hbm4b:s31+s16] =	stream.linear.scatter [tilespmem:s17], [sflag:$0x3], $0x4000, $0x38;
	[tilespmem:$0x1F800] =	vst v63  }
0x14b: {  	_ =	swait.ge [sflag:s13], $0x4000  }
0x14c: {  	[sflag:s13] =	ssyncset.done $0x0  }
0x14d: {  	[sflag:s13] =	ssyncadd.s32 $0xFFFFC000  }
0x14e: {  	[tilespmem:s17], [sflag:$0x3] =	stream.linear.gather [spmem:s3], $0x4000, $0x38;
	[tilespmem:$0x1F800] =	vst v63  }
0x14f: {  	_ =	swait.ge [sflag:s13], $0x4000  }
0x150: {  	s9 =	sadd.s32 $0x50000, s0;
	[sflag:s13] =	ssyncset.done $0x0  }
0x151: {  	s0 =	sadd.s32 s28, s9;
	[sflag:s13] =	ssyncadd.s32 $0xFFFFC000  }
0x152: {  	[hbm4b:s0+s16] =	stream.linear.scatter [tilespmem:s17], [sflag:$0x3], $0x4000, $0x38;
	[tilespmem:$0x1F800] =	vst v63  }
0x153: {  	_ =	swait.ge [sflag:s13], $0x4000  }
0x154: {  	[sflag:s13] =	ssyncset.done $0x0  }
0x155: {  	[sflag:s13] =	ssyncadd.s32 $0xFFFFC000  }
0x156: {  	v0 =	vimm.f32 $0.0e+00;
	s1 =	simm.s32 $0x200;
	s0 =	simm.s32 $0x0;
	[bflag:$0x0] =	sbarrier.arrive $0xFFFF  }
.LBB2_13:
0x157: {  	p0 =	sne.s32 s1, $0xFE00;
	[tilespmem:s0+$0x3870] =	vst v0  }
0x158: {  	[tilespmem:s0+$0x3800] =	vst v0  }
0x159: {  	[tilespmem:s0+$0x3810] =	vst v0  }
.Ltmp6:
0x15a: {  	[tilespmem:s0+$0x3820] =	vst v0;
	(pc) =	sbr.rel @p0 .LBB2_13-.Ltmp6, $4  }
0x15b: {  	[tilespmem:s0+$0x3830] =	vst v0  }
0x15c: {  	[tilespmem:s0+$0x3840] =	vst v0  }
0x15d: {  	[tilespmem:s0+$0x3850] =	vst v0  }
0x15e: {  	[tilespmem:s0+$0x3860] =	vst v0;
	s0 =	sshra.s32 s1, $0x2;
	s1 =	sadd.s32 $0x200, s1  }
0x15f: {  	[tilespmem:s0+$0x3870] =	vst v0  }
0x160: {  	[tilespmem:s0+$0x3800] =	vst v0  }
0x161: {  	[tilespmem:s0+$0x3810] =	vst v0  }
0x162: {  	[tilespmem:s0+$0x3820] =	vst v0  }
0x163: {  	[tilespmem:s0+$0x3830] =	vst v0  }
0x164: {  	[tilespmem:s0+$0x3840] =	vst v0  }
0x165: {  	[tilespmem:s0+$0x3850] =	vst v0  }
0x166: {  	[tilespmem:s0+$0x3860] =	vst v0;
	s31 =	simm.s32 $0x3800;
	s1 =	simm.s32 $0x3  }
0x167: {  	[spmem:s8] =	stream.linear.scatter [tilespmem:s31], [sflag:$0x3], $0x4000, $0x38;
	[tilespmem:$0x1F800] =	vst v63  }
0x168: {  	_ =	swait.ge [sflag:s1], $0x4000  }
0x169: {  	[sflag:s1] =	ssyncset.done $0x0  }
0x16a: {  	[sflag:s1] =	ssyncadd.s32 $0xFFFFC000  }
0x16b: {  	[spmem:s7] =	stream.linear.scatter [tilespmem:s31], [sflag:$0x3], $0x4000, $0x38;
	[tilespmem:$0x1F800] =	vst v63  }
0x16c: {  	_ =	swait.ge [sflag:s1], $0x4000  }
0x16d: {  	[sflag:s1] =	ssyncset.done $0x0  }
0x16e: {  	[sflag:s1] =	ssyncadd.s32 $0xFFFFC000  }
0x16f: {  	[spmem:s5] =	stream.linear.scatter [tilespmem:s31], [sflag:$0x3], $0x4000, $0x38;
	[tilespmem:$0x1F800] =	vst v63  }
0x170: {  	_ =	swait.ge [sflag:s1], $0x4000  }
0x171: {  	[sflag:s1] =	ssyncset.done $0x0  }
0x172: {  	[sflag:s1] =	ssyncadd.s32 $0xFFFFC000  }
0x173: {  	[spmem:s4] =	stream.linear.scatter [tilespmem:s31], [sflag:$0x3], $0x4000, $0x38;
	[tilespmem:$0x1F800] =	vst v63  }
0x174: {  	_ =	swait.ge [sflag:s1], $0x4000  }
0x175: {  	[sflag:s1] =	ssyncset.done $0x0  }
0x176: {  	[sflag:s1] =	ssyncadd.s32 $0xFFFFC000  }
0x177: {  	[spmem:s3] =	stream.linear.scatter [tilespmem:s31], [sflag:$0x3], $0x4000, $0x38;
	[tilespmem:$0x1F800] =	vst v63  }
0x178: {  	_ =	swait.ge [sflag:s1], $0x4000  }
0x179: {  	[sflag:s1] =	ssyncset.done $0x0  }
0x17a: {  	[sflag:s1] =	ssyncadd.s32 $0xFFFFC000  }
0x17b: {  	v0 =	vimm.f32 $1.000000000e+00;
	s0 =	simm.s32 $0x0;
	s1 =	simm.s32 $0x200;
	[bflag:$0x0] =	sbarrier.arrive $0xFFFF  }
.LBB2_15:
0x17c: {  	p0 =	sne.s32 s1, $0xFE00;
	[tilespmem:s0+$0x3870] =	vst v0  }
0x17d: {  	[tilespmem:s0+$0x3800] =	vst v0  }
0x17e: {  	[tilespmem:s0+$0x3810] =	vst v0  }
.Ltmp7:
0x17f: {  	[tilespmem:s0+$0x3820] =	vst v0;
	(pc) =	sbr.rel @p0 .LBB2_15-.Ltmp7, $4  }
0x180: {  	[tilespmem:s0+$0x3830] =	vst v0  }
0x181: {  	[tilespmem:s0+$0x3840] =	vst v0  }
0x182: {  	[tilespmem:s0+$0x3850] =	vst v0  }
0x183: {  	[tilespmem:s0+$0x3860] =	vst v0;
	s0 =	sshra.s32 s1, $0x2;
	s1 =	sadd.s32 $0x200, s1  }
0x184: {  	[tilespmem:s0+$0x3870] =	vst v0  }
0x185: {  	[tilespmem:s0+$0x3800] =	vst v0  }
0x186: {  	[tilespmem:s0+$0x3810] =	vst v0  }
0x187: {  	[tilespmem:s0+$0x3820] =	vst v0  }
0x188: {  	[tilespmem:s0+$0x3830] =	vst v0  }
0x189: {  	[tilespmem:s0+$0x3840] =	vst v0  }
0x18a: {  	[tilespmem:s0+$0x3850] =	vst v0  }
0x18b: {  	[tilespmem:s0+$0x3860] =	vst v0;
	s30 =	simm.s32 $0x0;
	s1 =	simm.s32 $0x1C00;
	s31 =	simm.s32 $0x3  }
0x18c: {  	[tilespmem:s1], [sflag:$0x3] =	stream.linear.gather [hbm4b:s25+s30], $0x1C00, $0x38;
	[tilespmem:$0x1F800] =	vst v63  }
0x18d: {  	_ =	swait.ge [sflag:s31], $0x1C00  }
0x18e: {  	s0 =	simm.s32 $0x80;
	s13 =	simm.s32 $0x1C00;
	[sflag:s31] =	ssyncset.done $0x0  }
0x18f: {  	s1 =	simm.s32 $0x3800;
	s25 =	simm.s32 $0x2;
	[sflag:s31] =	ssyncadd.s32 $0xFFFFE400  }
0x190: {  	[spmem:s6] =	stream.indirect.scatter.add.f32 [tilespmem:s1], [sflag:$0x2], $0x80, s13, s0, $0xb8;
	[tilespmem:$0x1F800] =	vst v63  }
0x191: {  	s28 =	simm.s32 $0x200;
	_ =	swait.ge [sflag:s25], $0x4000  }
.LBB2_17:
0x192: {  	s13 =	sshra.s32 s28, $0x2;
	[sflag:s25] =	ssyncset.done $0x0;
	p0 =	sne.s32 s28, $0x6800  }
.Ltmp8:
0x193: {  	s13 =	sadd.s32 $0x1C00, s13;
	[sflag:s25] =	ssyncadd.s32 $0xFFFFC000;
	(pc) =	sbr.rel @p0 .LBB2_17-.Ltmp8, $3  }
0x194: {  	[spmem:s6] =	stream.indirect.scatter.add.f32 [tilespmem:s1], [sflag:$0x2], $0x80, s13, s0, $0xb8;
	[tilespmem:$0x1F800] =	vst v63  }
0x195: {  	s28 =	sadd.s32 $0x200, s28;
	_ =	sdelay $0x1  }
0x196: {  	_ =	swait.ge [sflag:s25], $0x4000  }
0x197: {  	[sflag:s25] =	ssyncset.done $0x0  }
0x198: {  	[sflag:s25] =	ssyncadd.s32 $0xFFFFC000  }
0x199: {  	s0 =	simm.s32 $0x3800;
	s31 =	simm.s32 $0x3;
	[bflag:$0x0] =	sbarrier.arrive $0xFFFF  }
0x19a: {  	[tilespmem:s0], [sflag:$0x3] =	stream.linear.gather [spmem:s8], $0x4000, $0x38;
	[tilespmem:$0x1F800] =	vst v63  }
0x19b: {  	_ =	swait.ge [sflag:s31], $0x4000  }
0x19c: {  	[sflag:s31] =	ssyncset.done $0x0  }
0x19d: {  	s0 =	simm.s32 $0x0;
	[sflag:s31] =	ssyncadd.s32 $0xFFFFC000  }
0x19e: {  	s1 =	simm.s32 $0x200;
	v0 =	vld [tilespmem:s0+$0x3800]  }
.LBB2_19:
0x19f: {  	p0 =	sne.s32 s1, $0xFE00  }
.Ltmp9:
0x1a0: {  	_ = 	snop;
	(pc) =	sbr.rel @p0 .LBB2_19-.Ltmp9, $3  }
0x1a1: {  	_ =	sdelay $0x1  }
0x1a2: {  	[tilespmem:s0+$0x7800] =	vst v0;
	s0 =	sshra.s32 s1, $0x2;
	s1 =	sadd.s32 $0x200, s1  }
0x1a3: {  	v0 =	vld [tilespmem:s0+$0x3800]  }
0x1a4: {  	_ =	sdelay $0x2  }
0x1a5: {  	s29 =	sadd.s32 s2, s26  }
0x1a6: {  	s1 =	simm.s32 $0x0;
	s13 =	simm.s32 $0x7800;
	s30 =	simm.s32 $0x3;
	[tilespmem:s0+$0x7800] =	vst v0  }
0x1a7: {  	[hbm4b:s29+s1] =	stream.linear.scatter [tilespmem:s13], [sflag:$0x3], $0x4000, $0x38;
	[tilespmem:$0x1F800] =	vst v63  }
0x1a8: {  	_ =	swait.ge [sflag:s30], $0x4000  }
0x1a9: {  	[sflag:s30] =	ssyncset.done $0x0  }
0x1aa: {  	s31 =	simm.s32 $0x3800;
	[sflag:s30] =	ssyncadd.s32 $0xFFFFC000  }
0x1ab: {  	[tilespmem:s31], [sflag:$0x3] =	stream.linear.gather [spmem:s7], $0x4000, $0x38;
	[tilespmem:$0x1F800] =	vst v63  }
0x1ac: {  	_ =	swait.ge [sflag:s30], $0x4000  }
0x1ad: {  	[sflag:s30] =	ssyncset.done $0x0  }
0x1ae: {  	s0 =	simm.s32 $0x0;
	[sflag:s30] =	ssyncadd.s32 $0xFFFFC000  }
0x1af: {  	s1 =	simm.s32 $0x200;
	v0 =	vld [tilespmem:s0+$0x3800]  }
.LBB2_21:
0x1b0: {  	p0 =	sne.s32 s1, $0xFE00  }
.Ltmp10:
0x1b1: {  	_ = 	snop;
	(pc) =	sbr.rel @p0 .LBB2_21-.Ltmp10, $3  }
0x1b2: {  	_ =	sdelay $0x1  }
0x1b3: {  	[tilespmem:s0+$0x7800] =	vst v0;
	s0 =	sshra.s32 s1, $0x2;
	s1 =	sadd.s32 $0x200, s1  }
0x1b4: {  	v0 =	vld [tilespmem:s0+$0x3800]  }
0x1b5: {  	_ =	sdelay $0x2  }
0x1b6: {  	s29 =	sadd.s32 s2, s24  }
0x1b7: {  	s1 =	simm.s32 $0x0;
	s13 =	simm.s32 $0x7800;
	s30 =	simm.s32 $0x3;
	[tilespmem:s0+$0x7800] =	vst v0  }
0x1b8: {  	[hbm4b:s29+s1] =	stream.linear.scatter [tilespmem:s13], [sflag:$0x3], $0x4000, $0x38;
	[tilespmem:$0x1F800] =	vst v63  }
0x1b9: {  	_ =	swait.ge [sflag:s30], $0x4000  }
0x1ba: {  	[sflag:s30] =	ssyncset.done $0x0  }
0x1bb: {  	s31 =	simm.s32 $0x3800;
	[sflag:s30] =	ssyncadd.s32 $0xFFFFC000  }
0x1bc: {  	[tilespmem:s31], [sflag:$0x3] =	stream.linear.gather [spmem:s5], $0x4000, $0x38;
	[tilespmem:$0x1F800] =	vst v63  }
0x1bd: {  	_ =	swait.ge [sflag:s30], $0x4000  }
0x1be: {  	[sflag:s30] =	ssyncset.done $0x0  }
0x1bf: {  	s0 =	simm.s32 $0x0;
	[sflag:s30] =	ssyncadd.s32 $0xFFFFC000  }
0x1c0: {  	s1 =	simm.s32 $0x200;
	v0 =	vld [tilespmem:s0+$0x3800]  }
.LBB2_23:
0x1c1: {  	p0 =	sne.s32 s1, $0xFE00  }
.Ltmp11:
0x1c2: {  	_ = 	snop;
	(pc) =	sbr.rel @p0 .LBB2_23-.Ltmp11, $3  }
0x1c3: {  	_ =	sdelay $0x1  }
0x1c4: {  	[tilespmem:s0+$0x7800] =	vst v0;
	s0 =	sshra.s32 s1, $0x2;
	s1 =	sadd.s32 $0x200, s1  }
0x1c5: {  	v0 =	vld [tilespmem:s0+$0x3800]  }
0x1c6: {  	_ =	sdelay $0x2  }
0x1c7: {  	s29 =	sadd.s32 s2, s23  }
0x1c8: {  	s1 =	simm.s32 $0x0;
	s13 =	simm.s32 $0x7800;
	s30 =	simm.s32 $0x3;
	[tilespmem:s0+$0x7800] =	vst v0  }
0x1c9: {  	[hbm4b:s29+s1] =	stream.linear.scatter [tilespmem:s13], [sflag:$0x3], $0x4000, $0x38;
	[tilespmem:$0x1F800] =	vst v63  }
0x1ca: {  	_ =	swait.ge [sflag:s30], $0x4000  }
0x1cb: {  	[sflag:s30] =	ssyncset.done $0x0  }
0x1cc: {  	s31 =	simm.s32 $0x3800;
	[sflag:s30] =	ssyncadd.s32 $0xFFFFC000  }
0x1cd: {  	[tilespmem:s31], [sflag:$0x3] =	stream.linear.gather [spmem:s4], $0x4000, $0x38;
	[tilespmem:$0x1F800] =	vst v63  }
0x1ce: {  	_ =	swait.ge [sflag:s30], $0x4000  }
0x1cf: {  	[sflag:s30] =	ssyncset.done $0x0  }
0x1d0: {  	s0 =	simm.s32 $0x0;
	[sflag:s30] =	ssyncadd.s32 $0xFFFFC000  }
0x1d1: {  	s1 =	simm.s32 $0x200;
	v0 =	vld [tilespmem:s0+$0x3800]  }
.LBB2_25:
0x1d2: {  	p0 =	sne.s32 s1, $0xFE00  }
.Ltmp12:
0x1d3: {  	_ = 	snop;
	(pc) =	sbr.rel @p0 .LBB2_25-.Ltmp12, $3  }
0x1d4: {  	_ =	sdelay $0x1  }
0x1d5: {  	[tilespmem:s0+$0x7800] =	vst v0;
	s0 =	sshra.s32 s1, $0x2;
	s1 =	sadd.s32 $0x200, s1  }
0x1d6: {  	v0 =	vld [tilespmem:s0+$0x3800]  }
0x1d7: {  	_ =	sdelay $0x2  }
0x1d8: {  	s29 =	sadd.s32 s2, s22  }
0x1d9: {  	s1 =	simm.s32 $0x0;
	s13 =	simm.s32 $0x7800;
	s30 =	simm.s32 $0x3;
	[tilespmem:s0+$0x7800] =	vst v0  }
0x1da: {  	[hbm4b:s29+s1] =	stream.linear.scatter [tilespmem:s13], [sflag:$0x3], $0x4000, $0x38;
	[tilespmem:$0x1F800] =	vst v63  }
0x1db: {  	_ =	swait.ge [sflag:s30], $0x4000  }
0x1dc: {  	[sflag:s30] =	ssyncset.done $0x0  }
0x1dd: {  	s31 =	simm.s32 $0x3800;
	[sflag:s30] =	ssyncadd.s32 $0xFFFFC000  }
0x1de: {  	[tilespmem:s31], [sflag:$0x3] =	stream.linear.gather [spmem:s3], $0x4000, $0x38;
	[tilespmem:$0x1F800] =	vst v63  }
0x1df: {  	_ =	swait.ge [sflag:s30], $0x4000  }
0x1e0: {  	[sflag:s30] =	ssyncset.done $0x0  }
0x1e1: {  	s0 =	simm.s32 $0x0;
	[sflag:s30] =	ssyncadd.s32 $0xFFFFC000  }
0x1e2: {  	s1 =	simm.s32 $0x200;
	v0 =	vld [tilespmem:s0+$0x3800]  }
.LBB2_27:
0x1e3: {  	p0 =	sne.s32 s1, $0xFE00  }
.Ltmp13:
0x1e4: {  	_ = 	snop;
	(pc) =	sbr.rel @p0 .LBB2_27-.Ltmp13, $3  }
0x1e5: {  	_ =	sdelay $0x1  }
0x1e6: {  	[tilespmem:s0+$0x7800] =	vst v0;
	s0 =	sshra.s32 s1, $0x2;
	s1 =	sadd.s32 $0x200, s1  }
0x1e7: {  	v0 =	vld [tilespmem:s0+$0x3800]  }
0x1e8: {  	_ =	sdelay $0x2  }
0x1e9: {  	s30 =	sadd.s32 s2, s21  }
0x1ea: {  	s1 =	simm.s32 $0x0;
	s13 =	simm.s32 $0x7800;
	s31 =	simm.s32 $0x3;
	[tilespmem:s0+$0x7800] =	vst v0  }
0x1eb: {  	[hbm4b:s30+s1] =	stream.linear.scatter [tilespmem:s13], [sflag:$0x3], $0x4000, $0x38;
	[tilespmem:$0x1F800] =	vst v63  }
0x1ec: {  	_ =	swait.ge [sflag:s31], $0x4000  }
0x1ed: {  	[sflag:s31] =	ssyncset.done $0x0  }
0x1ee: {  	[sflag:s31] =	ssyncadd.s32 $0xFFFFC000  }
0x1ef: {  	v0 =	vimm.f32 $0.0e+00;
	s0 =	simm.s32 $0x0;
	s1 =	simm.s32 $0x200;
	[bflag:$0x0] =	sbarrier.arrive $0xFFFF  }
.LBB2_29:
0x1f0: {  	p0 =	sne.s32 s1, $0xFE00;
	[tilespmem:s0+$0x3870] =	vst v0  }
0x1f1: {  	[tilespmem:s0+$0x3800] =	vst v0  }
0x1f2: {  	[tilespmem:s0+$0x3810] =	vst v0  }
.Ltmp14:
0x1f3: {  	[tilespmem:s0+$0x3820] =	vst v0;
	(pc) =	sbr.rel @p0 .LBB2_29-.Ltmp14, $4  }
0x1f4: {  	[tilespmem:s0+$0x3830] =	vst v0  }
0x1f5: {  	[tilespmem:s0+$0x3840] =	vst v0  }
0x1f6: {  	[tilespmem:s0+$0x3850] =	vst v0  }
0x1f7: {  	[tilespmem:s0+$0x3860] =	vst v0;
	s0 =	sshra.s32 s1, $0x2;
	s1 =	sadd.s32 $0x200, s1  }
0x1f8: {  	[tilespmem:s0+$0x3870] =	vst v0  }
0x1f9: {  	[tilespmem:s0+$0x3800] =	vst v0  }
0x1fa: {  	[tilespmem:s0+$0x3810] =	vst v0  }
0x1fb: {  	[tilespmem:s0+$0x3820] =	vst v0  }
0x1fc: {  	[tilespmem:s0+$0x3830] =	vst v0  }
0x1fd: {  	[tilespmem:s0+$0x3840] =	vst v0  }
0x1fe: {  	[tilespmem:s0+$0x3850] =	vst v0  }
0x1ff: {  	[tilespmem:s0+$0x3860] =	vst v0;
	s31 =	simm.s32 $0x3800;
	s1 =	simm.s32 $0x3  }
0x200: {  	[spmem:s8] =	stream.linear.scatter [tilespmem:s31], [sflag:$0x3], $0x4000, $0x38;
	[tilespmem:$0x1F800] =	vst v63  }
0x201: {  	_ =	swait.ge [sflag:s1], $0x4000  }
0x202: {  	[sflag:s1] =	ssyncset.done $0x0  }
0x203: {  	[sflag:s1] =	ssyncadd.s32 $0xFFFFC000  }
0x204: {  	[spmem:s7] =	stream.linear.scatter [tilespmem:s31], [sflag:$0x3], $0x4000, $0x38;
	[tilespmem:$0x1F800] =	vst v63  }
0x205: {  	_ =	swait.ge [sflag:s1], $0x4000  }
0x206: {  	[sflag:s1] =	ssyncset.done $0x0  }
0x207: {  	[sflag:s1] =	ssyncadd.s32 $0xFFFFC000  }
0x208: {  	[spmem:s5] =	stream.linear.scatter [tilespmem:s31], [sflag:$0x3], $0x4000, $0x38;
	[tilespmem:$0x1F800] =	vst v63  }
0x209: {  	_ =	swait.ge [sflag:s1], $0x4000  }
0x20a: {  	[sflag:s1] =	ssyncset.done $0x0  }
0x20b: {  	[sflag:s1] =	ssyncadd.s32 $0xFFFFC000  }
0x20c: {  	[spmem:s4] =	stream.linear.scatter [tilespmem:s31], [sflag:$0x3], $0x4000, $0x38;
	[tilespmem:$0x1F800] =	vst v63  }
0x20d: {  	_ =	swait.ge [sflag:s1], $0x4000  }
0x20e: {  	[sflag:s1] =	ssyncset.done $0x0  }
0x20f: {  	[sflag:s1] =	ssyncadd.s32 $0xFFFFC000  }
0x210: {  	[spmem:s3] =	stream.linear.scatter [tilespmem:s31], [sflag:$0x3], $0x4000, $0x38;
	[tilespmem:$0x1F800] =	vst v63  }
0x211: {  	_ =	swait.ge [sflag:s1], $0x4000  }
0x212: {  	[sflag:s1] =	ssyncset.done $0x0  }
0x213: {  	[sflag:s1] =	ssyncadd.s32 $0xFFFFC000  }
0x214: {  	v0 =	vimm.f32 $1.000000000e+00;
	s0 =	simm.s32 $0x0;
	s1 =	simm.s32 $0x200;
	[bflag:$0x0] =	sbarrier.arrive $0xFFFF  }
.LBB2_31:
0x215: {  	p0 =	sne.s32 s1, $0xFE00;
	[tilespmem:s0+$0x3870] =	vst v0  }
0x216: {  	[tilespmem:s0+$0x3800] =	vst v0  }
0x217: {  	[tilespmem:s0+$0x3810] =	vst v0  }
.Ltmp15:
0x218: {  	[tilespmem:s0+$0x3820] =	vst v0;
	(pc) =	sbr.rel @p0 .LBB2_31-.Ltmp15, $4  }
0x219: {  	[tilespmem:s0+$0x3830] =	vst v0  }
0x21a: {  	[tilespmem:s0+$0x3840] =	vst v0  }
0x21b: {  	[tilespmem:s0+$0x3850] =	vst v0  }
0x21c: {  	[tilespmem:s0+$0x3860] =	vst v0;
	s0 =	sshra.s32 s1, $0x2;
	s1 =	sadd.s32 $0x200, s1  }
0x21d: {  	[tilespmem:s0+$0x3870] =	vst v0  }
0x21e: {  	[tilespmem:s0+$0x3800] =	vst v0  }
0x21f: {  	[tilespmem:s0+$0x3810] =	vst v0  }
0x220: {  	[tilespmem:s0+$0x3820] =	vst v0  }
0x221: {  	[tilespmem:s0+$0x3830] =	vst v0  }
0x222: {  	[tilespmem:s0+$0x3840] =	vst v0  }
0x223: {  	[tilespmem:s0+$0x3850] =	vst v0;
	s29 =	simm.s32 $0x0  }
0x224: {  	[tilespmem:s0+$0x3860] =	vst v0;
	s1 =	simm.s32 $0x1C00;
	s13 =	rddreg [dreg:$0x8];
	s30 =	simm.s32 $0x3  }
0x225: {  	[tilespmem:s1], [sflag:$0x3] =	stream.linear.gather [hbm4b:s13+s29], $0x1C00, $0x38;
	[tilespmem:$0x1F800] =	vst v63  }
0x226: {  	_ =	swait.ge [sflag:s30], $0x1C00  }
0x227: {  	s0 =	simm.s32 $0x80;
	s31 =	simm.s32 $0x1C00;
	[sflag:s30] =	ssyncset.done $0x0  }
0x228: {  	s19 =	simm.s32 $0x2;
	s1 =	simm.s32 $0x3800;
	[sflag:s30] =	ssyncadd.s32 $0xFFFFE400  }
0x229: {  	[spmem:s6] =	stream.indirect.scatter.add.f32 [tilespmem:s1], [sflag:$0x2], $0x80, s31, s0, $0xb8;
	[tilespmem:$0x1F800] =	vst v63  }
0x22a: {  	s21 =	simm.s32 $0x200;
	_ =	swait.ge [sflag:s19], $0x4000  }
.LBB2_33:
0x22b: {  	s13 =	sshra.s32 s21, $0x2;
	[sflag:s19] =	ssyncset.done $0x0;
	p0 =	sne.s32 s21, $0x6800  }
.Ltmp16:
0x22c: {  	s13 =	sadd.s32 $0x1C00, s13;
	[sflag:s19] =	ssyncadd.s32 $0xFFFFC000;
	(pc) =	sbr.rel @p0 .LBB2_33-.Ltmp16, $3  }
0x22d: {  	[spmem:s6] =	stream.indirect.scatter.add.f32 [tilespmem:s1], [sflag:$0x2], $0x80, s13, s0, $0xb8;
	[tilespmem:$0x1F800] =	vst v63  }
0x22e: {  	s21 =	sadd.s32 $0x200, s21;
	_ =	sdelay $0x1  }
0x22f: {  	_ =	swait.ge [sflag:s19], $0x4000  }
0x230: {  	[sflag:s19] =	ssyncset.done $0x0  }
0x231: {  	[sflag:s19] =	ssyncadd.s32 $0xFFFFC000  }
0x232: {  	s0 =	simm.s32 $0x3800;
	s31 =	simm.s32 $0x3;
	[bflag:$0x0] =	sbarrier.arrive $0xFFFF  }
0x233: {  	[tilespmem:s0], [sflag:$0x3] =	stream.linear.gather [spmem:s8], $0x4000, $0x38;
	[tilespmem:$0x1F800] =	vst v63  }
0x234: {  	_ =	swait.ge [sflag:s31], $0x4000  }
0x235: {  	[sflag:s31] =	ssyncset.done $0x0  }
0x236: {  	s0 =	simm.s32 $0x0;
	[sflag:s31] =	ssyncadd.s32 $0xFFFFC000  }
0x237: {  	s1 =	simm.s32 $0x200;
	v0 =	vld [tilespmem:s0+$0x3800]  }
.LBB2_35:
0x238: {  	p0 =	sne.s32 s1, $0xFE00  }
.Ltmp17:
0x239: {  	_ = 	snop;
	(pc) =	sbr.rel @p0 .LBB2_35-.Ltmp17, $3  }
0x23a: {  	_ =	sdelay $0x1  }
0x23b: {  	[tilespmem:s0+$0x7800] =	vst v0;
	s0 =	sshra.s32 s1, $0x2;
	s1 =	sadd.s32 $0x200, s1  }
0x23c: {  	v0 =	vld [tilespmem:s0+$0x3800]  }
0x23d: {  	_ =	sdelay $0x2  }
0x23e: {  	s29 =	sadd.s32 s2, s20  }
0x23f: {  	s1 =	simm.s32 $0x0;
	s13 =	simm.s32 $0x7800;
	s30 =	simm.s32 $0x3;
	[tilespmem:s0+$0x7800] =	vst v0  }
0x240: {  	[hbm4b:s29+s1] =	stream.linear.scatter [tilespmem:s13], [sflag:$0x3], $0x4000, $0x38;
	[tilespmem:$0x1F800] =	vst v63  }
0x241: {  	_ =	swait.ge [sflag:s30], $0x4000  }
0x242: {  	[sflag:s30] =	ssyncset.done $0x0  }
0x243: {  	s31 =	simm.s32 $0x3800;
	[sflag:s30] =	ssyncadd.s32 $0xFFFFC000  }
0x244: {  	[tilespmem:s31], [sflag:$0x3] =	stream.linear.gather [spmem:s7], $0x4000, $0x38;
	[tilespmem:$0x1F800] =	vst v63  }
0x245: {  	_ =	swait.ge [sflag:s30], $0x4000  }
0x246: {  	[sflag:s30] =	ssyncset.done $0x0  }
0x247: {  	s0 =	simm.s32 $0x0;
	[sflag:s30] =	ssyncadd.s32 $0xFFFFC000  }
0x248: {  	s1 =	simm.s32 $0x200;
	v0 =	vld [tilespmem:s0+$0x3800]  }
.LBB2_37:
0x249: {  	p0 =	sne.s32 s1, $0xFE00  }
.Ltmp18:
0x24a: {  	_ = 	snop;
	(pc) =	sbr.rel @p0 .LBB2_37-.Ltmp18, $3  }
0x24b: {  	_ =	sdelay $0x1  }
0x24c: {  	[tilespmem:s0+$0x7800] =	vst v0;
	s0 =	sshra.s32 s1, $0x2;
	s1 =	sadd.s32 $0x200, s1  }
0x24d: {  	v0 =	vld [tilespmem:s0+$0x3800]  }
0x24e: {  	_ =	sdelay $0x2  }
0x24f: {  	s29 =	sadd.s32 s2, s18  }
0x250: {  	s1 =	simm.s32 $0x0;
	s13 =	simm.s32 $0x7800;
	s30 =	simm.s32 $0x3;
	[tilespmem:s0+$0x7800] =	vst v0  }
0x251: {  	[hbm4b:s29+s1] =	stream.linear.scatter [tilespmem:s13], [sflag:$0x3], $0x4000, $0x38;
	[tilespmem:$0x1F800] =	vst v63  }
0x252: {  	_ =	swait.ge [sflag:s30], $0x4000  }
0x253: {  	[sflag:s30] =	ssyncset.done $0x0  }
0x254: {  	s31 =	simm.s32 $0x3800;
	[sflag:s30] =	ssyncadd.s32 $0xFFFFC000  }
0x255: {  	[tilespmem:s31], [sflag:$0x3] =	stream.linear.gather [spmem:s5], $0x4000, $0x38;
	[tilespmem:$0x1F800] =	vst v63  }
0x256: {  	_ =	swait.ge [sflag:s30], $0x4000  }
0x257: {  	[sflag:s30] =	ssyncset.done $0x0  }
0x258: {  	s0 =	simm.s32 $0x0;
	[sflag:s30] =	ssyncadd.s32 $0xFFFFC000  }
0x259: {  	s1 =	simm.s32 $0x200;
	v0 =	vld [tilespmem:s0+$0x3800]  }
.LBB2_39:
0x25a: {  	p0 =	sne.s32 s1, $0xFE00  }
.Ltmp19:
0x25b: {  	_ = 	snop;
	(pc) =	sbr.rel @p0 .LBB2_39-.Ltmp19, $3  }
0x25c: {  	_ =	sdelay $0x1  }
0x25d: {  	[tilespmem:s0+$0x7800] =	vst v0;
	s0 =	sshra.s32 s1, $0x2;
	s1 =	sadd.s32 $0x200, s1  }
0x25e: {  	v0 =	vld [tilespmem:s0+$0x3800]  }
0x25f: {  	_ =	sdelay $0x2  }
0x260: {  	s29 =	sadd.s32 s2, s15  }
0x261: {  	s1 =	simm.s32 $0x0;
	s13 =	simm.s32 $0x7800;
	s30 =	simm.s32 $0x3;
	[tilespmem:s0+$0x7800] =	vst v0  }
0x262: {  	[hbm4b:s29+s1] =	stream.linear.scatter [tilespmem:s13], [sflag:$0x3], $0x4000, $0x38;
	[tilespmem:$0x1F800] =	vst v63  }
0x263: {  	_ =	swait.ge [sflag:s30], $0x4000  }
0x264: {  	[sflag:s30] =	ssyncset.done $0x0  }
0x265: {  	s31 =	simm.s32 $0x3800;
	[sflag:s30] =	ssyncadd.s32 $0xFFFFC000  }
0x266: {  	[tilespmem:s31], [sflag:$0x3] =	stream.linear.gather [spmem:s4], $0x4000, $0x38;
	[tilespmem:$0x1F800] =	vst v63  }
0x267: {  	_ =	swait.ge [sflag:s30], $0x4000  }
0x268: {  	[sflag:s30] =	ssyncset.done $0x0  }
0x269: {  	s0 =	simm.s32 $0x0;
	[sflag:s30] =	ssyncadd.s32 $0xFFFFC000  }
0x26a: {  	s1 =	simm.s32 $0x200;
	v0 =	vld [tilespmem:s0+$0x3800]  }
.LBB2_41:
0x26b: {  	p0 =	sne.s32 s1, $0xFE00  }
.Ltmp20:
0x26c: {  	_ = 	snop;
	(pc) =	sbr.rel @p0 .LBB2_41-.Ltmp20, $3  }
0x26d: {  	_ =	sdelay $0x1  }
0x26e: {  	[tilespmem:s0+$0x7800] =	vst v0;
	s0 =	sshra.s32 s1, $0x2;
	s1 =	sadd.s32 $0x200, s1  }
0x26f: {  	v0 =	vld [tilespmem:s0+$0x3800]  }
0x270: {  	_ =	sdelay $0x2  }
0x271: {  	s29 =	rddreg [dreg:$0x7];
	s1 =	simm.s32 $0x0  }
0x272: {  	s13 =	simm.s32 $0x7800;
	s30 =	simm.s32 $0x3;
	[tilespmem:s0+$0x7800] =	vst v0;
	s0 =	sadd.s32 s2, s29  }
0x273: {  	[hbm4b:s0+s1] =	stream.linear.scatter [tilespmem:s13], [sflag:$0x3], $0x4000, $0x38;
	[tilespmem:$0x1F800] =	vst v63  }
0x274: {  	_ =	swait.ge [sflag:s30], $0x4000  }
0x275: {  	[sflag:s30] =	ssyncset.done $0x0  }
0x276: {  	s31 =	simm.s32 $0x3800;
	[sflag:s30] =	ssyncadd.s32 $0xFFFFC000  }
0x277: {  	[tilespmem:s31], [sflag:$0x3] =	stream.linear.gather [spmem:s3], $0x4000, $0x38;
	[tilespmem:$0x1F800] =	vst v63  }
0x278: {  	_ =	swait.ge [sflag:s30], $0x4000  }
0x279: {  	[sflag:s30] =	ssyncset.done $0x0  }
0x27a: {  	s0 =	simm.s32 $0x0;
	[sflag:s30] =	ssyncadd.s32 $0xFFFFC000  }
0x27b: {  	s1 =	simm.s32 $0x200;
	v0 =	vld [tilespmem:s0+$0x3800]  }
.LBB2_43:
0x27c: {  	p0 =	sne.s32 s1, $0xFE00  }
.Ltmp21:
0x27d: {  	_ = 	snop;
	(pc) =	sbr.rel @p0 .LBB2_43-.Ltmp21, $3  }
0x27e: {  	_ =	sdelay $0x1  }
0x27f: {  	[tilespmem:s0+$0x7800] =	vst v0;
	s0 =	sshra.s32 s1, $0x2;
	s1 =	sadd.s32 $0x200, s1  }
0x280: {  	v0 =	vld [tilespmem:s0+$0x3800]  }
0x281: {  	_ =	sdelay $0x2  }
0x282: {  	s30 =	rddreg [dreg:$0x6];
	s1 =	simm.s32 $0x0  }
0x283: {  	s13 =	simm.s32 $0x7800;
	s31 =	simm.s32 $0x3;
	[tilespmem:s0+$0x7800] =	vst v0;
	s0 =	sadd.s32 s2, s30  }
0x284: {  	[hbm4b:s0+s1] =	stream.linear.scatter [tilespmem:s13], [sflag:$0x3], $0x4000, $0x38;
	[tilespmem:$0x1F800] =	vst v63  }
0x285: {  	_ =	swait.ge [sflag:s31], $0x4000  }
0x286: {  	[sflag:s31] =	ssyncset.done $0x0  }
0x287: {  	[sflag:s31] =	ssyncadd.s32 $0xFFFFC000  }
0x288: {  	v0 =	vimm.f32 $0.0e+00;
	s0 =	simm.s32 $0x0;
	s1 =	simm.s32 $0x200;
	[bflag:$0x0] =	sbarrier.arrive $0xFFFF  }
.LBB2_45:
0x289: {  	p0 =	sne.s32 s1, $0xFE00;
	[tilespmem:s0+$0x3870] =	vst v0  }
0x28a: {  	[tilespmem:s0+$0x3800] =	vst v0  }
0x28b: {  	[tilespmem:s0+$0x3810] =	vst v0  }
.Ltmp22:
0x28c: {  	[tilespmem:s0+$0x3820] =	vst v0;
	(pc) =	sbr.rel @p0 .LBB2_45-.Ltmp22, $4  }
0x28d: {  	[tilespmem:s0+$0x3830] =	vst v0  }
0x28e: {  	[tilespmem:s0+$0x3840] =	vst v0  }
0x28f: {  	[tilespmem:s0+$0x3850] =	vst v0  }
0x290: {  	[tilespmem:s0+$0x3860] =	vst v0;
	s0 =	sshra.s32 s1, $0x2;
	s1 =	sadd.s32 $0x200, s1  }
0x291: {  	[tilespmem:s0+$0x3870] =	vst v0  }
0x292: {  	[tilespmem:s0+$0x3800] =	vst v0  }
0x293: {  	[tilespmem:s0+$0x3810] =	vst v0  }
0x294: {  	[tilespmem:s0+$0x3820] =	vst v0  }
0x295: {  	[tilespmem:s0+$0x3830] =	vst v0  }
0x296: {  	[tilespmem:s0+$0x3840] =	vst v0  }
0x297: {  	[tilespmem:s0+$0x3850] =	vst v0  }
0x298: {  	[tilespmem:s0+$0x3860] =	vst v0;
	s31 =	simm.s32 $0x3800;
	s1 =	simm.s32 $0x3  }
0x299: {  	[spmem:s8] =	stream.linear.scatter [tilespmem:s31], [sflag:$0x3], $0x4000, $0x38;
	[tilespmem:$0x1F800] =	vst v63  }
0x29a: {  	_ =	swait.ge [sflag:s1], $0x4000  }
0x29b: {  	[sflag:s1] =	ssyncset.done $0x0  }
0x29c: {  	[sflag:s1] =	ssyncadd.s32 $0xFFFFC000  }
0x29d: {  	[spmem:s7] =	stream.linear.scatter [tilespmem:s31], [sflag:$0x3], $0x4000, $0x38;
	[tilespmem:$0x1F800] =	vst v63  }
0x29e: {  	_ =	swait.ge [sflag:s1], $0x4000  }
0x29f: {  	[sflag:s1] =	ssyncset.done $0x0  }
0x2a0: {  	[sflag:s1] =	ssyncadd.s32 $0xFFFFC000  }
0x2a1: {  	[spmem:s5] =	stream.linear.scatter [tilespmem:s31], [sflag:$0x3], $0x4000, $0x38;
	[tilespmem:$0x1F800] =	vst v63  }
0x2a2: {  	_ =	swait.ge [sflag:s1], $0x4000  }
0x2a3: {  	[sflag:s1] =	ssyncset.done $0x0  }
0x2a4: {  	[sflag:s1] =	ssyncadd.s32 $0xFFFFC000  }
0x2a5: {  	[spmem:s4] =	stream.linear.scatter [tilespmem:s31], [sflag:$0x3], $0x4000, $0x38;
	[tilespmem:$0x1F800] =	vst v63  }
0x2a6: {  	_ =	swait.ge [sflag:s1], $0x4000  }
0x2a7: {  	[sflag:s1] =	ssyncset.done $0x0  }
0x2a8: {  	[sflag:s1] =	ssyncadd.s32 $0xFFFFC000  }
0x2a9: {  	[spmem:s3] =	stream.linear.scatter [tilespmem:s31], [sflag:$0x3], $0x4000, $0x38;
	[tilespmem:$0x1F800] =	vst v63  }
0x2aa: {  	_ =	swait.ge [sflag:s1], $0x4000  }
0x2ab: {  	[sflag:s1] =	ssyncset.done $0x0  }
0x2ac: {  	[sflag:s1] =	ssyncadd.s32 $0xFFFFC000  }
0x2ad: {  	v0 =	vimm.f32 $1.000000000e+00;
	s0 =	simm.s32 $0x0;
	s1 =	simm.s32 $0x200;
	[bflag:$0x0] =	sbarrier.arrive $0xFFFF  }
.LBB2_47:
0x2ae: {  	p0 =	sne.s32 s1, $0xFE00;
	[tilespmem:s0+$0x3870] =	vst v0  }
0x2af: {  	[tilespmem:s0+$0x3800] =	vst v0  }
0x2b0: {  	[tilespmem:s0+$0x3810] =	vst v0  }
.Ltmp23:
0x2b1: {  	[tilespmem:s0+$0x3820] =	vst v0;
	(pc) =	sbr.rel @p0 .LBB2_47-.Ltmp23, $4  }
0x2b2: {  	[tilespmem:s0+$0x3830] =	vst v0  }
0x2b3: {  	[tilespmem:s0+$0x3840] =	vst v0  }
0x2b4: {  	[tilespmem:s0+$0x3850] =	vst v0  }
0x2b5: {  	[tilespmem:s0+$0x3860] =	vst v0;
	s0 =	sshra.s32 s1, $0x2;
	s1 =	sadd.s32 $0x200, s1  }
0x2b6: {  	[tilespmem:s0+$0x3870] =	vst v0  }
0x2b7: {  	[tilespmem:s0+$0x3800] =	vst v0  }
0x2b8: {  	[tilespmem:s0+$0x3810] =	vst v0  }
0x2b9: {  	[tilespmem:s0+$0x3820] =	vst v0  }
0x2ba: {  	[tilespmem:s0+$0x3830] =	vst v0  }
0x2bb: {  	[tilespmem:s0+$0x3840] =	vst v0  }
0x2bc: {  	[tilespmem:s0+$0x3850] =	vst v0;
	s29 =	simm.s32 $0x0  }
0x2bd: {  	[tilespmem:s0+$0x3860] =	vst v0;
	s1 =	simm.s32 $0x1C00;
	s13 =	rddreg [dreg:$0x5];
	s30 =	simm.s32 $0x3  }
0x2be: {  	[tilespmem:s1], [sflag:$0x3] =	stream.linear.gather [hbm4b:s13+s29], $0x1C00, $0x38;
	[tilespmem:$0x1F800] =	vst v63  }
0x2bf: {  	_ =	swait.ge [sflag:s30], $0x1C00  }
0x2c0: {  	s0 =	simm.s32 $0x80;
	s31 =	simm.s32 $0x1C00;
	[sflag:s30] =	ssyncset.done $0x0  }
0x2c1: {  	s1 =	simm.s32 $0x3800;
	s13 =	simm.s32 $0x2;
	[sflag:s30] =	ssyncadd.s32 $0xFFFFE400  }
0x2c2: {  	[spmem:s6] =	stream.indirect.scatter.add.f32 [tilespmem:s1], [sflag:$0x2], $0x80, s31, s0, $0xb8;
	[tilespmem:$0x1F800] =	vst v63  }
0x2c3: {  	s15 =	simm.s32 $0x200;
	_ =	swait.ge [sflag:s13], $0x4000  }
.LBB2_49:
0x2c4: {  	s16 =	sshra.s32 s15, $0x2;
	[sflag:s13] =	ssyncset.done $0x0;
	p0 =	sne.s32 s15, $0x6800  }
.Ltmp24:
0x2c5: {  	s16 =	sadd.s32 $0x1C00, s16;
	[sflag:s13] =	ssyncadd.s32 $0xFFFFC000;
	(pc) =	sbr.rel @p0 .LBB2_49-.Ltmp24, $3  }
0x2c6: {  	[spmem:s6] =	stream.indirect.scatter.add.f32 [tilespmem:s1], [sflag:$0x2], $0x80, s16, s0, $0xb8;
	[tilespmem:$0x1F800] =	vst v63  }
0x2c7: {  	s15 =	sadd.s32 $0x200, s15;
	_ =	sdelay $0x1  }
0x2c8: {  	_ =	swait.ge [sflag:s13], $0x4000  }
0x2c9: {  	[sflag:s13] =	ssyncset.done $0x0  }
0x2ca: {  	[sflag:s13] =	ssyncadd.s32 $0xFFFFC000  }
0x2cb: {  	s0 =	simm.s32 $0x3800;
	s31 =	simm.s32 $0x3;
	[bflag:$0x0] =	sbarrier.arrive $0xFFFF  }
0x2cc: {  	[tilespmem:s0], [sflag:$0x3] =	stream.linear.gather [spmem:s8], $0x4000, $0x38;
	[tilespmem:$0x1F800] =	vst v63  }
0x2cd: {  	_ =	swait.ge [sflag:s31], $0x4000  }
0x2ce: {  	[sflag:s31] =	ssyncset.done $0x0  }
0x2cf: {  	s0 =	simm.s32 $0x0;
	[sflag:s31] =	ssyncadd.s32 $0xFFFFC000  }
0x2d0: {  	s1 =	simm.s32 $0x200;
	v0 =	vld [tilespmem:s0+$0x3800]  }
.LBB2_51:
0x2d1: {  	p0 =	sne.s32 s1, $0xFE00  }
.Ltmp25:
0x2d2: {  	_ = 	snop;
	(pc) =	sbr.rel @p0 .LBB2_51-.Ltmp25, $3  }
0x2d3: {  	_ =	sdelay $0x1  }
0x2d4: {  	[tilespmem:s0+$0x7800] =	vst v0;
	s0 =	sshra.s32 s1, $0x2;
	s1 =	sadd.s32 $0x200, s1  }
0x2d5: {  	v0 =	vld [tilespmem:s0+$0x3800]  }
0x2d6: {  	_ =	sdelay $0x2  }
0x2d7: {  	s29 =	sadd.s32 s2, s14  }
0x2d8: {  	s1 =	simm.s32 $0x0;
	s6 =	simm.s32 $0x7800;
	s30 =	simm.s32 $0x3;
	[tilespmem:s0+$0x7800] =	vst v0  }
0x2d9: {  	[hbm4b:s29+s1] =	stream.linear.scatter [tilespmem:s6], [sflag:$0x3], $0x4000, $0x38;
	[tilespmem:$0x1F800] =	vst v63  }
0x2da: {  	_ =	swait.ge [sflag:s30], $0x4000  }
0x2db: {  	[sflag:s30] =	ssyncset.done $0x0  }
0x2dc: {  	s31 =	simm.s32 $0x3800;
	[sflag:s30] =	ssyncadd.s32 $0xFFFFC000  }
0x2dd: {  	[tilespmem:s31], [sflag:$0x3] =	stream.linear.gather [spmem:s7], $0x4000, $0x38;
	[tilespmem:$0x1F800] =	vst v63  }
0x2de: {  	_ =	swait.ge [sflag:s30], $0x4000  }
0x2df: {  	[sflag:s30] =	ssyncset.done $0x0  }
0x2e0: {  	s0 =	simm.s32 $0x0;
	[sflag:s30] =	ssyncadd.s32 $0xFFFFC000  }
0x2e1: {  	s1 =	simm.s32 $0x200;
	v0 =	vld [tilespmem:s0+$0x3800]  }
.LBB2_53:
0x2e2: {  	p0 =	sne.s32 s1, $0xFE00  }
.Ltmp26:
0x2e3: {  	_ = 	snop;
	(pc) =	sbr.rel @p0 .LBB2_53-.Ltmp26, $3  }
0x2e4: {  	_ =	sdelay $0x1  }
0x2e5: {  	[tilespmem:s0+$0x7800] =	vst v0;
	s0 =	sshra.s32 s1, $0x2;
	s1 =	sadd.s32 $0x200, s1  }
0x2e6: {  	v0 =	vld [tilespmem:s0+$0x3800]  }
0x2e7: {  	_ =	sdelay $0x2  }
0x2e8: {  	s29 =	sadd.s32 s2, s12  }
0x2e9: {  	s1 =	simm.s32 $0x0;
	s6 =	simm.s32 $0x7800;
	s30 =	simm.s32 $0x3;
	[tilespmem:s0+$0x7800] =	vst v0  }
0x2ea: {  	[hbm4b:s29+s1] =	stream.linear.scatter [tilespmem:s6], [sflag:$0x3], $0x4000, $0x38;
	[tilespmem:$0x1F800] =	vst v63  }
0x2eb: {  	_ =	swait.ge [sflag:s30], $0x4000  }
0x2ec: {  	[sflag:s30] =	ssyncset.done $0x0  }
0x2ed: {  	s31 =	simm.s32 $0x3800;
	[sflag:s30] =	ssyncadd.s32 $0xFFFFC000  }
0x2ee: {  	[tilespmem:s31], [sflag:$0x3] =	stream.linear.gather [spmem:s5], $0x4000, $0x38;
	[tilespmem:$0x1F800] =	vst v63  }
0x2ef: {  	_ =	swait.ge [sflag:s30], $0x4000  }
0x2f0: {  	[sflag:s30] =	ssyncset.done $0x0  }
0x2f1: {  	s0 =	simm.s32 $0x0;
	[sflag:s30] =	ssyncadd.s32 $0xFFFFC000  }
0x2f2: {  	s1 =	simm.s32 $0x200;
	v0 =	vld [tilespmem:s0+$0x3800]  }
.LBB2_55:
0x2f3: {  	p0 =	sne.s32 s1, $0xFE00  }
.Ltmp27:
0x2f4: {  	_ = 	snop;
	(pc) =	sbr.rel @p0 .LBB2_55-.Ltmp27, $3  }
0x2f5: {  	_ =	sdelay $0x1  }
0x2f6: {  	[tilespmem:s0+$0x7800] =	vst v0;
	s0 =	sshra.s32 s1, $0x2;
	s1 =	sadd.s32 $0x200, s1  }
0x2f7: {  	v0 =	vld [tilespmem:s0+$0x3800]  }
0x2f8: {  	_ =	sdelay $0x2  }
0x2f9: {  	s29 =	sadd.s32 s2, s11  }
0x2fa: {  	s1 =	simm.s32 $0x0;
	s5 =	simm.s32 $0x7800;
	s30 =	simm.s32 $0x3;
	[tilespmem:s0+$0x7800] =	vst v0  }
0x2fb: {  	[hbm4b:s29+s1] =	stream.linear.scatter [tilespmem:s5], [sflag:$0x3], $0x4000, $0x38;
	[tilespmem:$0x1F800] =	vst v63  }
0x2fc: {  	_ =	swait.ge [sflag:s30], $0x4000  }
0x2fd: {  	[sflag:s30] =	ssyncset.done $0x0  }
0x2fe: {  	s31 =	simm.s32 $0x3800;
	[sflag:s30] =	ssyncadd.s32 $0xFFFFC000  }
0x2ff: {  	[tilespmem:s31], [sflag:$0x3] =	stream.linear.gather [spmem:s4], $0x4000, $0x38;
	[tilespmem:$0x1F800] =	vst v63  }
0x300: {  	_ =	swait.ge [sflag:s30], $0x4000  }
0x301: {  	[sflag:s30] =	ssyncset.done $0x0  }
0x302: {  	s0 =	simm.s32 $0x0;
	[sflag:s30] =	ssyncadd.s32 $0xFFFFC000  }
0x303: {  	s1 =	simm.s32 $0x200;
	v0 =	vld [tilespmem:s0+$0x3800]  }
.LBB2_57:
0x304: {  	p0 =	sne.s32 s1, $0xFE00  }
.Ltmp28:
0x305: {  	_ = 	snop;
	(pc) =	sbr.rel @p0 .LBB2_57-.Ltmp28, $3  }
0x306: {  	_ =	sdelay $0x1  }
0x307: {  	[tilespmem:s0+$0x7800] =	vst v0;
	s0 =	sshra.s32 s1, $0x2;
	s1 =	sadd.s32 $0x200, s1  }
0x308: {  	v0 =	vld [tilespmem:s0+$0x3800]  }
0x309: {  	_ =	sdelay $0x2  }
0x30a: {  	s29 =	sadd.s32 s2, s10  }
0x30b: {  	s1 =	simm.s32 $0x0;
	s4 =	simm.s32 $0x7800;
	s30 =	simm.s32 $0x3;
	[tilespmem:s0+$0x7800] =	vst v0  }
0x30c: {  	[hbm4b:s29+s1] =	stream.linear.scatter [tilespmem:s4], [sflag:$0x3], $0x4000, $0x38;
	[tilespmem:$0x1F800] =	vst v63  }
0x30d: {  	_ =	swait.ge [sflag:s30], $0x4000  }
0x30e: {  	[sflag:s30] =	ssyncset.done $0x0  }
0x30f: {  	s31 =	simm.s32 $0x3800;
	[sflag:s30] =	ssyncadd.s32 $0xFFFFC000  }
0x310: {  	[tilespmem:s31], [sflag:$0x3] =	stream.linear.gather [spmem:s3], $0x4000, $0x38;
	[tilespmem:$0x1F800] =	vst v63  }
0x311: {  	_ =	swait.ge [sflag:s30], $0x4000  }
0x312: {  	[sflag:s30] =	ssyncset.done $0x0  }
0x313: {  	s0 =	simm.s32 $0x0;
	[sflag:s30] =	ssyncadd.s32 $0xFFFFC000  }
0x314: {  	s1 =	simm.s32 $0x200;
	s3 =	stileid.u32;
	v0 =	vld [tilespmem:s0+$0x3800]  }
.LBB2_59:
0x315: {  	p0 =	sne.s32 s1, $0xFE00  }
.Ltmp29:
0x316: {  	_ = 	snop;
	(pc) =	sbr.rel @p0 .LBB2_59-.Ltmp29, $3  }
0x317: {  	_ =	sdelay $0x1  }
0x318: {  	[tilespmem:s0+$0x7800] =	vst v0;
	s0 =	sshra.s32 s1, $0x2;
	s1 =	sadd.s32 $0x200, s1  }
0x319: {  	v0 =	vld [tilespmem:s0+$0x3800]  }
0x31a: {  	_ =	sdelay $0x2  }
0x31b: {  	s29 =	sadd.s32 s2, s9  }
0x31c: {  	s1 =	simm.s32 $0x0;
	s30 =	simm.s32 $0x7800;
	s31 =	simm.s32 $0x3;
	[tilespmem:s0+$0x7800] =	vst v0  }
0x31d: {  	[hbm4b:s29+s1] =	stream.linear.scatter [tilespmem:s30], [sflag:$0x3], $0x4000, $0x38;
	[tilespmem:$0x1F800] =	vst v63  }
0x31e: {  	_ =	swait.ge [sflag:s31], $0x4000  }
0x31f: {  	[sflag:s31] =	ssyncset.done $0x0  }
0x320: {  	[sflag:s31] =	ssyncadd.s32 $0xFFFFC000  }
0x321: {  	[bflag:$0x0] =	sbarrier.arrive $0xFFFF  }
0x322: {  	_ =	sfence.sel $0x180000  }
0x323: {  	[bflag:$0x0] =	sbarrier.arrive $0xFFFF  }
0x324: {  	_ =	strace $0x90000047  }
0x325: {  	[bflag:$0x2] =	sbarrier.arrive $0xFFFF  }
0x326: {  	p0 =	sne.s32 s3, $0x0;
	s0 =	rddreg [dreg:$0x4]  }
0x327: {  	s0 =	sadd.s32 @!p0 $0x100000, s0  }
0x328: {  	[sflag:s0] =	ssyncadd.tile.s32 @!p0 $0x1;
	_ =	shalt  }
.Lfunc_end2:
_tile_overlayer_lowered:
.L_overlay_start_2:
0x329: {  	(tag) =	ssettag $0x2  }
0x32a: {  	s0 =	rddreg [dreg:$0x0];
	s2 =	stileid.u32  }
0x32b: {  	s1 =	rddreg [dreg:$0x1];
	p0 =	sne.s32 s2, $0x0  }
0x32c: {  	s3 =	rddreg [dreg:$0x2];
	[bflag:$0x3] =	sbarrier.arrive $0xFFFF;
	s2 =	simm.s32 @!p0 $0x1C03  }
0x32d: {  	[timem:s3], [sflag:s2] =	dma.local @!p0 [hbm:s0], s1  }
0x32e: {  	s0 =	simm.s32 @!p0 $0x3  }
0x32f: {  	_ =	swait.ge @!p0 [sflag:s0], s1  }
0x330: {  	s1 =	ssub.s32 @!p0 $0x0, s1;
	[sflag:s0] =	ssyncset.done @!p0 $0x0  }
0x331: {  	[sflag:s0] =	ssyncadd.s32 @!p0 s1  }
0x332: {  	[bflag:$0x3] =	sbarrier.arrive $0xFFFF  }
0x333: {  	_ =	shalt  }

</sc_bundles>
